<compile_context>
chip_gen: v7x
topology: tpu7x:2x2x1
jax: 0.10.2.dev20260603
libtpu: 0.0.44.dev20260713+nightly
codegen_flags: <defaults>
</compile_context>

<pallas_src>
import jax
import jax.numpy as jnp
from jax import lax
from jax.experimental import pallas as pl
from jax.experimental.pallas import tpu as pltpu
from jax.experimental.pallas import tpu_sc as plsc

_TEMP = 1.0


def _proj_body(e_ref, wt_ref, b_ref, o_ref):
    o_ref[...] = (
        jnp.dot(e_ref[...], wt_ref[...], preferred_element_type=jnp.float32)
        + b_ref[...]
    )


def _project(e2, Wt, b2, N, D):
    rows = 2048
    return pl.pallas_call(
        _proj_body,
        grid=(N // rows,),
        in_specs=[
            pl.BlockSpec((rows, D), lambda i: (i, 0)),
            pl.BlockSpec((D, D), lambda i: (0, 0)),
            pl.BlockSpec((1, D), lambda i: (0, 0)),
        ],
        out_specs=pl.BlockSpec((rows, D), lambda i: (i, 0)),
        out_shape=jax.ShapeDtypeStruct((N, D), jnp.float32),
    )(e2, Wt, b2)


def _widen_body(t_ref, e_ref, o_ref):
    o_ref[:, 0:64] = lax.dot_general(
        t_ref[...], e_ref[...], (((0,), (0,)), ((), ())),
        preferred_element_type=jnp.float32)


def _widen_table(table_t, V, D):
    rows = 32768
    eye = jnp.eye(D, dtype=jnp.float32)
    return pl.pallas_call(
        _widen_body,
        grid=((V + rows - 1) // rows,),
        in_specs=[pl.BlockSpec((D, rows), lambda i: (0, i)),
                  pl.BlockSpec((D, D), lambda i: (0, 0))],
        out_specs=pl.BlockSpec((rows, 2 * D), lambda i: (i, 0)),
        out_shape=jax.ShapeDtypeStruct((V, 2 * D), jnp.float32),
        compiler_params=pltpu.CompilerParams(
            vmem_limit_bytes=100 * 1024 * 1024),
    )(table_t, eye)


def _make_scores(N, D, NEG):
    NC, NS = 2, 16
    NW = NC * NS
    RW = N // NW
    R = 4
    NCH = RW // R
    L = 16
    JG = NEG // L
    IW = 72
    G = 1 + NEG
    mesh = plsc.VectorSubcoreMesh(
        core_axis_name="c", subcore_axis_name="s", num_cores=NC, num_subcores=NS
    )

    NB = 3

    def body(x_hbm, idxc_hbm, table_hbm, pos_hbm, neg_hbm,
             idx_v, comb_v, x_v, nout_v, pout_all,
             sem_idx, sem_in, sem_out, sem_spare):
        wid = lax.axis_index("s") * NC + lax.axis_index("c")
        base = wid * RW
        lane = jnp.arange(L, dtype=jnp.int32)

        def idx_copy(c):
            return pltpu.make_async_copy(
                idxc_hbm.at[pl.ds((base + c * R) * IW, R * IW)],
                idx_v.at[pl.ds((c % NB) * R * IW, R * IW)], sem_idx)

        def in_copies(c):
            b = c % NB
            cps = [
                pltpu.make_async_copy(
                    x_hbm.at[pl.ds((base + c * R) * D, R * D)],
                    x_v.at[pl.ds(b * R * D, R * D)], sem_in),
            ]
            for r in range(R):
                cps.append(pltpu.make_async_copy(
                    table_hbm.at[idx_v.at[pl.ds(b * R * IW + r * IW, G)]],
                    comb_v.at[b, r, pl.ds(0, G)], sem_in))
            return cps

        def out_copy(c):
            return pltpu.make_async_copy(
                nout_v.at[pl.ds((c % NB) * R * NEG, R * NEG)],
                neg_hbm.at[pl.ds((base + c * R) * NEG, R * NEG)], sem_out)

        for c in range(2):
            idx_copy(c).start()
            idx_copy(c).wait()
            for cp in in_copies(c):
                cp.start()
        idx_copy(2).start()

        def tbody(t, carry):
            b = t % NB
            bi = jnp.full((L,), b, jnp.int32)
            for c in in_copies(t):
                c.wait()

            @pl.when(t >= NB)
            def _():
                out_copy(t - NB).wait()

            @pl.when(t + 2 < NCH)
            def _():
                idx_copy(t + 2).wait()
                for c in in_copies(t + 2):
                    c.start()

            @pl.when(t + NB < NCH)
            def _():
                idx_copy(t + NB).start()

            for r in range(R):
                ri = jnp.full((L,), r, jnp.int32)

                def ld(row_vec, k):
                    return plsc.load_gather(
                        comb_v, [bi, ri, row_vec, lane + 16 * k])

                def xld(k, r=r):
                    return plsc.load_gather(
                        x_v, [bi * (R * D) + r * D + 16 * k + lane])

                x0, x1, x2, x3 = xld(0), xld(1), xld(2), xld(3)
                zero = jnp.zeros((L,), jnp.int32)
                ps = (ld(zero, 0) * x0 + ld(zero, 1) * x1
                      + ld(zero, 2) * x2 + ld(zero, 3) * x3)
                o = t * R + r
                plsc.store_scatter(
                    pout_all, [jnp.full((L,), o // 128, jnp.int32),
                               jnp.full((L,), o % 128, jnp.int32)],
                    jnp.full((L,), jnp.sum(ps), jnp.float32),
                    mask=lane == 0)

                def gbody(jg, c2, r=r, bi=bi, ri=ri,
                          x0=x0, x1=x1, x2=x2, x3=x3):
                    acc = jnp.zeros((L,), jnp.float32)
                    rb = jg * L + 1
                    for jj in range(L):
                        row_i = jnp.full((L,), rb + jj, jnp.int32)
                        a = (ld(row_i, 0) * x0 + ld(row_i, 1) * x1
                             + ld(row_i, 2) * x2 + ld(row_i, 3) * x3)
                        oh = jnp.where(lane == jj, 1.0, 0.0).astype(
                            jnp.float32)
                        acc = acc + jnp.sum(a) * oh
                    plsc.store_scatter(
                        nout_v,
                        [bi * (R * NEG) + r * NEG + jg * L + lane], acc)
                    return c2

                lax.fori_loop(0, JG, gbody, 0)

            out_copy(t).start()
            return carry

        lax.fori_loop(0, NCH, tbody, 0)
        out_copy(NCH - 2).wait()
        out_copy(NCH - 1).wait()
        pltpu.sync_copy(pout_all, pos_hbm.at[wid])

    return pl.kernel(
        body,
        out_type=[
            jax.ShapeDtypeStruct((NW, RW // 128, 128), jnp.float32),
            jax.ShapeDtypeStruct((N * NEG,), jnp.float32),
        ],
        mesh=mesh,
        compiler_params=pltpu.CompilerParams(
            needs_layout_passes=False, use_tc_tiling_on_sc=True),
        scratch_types=[
            pltpu.VMEM((NB * R * IW,), jnp.int32),
            pltpu.VMEM((NB, R, IW, 2 * D), jnp.float32),
            pltpu.VMEM((NB * R * D,), jnp.float32),
            pltpu.VMEM((NB * R * NEG,), jnp.float32),
            pltpu.VMEM((RW // 128, 128), jnp.float32),
            pltpu.SemaphoreType.DMA,
            pltpu.SemaphoreType.DMA,
            pltpu.SemaphoreType.DMA,
            pltpu.SemaphoreType.DMA,
        ],
    )


def _make_loss(N, NEG):
    rows = 2048
    inv_t = 1.0 / _TEMP

    def body(pos_ref, neg_ref, logits_ref, loss_ref):
        i = pl.program_id(0)
        pos = pos_ref[...]
        neg = neg_ref[...]
        logits_ref[...] = jnp.concatenate([pos, neg], axis=1)
        sp = pos * inv_t
        sn = neg * inv_t
        m = jnp.maximum(sp, jnp.max(sn, axis=1, keepdims=True))
        lse = m + jnp.log(
            jnp.exp(sp - m) + jnp.sum(jnp.exp(sn - m), axis=1, keepdims=True))
        c = jnp.sum(lse - sp)

        @pl.when(i == 0)
        def _():
            loss_ref[0, 0] = 0.0

        loss_ref[0, 0] += c / N

    return pl.pallas_call(
        body,
        grid=(N // rows,),
        in_specs=[
            pl.BlockSpec((rows, 1), lambda i: (i, 0)),
            pl.BlockSpec((rows, NEG), lambda i: (i, 0)),
        ],
        out_specs=[
            pl.BlockSpec((rows, 1 + NEG), lambda i: (i, 0)),
            pl.BlockSpec((1, 1), lambda i: (0, 0), memory_space=pltpu.SMEM),
        ],
        out_shape=[
            jax.ShapeDtypeStruct((N, 1 + NEG), jnp.float32),
            jax.ShapeDtypeStruct((1, 1), jnp.float32),
        ],
    )


def kernel(embeds, labels, table, W, b, neg_samples):
    B, T, D = embeds.shape
    N = B * T
    V = table.shape[0]
    NEG = neg_samples.shape[1]

    e2 = embeds.reshape(N, D)
    x = _project(e2, W.T, b.reshape(1, D), N, D)
    table_w = _widen_table(table.T, V, D)
    idxc = jnp.concatenate(
        [labels.reshape(N, 1), neg_samples,
         jnp.zeros((N, 7), jnp.int32)], axis=1).reshape(-1)
    pos3, neg1 = _make_scores(N, D, NEG)(x.reshape(-1), idxc, table_w)
    pos = pos3.reshape(N, 1)
    neg = neg1.reshape(N, NEG)
    logits, loss = _make_loss(N, NEG)(pos, neg)
    return logits, loss.reshape(())

# --- scband reference (transcript-rebuilt; emitter-appended) ---
"""Pipeline reference for scband-sampling-classifier-44195213476038 (READ-ONLY COPY).

The authoritative reference and input builder live on the scoring server;
editing this copy changes nothing except your own understanding.
"""

import jax, jax.numpy as jnp
import numpy as np

B, T, D = 1024, 20, 64
V = 1000000
NEG_NUM = 64
TEMPERATURE = 1.0


def setup_inputs(seed: int = 0) -> dict:
    key = jax.random.key(seed)
    k1, k2, k3, k4, k5 = jax.random.split(key, 5)
    embeds = jax.random.normal(k1, (B, T, D), dtype=jnp.float32)
    labels = jax.random.randint(k2, (B, T), 0, V, dtype=jnp.int32)
    table = jax.random.normal(k3, (V, D), dtype=jnp.float32) * 0.02
    W = jax.random.normal(k4, (D, D), dtype=jnp.float32) * (1.0 / np.sqrt(D))
    b = jnp.zeros((D,), dtype=jnp.float32)
    # Training-time negative sampling (torch.randint in forward); neg_pool is the full
    # identity range [0, V), so neg_pool[neg_samples] == neg_samples.
    neg_samples = jax.random.randint(k5, (B * T, NEG_NUM), 0, V, dtype=jnp.int32)
    return {"embeds": embeds, "labels": labels, "table": table, "W": W, "b": b, "neg_samples": neg_samples}


def reference(embeds, labels, table, W, b, neg_samples):
    # projector: nn.Linear(D, D)
    x = embeds @ W.T + b
    bsz, seq_len, d = x.shape
    # Env.null assumed = -1 => all label positions are valid targets, so nonzero
    # selection reduces to a full flatten.
    target_x = x.reshape(bsz * seq_len, d)
    target_y = labels.reshape(bsz * seq_len)
    # embedding gathers (SparseCore-mappable)
    pos_embs = jnp.take(table, target_y, axis=0)          # [N, D]
    neg_embs = jnp.take(table, neg_samples, axis=0)        # [N, NEG_NUM, D]
    pos_score = jnp.einsum('bd,bd->b', target_x, pos_embs)[:, None]
    neg_score = jnp.einsum('bd,bnd->bn', target_x, neg_embs)
    logits = jnp.concatenate([pos_score, neg_score], axis=1)  # [N, 1+NEG_NUM]
    scaled = logits / TEMPERATURE
    # cross_entropy with labels = zeros (positive at column 0)
    loss = jnp.mean(jax.nn.logsumexp(scaled, axis=-1) - scaled[:, 0])
    return logits, loss

if __name__ == "__main__":
    import jax
    _d = setup_inputs()
    print(jax.jit(kernel)(*tuple(_d.values())))

</pallas_src>

<mosaic_0001>
#map = affine_map<(d0, d1) -> (0)>
#map1 = affine_map<(d0, d1) -> (0, 0)>
#map2 = affine_map<(d0, d1) -> (0, 0, 0)>
module attributes {stable_mosaic.version = 14 : i64} {
  func.func @body(%arg0: i32, %arg1: i32, %arg2: memref<1310720xf32, #tpu.memory_space<hbm>>, %arg3: memref<1474560xi32, #tpu.memory_space<hbm>>, %arg4: memref<1000000x128xf32, #tpu.memory_space<hbm>>, %arg5: memref<32x5x128xf32, #tpu.memory_space<hbm>>, %arg6: memref<1310720xf32, #tpu.memory_space<hbm>>, %arg7: memref<864xi32, #tpu.memory_space<vmem>>, %arg8: memref<3x4x72x128xf32, #tpu.memory_space<vmem>>, %arg9: memref<768xf32, #tpu.memory_space<vmem>>, %arg10: memref<768xf32, #tpu.memory_space<vmem>>, %arg11: memref<5x128xf32, #tpu.memory_space<vmem>>, %arg12: memref<!tpu.dma_semaphore, #tpu.memory_space<semaphore_mem>>, %arg13: memref<!tpu.dma_semaphore, #tpu.memory_space<semaphore_mem>>, %arg14: memref<!tpu.dma_semaphore, #tpu.memory_space<semaphore_mem>>, %arg15: memref<!tpu.dma_semaphore, #tpu.memory_space<semaphore_mem>>) attributes {dimension_semantics = [#tpu.dimension_semantics<core_parallel>, #tpu.dimension_semantics<subcore_parallel>], iteration_bounds = array<i64: 2, 16>, scalar_prefetch = 0 : i64, scratch_operands = 9 : i64, tpu.core_type = #tpu.core_type<sc_vector_subcore>, window_params = [{transform_indices = #map}, {transform_indices = #map}, {transform_indices = #map1}, {transform_indices = #map2}, {transform_indices = #map}]} {
    %mul3A = arith.constant 2 : i32
    %mul3A_0 = arith.muli %arg1, %mul3A : i32
    %add3A = arith.addi %mul3A_0, %arg0 : i32
    %mul3A_1 = arith.constant 640 : i32
    %mul3A_2 = arith.muli %add3A, %mul3A_1 : i32
    %iota3A = tpu.iota {dimensions = array<i32: 0>} : vector<16xi32>
    %add3A_3 = arith.constant 0 : i32
    %add3A_4 = arith.addi %mul3A_2, %add3A_3 : i32
    %mul3A_5 = arith.constant 72 : i32
    %mul3A_6 = arith.muli %add3A_4, %mul3A_5 : i32
    %dma_start3A = arith.constant 0 : i32
    %dma_start3A_7 = tpu.memref_slice %arg7[%dma_start3A] : memref<864xi32, #tpu.memory_space<vmem>> -> memref<288xi32, #tpu.memory_space<vmem>>
    %dma_start3A_8 = tpu.memref_slice %arg3[%mul3A_6] : memref<1474560xi32, #tpu.memory_space<hbm>> -> memref<288xi32, #tpu.memory_space<hbm>>
    %dma_start3A_9 = arith.constant 0 : i32
    %dma_start3A_10 = tpu.memref_slice %arg7[%dma_start3A_9] : memref<864xi32, #tpu.memory_space<vmem>> -> memref<288xi32, #tpu.memory_space<vmem>>
    %dma_start3A_11 = tpu.memref_slice %arg3[%mul3A_6] : memref<1474560xi32, #tpu.memory_space<hbm>> -> memref<288xi32, #tpu.memory_space<hbm>>
    tpu.enqueue_dma source(%dma_start3A_11 : memref<288xi32, #tpu.memory_space<hbm>>) target(%dma_start3A_10 : memref<288xi32, #tpu.memory_space<vmem>>) target_semaphore(%arg12 : memref<!tpu.dma_semaphore, #tpu.memory_space<semaphore_mem>>)
    %add3A_12 = arith.constant 0 : i32
    %add3A_13 = arith.addi %mul3A_2, %add3A_12 : i32
    %mul3A_14 = arith.constant 72 : i32
    %mul3A_15 = arith.muli %add3A_13, %mul3A_14 : i32
    %dma_wait3A = arith.constant 0 : i32
    %dma_wait3A_16 = tpu.memref_slice %arg7[%dma_wait3A] : memref<864xi32, #tpu.memory_space<vmem>> -> memref<288xi32, #tpu.memory_space<vmem>>
    %dma_wait3A_17 = tpu.memref_slice %arg3[%mul3A_15] : memref<1474560xi32, #tpu.memory_space<hbm>> -> memref<288xi32, #tpu.memory_space<hbm>>
    %dma_wait3A_18 = arith.constant 0 : i32
    %dma_wait3A_19 = tpu.memref_slice %arg7[%dma_wait3A_18] : memref<864xi32, #tpu.memory_space<vmem>> -> memref<288xi32, #tpu.memory_space<vmem>>
    %dma_wait3A_20 = tpu.memref_slice %arg3[%mul3A_15] : memref<1474560xi32, #tpu.memory_space<hbm>> -> memref<288xi32, #tpu.memory_space<hbm>>
    tpu.wait_dma2 semaphore(%arg12 : memref<!tpu.dma_semaphore, #tpu.memory_space<semaphore_mem>>) src(%dma_wait3A_20 : memref<288xi32, #tpu.memory_space<hbm>>) dst(%dma_wait3A_19 : memref<288xi32, #tpu.memory_space<vmem>>)
    %add3A_21 = arith.constant 0 : i32
    %add3A_22 = arith.addi %mul3A_2, %add3A_21 : i32
    %mul3A_23 = arith.constant 64 : i32
    %mul3A_24 = arith.muli %add3A_22, %mul3A_23 : i32
    %dma_start3A_25 = arith.constant 0 : i32
    %dma_start3A_26 = tpu.memref_slice %arg9[%dma_start3A_25] : memref<768xf32, #tpu.memory_space<vmem>> -> memref<256xf32, #tpu.memory_space<vmem>>
    %dma_start3A_27 = tpu.memref_slice %arg2[%mul3A_24] : memref<1310720xf32, #tpu.memory_space<hbm>> -> memref<256xf32, #tpu.memory_space<hbm>>
    %dma_start3A_28 = arith.constant 0 : i32
    %dma_start3A_29 = tpu.memref_slice %arg9[%dma_start3A_28] : memref<768xf32, #tpu.memory_space<vmem>> -> memref<256xf32, #tpu.memory_space<vmem>>
    %dma_start3A_30 = tpu.memref_slice %arg2[%mul3A_24] : memref<1310720xf32, #tpu.memory_space<hbm>> -> memref<256xf32, #tpu.memory_space<hbm>>
    tpu.enqueue_dma source(%dma_start3A_30 : memref<256xf32, #tpu.memory_space<hbm>>) target(%dma_start3A_29 : memref<256xf32, #tpu.memory_space<vmem>>) target_semaphore(%arg13 : memref<!tpu.dma_semaphore, #tpu.memory_space<semaphore_mem>>)
    %dma_start3A_31 = arith.constant 0 : i32
    %dma_start3A_32 = arith.constant 0 : i32
    %dma_start3A_33 = arith.constant 0 : i32
    %dma_start3A_34 = arith.constant 0 : i32
    %dma_start3A_35 = tpu.memref_slice %arg8[%dma_start3A_31, %dma_start3A_32, %dma_start3A_33, %dma_start3A_34] : memref<3x4x72x128xf32, #tpu.memory_space<vmem>> -> memref<1x1x65x128xf32, #tpu.memory_space<vmem>>
    %dma_start3A_36 = tpu.memref_squeeze %dma_start3A_35 : memref<1x1x65x128xf32, #tpu.memory_space<vmem>> -> memref<65x128xf32, #tpu.memory_space<vmem>>
    %dma_start3A_37 = arith.constant 0 : i32
    %dma_start3A_38 = tpu.memref_slice %arg7[%dma_start3A_37] : memref<864xi32, #tpu.memory_space<vmem>> -> memref<65xi32, #tpu.memory_space<vmem>>
    %dma_start3A_39 = arith.constant 0 : i32
    %dma_start3A_40 = arith.constant 0 : i32
    %dma_start3A_41 = tpu.memref_slice %arg4[%dma_start3A_39, %dma_start3A_40] : memref<1000000x128xf32, #tpu.memory_space<hbm>> -> memref<1000000x128xf32, #tpu.memory_space<hbm>>
    tpu.enqueue_indirect_dma source(%dma_start3A_41 : memref<1000000x128xf32, #tpu.memory_space<hbm>>) target(%dma_start3A_36 : memref<65x128xf32, #tpu.memory_space<vmem>>) offsets(%dma_start3A_38 : memref<65xi32, #tpu.memory_space<vmem>>) semaphore(%arg13 : memref<!tpu.dma_semaphore, #tpu.memory_space<semaphore_mem>>)
    %dma_start3A_42 = arith.constant 0 : i32
    %dma_start3A_43 = arith.constant 1 : i32
    %dma_start3A_44 = arith.constant 0 : i32
    %dma_start3A_45 = arith.constant 0 : i32
    %dma_start3A_46 = tpu.memref_slice %arg8[%dma_start3A_42, %dma_start3A_43, %dma_start3A_44, %dma_start3A_45] : memref<3x4x72x128xf32, #tpu.memory_space<vmem>> -> memref<1x1x65x128xf32, #tpu.memory_space<vmem>>
    %dma_start3A_47 = tpu.memref_squeeze %dma_start3A_46 : memref<1x1x65x128xf32, #tpu.memory_space<vmem>> -> memref<65x128xf32, #tpu.memory_space<vmem>>
    %dma_start3A_48 = arith.constant 72 : i32
    %dma_start3A_49 = tpu.memref_slice %arg7[%dma_start3A_48] : memref<864xi32, #tpu.memory_space<vmem>> -> memref<65xi32, #tpu.memory_space<vmem>>
    %dma_start3A_50 = arith.constant 0 : i32
    %dma_start3A_51 = arith.constant 0 : i32
    %dma_start3A_52 = tpu.memref_slice %arg4[%dma_start3A_50, %dma_start3A_51] : memref<1000000x128xf32, #tpu.memory_space<hbm>> -> memref<1000000x128xf32, #tpu.memory_space<hbm>>
    tpu.enqueue_indirect_dma source(%dma_start3A_52 : memref<1000000x128xf32, #tpu.memory_space<hbm>>) target(%dma_start3A_47 : memref<65x128xf32, #tpu.memory_space<vmem>>) offsets(%dma_start3A_49 : memref<65xi32, #tpu.memory_space<vmem>>) semaphore(%arg13 : memref<!tpu.dma_semaphore, #tpu.memory_space<semaphore_mem>>)
    %dma_start3A_53 = arith.constant 0 : i32
    %dma_start3A_54 = arith.constant 2 : i32
    %dma_start3A_55 = arith.constant 0 : i32
    %dma_start3A_56 = arith.constant 0 : i32
    %dma_start3A_57 = tpu.memref_slice %arg8[%dma_start3A_53, %dma_start3A_54, %dma_start3A_55, %dma_start3A_56] : memref<3x4x72x128xf32, #tpu.memory_space<vmem>> -> memref<1x1x65x128xf32, #tpu.memory_space<vmem>>
    %dma_start3A_58 = tpu.memref_squeeze %dma_start3A_57 : memref<1x1x65x128xf32, #tpu.memory_space<vmem>> -> memref<65x128xf32, #tpu.memory_space<vmem>>
    %dma_start3A_59 = arith.constant 144 : i32
    %dma_start3A_60 = tpu.memref_slice %arg7[%dma_start3A_59] : memref<864xi32, #tpu.memory_space<vmem>> -> memref<65xi32, #tpu.memory_space<vmem>>
    %dma_start3A_61 = arith.constant 0 : i32
    %dma_start3A_62 = arith.constant 0 : i32
    %dma_start3A_63 = tpu.memref_slice %arg4[%dma_start3A_61, %dma_start3A_62] : memref<1000000x128xf32, #tpu.memory_space<hbm>> -> memref<1000000x128xf32, #tpu.memory_space<hbm>>
    tpu.enqueue_indirect_dma source(%dma_start3A_63 : memref<1000000x128xf32, #tpu.memory_space<hbm>>) target(%dma_start3A_58 : memref<65x128xf32, #tpu.memory_space<vmem>>) offsets(%dma_start3A_60 : memref<65xi32, #tpu.memory_space<vmem>>) semaphore(%arg13 : memref<!tpu.dma_semaphore, #tpu.memory_space<semaphore_mem>>)
    %dma_start3A_64 = arith.constant 0 : i32
    %dma_start3A_65 = arith.constant 3 : i32
    %dma_start3A_66 = arith.constant 0 : i32
    %dma_start3A_67 = arith.constant 0 : i32
    %dma_start3A_68 = tpu.memref_slice %arg8[%dma_start3A_64, %dma_start3A_65, %dma_start3A_66, %dma_start3A_67] : memref<3x4x72x128xf32, #tpu.memory_space<vmem>> -> memref<1x1x65x128xf32, #tpu.memory_space<vmem>>
    %dma_start3A_69 = tpu.memref_squeeze %dma_start3A_68 : memref<1x1x65x128xf32, #tpu.memory_space<vmem>> -> memref<65x128xf32, #tpu.memory_space<vmem>>
    %dma_start3A_70 = arith.constant 216 : i32
    %dma_start3A_71 = tpu.memref_slice %arg7[%dma_start3A_70] : memref<864xi32, #tpu.memory_space<vmem>> -> memref<65xi32, #tpu.memory_space<vmem>>
    %dma_start3A_72 = arith.constant 0 : i32
    %dma_start3A_73 = arith.constant 0 : i32
    %dma_start3A_74 = tpu.memref_slice %arg4[%dma_start3A_72, %dma_start3A_73] : memref<1000000x128xf32, #tpu.memory_space<hbm>> -> memref<1000000x128xf32, #tpu.memory_space<hbm>>
    tpu.enqueue_indirect_dma source(%dma_start3A_74 : memref<1000000x128xf32, #tpu.memory_space<hbm>>) target(%dma_start3A_69 : memref<65x128xf32, #tpu.memory_space<vmem>>) offsets(%dma_start3A_71 : memref<65xi32, #tpu.memory_space<vmem>>) semaphore(%arg13 : memref<!tpu.dma_semaphore, #tpu.memory_space<semaphore_mem>>)
    %add3A_75 = arith.constant 4 : i32
    %add3A_76 = arith.addi %mul3A_2, %add3A_75 : i32
    %mul3A_77 = arith.constant 72 : i32
    %mul3A_78 = arith.muli %add3A_76, %mul3A_77 : i32
    %dma_start3A_79 = arith.constant 288 : i32
    %dma_start3A_80 = tpu.memref_slice %arg7[%dma_start3A_79] : memref<864xi32, #tpu.memory_space<vmem>> -> memref<288xi32, #tpu.memory_space<vmem>>
    %dma_start3A_81 = tpu.memref_slice %arg3[%mul3A_78] : memref<1474560xi32, #tpu.memory_space<hbm>> -> memref<288xi32, #tpu.memory_space<hbm>>
    %dma_start3A_82 = arith.constant 288 : i32
    %dma_start3A_83 = tpu.memref_slice %arg7[%dma_start3A_82] : memref<864xi32, #tpu.memory_space<vmem>> -> memref<288xi32, #tpu.memory_space<vmem>>
    %dma_start3A_84 = tpu.memref_slice %arg3[%mul3A_78] : memref<1474560xi32, #tpu.memory_space<hbm>> -> memref<288xi32, #tpu.memory_space<hbm>>
    tpu.enqueue_dma source(%dma_start3A_84 : memref<288xi32, #tpu.memory_space<hbm>>) target(%dma_start3A_83 : memref<288xi32, #tpu.memory_space<vmem>>) target_semaphore(%arg12 : memref<!tpu.dma_semaphore, #tpu.memory_space<semaphore_mem>>)
    %add3A_85 = arith.constant 4 : i32
    %add3A_86 = arith.addi %mul3A_2, %add3A_85 : i32
    %mul3A_87 = arith.constant 72 : i32
    %mul3A_88 = arith.muli %add3A_86, %mul3A_87 : i32
    %dma_wait3A_89 = arith.constant 288 : i32
    %dma_wait3A_90 = tpu.memref_slice %arg7[%dma_wait3A_89] : memref<864xi32, #tpu.memory_space<vmem>> -> memref<288xi32, #tpu.memory_space<vmem>>
    %dma_wait3A_91 = tpu.memref_slice %arg3[%mul3A_88] : memref<1474560xi32, #tpu.memory_space<hbm>> -> memref<288xi32, #tpu.memory_space<hbm>>
    %dma_wait3A_92 = arith.constant 288 : i32
    %dma_wait3A_93 = tpu.memref_slice %arg7[%dma_wait3A_92] : memref<864xi32, #tpu.memory_space<vmem>> -> memref<288xi32, #tpu.memory_space<vmem>>
    %dma_wait3A_94 = tpu.memref_slice %arg3[%mul3A_88] : memref<1474560xi32, #tpu.memory_space<hbm>> -> memref<288xi32, #tpu.memory_space<hbm>>
    tpu.wait_dma2 semaphore(%arg12 : memref<!tpu.dma_semaphore, #tpu.memory_space<semaphore_mem>>) src(%dma_wait3A_94 : memref<288xi32, #tpu.memory_space<hbm>>) dst(%dma_wait3A_93 : memref<288xi32, #tpu.memory_space<vmem>>)
    %add3A_95 = arith.constant 4 : i32
    %add3A_96 = arith.addi %mul3A_2, %add3A_95 : i32
    %mul3A_97 = arith.constant 64 : i32
    %mul3A_98 = arith.muli %add3A_96, %mul3A_97 : i32
    %dma_start3A_99 = arith.constant 256 : i32
    %dma_start3A_100 = tpu.memref_slice %arg9[%dma_start3A_99] : memref<768xf32, #tpu.memory_space<vmem>> -> memref<256xf32, #tpu.memory_space<vmem>>
    %dma_start3A_101 = tpu.memref_slice %arg2[%mul3A_98] : memref<1310720xf32, #tpu.memory_space<hbm>> -> memref<256xf32, #tpu.memory_space<hbm>>
    %dma_start3A_102 = arith.constant 256 : i32
    %dma_start3A_103 = tpu.memref_slice %arg9[%dma_start3A_102] : memref<768xf32, #tpu.memory_space<vmem>> -> memref<256xf32, #tpu.memory_space<vmem>>
    %dma_start3A_104 = tpu.memref_slice %arg2[%mul3A_98] : memref<1310720xf32, #tpu.memory_space<hbm>> -> memref<256xf32, #tpu.memory_space<hbm>>
    tpu.enqueue_dma source(%dma_start3A_104 : memref<256xf32, #tpu.memory_space<hbm>>) target(%dma_start3A_103 : memref<256xf32, #tpu.memory_space<vmem>>) target_semaphore(%arg13 : memref<!tpu.dma_semaphore, #tpu.memory_space<semaphore_mem>>)
    %dma_start3A_105 = arith.constant 1 : i32
    %dma_start3A_106 = arith.constant 0 : i32
    %dma_start3A_107 = arith.constant 0 : i32
    %dma_start3A_108 = arith.constant 0 : i32
    %dma_start3A_109 = tpu.memref_slice %arg8[%dma_start3A_105, %dma_start3A_106, %dma_start3A_107, %dma_start3A_108] : memref<3x4x72x128xf32, #tpu.memory_space<vmem>> -> memref<1x1x65x128xf32, #tpu.memory_space<vmem>>
    %dma_start3A_110 = tpu.memref_squeeze %dma_start3A_109 : memref<1x1x65x128xf32, #tpu.memory_space<vmem>> -> memref<65x128xf32, #tpu.memory_space<vmem>>
    %dma_start3A_111 = arith.constant 288 : i32
    %dma_start3A_112 = tpu.memref_slice %arg7[%dma_start3A_111] : memref<864xi32, #tpu.memory_space<vmem>> -> memref<65xi32, #tpu.memory_space<vmem>>
    %dma_start3A_113 = arith.constant 0 : i32
    %dma_start3A_114 = arith.constant 0 : i32
    %dma_start3A_115 = tpu.memref_slice %arg4[%dma_start3A_113, %dma_start3A_114] : memref<1000000x128xf32, #tpu.memory_space<hbm>> -> memref<1000000x128xf32, #tpu.memory_space<hbm>>
    tpu.enqueue_indirect_dma source(%dma_start3A_115 : memref<1000000x128xf32, #tpu.memory_space<hbm>>) target(%dma_start3A_110 : memref<65x128xf32, #tpu.memory_space<vmem>>) offsets(%dma_start3A_112 : memref<65xi32, #tpu.memory_space<vmem>>) semaphore(%arg13 : memref<!tpu.dma_semaphore, #tpu.memory_space<semaphore_mem>>)
    %dma_start3A_116 = arith.constant 1 : i32
    %dma_start3A_117 = arith.constant 1 : i32
    %dma_start3A_118 = arith.constant 0 : i32
    %dma_start3A_119 = arith.constant 0 : i32
    %dma_start3A_120 = tpu.memref_slice %arg8[%dma_start3A_116, %dma_start3A_117, %dma_start3A_118, %dma_start3A_119] : memref<3x4x72x128xf32, #tpu.memory_space<vmem>> -> memref<1x1x65x128xf32, #tpu.memory_space<vmem>>
    %dma_start3A_121 = tpu.memref_squeeze %dma_start3A_120 : memref<1x1x65x128xf32, #tpu.memory_space<vmem>> -> memref<65x128xf32, #tpu.memory_space<vmem>>
    %dma_start3A_122 = arith.constant 360 : i32
    %dma_start3A_123 = tpu.memref_slice %arg7[%dma_start3A_122] : memref<864xi32, #tpu.memory_space<vmem>> -> memref<65xi32, #tpu.memory_space<vmem>>
    %dma_start3A_124 = arith.constant 0 : i32
    %dma_start3A_125 = arith.constant 0 : i32
    %dma_start3A_126 = tpu.memref_slice %arg4[%dma_start3A_124, %dma_start3A_125] : memref<1000000x128xf32, #tpu.memory_space<hbm>> -> memref<1000000x128xf32, #tpu.memory_space<hbm>>
    tpu.enqueue_indirect_dma source(%dma_start3A_126 : memref<1000000x128xf32, #tpu.memory_space<hbm>>) target(%dma_start3A_121 : memref<65x128xf32, #tpu.memory_space<vmem>>) offsets(%dma_start3A_123 : memref<65xi32, #tpu.memory_space<vmem>>) semaphore(%arg13 : memref<!tpu.dma_semaphore, #tpu.memory_space<semaphore_mem>>)
    %dma_start3A_127 = arith.constant 1 : i32
    %dma_start3A_128 = arith.constant 2 : i32
    %dma_start3A_129 = arith.constant 0 : i32
    %dma_start3A_130 = arith.constant 0 : i32
    %dma_start3A_131 = tpu.memref_slice %arg8[%dma_start3A_127, %dma_start3A_128, %dma_start3A_129, %dma_start3A_130] : memref<3x4x72x128xf32, #tpu.memory_space<vmem>> -> memref<1x1x65x128xf32, #tpu.memory_space<vmem>>
    %dma_start3A_132 = tpu.memref_squeeze %dma_start3A_131 : memref<1x1x65x128xf32, #tpu.memory_space<vmem>> -> memref<65x128xf32, #tpu.memory_space<vmem>>
    %dma_start3A_133 = arith.constant 432 : i32
    %dma_start3A_134 = tpu.memref_slice %arg7[%dma_start3A_133] : memref<864xi32, #tpu.memory_space<vmem>> -> memref<65xi32, #tpu.memory_space<vmem>>
    %dma_start3A_135 = arith.constant 0 : i32
    %dma_start3A_136 = arith.constant 0 : i32
    %dma_start3A_137 = tpu.memref_slice %arg4[%dma_start3A_135, %dma_start3A_136] : memref<1000000x128xf32, #tpu.memory_space<hbm>> -> memref<1000000x128xf32, #tpu.memory_space<hbm>>
    tpu.enqueue_indirect_dma source(%dma_start3A_137 : memref<1000000x128xf32, #tpu.memory_space<hbm>>) target(%dma_start3A_132 : memref<65x128xf32, #tpu.memory_space<vmem>>) offsets(%dma_start3A_134 : memref<65xi32, #tpu.memory_space<vmem>>) semaphore(%arg13 : memref<!tpu.dma_semaphore, #tpu.memory_space<semaphore_mem>>)
    %dma_start3A_138 = arith.constant 1 : i32
    %dma_start3A_139 = arith.constant 3 : i32
    %dma_start3A_140 = arith.constant 0 : i32
    %dma_start3A_141 = arith.constant 0 : i32
    %dma_start3A_142 = tpu.memref_slice %arg8[%dma_start3A_138, %dma_start3A_139, %dma_start3A_140, %dma_start3A_141] : memref<3x4x72x128xf32, #tpu.memory_space<vmem>> -> memref<1x1x65x128xf32, #tpu.memory_space<vmem>>
    %dma_start3A_143 = tpu.memref_squeeze %dma_start3A_142 : memref<1x1x65x128xf32, #tpu.memory_space<vmem>> -> memref<65x128xf32, #tpu.memory_space<vmem>>
    %dma_start3A_144 = arith.constant 504 : i32
    %dma_start3A_145 = tpu.memref_slice %arg7[%dma_start3A_144] : memref<864xi32, #tpu.memory_space<vmem>> -> memref<65xi32, #tpu.memory_space<vmem>>
    %dma_start3A_146 = arith.constant 0 : i32
    %dma_start3A_147 = arith.constant 0 : i32
    %dma_start3A_148 = tpu.memref_slice %arg4[%dma_start3A_146, %dma_start3A_147] : memref<1000000x128xf32, #tpu.memory_space<hbm>> -> memref<1000000x128xf32, #tpu.memory_space<hbm>>
    tpu.enqueue_indirect_dma source(%dma_start3A_148 : memref<1000000x128xf32, #tpu.memory_space<hbm>>) target(%dma_start3A_143 : memref<65x128xf32, #tpu.memory_space<vmem>>) offsets(%dma_start3A_145 : memref<65xi32, #tpu.memory_space<vmem>>) semaphore(%arg13 : memref<!tpu.dma_semaphore, #tpu.memory_space<semaphore_mem>>)
    %add3A_149 = arith.constant 8 : i32
    %add3A_150 = arith.addi %mul3A_2, %add3A_149 : i32
    %mul3A_151 = arith.constant 72 : i32
    %mul3A_152 = arith.muli %add3A_150, %mul3A_151 : i32
    %dma_start3A_153 = arith.constant 576 : i32
    %dma_start3A_154 = tpu.memref_slice %arg7[%dma_start3A_153] : memref<864xi32, #tpu.memory_space<vmem>> -> memref<288xi32, #tpu.memory_space<vmem>>
    %dma_start3A_155 = tpu.memref_slice %arg3[%mul3A_152] : memref<1474560xi32, #tpu.memory_space<hbm>> -> memref<288xi32, #tpu.memory_space<hbm>>
    %dma_start3A_156 = arith.constant 576 : i32
    %dma_start3A_157 = tpu.memref_slice %arg7[%dma_start3A_156] : memref<864xi32, #tpu.memory_space<vmem>> -> memref<288xi32, #tpu.memory_space<vmem>>
    %dma_start3A_158 = tpu.memref_slice %arg3[%mul3A_152] : memref<1474560xi32, #tpu.memory_space<hbm>> -> memref<288xi32, #tpu.memory_space<hbm>>
    tpu.enqueue_dma source(%dma_start3A_158 : memref<288xi32, #tpu.memory_space<hbm>>) target(%dma_start3A_157 : memref<288xi32, #tpu.memory_space<vmem>>) target_semaphore(%arg12 : memref<!tpu.dma_semaphore, #tpu.memory_space<semaphore_mem>>)
    %scan3A = arith.constant 0 : i32
    %scan3A_159 = arith.constant 0 : i32
    %scan3A_160 = arith.constant 160 : i32
    %scan3A_161 = arith.addi %scan3A_159, %scan3A_160 : i32
    %scan3A_162 = arith.constant 1 : i32
    scf.for %scan3A_184 = %scan3A_159 to %scan3A_161 step %scan3A_162  : i32 {
      %jit3A = arith.constant 3 : i32
      %eq3A = arith.constant 0 : i32
      %eq3A_185 = arith.cmpi eq, %jit3A, %eq3A : i32
      %jit3A_186 = arith.constant 1 : i32
      %select_n3A = arith.select %eq3A_185, %jit3A_186, %jit3A : i32
      %rem3A = arith.remsi %scan3A_184, %select_n3A : i32
      %ne3A = arith.constant 0 : i32
      %ne3A_187 = arith.cmpi ne, %rem3A, %ne3A : i32
      %lt3A = arith.constant 0 : i32
      %lt3A_188 = arith.cmpi slt, %rem3A, %lt3A : i32
      %lt3A_189 = arith.constant 0 : i32
      %lt3A_190 = arith.cmpi slt, %select_n3A, %lt3A_189 : i32
      %ne3A_191 = arith.xori %lt3A_188, %lt3A_190 : i1
      %and3A = arith.andi %ne3A_191, %ne3A_187 : i1
      %add3A_192 = arith.addi %rem3A, %select_n3A : i32
      %select_n3A_193 = arith.select %and3A, %add3A_192, %rem3A : i32
      %broadcast_in_dim3A = vector.broadcast %select_n3A_193 : i32 to vector<16xi32>
      %jit3A_194 = arith.constant 3 : i32
      %eq3A_195 = arith.constant 0 : i32
      %eq3A_196 = arith.cmpi eq, %jit3A_194, %eq3A_195 : i32
      %jit3A_197 = arith.constant 1 : i32
      %select_n3A_198 = arith.select %eq3A_196, %jit3A_197, %jit3A_194 : i32
      %rem3A_199 = arith.remsi %scan3A_184, %select_n3A_198 : i32
      %ne3A_200 = arith.constant 0 : i32
      %ne3A_201 = arith.cmpi ne, %rem3A_199, %ne3A_200 : i32
      %lt3A_202 = arith.constant 0 : i32
      %lt3A_203 = arith.cmpi slt, %rem3A_199, %lt3A_202 : i32
      %lt3A_204 = arith.constant 0 : i32
      %lt3A_205 = arith.cmpi slt, %select_n3A_198, %lt3A_204 : i32
      %ne3A_206 = arith.xori %lt3A_203, %lt3A_205 : i1
      %and3A_207 = arith.andi %ne3A_206, %ne3A_201 : i1
      %add3A_208 = arith.addi %rem3A_199, %select_n3A_198 : i32
      %select_n3A_209 = arith.select %and3A_207, %add3A_208, %rem3A_199 : i32
      %mul3A_210 = arith.constant 4 : i32
      %mul3A_211 = arith.muli %scan3A_184, %mul3A_210 : i32
      %add3A_212 = arith.addi %mul3A_2, %mul3A_211 : i32
      %mul3A_213 = arith.constant 64 : i32
      %mul3A_214 = arith.muli %add3A_212, %mul3A_213 : i32
      %mul3A_215 = arith.constant 4 : i32
      %mul3A_216 = arith.muli %select_n3A_209, %mul3A_215 : i32
      %mul3A_217 = arith.constant 64 : i32
      %mul3A_218 = arith.muli %mul3A_216, %mul3A_217 : i32
      %mul3A_219 = arith.constant 4 : i32
      %mul3A_220 = arith.muli %select_n3A_209, %mul3A_219 : i32
      %mul3A_221 = arith.constant 72 : i32
      %mul3A_222 = arith.muli %mul3A_220, %mul3A_221 : i32
      %add3A_223 = arith.constant 0 : i32
      %add3A_224 = arith.addi %mul3A_222, %add3A_223 : i32
      %mul3A_225 = arith.constant 4 : i32
      %mul3A_226 = arith.muli %select_n3A_209, %mul3A_225 : i32
      %mul3A_227 = arith.constant 72 : i32
      %mul3A_228 = arith.muli %mul3A_226, %mul3A_227 : i32
      %add3A_229 = arith.constant 72 : i32
      %add3A_230 = arith.addi %mul3A_228, %add3A_229 : i32
      %mul3A_231 = arith.constant 4 : i32
      %mul3A_232 = arith.muli %select_n3A_209, %mul3A_231 : i32
      %mul3A_233 = arith.constant 72 : i32
      %mul3A_234 = arith.muli %mul3A_232, %mul3A_233 : i32
      %add3A_235 = arith.constant 144 : i32
      %add3A_236 = arith.addi %mul3A_234, %add3A_235 : i32
      %mul3A_237 = arith.constant 4 : i32
      %mul3A_238 = arith.muli %select_n3A_209, %mul3A_237 : i32
      %mul3A_239 = arith.constant 72 : i32
      %mul3A_240 = arith.muli %mul3A_238, %mul3A_239 : i32
      %add3A_241 = arith.constant 216 : i32
      %add3A_242 = arith.addi %mul3A_240, %add3A_241 : i32
      %dma_wait3A_243 = tpu.memref_slice %arg9[%mul3A_218] : memref<768xf32, #tpu.memory_space<vmem>> -> memref<256xf32, #tpu.memory_space<vmem>>
      %dma_wait3A_244 = tpu.memref_slice %arg2[%mul3A_214] : memref<1310720xf32, #tpu.memory_space<hbm>> -> memref<256xf32, #tpu.memory_space<hbm>>
      %dma_wait3A_245 = tpu.memref_slice %arg9[%mul3A_218] : memref<768xf32, #tpu.memory_space<vmem>> -> memref<256xf32, #tpu.memory_space<vmem>>
      %dma_wait3A_246 = tpu.memref_slice %arg2[%mul3A_214] : memref<1310720xf32, #tpu.memory_space<hbm>> -> memref<256xf32, #tpu.memory_space<hbm>>
      tpu.wait_dma2 semaphore(%arg13 : memref<!tpu.dma_semaphore, #tpu.memory_space<semaphore_mem>>) src(%dma_wait3A_246 : memref<256xf32, #tpu.memory_space<hbm>>) dst(%dma_wait3A_245 : memref<256xf32, #tpu.memory_space<vmem>>)
      %dma_wait3A_247 = arith.constant 0 : i32
      %dma_wait3A_248 = arith.constant 0 : i32
      %dma_wait3A_249 = arith.constant 0 : i32
      %dma_wait3A_250 = tpu.memref_slice %arg8[%select_n3A_209, %dma_wait3A_247, %dma_wait3A_248, %dma_wait3A_249] : memref<3x4x72x128xf32, #tpu.memory_space<vmem>> -> memref<1x1x65x128xf32, #tpu.memory_space<vmem>>
      %dma_wait3A_251 = tpu.memref_squeeze %dma_wait3A_250 : memref<1x1x65x128xf32, #tpu.memory_space<vmem>> -> memref<65x128xf32, #tpu.memory_space<vmem>>
      %dma_wait3A_252 = tpu.memref_slice %arg7[%add3A_224] : memref<864xi32, #tpu.memory_space<vmem>> -> memref<65xi32, #tpu.memory_space<vmem>>
      %dma_wait3A_253 = arith.constant 0 : i32
      %dma_wait3A_254 = arith.constant 0 : i32
      %dma_wait3A_255 = tpu.memref_slice %arg4[%dma_wait3A_253, %dma_wait3A_254] : memref<1000000x128xf32, #tpu.memory_space<hbm>> -> memref<1000000x128xf32, #tpu.memory_space<hbm>>
      tpu.wait_indirect_dma semaphore(%arg13 : memref<!tpu.dma_semaphore, #tpu.memory_space<semaphore_mem>>) src(%dma_wait3A_255 : memref<1000000x128xf32, #tpu.memory_space<hbm>>) dst(%dma_wait3A_251 : memref<65x128xf32, #tpu.memory_space<vmem>>)
      %dma_wait3A_256 = arith.constant 1 : i32
      %dma_wait3A_257 = arith.constant 0 : i32
      %dma_wait3A_258 = arith.constant 0 : i32
      %dma_wait3A_259 = tpu.memref_slice %arg8[%select_n3A_209, %dma_wait3A_256, %dma_wait3A_257, %dma_wait3A_258] : memref<3x4x72x128xf32, #tpu.memory_space<vmem>> -> memref<1x1x65x128xf32, #tpu.memory_space<vmem>>
      %dma_wait3A_260 = tpu.memref_squeeze %dma_wait3A_259 : memref<1x1x65x128xf32, #tpu.memory_space<vmem>> -> memref<65x128xf32, #tpu.memory_space<vmem>>
      %dma_wait3A_261 = tpu.memref_slice %arg7[%add3A_230] : memref<864xi32, #tpu.memory_space<vmem>> -> memref<65xi32, #tpu.memory_space<vmem>>
      %dma_wait3A_262 = arith.constant 0 : i32
      %dma_wait3A_263 = arith.constant 0 : i32
      %dma_wait3A_264 = tpu.memref_slice %arg4[%dma_wait3A_262, %dma_wait3A_263] : memref<1000000x128xf32, #tpu.memory_space<hbm>> -> memref<1000000x128xf32, #tpu.memory_space<hbm>>
      tpu.wait_indirect_dma semaphore(%arg13 : memref<!tpu.dma_semaphore, #tpu.memory_space<semaphore_mem>>) src(%dma_wait3A_264 : memref<1000000x128xf32, #tpu.memory_space<hbm>>) dst(%dma_wait3A_260 : memref<65x128xf32, #tpu.memory_space<vmem>>)
      %dma_wait3A_265 = arith.constant 2 : i32
      %dma_wait3A_266 = arith.constant 0 : i32
      %dma_wait3A_267 = arith.constant 0 : i32
      %dma_wait3A_268 = tpu.memref_slice %arg8[%select_n3A_209, %dma_wait3A_265, %dma_wait3A_266, %dma_wait3A_267] : memref<3x4x72x128xf32, #tpu.memory_space<vmem>> -> memref<1x1x65x128xf32, #tpu.memory_space<vmem>>
      %dma_wait3A_269 = tpu.memref_squeeze %dma_wait3A_268 : memref<1x1x65x128xf32, #tpu.memory_space<vmem>> -> memref<65x128xf32, #tpu.memory_space<vmem>>
      %dma_wait3A_270 = tpu.memref_slice %arg7[%add3A_236] : memref<864xi32, #tpu.memory_space<vmem>> -> memref<65xi32, #tpu.memory_space<vmem>>
      %dma_wait3A_271 = arith.constant 0 : i32
      %dma_wait3A_272 = arith.constant 0 : i32
      %dma_wait3A_273 = tpu.memref_slice %arg4[%dma_wait3A_271, %dma_wait3A_272] : memref<1000000x128xf32, #tpu.memory_space<hbm>> -> memref<1000000x128xf32, #tpu.memory_space<hbm>>
      tpu.wait_indirect_dma semaphore(%arg13 : memref<!tpu.dma_semaphore, #tpu.memory_space<semaphore_mem>>) src(%dma_wait3A_273 : memref<1000000x128xf32, #tpu.memory_space<hbm>>) dst(%dma_wait3A_269 : memref<65x128xf32, #tpu.memory_space<vmem>>)
      %dma_wait3A_274 = arith.constant 3 : i32
      %dma_wait3A_275 = arith.constant 0 : i32
      %dma_wait3A_276 = arith.constant 0 : i32
      %dma_wait3A_277 = tpu.memref_slice %arg8[%select_n3A_209, %dma_wait3A_274, %dma_wait3A_275, %dma_wait3A_276] : memref<3x4x72x128xf32, #tpu.memory_space<vmem>> -> memref<1x1x65x128xf32, #tpu.memory_space<vmem>>
      %dma_wait3A_278 = tpu.memref_squeeze %dma_wait3A_277 : memref<1x1x65x128xf32, #tpu.memory_space<vmem>> -> memref<65x128xf32, #tpu.memory_space<vmem>>
      %dma_wait3A_279 = tpu.memref_slice %arg7[%add3A_242] : memref<864xi32, #tpu.memory_space<vmem>> -> memref<65xi32, #tpu.memory_space<vmem>>
      %dma_wait3A_280 = arith.constant 0 : i32
      %dma_wait3A_281 = arith.constant 0 : i32
      %dma_wait3A_282 = tpu.memref_slice %arg4[%dma_wait3A_280, %dma_wait3A_281] : memref<1000000x128xf32, #tpu.memory_space<hbm>> -> memref<1000000x128xf32, #tpu.memory_space<hbm>>
      tpu.wait_indirect_dma semaphore(%arg13 : memref<!tpu.dma_semaphore, #tpu.memory_space<semaphore_mem>>) src(%dma_wait3A_282 : memref<1000000x128xf32, #tpu.memory_space<hbm>>) dst(%dma_wait3A_278 : memref<65x128xf32, #tpu.memory_space<vmem>>)
      %ge3A = arith.constant 3 : i32
      %ge3A_283 = arith.cmpi sge, %scan3A_184, %ge3A : i32
      %convert_element_type3A = arith.extui %ge3A_283 : i1 to i32
      %cond3A = arith.constant 0 : i32
      %cond3A_284 = arith.cmpi ne, %convert_element_type3A, %cond3A : i32
      scf.if %cond3A_284 {
        %sub3A_847 = arith.constant 3 : i32
        %sub3A_848 = arith.subi %scan3A_184, %sub3A_847 : i32
        %jit3A_849 = arith.constant 3 : i32
        %eq3A_850 = arith.constant 0 : i32
        %eq3A_851 = arith.cmpi eq, %jit3A_849, %eq3A_850 : i32
        %jit3A_852 = arith.constant 1 : i32
        %select_n3A_853 = arith.select %eq3A_851, %jit3A_852, %jit3A_849 : i32
        %rem3A_854 = arith.remsi %sub3A_848, %select_n3A_853 : i32
        %ne3A_855 = arith.constant 0 : i32
        %ne3A_856 = arith.cmpi ne, %rem3A_854, %ne3A_855 : i32
        %lt3A_857 = arith.constant 0 : i32
        %lt3A_858 = arith.cmpi slt, %rem3A_854, %lt3A_857 : i32
        %lt3A_859 = arith.constant 0 : i32
        %lt3A_860 = arith.cmpi slt, %select_n3A_853, %lt3A_859 : i32
        %ne3A_861 = arith.xori %lt3A_858, %lt3A_860 : i1
        %and3A_862 = arith.andi %ne3A_861, %ne3A_856 : i1
        %add3A_863 = arith.addi %rem3A_854, %select_n3A_853 : i32
        %select_n3A_864 = arith.select %and3A_862, %add3A_863, %rem3A_854 : i32
        %mul3A_865 = arith.constant 4 : i32
        %mul3A_866 = arith.muli %select_n3A_864, %mul3A_865 : i32
        %mul3A_867 = arith.constant 64 : i32
        %mul3A_868 = arith.muli %mul3A_866, %mul3A_867 : i32
        %mul3A_869 = arith.constant 4 : i32
        %mul3A_870 = arith.muli %sub3A_848, %mul3A_869 : i32
        %add3A_871 = arith.addi %mul3A_2, %mul3A_870 : i32
        %mul3A_872 = arith.constant 64 : i32
        %mul3A_873 = arith.muli %add3A_871, %mul3A_872 : i32
        %dma_wait3A_874 = tpu.memref_slice %arg10[%mul3A_868] : memref<768xf32, #tpu.memory_space<vmem>> -> memref<256xf32, #tpu.memory_space<vmem>>
        %dma_wait3A_875 = tpu.memref_slice %arg6[%mul3A_873] : memref<1310720xf32, #tpu.memory_space<hbm>> -> memref<256xf32, #tpu.memory_space<hbm>>
        %dma_wait3A_876 = tpu.memref_slice %arg6[%mul3A_873] : memref<1310720xf32, #tpu.memory_space<hbm>> -> memref<256xf32, #tpu.memory_space<hbm>>
        %dma_wait3A_877 = tpu.memref_slice %arg10[%mul3A_868] : memref<768xf32, #tpu.memory_space<vmem>> -> memref<256xf32, #tpu.memory_space<vmem>>
        tpu.wait_dma2 semaphore(%arg14 : memref<!tpu.dma_semaphore, #tpu.memory_space<semaphore_mem>>) src(%dma_wait3A_877 : memref<256xf32, #tpu.memory_space<vmem>>) dst(%dma_wait3A_876 : memref<256xf32, #tpu.memory_space<hbm>>)
      } else {
      }
      %add3A_285 = arith.constant 2 : i32
      %add3A_286 = arith.addi %scan3A_184, %add3A_285 : i32
      %lt3A_287 = arith.constant 160 : i32
      %lt3A_288 = arith.cmpi slt, %add3A_286, %lt3A_287 : i32
      %convert_element_type3A_289 = arith.extui %lt3A_288 : i1 to i32
      %cond3A_290 = arith.constant 0 : i32
      %cond3A_291 = arith.cmpi ne, %convert_element_type3A_289, %cond3A_290 : i32
      scf.if %cond3A_291 {
        %add3A_847 = arith.constant 2 : i32
        %add3A_848 = arith.addi %scan3A_184, %add3A_847 : i32
        %mul3A_849 = arith.constant 4 : i32
        %mul3A_850 = arith.muli %add3A_848, %mul3A_849 : i32
        %add3A_851 = arith.addi %mul3A_2, %mul3A_850 : i32
        %mul3A_852 = arith.constant 72 : i32
        %mul3A_853 = arith.muli %add3A_851, %mul3A_852 : i32
        %jit3A_854 = arith.constant 3 : i32
        %eq3A_855 = arith.constant 0 : i32
        %eq3A_856 = arith.cmpi eq, %jit3A_854, %eq3A_855 : i32
        %jit3A_857 = arith.constant 1 : i32
        %select_n3A_858 = arith.select %eq3A_856, %jit3A_857, %jit3A_854 : i32
        %rem3A_859 = arith.remsi %add3A_848, %select_n3A_858 : i32
        %ne3A_860 = arith.constant 0 : i32
        %ne3A_861 = arith.cmpi ne, %rem3A_859, %ne3A_860 : i32
        %lt3A_862 = arith.constant 0 : i32
        %lt3A_863 = arith.cmpi slt, %rem3A_859, %lt3A_862 : i32
        %lt3A_864 = arith.constant 0 : i32
        %lt3A_865 = arith.cmpi slt, %select_n3A_858, %lt3A_864 : i32
        %ne3A_866 = arith.xori %lt3A_863, %lt3A_865 : i1
        %and3A_867 = arith.andi %ne3A_866, %ne3A_861 : i1
        %add3A_868 = arith.addi %rem3A_859, %select_n3A_858 : i32
        %select_n3A_869 = arith.select %and3A_867, %add3A_868, %rem3A_859 : i32
        %mul3A_870 = arith.constant 4 : i32
        %mul3A_871 = arith.muli %select_n3A_869, %mul3A_870 : i32
        %mul3A_872 = arith.constant 72 : i32
        %mul3A_873 = arith.muli %mul3A_871, %mul3A_872 : i32
        %dma_wait3A_874 = tpu.memref_slice %arg7[%mul3A_873] : memref<864xi32, #tpu.memory_space<vmem>> -> memref<288xi32, #tpu.memory_space<vmem>>
        %dma_wait3A_875 = tpu.memref_slice %arg3[%mul3A_853] : memref<1474560xi32, #tpu.memory_space<hbm>> -> memref<288xi32, #tpu.memory_space<hbm>>
        %dma_wait3A_876 = tpu.memref_slice %arg7[%mul3A_873] : memref<864xi32, #tpu.memory_space<vmem>> -> memref<288xi32, #tpu.memory_space<vmem>>
        %dma_wait3A_877 = tpu.memref_slice %arg3[%mul3A_853] : memref<1474560xi32, #tpu.memory_space<hbm>> -> memref<288xi32, #tpu.memory_space<hbm>>
        tpu.wait_dma2 semaphore(%arg12 : memref<!tpu.dma_semaphore, #tpu.memory_space<semaphore_mem>>) src(%dma_wait3A_877 : memref<288xi32, #tpu.memory_space<hbm>>) dst(%dma_wait3A_876 : memref<288xi32, #tpu.memory_space<vmem>>)
        %add3A_878 = arith.constant 2 : i32
        %add3A_879 = arith.addi %scan3A_184, %add3A_878 : i32
        %jit3A_880 = arith.constant 3 : i32
        %eq3A_881 = arith.constant 0 : i32
        %eq3A_882 = arith.cmpi eq, %jit3A_880, %eq3A_881 : i32
        %jit3A_883 = arith.constant 1 : i32
        %select_n3A_884 = arith.select %eq3A_882, %jit3A_883, %jit3A_880 : i32
        %rem3A_885 = arith.remsi %add3A_879, %select_n3A_884 : i32
        %ne3A_886 = arith.constant 0 : i32
        %ne3A_887 = arith.cmpi ne, %rem3A_885, %ne3A_886 : i32
        %lt3A_888 = arith.constant 0 : i32
        %lt3A_889 = arith.cmpi slt, %rem3A_885, %lt3A_888 : i32
        %lt3A_890 = arith.constant 0 : i32
        %lt3A_891 = arith.cmpi slt, %select_n3A_884, %lt3A_890 : i32
        %ne3A_892 = arith.xori %lt3A_889, %lt3A_891 : i1
        %and3A_893 = arith.andi %ne3A_892, %ne3A_887 : i1
        %add3A_894 = arith.addi %rem3A_885, %select_n3A_884 : i32
        %select_n3A_895 = arith.select %and3A_893, %add3A_894, %rem3A_885 : i32
        %mul3A_896 = arith.constant 4 : i32
        %mul3A_897 = arith.muli %add3A_879, %mul3A_896 : i32
        %add3A_898 = arith.addi %mul3A_2, %mul3A_897 : i32
        %mul3A_899 = arith.constant 64 : i32
        %mul3A_900 = arith.muli %add3A_898, %mul3A_899 : i32
        %mul3A_901 = arith.constant 4 : i32
        %mul3A_902 = arith.muli %select_n3A_895, %mul3A_901 : i32
        %mul3A_903 = arith.constant 64 : i32
        %mul3A_904 = arith.muli %mul3A_902, %mul3A_903 : i32
        %mul3A_905 = arith.constant 4 : i32
        %mul3A_906 = arith.muli %select_n3A_895, %mul3A_905 : i32
        %mul3A_907 = arith.constant 72 : i32
        %mul3A_908 = arith.muli %mul3A_906, %mul3A_907 : i32
        %add3A_909 = arith.constant 0 : i32
        %add3A_910 = arith.addi %mul3A_908, %add3A_909 : i32
        %mul3A_911 = arith.constant 4 : i32
        %mul3A_912 = arith.muli %select_n3A_895, %mul3A_911 : i32
        %mul3A_913 = arith.constant 72 : i32
        %mul3A_914 = arith.muli %mul3A_912, %mul3A_913 : i32
        %add3A_915 = arith.constant 72 : i32
        %add3A_916 = arith.addi %mul3A_914, %add3A_915 : i32
        %mul3A_917 = arith.constant 4 : i32
        %mul3A_918 = arith.muli %select_n3A_895, %mul3A_917 : i32
        %mul3A_919 = arith.constant 72 : i32
        %mul3A_920 = arith.muli %mul3A_918, %mul3A_919 : i32
        %add3A_921 = arith.constant 144 : i32
        %add3A_922 = arith.addi %mul3A_920, %add3A_921 : i32
        %mul3A_923 = arith.constant 4 : i32
        %mul3A_924 = arith.muli %select_n3A_895, %mul3A_923 : i32
        %mul3A_925 = arith.constant 72 : i32
        %mul3A_926 = arith.muli %mul3A_924, %mul3A_925 : i32
        %add3A_927 = arith.constant 216 : i32
        %add3A_928 = arith.addi %mul3A_926, %add3A_927 : i32
        %dma_start3A_929 = tpu.memref_slice %arg9[%mul3A_904] : memref<768xf32, #tpu.memory_space<vmem>> -> memref<256xf32, #tpu.memory_space<vmem>>
        %dma_start3A_930 = tpu.memref_slice %arg2[%mul3A_900] : memref<1310720xf32, #tpu.memory_space<hbm>> -> memref<256xf32, #tpu.memory_space<hbm>>
        %dma_start3A_931 = tpu.memref_slice %arg9[%mul3A_904] : memref<768xf32, #tpu.memory_space<vmem>> -> memref<256xf32, #tpu.memory_space<vmem>>
        %dma_start3A_932 = tpu.memref_slice %arg2[%mul3A_900] : memref<1310720xf32, #tpu.memory_space<hbm>> -> memref<256xf32, #tpu.memory_space<hbm>>
        tpu.enqueue_dma source(%dma_start3A_932 : memref<256xf32, #tpu.memory_space<hbm>>) target(%dma_start3A_931 : memref<256xf32, #tpu.memory_space<vmem>>) target_semaphore(%arg13 : memref<!tpu.dma_semaphore, #tpu.memory_space<semaphore_mem>>)
        %dma_start3A_933 = arith.constant 0 : i32
        %dma_start3A_934 = arith.constant 0 : i32
        %dma_start3A_935 = arith.constant 0 : i32
        %dma_start3A_936 = tpu.memref_slice %arg8[%select_n3A_895, %dma_start3A_933, %dma_start3A_934, %dma_start3A_935] : memref<3x4x72x128xf32, #tpu.memory_space<vmem>> -> memref<1x1x65x128xf32, #tpu.memory_space<vmem>>
        %dma_start3A_937 = tpu.memref_squeeze %dma_start3A_936 : memref<1x1x65x128xf32, #tpu.memory_space<vmem>> -> memref<65x128xf32, #tpu.memory_space<vmem>>
        %dma_start3A_938 = tpu.memref_slice %arg7[%add3A_910] : memref<864xi32, #tpu.memory_space<vmem>> -> memref<65xi32, #tpu.memory_space<vmem>>
        %dma_start3A_939 = arith.constant 0 : i32
        %dma_start3A_940 = arith.constant 0 : i32
        %dma_start3A_941 = tpu.memref_slice %arg4[%dma_start3A_939, %dma_start3A_940] : memref<1000000x128xf32, #tpu.memory_space<hbm>> -> memref<1000000x128xf32, #tpu.memory_space<hbm>>
        tpu.enqueue_indirect_dma source(%dma_start3A_941 : memref<1000000x128xf32, #tpu.memory_space<hbm>>) target(%dma_start3A_937 : memref<65x128xf32, #tpu.memory_space<vmem>>) offsets(%dma_start3A_938 : memref<65xi32, #tpu.memory_space<vmem>>) semaphore(%arg13 : memref<!tpu.dma_semaphore, #tpu.memory_space<semaphore_mem>>)
        %dma_start3A_942 = arith.constant 1 : i32
        %dma_start3A_943 = arith.constant 0 : i32
        %dma_start3A_944 = arith.constant 0 : i32
        %dma_start3A_945 = tpu.memref_slice %arg8[%select_n3A_895, %dma_start3A_942, %dma_start3A_943, %dma_start3A_944] : memref<3x4x72x128xf32, #tpu.memory_space<vmem>> -> memref<1x1x65x128xf32, #tpu.memory_space<vmem>>
        %dma_start3A_946 = tpu.memref_squeeze %dma_start3A_945 : memref<1x1x65x128xf32, #tpu.memory_space<vmem>> -> memref<65x128xf32, #tpu.memory_space<vmem>>
        %dma_start3A_947 = tpu.memref_slice %arg7[%add3A_916] : memref<864xi32, #tpu.memory_space<vmem>> -> memref<65xi32, #tpu.memory_space<vmem>>
        %dma_start3A_948 = arith.constant 0 : i32
        %dma_start3A_949 = arith.constant 0 : i32
        %dma_start3A_950 = tpu.memref_slice %arg4[%dma_start3A_948, %dma_start3A_949] : memref<1000000x128xf32, #tpu.memory_space<hbm>> -> memref<1000000x128xf32, #tpu.memory_space<hbm>>
        tpu.enqueue_indirect_dma source(%dma_start3A_950 : memref<1000000x128xf32, #tpu.memory_space<hbm>>) target(%dma_start3A_946 : memref<65x128xf32, #tpu.memory_space<vmem>>) offsets(%dma_start3A_947 : memref<65xi32, #tpu.memory_space<vmem>>) semaphore(%arg13 : memref<!tpu.dma_semaphore, #tpu.memory_space<semaphore_mem>>)
        %dma_start3A_951 = arith.constant 2 : i32
        %dma_start3A_952 = arith.constant 0 : i32
        %dma_start3A_953 = arith.constant 0 : i32
        %dma_start3A_954 = tpu.memref_slice %arg8[%select_n3A_895, %dma_start3A_951, %dma_start3A_952, %dma_start3A_953] : memref<3x4x72x128xf32, #tpu.memory_space<vmem>> -> memref<1x1x65x128xf32, #tpu.memory_space<vmem>>
        %dma_start3A_955 = tpu.memref_squeeze %dma_start3A_954 : memref<1x1x65x128xf32, #tpu.memory_space<vmem>> -> memref<65x128xf32, #tpu.memory_space<vmem>>
        %dma_start3A_956 = tpu.memref_slice %arg7[%add3A_922] : memref<864xi32, #tpu.memory_space<vmem>> -> memref<65xi32, #tpu.memory_space<vmem>>
        %dma_start3A_957 = arith.constant 0 : i32
        %dma_start3A_958 = arith.constant 0 : i32
        %dma_start3A_959 = tpu.memref_slice %arg4[%dma_start3A_957, %dma_start3A_958] : memref<1000000x128xf32, #tpu.memory_space<hbm>> -> memref<1000000x128xf32, #tpu.memory_space<hbm>>
        tpu.enqueue_indirect_dma source(%dma_start3A_959 : memref<1000000x128xf32, #tpu.memory_space<hbm>>) target(%dma_start3A_955 : memref<65x128xf32, #tpu.memory_space<vmem>>) offsets(%dma_start3A_956 : memref<65xi32, #tpu.memory_space<vmem>>) semaphore(%arg13 : memref<!tpu.dma_semaphore, #tpu.memory_space<semaphore_mem>>)
        %dma_start3A_960 = arith.constant 3 : i32
        %dma_start3A_961 = arith.constant 0 : i32
        %dma_start3A_962 = arith.constant 0 : i32
        %dma_start3A_963 = tpu.memref_slice %arg8[%select_n3A_895, %dma_start3A_960, %dma_start3A_961, %dma_start3A_962] : memref<3x4x72x128xf32, #tpu.memory_space<vmem>> -> memref<1x1x65x128xf32, #tpu.memory_space<vmem>>
        %dma_start3A_964 = tpu.memref_squeeze %dma_start3A_963 : memref<1x1x65x128xf32, #tpu.memory_space<vmem>> -> memref<65x128xf32, #tpu.memory_space<vmem>>
        %dma_start3A_965 = tpu.memref_slice %arg7[%add3A_928] : memref<864xi32, #tpu.memory_space<vmem>> -> memref<65xi32, #tpu.memory_space<vmem>>
        %dma_start3A_966 = arith.constant 0 : i32
        %dma_start3A_967 = arith.constant 0 : i32
        %dma_start3A_968 = tpu.memref_slice %arg4[%dma_start3A_966, %dma_start3A_967] : memref<1000000x128xf32, #tpu.memory_space<hbm>> -> memref<1000000x128xf32, #tpu.memory_space<hbm>>
        tpu.enqueue_indirect_dma source(%dma_start3A_968 : memref<1000000x128xf32, #tpu.memory_space<hbm>>) target(%dma_start3A_964 : memref<65x128xf32, #tpu.memory_space<vmem>>) offsets(%dma_start3A_965 : memref<65xi32, #tpu.memory_space<vmem>>) semaphore(%arg13 : memref<!tpu.dma_semaphore, #tpu.memory_space<semaphore_mem>>)
      } else {
      }
      %add3A_292 = arith.constant 3 : i32
      %add3A_293 = arith.addi %scan3A_184, %add3A_292 : i32
      %lt3A_294 = arith.constant 160 : i32
      %lt3A_295 = arith.cmpi slt, %add3A_293, %lt3A_294 : i32
      %convert_element_type3A_296 = arith.extui %lt3A_295 : i1 to i32
      %cond3A_297 = arith.constant 0 : i32
      %cond3A_298 = arith.cmpi ne, %convert_element_type3A_296, %cond3A_297 : i32
      scf.if %cond3A_298 {
        %add3A_847 = arith.constant 3 : i32
        %add3A_848 = arith.addi %scan3A_184, %add3A_847 : i32
        %mul3A_849 = arith.constant 4 : i32
        %mul3A_850 = arith.muli %add3A_848, %mul3A_849 : i32
        %add3A_851 = arith.addi %mul3A_2, %mul3A_850 : i32
        %mul3A_852 = arith.constant 72 : i32
        %mul3A_853 = arith.muli %add3A_851, %mul3A_852 : i32
        %jit3A_854 = arith.constant 3 : i32
        %eq3A_855 = arith.constant 0 : i32
        %eq3A_856 = arith.cmpi eq, %jit3A_854, %eq3A_855 : i32
        %jit3A_857 = arith.constant 1 : i32
        %select_n3A_858 = arith.select %eq3A_856, %jit3A_857, %jit3A_854 : i32
        %rem3A_859 = arith.remsi %add3A_848, %select_n3A_858 : i32
        %ne3A_860 = arith.constant 0 : i32
        %ne3A_861 = arith.cmpi ne, %rem3A_859, %ne3A_860 : i32
        %lt3A_862 = arith.constant 0 : i32
        %lt3A_863 = arith.cmpi slt, %rem3A_859, %lt3A_862 : i32
        %lt3A_864 = arith.constant 0 : i32
        %lt3A_865 = arith.cmpi slt, %select_n3A_858, %lt3A_864 : i32
        %ne3A_866 = arith.xori %lt3A_863, %lt3A_865 : i1
        %and3A_867 = arith.andi %ne3A_866, %ne3A_861 : i1
        %add3A_868 = arith.addi %rem3A_859, %select_n3A_858 : i32
        %select_n3A_869 = arith.select %and3A_867, %add3A_868, %rem3A_859 : i32
        %mul3A_870 = arith.constant 4 : i32
        %mul3A_871 = arith.muli %select_n3A_869, %mul3A_870 : i32
        %mul3A_872 = arith.constant 72 : i32
        %mul3A_873 = arith.muli %mul3A_871, %mul3A_872 : i32
        %dma_start3A_874 = tpu.memref_slice %arg7[%mul3A_873] : memref<864xi32, #tpu.memory_space<vmem>> -> memref<288xi32, #tpu.memory_space<vmem>>
        %dma_start3A_875 = tpu.memref_slice %arg3[%mul3A_853] : memref<1474560xi32, #tpu.memory_space<hbm>> -> memref<288xi32, #tpu.memory_space<hbm>>
        %dma_start3A_876 = tpu.memref_slice %arg7[%mul3A_873] : memref<864xi32, #tpu.memory_space<vmem>> -> memref<288xi32, #tpu.memory_space<vmem>>
        %dma_start3A_877 = tpu.memref_slice %arg3[%mul3A_853] : memref<1474560xi32, #tpu.memory_space<hbm>> -> memref<288xi32, #tpu.memory_space<hbm>>
        tpu.enqueue_dma source(%dma_start3A_877 : memref<288xi32, #tpu.memory_space<hbm>>) target(%dma_start3A_876 : memref<288xi32, #tpu.memory_space<vmem>>) target_semaphore(%arg12 : memref<!tpu.dma_semaphore, #tpu.memory_space<semaphore_mem>>)
      } else {
      }
      %broadcast_in_dim3A_299 = arith.constant 0 : i32
      %broadcast_in_dim3A_300 = vector.broadcast %broadcast_in_dim3A_299 : i32 to vector<16xi32>
      %mul3A_301 = arith.constant 256 : i32
      %mul3A_302 = vector.broadcast %mul3A_301 : i32 to vector<16xi32>
      %mul3A_303 = arith.muli %broadcast_in_dim3A, %mul3A_302 : vector<16xi32>
      %add3A_304 = arith.constant 0 : i32
      %add3A_305 = vector.broadcast %add3A_304 : i32 to vector<16xi32>
      %add3A_306 = arith.addi %mul3A_303, %add3A_305 : vector<16xi32>
      %add3A_307 = arith.constant 0 : i32
      %add3A_308 = vector.broadcast %add3A_307 : i32 to vector<16xi32>
      %add3A_309 = arith.addi %add3A_306, %add3A_308 : vector<16xi32>
      %add3A_310 = arith.addi %add3A_309, %iota3A : vector<16xi32>
      %gather3A = tpu.vector_load_idx %arg9[%add3A_310] : memref<768xf32, #tpu.memory_space<vmem>>[vector<16xi32>], vector<16xf32>,
      %mul3A_311 = arith.constant 256 : i32
      %mul3A_312 = vector.broadcast %mul3A_311 : i32 to vector<16xi32>
      %mul3A_313 = arith.muli %broadcast_in_dim3A, %mul3A_312 : vector<16xi32>
      %add3A_314 = arith.constant 0 : i32
      %add3A_315 = vector.broadcast %add3A_314 : i32 to vector<16xi32>
      %add3A_316 = arith.addi %mul3A_313, %add3A_315 : vector<16xi32>
      %add3A_317 = arith.constant 16 : i32
      %add3A_318 = vector.broadcast %add3A_317 : i32 to vector<16xi32>
      %add3A_319 = arith.addi %add3A_316, %add3A_318 : vector<16xi32>
      %add3A_320 = arith.addi %add3A_319, %iota3A : vector<16xi32>
      %gather3A_321 = tpu.vector_load_idx %arg9[%add3A_320] : memref<768xf32, #tpu.memory_space<vmem>>[vector<16xi32>], vector<16xf32>,
      %mul3A_322 = arith.constant 256 : i32
      %mul3A_323 = vector.broadcast %mul3A_322 : i32 to vector<16xi32>
      %mul3A_324 = arith.muli %broadcast_in_dim3A, %mul3A_323 : vector<16xi32>
      %add3A_325 = arith.constant 0 : i32
      %add3A_326 = vector.broadcast %add3A_325 : i32 to vector<16xi32>
      %add3A_327 = arith.addi %mul3A_324, %add3A_326 : vector<16xi32>
      %add3A_328 = arith.constant 32 : i32
      %add3A_329 = vector.broadcast %add3A_328 : i32 to vector<16xi32>
      %add3A_330 = arith.addi %add3A_327, %add3A_329 : vector<16xi32>
      %add3A_331 = arith.addi %add3A_330, %iota3A : vector<16xi32>
      %gather3A_332 = tpu.vector_load_idx %arg9[%add3A_331] : memref<768xf32, #tpu.memory_space<vmem>>[vector<16xi32>], vector<16xf32>,
      %mul3A_333 = arith.constant 256 : i32
      %mul3A_334 = vector.broadcast %mul3A_333 : i32 to vector<16xi32>
      %mul3A_335 = arith.muli %broadcast_in_dim3A, %mul3A_334 : vector<16xi32>
      %add3A_336 = arith.constant 0 : i32
      %add3A_337 = vector.broadcast %add3A_336 : i32 to vector<16xi32>
      %add3A_338 = arith.addi %mul3A_335, %add3A_337 : vector<16xi32>
      %add3A_339 = arith.constant 48 : i32
      %add3A_340 = vector.broadcast %add3A_339 : i32 to vector<16xi32>
      %add3A_341 = arith.addi %add3A_338, %add3A_340 : vector<16xi32>
      %add3A_342 = arith.addi %add3A_341, %iota3A : vector<16xi32>
      %gather3A_343 = tpu.vector_load_idx %arg9[%add3A_342] : memref<768xf32, #tpu.memory_space<vmem>>[vector<16xi32>], vector<16xf32>,
      %broadcast_in_dim3A_344 = arith.constant 0 : i32
      %broadcast_in_dim3A_345 = vector.broadcast %broadcast_in_dim3A_344 : i32 to vector<16xi32>
      %add3A_346 = arith.constant 0 : i32
      %add3A_347 = vector.broadcast %add3A_346 : i32 to vector<16xi32>
      %add3A_348 = arith.addi %iota3A, %add3A_347 : vector<16xi32>
      %gather3A_349 = tpu.vector_load_idx %arg8[%broadcast_in_dim3A, %broadcast_in_dim3A_300, %broadcast_in_dim3A_345, %add3A_348] : memref<3x4x72x128xf32, #tpu.memory_space<vmem>>[vector<16xi32>, vector<16xi32>, vector<16xi32>, vector<16xi32>], vector<16xf32>,
      %mul3A_350 = arith.mulf %gather3A_349, %gather3A : vector<16xf32>
      %add3A_351 = arith.constant 16 : i32
      %add3A_352 = vector.broadcast %add3A_351 : i32 to vector<16xi32>
      %add3A_353 = arith.addi %iota3A, %add3A_352 : vector<16xi32>
      %gather3A_354 = tpu.vector_load_idx %arg8[%broadcast_in_dim3A, %broadcast_in_dim3A_300, %broadcast_in_dim3A_345, %add3A_353] : memref<3x4x72x128xf32, #tpu.memory_space<vmem>>[vector<16xi32>, vector<16xi32>, vector<16xi32>, vector<16xi32>], vector<16xf32>,
      %mul3A_355 = arith.mulf %gather3A_354, %gather3A_321 : vector<16xf32>
      %add3A_356 = arith.addf %mul3A_350, %mul3A_355 : vector<16xf32>
      %add3A_357 = arith.constant 32 : i32
      %add3A_358 = vector.broadcast %add3A_357 : i32 to vector<16xi32>
      %add3A_359 = arith.addi %iota3A, %add3A_358 : vector<16xi32>
      %gather3A_360 = tpu.vector_load_idx %arg8[%broadcast_in_dim3A, %broadcast_in_dim3A_300, %broadcast_in_dim3A_345, %add3A_359] : memref<3x4x72x128xf32, #tpu.memory_space<vmem>>[vector<16xi32>, vector<16xi32>, vector<16xi32>, vector<16xi32>], vector<16xf32>,
      %mul3A_361 = arith.mulf %gather3A_360, %gather3A_332 : vector<16xf32>
      %add3A_362 = arith.addf %add3A_356, %mul3A_361 : vector<16xf32>
      %add3A_363 = arith.constant 48 : i32
      %add3A_364 = vector.broadcast %add3A_363 : i32 to vector<16xi32>
      %add3A_365 = arith.addi %iota3A, %add3A_364 : vector<16xi32>
      %gather3A_366 = tpu.vector_load_idx %arg8[%broadcast_in_dim3A, %broadcast_in_dim3A_300, %broadcast_in_dim3A_345, %add3A_365] : memref<3x4x72x128xf32, #tpu.memory_space<vmem>>[vector<16xi32>, vector<16xi32>, vector<16xi32>, vector<16xi32>], vector<16xf32>,
      %mul3A_367 = arith.mulf %gather3A_366, %gather3A_343 : vector<16xf32>
      %add3A_368 = arith.addf %add3A_362, %mul3A_367 : vector<16xf32>
      %mul3A_369 = arith.constant 4 : i32
      %mul3A_370 = arith.muli %scan3A_184, %mul3A_369 : i32
      %add3A_371 = arith.constant 0 : i32
      %add3A_372 = arith.addi %mul3A_370, %add3A_371 : i32
      %jit3A_373 = arith.constant 128 : i32
      %div3A = arith.divsi %add3A_372, %jit3A_373 : i32
      %sign3A = arith.constant 0 : i32
      %sign3A_374 = arith.cmpi sgt, %add3A_372, %sign3A : i32
      %sign3A_375 = arith.extui %sign3A_374 : i1 to i32
      %sign3A_376 = arith.constant 0 : i32
      %sign3A_377 = arith.cmpi slt, %add3A_372, %sign3A_376 : i32
      %sign3A_378 = arith.extui %sign3A_377 : i1 to i32
      %sign3A_379 = arith.subi %sign3A_375, %sign3A_378 : i32
      %sign3A_380 = arith.constant 0 : i32
      %sign3A_381 = arith.cmpi sgt, %jit3A_373, %sign3A_380 : i32
      %sign3A_382 = arith.extui %sign3A_381 : i1 to i32
      %sign3A_383 = arith.constant 0 : i32
      %sign3A_384 = arith.cmpi slt, %jit3A_373, %sign3A_383 : i32
      %sign3A_385 = arith.extui %sign3A_384 : i1 to i32
      %sign3A_386 = arith.subi %sign3A_382, %sign3A_385 : i32
      %ne3A_387 = arith.cmpi ne, %sign3A_379, %sign3A_386 : i32
      %rem3A_388 = arith.remsi %add3A_372, %jit3A_373 : i32
      %ne3A_389 = arith.constant 0 : i32
      %ne3A_390 = arith.cmpi ne, %rem3A_388, %ne3A_389 : i32
      %and3A_391 = arith.andi %ne3A_387, %ne3A_390 : i1
      %sub3A = arith.constant 1 : i32
      %sub3A_392 = arith.subi %div3A, %sub3A : i32
      %select_n3A_393 = arith.select %and3A_391, %sub3A_392, %div3A : i32
      %broadcast_in_dim3A_394 = vector.broadcast %select_n3A_393 : i32 to vector<16xi32>
      %jit3A_395 = arith.constant 128 : i32
      %eq3A_396 = arith.constant 0 : i32
      %eq3A_397 = arith.cmpi eq, %jit3A_395, %eq3A_396 : i32
      %jit3A_398 = arith.constant 1 : i32
      %select_n3A_399 = arith.select %eq3A_397, %jit3A_398, %jit3A_395 : i32
      %rem3A_400 = arith.remsi %add3A_372, %select_n3A_399 : i32
      %ne3A_401 = arith.constant 0 : i32
      %ne3A_402 = arith.cmpi ne, %rem3A_400, %ne3A_401 : i32
      %lt3A_403 = arith.constant 0 : i32
      %lt3A_404 = arith.cmpi slt, %rem3A_400, %lt3A_403 : i32
      %lt3A_405 = arith.constant 0 : i32
      %lt3A_406 = arith.cmpi slt, %select_n3A_399, %lt3A_405 : i32
      %ne3A_407 = arith.xori %lt3A_404, %lt3A_406 : i1
      %and3A_408 = arith.andi %ne3A_407, %ne3A_402 : i1
      %add3A_409 = arith.addi %rem3A_400, %select_n3A_399 : i32
      %select_n3A_410 = arith.select %and3A_408, %add3A_409, %rem3A_400 : i32
      %broadcast_in_dim3A_411 = vector.broadcast %select_n3A_410 : i32 to vector<16xi32>
      %reduce_sum3A = arith.constant true
      %reduce_sum3A_412 = vector.broadcast %reduce_sum3A : i1 to vector<16xi1>
      %reduce_sum3A_413 = tpu.scan <sum>, %add3A_368 masked %reduce_sum3A_412 : vector<16xf32>, vector<16xi1> -> vector<16xf32>
      %reduce_sum3A_414 = vector.extract %reduce_sum3A_413[15] : f32 from vector<16xf32>
      %broadcast_in_dim3A_415 = vector.broadcast %reduce_sum3A_414 : f32 to vector<16xf32>
      %eq3A_416 = arith.constant 0 : i32
      %eq3A_417 = vector.broadcast %eq3A_416 : i32 to vector<16xi32>
      %eq3A_418 = arith.cmpi eq, %iota3A, %eq3A_417 : vector<16xi32>
      tpu.vector_store_idx %arg11[%broadcast_in_dim3A_394, %broadcast_in_dim3A_411], %broadcast_in_dim3A_415 masked %eq3A_418 : memref<5x128xf32, #tpu.memory_space<vmem>>[vector<16xi32>, vector<16xi32>], vector<16xf32>, vector<16xi1>
      %scan3A_419 = arith.constant 0 : i32
      %scan3A_420 = arith.constant 0 : i32
      %scan3A_421 = arith.constant 4 : i32
      %scan3A_422 = arith.addi %scan3A_420, %scan3A_421 : i32
      %scan3A_423 = arith.constant 1 : i32
      scf.for %scan3A_847 = %scan3A_420 to %scan3A_422 step %scan3A_423  : i32 {
        %broadcast_in_dim3A_848 = arith.constant 0.000000e+00 : f32
        %broadcast_in_dim3A_849 = vector.broadcast %broadcast_in_dim3A_848 : f32 to vector<16xf32>
        %mul3A_850 = arith.constant 16 : i32
        %mul3A_851 = arith.muli %scan3A_847, %mul3A_850 : i32
        %add3A_852 = arith.constant 1 : i32
        %add3A_853 = arith.addi %mul3A_851, %add3A_852 : i32
        %add3A_854 = arith.constant 0 : i32
        %add3A_855 = arith.addi %add3A_853, %add3A_854 : i32
        %broadcast_in_dim3A_856 = vector.broadcast %add3A_855 : i32 to vector<16xi32>
        %add3A_857 = arith.constant 0 : i32
        %add3A_858 = vector.broadcast %add3A_857 : i32 to vector<16xi32>
        %add3A_859 = arith.addi %iota3A, %add3A_858 : vector<16xi32>
        %gather3A_860 = tpu.vector_load_idx %arg8[%broadcast_in_dim3A, %broadcast_in_dim3A_300, %broadcast_in_dim3A_856, %add3A_859] : memref<3x4x72x128xf32, #tpu.memory_space<vmem>>[vector<16xi32>, vector<16xi32>, vector<16xi32>, vector<16xi32>], vector<16xf32>,
        %mul3A_861 = arith.mulf %gather3A_860, %gather3A : vector<16xf32>
        %add3A_862 = arith.constant 16 : i32
        %add3A_863 = vector.broadcast %add3A_862 : i32 to vector<16xi32>
        %add3A_864 = arith.addi %iota3A, %add3A_863 : vector<16xi32>
        %gather3A_865 = tpu.vector_load_idx %arg8[%broadcast_in_dim3A, %broadcast_in_dim3A_300, %broadcast_in_dim3A_856, %add3A_864] : memref<3x4x72x128xf32, #tpu.memory_space<vmem>>[vector<16xi32>, vector<16xi32>, vector<16xi32>, vector<16xi32>], vector<16xf32>,
        %mul3A_866 = arith.mulf %gather3A_865, %gather3A_321 : vector<16xf32>
        %add3A_867 = arith.addf %mul3A_861, %mul3A_866 : vector<16xf32>
        %add3A_868 = arith.constant 32 : i32
        %add3A_869 = vector.broadcast %add3A_868 : i32 to vector<16xi32>
        %add3A_870 = arith.addi %iota3A, %add3A_869 : vector<16xi32>
        %gather3A_871 = tpu.vector_load_idx %arg8[%broadcast_in_dim3A, %broadcast_in_dim3A_300, %broadcast_in_dim3A_856, %add3A_870] : memref<3x4x72x128xf32, #tpu.memory_space<vmem>>[vector<16xi32>, vector<16xi32>, vector<16xi32>, vector<16xi32>], vector<16xf32>,
        %mul3A_872 = arith.mulf %gather3A_871, %gather3A_332 : vector<16xf32>
        %add3A_873 = arith.addf %add3A_867, %mul3A_872 : vector<16xf32>
        %add3A_874 = arith.constant 48 : i32
        %add3A_875 = vector.broadcast %add3A_874 : i32 to vector<16xi32>
        %add3A_876 = arith.addi %iota3A, %add3A_875 : vector<16xi32>
        %gather3A_877 = tpu.vector_load_idx %arg8[%broadcast_in_dim3A, %broadcast_in_dim3A_300, %broadcast_in_dim3A_856, %add3A_876] : memref<3x4x72x128xf32, #tpu.memory_space<vmem>>[vector<16xi32>, vector<16xi32>, vector<16xi32>, vector<16xi32>], vector<16xf32>,
        %mul3A_878 = arith.mulf %gather3A_877, %gather3A_343 : vector<16xf32>
        %add3A_879 = arith.addf %add3A_873, %mul3A_878 : vector<16xf32>
        %eq3A_880 = arith.constant 0 : i32
        %eq3A_881 = vector.broadcast %eq3A_880 : i32 to vector<16xi32>
        %eq3A_882 = arith.cmpi eq, %iota3A, %eq3A_881 : vector<16xi32>
        %jit3A_883 = arith.constant 1.000000e+00 : f32
        %jit3A_884 = arith.constant 0.000000e+00 : f32
        %broadcast_in_dim3A_885 = vector.broadcast %jit3A_883 : f32 to vector<16xf32>
        %broadcast_in_dim3A_886 = vector.broadcast %jit3A_884 : f32 to vector<16xf32>
        %select_n3A_887 = arith.select %eq3A_882, %broadcast_in_dim3A_885, %broadcast_in_dim3A_886 : vector<16xi1>, vector<16xf32>
        %reduce_sum3A_888 = arith.constant true
        %reduce_sum3A_889 = vector.broadcast %reduce_sum3A_888 : i1 to vector<16xi1>
        %reduce_sum3A_890 = tpu.scan <sum>, %add3A_879 masked %reduce_sum3A_889 : vector<16xf32>, vector<16xi1> -> vector<16xf32>
        %reduce_sum3A_891 = vector.extract %reduce_sum3A_890[15] : f32 from vector<16xf32>
        %mul3A_892 = vector.broadcast %reduce_sum3A_891 : f32 to vector<16xf32>
        %mul3A_893 = arith.mulf %mul3A_892, %select_n3A_887 : vector<16xf32>
        %add3A_894 = arith.addf %broadcast_in_dim3A_849, %mul3A_893 : vector<16xf32>
        %add3A_895 = arith.constant 1 : i32
        %add3A_896 = arith.addi %add3A_853, %add3A_895 : i32
        %broadcast_in_dim3A_897 = vector.broadcast %add3A_896 : i32 to vector<16xi32>
        %add3A_898 = arith.constant 0 : i32
        %add3A_899 = vector.broadcast %add3A_898 : i32 to vector<16xi32>
        %add3A_900 = arith.addi %iota3A, %add3A_899 : vector<16xi32>
        %gather3A_901 = tpu.vector_load_idx %arg8[%broadcast_in_dim3A, %broadcast_in_dim3A_300, %broadcast_in_dim3A_897, %add3A_900] : memref<3x4x72x128xf32, #tpu.memory_space<vmem>>[vector<16xi32>, vector<16xi32>, vector<16xi32>, vector<16xi32>], vector<16xf32>,
        %mul3A_902 = arith.mulf %gather3A_901, %gather3A : vector<16xf32>
        %add3A_903 = arith.constant 16 : i32
        %add3A_904 = vector.broadcast %add3A_903 : i32 to vector<16xi32>
        %add3A_905 = arith.addi %iota3A, %add3A_904 : vector<16xi32>
        %gather3A_906 = tpu.vector_load_idx %arg8[%broadcast_in_dim3A, %broadcast_in_dim3A_300, %broadcast_in_dim3A_897, %add3A_905] : memref<3x4x72x128xf32, #tpu.memory_space<vmem>>[vector<16xi32>, vector<16xi32>, vector<16xi32>, vector<16xi32>], vector<16xf32>,
        %mul3A_907 = arith.mulf %gather3A_906, %gather3A_321 : vector<16xf32>
        %add3A_908 = arith.addf %mul3A_902, %mul3A_907 : vector<16xf32>
        %add3A_909 = arith.constant 32 : i32
        %add3A_910 = vector.broadcast %add3A_909 : i32 to vector<16xi32>
        %add3A_911 = arith.addi %iota3A, %add3A_910 : vector<16xi32>
        %gather3A_912 = tpu.vector_load_idx %arg8[%broadcast_in_dim3A, %broadcast_in_dim3A_300, %broadcast_in_dim3A_897, %add3A_911] : memref<3x4x72x128xf32, #tpu.memory_space<vmem>>[vector<16xi32>, vector<16xi32>, vector<16xi32>, vector<16xi32>], vector<16xf32>,
        %mul3A_913 = arith.mulf %gather3A_912, %gather3A_332 : vector<16xf32>
        %add3A_914 = arith.addf %add3A_908, %mul3A_913 : vector<16xf32>
        %add3A_915 = arith.constant 48 : i32
        %add3A_916 = vector.broadcast %add3A_915 : i32 to vector<16xi32>
        %add3A_917 = arith.addi %iota3A, %add3A_916 : vector<16xi32>
        %gather3A_918 = tpu.vector_load_idx %arg8[%broadcast_in_dim3A, %broadcast_in_dim3A_300, %broadcast_in_dim3A_897, %add3A_917] : memref<3x4x72x128xf32, #tpu.memory_space<vmem>>[vector<16xi32>, vector<16xi32>, vector<16xi32>, vector<16xi32>], vector<16xf32>,
        %mul3A_919 = arith.mulf %gather3A_918, %gather3A_343 : vector<16xf32>
        %add3A_920 = arith.addf %add3A_914, %mul3A_919 : vector<16xf32>
        %eq3A_921 = arith.constant 1 : i32
        %eq3A_922 = vector.broadcast %eq3A_921 : i32 to vector<16xi32>
        %eq3A_923 = arith.cmpi eq, %iota3A, %eq3A_922 : vector<16xi32>
        %jit3A_924 = arith.constant 1.000000e+00 : f32
        %jit3A_925 = arith.constant 0.000000e+00 : f32
        %broadcast_in_dim3A_926 = vector.broadcast %jit3A_924 : f32 to vector<16xf32>
        %broadcast_in_dim3A_927 = vector.broadcast %jit3A_925 : f32 to vector<16xf32>
        %select_n3A_928 = arith.select %eq3A_923, %broadcast_in_dim3A_926, %broadcast_in_dim3A_927 : vector<16xi1>, vector<16xf32>
        %reduce_sum3A_929 = arith.constant true
        %reduce_sum3A_930 = vector.broadcast %reduce_sum3A_929 : i1 to vector<16xi1>
        %reduce_sum3A_931 = tpu.scan <sum>, %add3A_920 masked %reduce_sum3A_930 : vector<16xf32>, vector<16xi1> -> vector<16xf32>
        %reduce_sum3A_932 = vector.extract %reduce_sum3A_931[15] : f32 from vector<16xf32>
        %mul3A_933 = vector.broadcast %reduce_sum3A_932 : f32 to vector<16xf32>
        %mul3A_934 = arith.mulf %mul3A_933, %select_n3A_928 : vector<16xf32>
        %add3A_935 = arith.addf %add3A_894, %mul3A_934 : vector<16xf32>
        %add3A_936 = arith.constant 2 : i32
        %add3A_937 = arith.addi %add3A_853, %add3A_936 : i32
        %broadcast_in_dim3A_938 = vector.broadcast %add3A_937 : i32 to vector<16xi32>
        %add3A_939 = arith.constant 0 : i32
        %add3A_940 = vector.broadcast %add3A_939 : i32 to vector<16xi32>
        %add3A_941 = arith.addi %iota3A, %add3A_940 : vector<16xi32>
        %gather3A_942 = tpu.vector_load_idx %arg8[%broadcast_in_dim3A, %broadcast_in_dim3A_300, %broadcast_in_dim3A_938, %add3A_941] : memref<3x4x72x128xf32, #tpu.memory_space<vmem>>[vector<16xi32>, vector<16xi32>, vector<16xi32>, vector<16xi32>], vector<16xf32>,
        %mul3A_943 = arith.mulf %gather3A_942, %gather3A : vector<16xf32>
        %add3A_944 = arith.constant 16 : i32
        %add3A_945 = vector.broadcast %add3A_944 : i32 to vector<16xi32>
        %add3A_946 = arith.addi %iota3A, %add3A_945 : vector<16xi32>
        %gather3A_947 = tpu.vector_load_idx %arg8[%broadcast_in_dim3A, %broadcast_in_dim3A_300, %broadcast_in_dim3A_938, %add3A_946] : memref<3x4x72x128xf32, #tpu.memory_space<vmem>>[vector<16xi32>, vector<16xi32>, vector<16xi32>, vector<16xi32>], vector<16xf32>,
        %mul3A_948 = arith.mulf %gather3A_947, %gather3A_321 : vector<16xf32>
        %add3A_949 = arith.addf %mul3A_943, %mul3A_948 : vector<16xf32>
        %add3A_950 = arith.constant 32 : i32
        %add3A_951 = vector.broadcast %add3A_950 : i32 to vector<16xi32>
        %add3A_952 = arith.addi %iota3A, %add3A_951 : vector<16xi32>
        %gather3A_953 = tpu.vector_load_idx %arg8[%broadcast_in_dim3A, %broadcast_in_dim3A_300, %broadcast_in_dim3A_938, %add3A_952] : memref<3x4x72x128xf32, #tpu.memory_space<vmem>>[vector<16xi32>, vector<16xi32>, vector<16xi32>, vector<16xi32>], vector<16xf32>,
        %mul3A_954 = arith.mulf %gather3A_953, %gather3A_332 : vector<16xf32>
        %add3A_955 = arith.addf %add3A_949, %mul3A_954 : vector<16xf32>
        %add3A_956 = arith.constant 48 : i32
        %add3A_957 = vector.broadcast %add3A_956 : i32 to vector<16xi32>
        %add3A_958 = arith.addi %iota3A, %add3A_957 : vector<16xi32>
        %gather3A_959 = tpu.vector_load_idx %arg8[%broadcast_in_dim3A, %broadcast_in_dim3A_300, %broadcast_in_dim3A_938, %add3A_958] : memref<3x4x72x128xf32, #tpu.memory_space<vmem>>[vector<16xi32>, vector<16xi32>, vector<16xi32>, vector<16xi32>], vector<16xf32>,
        %mul3A_960 = arith.mulf %gather3A_959, %gather3A_343 : vector<16xf32>
        %add3A_961 = arith.addf %add3A_955, %mul3A_960 : vector<16xf32>
        %eq3A_962 = arith.constant 2 : i32
        %eq3A_963 = vector.broadcast %eq3A_962 : i32 to vector<16xi32>
        %eq3A_964 = arith.cmpi eq, %iota3A, %eq3A_963 : vector<16xi32>
        %jit3A_965 = arith.constant 1.000000e+00 : f32
        %jit3A_966 = arith.constant 0.000000e+00 : f32
        %broadcast_in_dim3A_967 = vector.broadcast %jit3A_965 : f32 to vector<16xf32>
        %broadcast_in_dim3A_968 = vector.broadcast %jit3A_966 : f32 to vector<16xf32>
        %select_n3A_969 = arith.select %eq3A_964, %broadcast_in_dim3A_967, %broadcast_in_dim3A_968 : vector<16xi1>, vector<16xf32>
        %reduce_sum3A_970 = arith.constant true
        %reduce_sum3A_971 = vector.broadcast %reduce_sum3A_970 : i1 to vector<16xi1>
        %reduce_sum3A_972 = tpu.scan <sum>, %add3A_961 masked %reduce_sum3A_971 : vector<16xf32>, vector<16xi1> -> vector<16xf32>
        %reduce_sum3A_973 = vector.extract %reduce_sum3A_972[15] : f32 from vector<16xf32>
        %mul3A_974 = vector.broadcast %reduce_sum3A_973 : f32 to vector<16xf32>
        %mul3A_975 = arith.mulf %mul3A_974, %select_n3A_969 : vector<16xf32>
        %add3A_976 = arith.addf %add3A_935, %mul3A_975 : vector<16xf32>
        %add3A_977 = arith.constant 3 : i32
        %add3A_978 = arith.addi %add3A_853, %add3A_977 : i32
        %broadcast_in_dim3A_979 = vector.broadcast %add3A_978 : i32 to vector<16xi32>
        %add3A_980 = arith.constant 0 : i32
        %add3A_981 = vector.broadcast %add3A_980 : i32 to vector<16xi32>
        %add3A_982 = arith.addi %iota3A, %add3A_981 : vector<16xi32>
        %gather3A_983 = tpu.vector_load_idx %arg8[%broadcast_in_dim3A, %broadcast_in_dim3A_300, %broadcast_in_dim3A_979, %add3A_982] : memref<3x4x72x128xf32, #tpu.memory_space<vmem>>[vector<16xi32>, vector<16xi32>, vector<16xi32>, vector<16xi32>], vector<16xf32>,
        %mul3A_984 = arith.mulf %gather3A_983, %gather3A : vector<16xf32>
        %add3A_985 = arith.constant 16 : i32
        %add3A_986 = vector.broadcast %add3A_985 : i32 to vector<16xi32>
        %add3A_987 = arith.addi %iota3A, %add3A_986 : vector<16xi32>
        %gather3A_988 = tpu.vector_load_idx %arg8[%broadcast_in_dim3A, %broadcast_in_dim3A_300, %broadcast_in_dim3A_979, %add3A_987] : memref<3x4x72x128xf32, #tpu.memory_space<vmem>>[vector<16xi32>, vector<16xi32>, vector<16xi32>, vector<16xi32>], vector<16xf32>,
        %mul3A_989 = arith.mulf %gather3A_988, %gather3A_321 : vector<16xf32>
        %add3A_990 = arith.addf %mul3A_984, %mul3A_989 : vector<16xf32>
        %add3A_991 = arith.constant 32 : i32
        %add3A_992 = vector.broadcast %add3A_991 : i32 to vector<16xi32>
        %add3A_993 = arith.addi %iota3A, %add3A_992 : vector<16xi32>
        %gather3A_994 = tpu.vector_load_idx %arg8[%broadcast_in_dim3A, %broadcast_in_dim3A_300, %broadcast_in_dim3A_979, %add3A_993] : memref<3x4x72x128xf32, #tpu.memory_space<vmem>>[vector<16xi32>, vector<16xi32>, vector<16xi32>, vector<16xi32>], vector<16xf32>,
        %mul3A_995 = arith.mulf %gather3A_994, %gather3A_332 : vector<16xf32>
        %add3A_996 = arith.addf %add3A_990, %mul3A_995 : vector<16xf32>
        %add3A_997 = arith.constant 48 : i32
        %add3A_998 = vector.broadcast %add3A_997 : i32 to vector<16xi32>
        %add3A_999 = arith.addi %iota3A, %add3A_998 : vector<16xi32>
        %gather3A_1000 = tpu.vector_load_idx %arg8[%broadcast_in_dim3A, %broadcast_in_dim3A_300, %broadcast_in_dim3A_979, %add3A_999] : memref<3x4x72x128xf32, #tpu.memory_space<vmem>>[vector<16xi32>, vector<16xi32>, vector<16xi32>, vector<16xi32>], vector<16xf32>,
        %mul3A_1001 = arith.mulf %gather3A_1000, %gather3A_343 : vector<16xf32>
        %add3A_1002 = arith.addf %add3A_996, %mul3A_1001 : vector<16xf32>
        %eq3A_1003 = arith.constant 3 : i32
        %eq3A_1004 = vector.broadcast %eq3A_1003 : i32 to vector<16xi32>
        %eq3A_1005 = arith.cmpi eq, %iota3A, %eq3A_1004 : vector<16xi32>
        %jit3A_1006 = arith.constant 1.000000e+00 : f32
        %jit3A_1007 = arith.constant 0.000000e+00 : f32
        %broadcast_in_dim3A_1008 = vector.broadcast %jit3A_1006 : f32 to vector<16xf32>
        %broadcast_in_dim3A_1009 = vector.broadcast %jit3A_1007 : f32 to vector<16xf32>
        %select_n3A_1010 = arith.select %eq3A_1005, %broadcast_in_dim3A_1008, %broadcast_in_dim3A_1009 : vector<16xi1>, vector<16xf32>
        %reduce_sum3A_1011 = arith.constant true
        %reduce_sum3A_1012 = vector.broadcast %reduce_sum3A_1011 : i1 to vector<16xi1>
        %reduce_sum3A_1013 = tpu.scan <sum>, %add3A_1002 masked %reduce_sum3A_1012 : vector<16xf32>, vector<16xi1> -> vector<16xf32>
        %reduce_sum3A_1014 = vector.extract %reduce_sum3A_1013[15] : f32 from vector<16xf32>
        %mul3A_1015 = vector.broadcast %reduce_sum3A_1014 : f32 to vector<16xf32>
        %mul3A_1016 = arith.mulf %mul3A_1015, %select_n3A_1010 : vector<16xf32>
        %add3A_1017 = arith.addf %add3A_976, %mul3A_1016 : vector<16xf32>
        %add3A_1018 = arith.constant 4 : i32
        %add3A_1019 = arith.addi %add3A_853, %add3A_1018 : i32
        %broadcast_in_dim3A_1020 = vector.broadcast %add3A_1019 : i32 to vector<16xi32>
        %add3A_1021 = arith.constant 0 : i32
        %add3A_1022 = vector.broadcast %add3A_1021 : i32 to vector<16xi32>
        %add3A_1023 = arith.addi %iota3A, %add3A_1022 : vector<16xi32>
        %gather3A_1024 = tpu.vector_load_idx %arg8[%broadcast_in_dim3A, %broadcast_in_dim3A_300, %broadcast_in_dim3A_1020, %add3A_1023] : memref<3x4x72x128xf32, #tpu.memory_space<vmem>>[vector<16xi32>, vector<16xi32>, vector<16xi32>, vector<16xi32>], vector<16xf32>,
        %mul3A_1025 = arith.mulf %gather3A_1024, %gather3A : vector<16xf32>
        %add3A_1026 = arith.constant 16 : i32
        %add3A_1027 = vector.broadcast %add3A_1026 : i32 to vector<16xi32>
        %add3A_1028 = arith.addi %iota3A, %add3A_1027 : vector<16xi32>
        %gather3A_1029 = tpu.vector_load_idx %arg8[%broadcast_in_dim3A, %broadcast_in_dim3A_300, %broadcast_in_dim3A_1020, %add3A_1028] : memref<3x4x72x128xf32, #tpu.memory_space<vmem>>[vector<16xi32>, vector<16xi32>, vector<16xi32>, vector<16xi32>], vector<16xf32>,
        %mul3A_1030 = arith.mulf %gather3A_1029, %gather3A_321 : vector<16xf32>
        %add3A_1031 = arith.addf %mul3A_1025, %mul3A_1030 : vector<16xf32>
        %add3A_1032 = arith.constant 32 : i32
        %add3A_1033 = vector.broadcast %add3A_1032 : i32 to vector<16xi32>
        %add3A_1034 = arith.addi %iota3A, %add3A_1033 : vector<16xi32>
        %gather3A_1035 = tpu.vector_load_idx %arg8[%broadcast_in_dim3A, %broadcast_in_dim3A_300, %broadcast_in_dim3A_1020, %add3A_1034] : memref<3x4x72x128xf32, #tpu.memory_space<vmem>>[vector<16xi32>, vector<16xi32>, vector<16xi32>, vector<16xi32>], vector<16xf32>,
        %mul3A_1036 = arith.mulf %gather3A_1035, %gather3A_332 : vector<16xf32>
        %add3A_1037 = arith.addf %add3A_1031, %mul3A_1036 : vector<16xf32>
        %add3A_1038 = arith.constant 48 : i32
        %add3A_1039 = vector.broadcast %add3A_1038 : i32 to vector<16xi32>
        %add3A_1040 = arith.addi %iota3A, %add3A_1039 : vector<16xi32>
        %gather3A_1041 = tpu.vector_load_idx %arg8[%broadcast_in_dim3A, %broadcast_in_dim3A_300, %broadcast_in_dim3A_1020, %add3A_1040] : memref<3x4x72x128xf32, #tpu.memory_space<vmem>>[vector<16xi32>, vector<16xi32>, vector<16xi32>, vector<16xi32>], vector<16xf32>,
        %mul3A_1042 = arith.mulf %gather3A_1041, %gather3A_343 : vector<16xf32>
        %add3A_1043 = arith.addf %add3A_1037, %mul3A_1042 : vector<16xf32>
        %eq3A_1044 = arith.constant 4 : i32
        %eq3A_1045 = vector.broadcast %eq3A_1044 : i32 to vector<16xi32>
        %eq3A_1046 = arith.cmpi eq, %iota3A, %eq3A_1045 : vector<16xi32>
        %jit3A_1047 = arith.constant 1.000000e+00 : f32
        %jit3A_1048 = arith.constant 0.000000e+00 : f32
        %broadcast_in_dim3A_1049 = vector.broadcast %jit3A_1047 : f32 to vector<16xf32>
        %broadcast_in_dim3A_1050 = vector.broadcast %jit3A_1048 : f32 to vector<16xf32>
        %select_n3A_1051 = arith.select %eq3A_1046, %broadcast_in_dim3A_1049, %broadcast_in_dim3A_1050 : vector<16xi1>, vector<16xf32>
        %reduce_sum3A_1052 = arith.constant true
        %reduce_sum3A_1053 = vector.broadcast %reduce_sum3A_1052 : i1 to vector<16xi1>
        %reduce_sum3A_1054 = tpu.scan <sum>, %add3A_1043 masked %reduce_sum3A_1053 : vector<16xf32>, vector<16xi1> -> vector<16xf32>
        %reduce_sum3A_1055 = vector.extract %reduce_sum3A_1054[15] : f32 from vector<16xf32>
        %mul3A_1056 = vector.broadcast %reduce_sum3A_1055 : f32 to vector<16xf32>
        %mul3A_1057 = arith.mulf %mul3A_1056, %select_n3A_1051 : vector<16xf32>
        %add3A_1058 = arith.addf %add3A_1017, %mul3A_1057 : vector<16xf32>
        %add3A_1059 = arith.constant 5 : i32
        %add3A_1060 = arith.addi %add3A_853, %add3A_1059 : i32
        %broadcast_in_dim3A_1061 = vector.broadcast %add3A_1060 : i32 to vector<16xi32>
        %add3A_1062 = arith.constant 0 : i32
        %add3A_1063 = vector.broadcast %add3A_1062 : i32 to vector<16xi32>
        %add3A_1064 = arith.addi %iota3A, %add3A_1063 : vector<16xi32>
        %gather3A_1065 = tpu.vector_load_idx %arg8[%broadcast_in_dim3A, %broadcast_in_dim3A_300, %broadcast_in_dim3A_1061, %add3A_1064] : memref<3x4x72x128xf32, #tpu.memory_space<vmem>>[vector<16xi32>, vector<16xi32>, vector<16xi32>, vector<16xi32>], vector<16xf32>,
        %mul3A_1066 = arith.mulf %gather3A_1065, %gather3A : vector<16xf32>
        %add3A_1067 = arith.constant 16 : i32
        %add3A_1068 = vector.broadcast %add3A_1067 : i32 to vector<16xi32>
        %add3A_1069 = arith.addi %iota3A, %add3A_1068 : vector<16xi32>
        %gather3A_1070 = tpu.vector_load_idx %arg8[%broadcast_in_dim3A, %broadcast_in_dim3A_300, %broadcast_in_dim3A_1061, %add3A_1069] : memref<3x4x72x128xf32, #tpu.memory_space<vmem>>[vector<16xi32>, vector<16xi32>, vector<16xi32>, vector<16xi32>], vector<16xf32>,
        %mul3A_1071 = arith.mulf %gather3A_1070, %gather3A_321 : vector<16xf32>
        %add3A_1072 = arith.addf %mul3A_1066, %mul3A_1071 : vector<16xf32>
        %add3A_1073 = arith.constant 32 : i32
        %add3A_1074 = vector.broadcast %add3A_1073 : i32 to vector<16xi32>
        %add3A_1075 = arith.addi %iota3A, %add3A_1074 : vector<16xi32>
        %gather3A_1076 = tpu.vector_load_idx %arg8[%broadcast_in_dim3A, %broadcast_in_dim3A_300, %broadcast_in_dim3A_1061, %add3A_1075] : memref<3x4x72x128xf32, #tpu.memory_space<vmem>>[vector<16xi32>, vector<16xi32>, vector<16xi32>, vector<16xi32>], vector<16xf32>,
        %mul3A_1077 = arith.mulf %gather3A_1076, %gather3A_332 : vector<16xf32>
        %add3A_1078 = arith.addf %add3A_1072, %mul3A_1077 : vector<16xf32>
        %add3A_1079 = arith.constant 48 : i32
        %add3A_1080 = vector.broadcast %add3A_1079 : i32 to vector<16xi32>
        %add3A_1081 = arith.addi %iota3A, %add3A_1080 : vector<16xi32>
        %gather3A_1082 = tpu.vector_load_idx %arg8[%broadcast_in_dim3A, %broadcast_in_dim3A_300, %broadcast_in_dim3A_1061, %add3A_1081] : memref<3x4x72x128xf32, #tpu.memory_space<vmem>>[vector<16xi32>, vector<16xi32>, vector<16xi32>, vector<16xi32>], vector<16xf32>,
        %mul3A_1083 = arith.mulf %gather3A_1082, %gather3A_343 : vector<16xf32>
        %add3A_1084 = arith.addf %add3A_1078, %mul3A_1083 : vector<16xf32>
        %eq3A_1085 = arith.constant 5 : i32
        %eq3A_1086 = vector.broadcast %eq3A_1085 : i32 to vector<16xi32>
        %eq3A_1087 = arith.cmpi eq, %iota3A, %eq3A_1086 : vector<16xi32>
        %jit3A_1088 = arith.constant 1.000000e+00 : f32
        %jit3A_1089 = arith.constant 0.000000e+00 : f32
        %broadcast_in_dim3A_1090 = vector.broadcast %jit3A_1088 : f32 to vector<16xf32>
        %broadcast_in_dim3A_1091 = vector.broadcast %jit3A_1089 : f32 to vector<16xf32>
        %select_n3A_1092 = arith.select %eq3A_1087, %broadcast_in_dim3A_1090, %broadcast_in_dim3A_1091 : vector<16xi1>, vector<16xf32>
        %reduce_sum3A_1093 = arith.constant true
        %reduce_sum3A_1094 = vector.broadcast %reduce_sum3A_1093 : i1 to vector<16xi1>
        %reduce_sum3A_1095 = tpu.scan <sum>, %add3A_1084 masked %reduce_sum3A_1094 : vector<16xf32>, vector<16xi1> -> vector<16xf32>
        %reduce_sum3A_1096 = vector.extract %reduce_sum3A_1095[15] : f32 from vector<16xf32>
        %mul3A_1097 = vector.broadcast %reduce_sum3A_1096 : f32 to vector<16xf32>
        %mul3A_1098 = arith.mulf %mul3A_1097, %select_n3A_1092 : vector<16xf32>
        %add3A_1099 = arith.addf %add3A_1058, %mul3A_1098 : vector<16xf32>
        %add3A_1100 = arith.constant 6 : i32
        %add3A_1101 = arith.addi %add3A_853, %add3A_1100 : i32
        %broadcast_in_dim3A_1102 = vector.broadcast %add3A_1101 : i32 to vector<16xi32>
        %add3A_1103 = arith.constant 0 : i32
        %add3A_1104 = vector.broadcast %add3A_1103 : i32 to vector<16xi32>
        %add3A_1105 = arith.addi %iota3A, %add3A_1104 : vector<16xi32>
        %gather3A_1106 = tpu.vector_load_idx %arg8[%broadcast_in_dim3A, %broadcast_in_dim3A_300, %broadcast_in_dim3A_1102, %add3A_1105] : memref<3x4x72x128xf32, #tpu.memory_space<vmem>>[vector<16xi32>, vector<16xi32>, vector<16xi32>, vector<16xi32>], vector<16xf32>,
        %mul3A_1107 = arith.mulf %gather3A_1106, %gather3A : vector<16xf32>
        %add3A_1108 = arith.constant 16 : i32
        %add3A_1109 = vector.broadcast %add3A_1108 : i32 to vector<16xi32>
        %add3A_1110 = arith.addi %iota3A, %add3A_1109 : vector<16xi32>
        %gather3A_1111 = tpu.vector_load_idx %arg8[%broadcast_in_dim3A, %broadcast_in_dim3A_300, %broadcast_in_dim3A_1102, %add3A_1110] : memref<3x4x72x128xf32, #tpu.memory_space<vmem>>[vector<16xi32>, vector<16xi32>, vector<16xi32>, vector<16xi32>], vector<16xf32>,
        %mul3A_1112 = arith.mulf %gather3A_1111, %gather3A_321 : vector<16xf32>
        %add3A_1113 = arith.addf %mul3A_1107, %mul3A_1112 : vector<16xf32>
        %add3A_1114 = arith.constant 32 : i32
        %add3A_1115 = vector.broadcast %add3A_1114 : i32 to vector<16xi32>
        %add3A_1116 = arith.addi %iota3A, %add3A_1115 : vector<16xi32>
        %gather3A_1117 = tpu.vector_load_idx %arg8[%broadcast_in_dim3A, %broadcast_in_dim3A_300, %broadcast_in_dim3A_1102, %add3A_1116] : memref<3x4x72x128xf32, #tpu.memory_space<vmem>>[vector<16xi32>, vector<16xi32>, vector<16xi32>, vector<16xi32>], vector<16xf32>,
        %mul3A_1118 = arith.mulf %gather3A_1117, %gather3A_332 : vector<16xf32>
        %add3A_1119 = arith.addf %add3A_1113, %mul3A_1118 : vector<16xf32>
        %add3A_1120 = arith.constant 48 : i32
        %add3A_1121 = vector.broadcast %add3A_1120 : i32 to vector<16xi32>
        %add3A_1122 = arith.addi %iota3A, %add3A_1121 : vector<16xi32>
        %gather3A_1123 = tpu.vector_load_idx %arg8[%broadcast_in_dim3A, %broadcast_in_dim3A_300, %broadcast_in_dim3A_1102, %add3A_1122] : memref<3x4x72x128xf32, #tpu.memory_space<vmem>>[vector<16xi32>, vector<16xi32>, vector<16xi32>, vector<16xi32>], vector<16xf32>,
        %mul3A_1124 = arith.mulf %gather3A_1123, %gather3A_343 : vector<16xf32>
        %add3A_1125 = arith.addf %add3A_1119, %mul3A_1124 : vector<16xf32>
        %eq3A_1126 = arith.constant 6 : i32
        %eq3A_1127 = vector.broadcast %eq3A_1126 : i32 to vector<16xi32>
        %eq3A_1128 = arith.cmpi eq, %iota3A, %eq3A_1127 : vector<16xi32>
        %jit3A_1129 = arith.constant 1.000000e+00 : f32
        %jit3A_1130 = arith.constant 0.000000e+00 : f32
        %broadcast_in_dim3A_1131 = vector.broadcast %jit3A_1129 : f32 to vector<16xf32>
        %broadcast_in_dim3A_1132 = vector.broadcast %jit3A_1130 : f32 to vector<16xf32>
        %select_n3A_1133 = arith.select %eq3A_1128, %broadcast_in_dim3A_1131, %broadcast_in_dim3A_1132 : vector<16xi1>, vector<16xf32>
        %reduce_sum3A_1134 = arith.constant true
        %reduce_sum3A_1135 = vector.broadcast %reduce_sum3A_1134 : i1 to vector<16xi1>
        %reduce_sum3A_1136 = tpu.scan <sum>, %add3A_1125 masked %reduce_sum3A_1135 : vector<16xf32>, vector<16xi1> -> vector<16xf32>
        %reduce_sum3A_1137 = vector.extract %reduce_sum3A_1136[15] : f32 from vector<16xf32>
        %mul3A_1138 = vector.broadcast %reduce_sum3A_1137 : f32 to vector<16xf32>
        %mul3A_1139 = arith.mulf %mul3A_1138, %select_n3A_1133 : vector<16xf32>
        %add3A_1140 = arith.addf %add3A_1099, %mul3A_1139 : vector<16xf32>
        %add3A_1141 = arith.constant 7 : i32
        %add3A_1142 = arith.addi %add3A_853, %add3A_1141 : i32
        %broadcast_in_dim3A_1143 = vector.broadcast %add3A_1142 : i32 to vector<16xi32>
        %add3A_1144 = arith.constant 0 : i32
        %add3A_1145 = vector.broadcast %add3A_1144 : i32 to vector<16xi32>
        %add3A_1146 = arith.addi %iota3A, %add3A_1145 : vector<16xi32>
        %gather3A_1147 = tpu.vector_load_idx %arg8[%broadcast_in_dim3A, %broadcast_in_dim3A_300, %broadcast_in_dim3A_1143, %add3A_1146] : memref<3x4x72x128xf32, #tpu.memory_space<vmem>>[vector<16xi32>, vector<16xi32>, vector<16xi32>, vector<16xi32>], vector<16xf32>,
        %mul3A_1148 = arith.mulf %gather3A_1147, %gather3A : vector<16xf32>
        %add3A_1149 = arith.constant 16 : i32
        %add3A_1150 = vector.broadcast %add3A_1149 : i32 to vector<16xi32>
        %add3A_1151 = arith.addi %iota3A, %add3A_1150 : vector<16xi32>
        %gather3A_1152 = tpu.vector_load_idx %arg8[%broadcast_in_dim3A, %broadcast_in_dim3A_300, %broadcast_in_dim3A_1143, %add3A_1151] : memref<3x4x72x128xf32, #tpu.memory_space<vmem>>[vector<16xi32>, vector<16xi32>, vector<16xi32>, vector<16xi32>], vector<16xf32>,
        %mul3A_1153 = arith.mulf %gather3A_1152, %gather3A_321 : vector<16xf32>
        %add3A_1154 = arith.addf %mul3A_1148, %mul3A_1153 : vector<16xf32>
        %add3A_1155 = arith.constant 32 : i32
        %add3A_1156 = vector.broadcast %add3A_1155 : i32 to vector<16xi32>
        %add3A_1157 = arith.addi %iota3A, %add3A_1156 : vector<16xi32>
        %gather3A_1158 = tpu.vector_load_idx %arg8[%broadcast_in_dim3A, %broadcast_in_dim3A_300, %broadcast_in_dim3A_1143, %add3A_1157] : memref<3x4x72x128xf32, #tpu.memory_space<vmem>>[vector<16xi32>, vector<16xi32>, vector<16xi32>, vector<16xi32>], vector<16xf32>,
        %mul3A_1159 = arith.mulf %gather3A_1158, %gather3A_332 : vector<16xf32>
        %add3A_1160 = arith.addf %add3A_1154, %mul3A_1159 : vector<16xf32>
        %add3A_1161 = arith.constant 48 : i32
        %add3A_1162 = vector.broadcast %add3A_1161 : i32 to vector<16xi32>
        %add3A_1163 = arith.addi %iota3A, %add3A_1162 : vector<16xi32>
        %gather3A_1164 = tpu.vector_load_idx %arg8[%broadcast_in_dim3A, %broadcast_in_dim3A_300, %broadcast_in_dim3A_1143, %add3A_1163] : memref<3x4x72x128xf32, #tpu.memory_space<vmem>>[vector<16xi32>, vector<16xi32>, vector<16xi32>, vector<16xi32>], vector<16xf32>,
        %mul3A_1165 = arith.mulf %gather3A_1164, %gather3A_343 : vector<16xf32>
        %add3A_1166 = arith.addf %add3A_1160, %mul3A_1165 : vector<16xf32>
        %eq3A_1167 = arith.constant 7 : i32
        %eq3A_1168 = vector.broadcast %eq3A_1167 : i32 to vector<16xi32>
        %eq3A_1169 = arith.cmpi eq, %iota3A, %eq3A_1168 : vector<16xi32>
        %jit3A_1170 = arith.constant 1.000000e+00 : f32
        %jit3A_1171 = arith.constant 0.000000e+00 : f32
        %broadcast_in_dim3A_1172 = vector.broadcast %jit3A_1170 : f32 to vector<16xf32>
        %broadcast_in_dim3A_1173 = vector.broadcast %jit3A_1171 : f32 to vector<16xf32>
        %select_n3A_1174 = arith.select %eq3A_1169, %broadcast_in_dim3A_1172, %broadcast_in_dim3A_1173 : vector<16xi1>, vector<16xf32>
        %reduce_sum3A_1175 = arith.constant true
        %reduce_sum3A_1176 = vector.broadcast %reduce_sum3A_1175 : i1 to vector<16xi1>
        %reduce_sum3A_1177 = tpu.scan <sum>, %add3A_1166 masked %reduce_sum3A_1176 : vector<16xf32>, vector<16xi1> -> vector<16xf32>
        %reduce_sum3A_1178 = vector.extract %reduce_sum3A_1177[15] : f32 from vector<16xf32>
        %mul3A_1179 = vector.broadcast %reduce_sum3A_1178 : f32 to vector<16xf32>
        %mul3A_1180 = arith.mulf %mul3A_1179, %select_n3A_1174 : vector<16xf32>
        %add3A_1181 = arith.addf %add3A_1140, %mul3A_1180 : vector<16xf32>
        %add3A_1182 = arith.constant 8 : i32
        %add3A_1183 = arith.addi %add3A_853, %add3A_1182 : i32
        %broadcast_in_dim3A_1184 = vector.broadcast %add3A_1183 : i32 to vector<16xi32>
        %add3A_1185 = arith.constant 0 : i32
        %add3A_1186 = vector.broadcast %add3A_1185 : i32 to vector<16xi32>
        %add3A_1187 = arith.addi %iota3A, %add3A_1186 : vector<16xi32>
        %gather3A_1188 = tpu.vector_load_idx %arg8[%broadcast_in_dim3A, %broadcast_in_dim3A_300, %broadcast_in_dim3A_1184, %add3A_1187] : memref<3x4x72x128xf32, #tpu.memory_space<vmem>>[vector<16xi32>, vector<16xi32>, vector<16xi32>, vector<16xi32>], vector<16xf32>,
        %mul3A_1189 = arith.mulf %gather3A_1188, %gather3A : vector<16xf32>
        %add3A_1190 = arith.constant 16 : i32
        %add3A_1191 = vector.broadcast %add3A_1190 : i32 to vector<16xi32>
        %add3A_1192 = arith.addi %iota3A, %add3A_1191 : vector<16xi32>
        %gather3A_1193 = tpu.vector_load_idx %arg8[%broadcast_in_dim3A, %broadcast_in_dim3A_300, %broadcast_in_dim3A_1184, %add3A_1192] : memref<3x4x72x128xf32, #tpu.memory_space<vmem>>[vector<16xi32>, vector<16xi32>, vector<16xi32>, vector<16xi32>], vector<16xf32>,
        %mul3A_1194 = arith.mulf %gather3A_1193, %gather3A_321 : vector<16xf32>
        %add3A_1195 = arith.addf %mul3A_1189, %mul3A_1194 : vector<16xf32>
        %add3A_1196 = arith.constant 32 : i32
        %add3A_1197 = vector.broadcast %add3A_1196 : i32 to vector<16xi32>
        %add3A_1198 = arith.addi %iota3A, %add3A_1197 : vector<16xi32>
        %gather3A_1199 = tpu.vector_load_idx %arg8[%broadcast_in_dim3A, %broadcast_in_dim3A_300, %broadcast_in_dim3A_1184, %add3A_1198] : memref<3x4x72x128xf32, #tpu.memory_space<vmem>>[vector<16xi32>, vector<16xi32>, vector<16xi32>, vector<16xi32>], vector<16xf32>,
        %mul3A_1200 = arith.mulf %gather3A_1199, %gather3A_332 : vector<16xf32>
        %add3A_1201 = arith.addf %add3A_1195, %mul3A_1200 : vector<16xf32>
        %add3A_1202 = arith.constant 48 : i32
        %add3A_1203 = vector.broadcast %add3A_1202 : i32 to vector<16xi32>
        %add3A_1204 = arith.addi %iota3A, %add3A_1203 : vector<16xi32>
        %gather3A_1205 = tpu.vector_load_idx %arg8[%broadcast_in_dim3A, %broadcast_in_dim3A_300, %broadcast_in_dim3A_1184, %add3A_1204] : memref<3x4x72x128xf32, #tpu.memory_space<vmem>>[vector<16xi32>, vector<16xi32>, vector<16xi32>, vector<16xi32>], vector<16xf32>,
        %mul3A_1206 = arith.mulf %gather3A_1205, %gather3A_343 : vector<16xf32>
        %add3A_1207 = arith.addf %add3A_1201, %mul3A_1206 : vector<16xf32>
        %eq3A_1208 = arith.constant 8 : i32
        %eq3A_1209 = vector.broadcast %eq3A_1208 : i32 to vector<16xi32>
        %eq3A_1210 = arith.cmpi eq, %iota3A, %eq3A_1209 : vector<16xi32>
        %jit3A_1211 = arith.constant 1.000000e+00 : f32
        %jit3A_1212 = arith.constant 0.000000e+00 : f32
        %broadcast_in_dim3A_1213 = vector.broadcast %jit3A_1211 : f32 to vector<16xf32>
        %broadcast_in_dim3A_1214 = vector.broadcast %jit3A_1212 : f32 to vector<16xf32>
        %select_n3A_1215 = arith.select %eq3A_1210, %broadcast_in_dim3A_1213, %broadcast_in_dim3A_1214 : vector<16xi1>, vector<16xf32>
        %reduce_sum3A_1216 = arith.constant true
        %reduce_sum3A_1217 = vector.broadcast %reduce_sum3A_1216 : i1 to vector<16xi1>
        %reduce_sum3A_1218 = tpu.scan <sum>, %add3A_1207 masked %reduce_sum3A_1217 : vector<16xf32>, vector<16xi1> -> vector<16xf32>
        %reduce_sum3A_1219 = vector.extract %reduce_sum3A_1218[15] : f32 from vector<16xf32>
        %mul3A_1220 = vector.broadcast %reduce_sum3A_1219 : f32 to vector<16xf32>
        %mul3A_1221 = arith.mulf %mul3A_1220, %select_n3A_1215 : vector<16xf32>
        %add3A_1222 = arith.addf %add3A_1181, %mul3A_1221 : vector<16xf32>
        %add3A_1223 = arith.constant 9 : i32
        %add3A_1224 = arith.addi %add3A_853, %add3A_1223 : i32
        %broadcast_in_dim3A_1225 = vector.broadcast %add3A_1224 : i32 to vector<16xi32>
        %add3A_1226 = arith.constant 0 : i32
        %add3A_1227 = vector.broadcast %add3A_1226 : i32 to vector<16xi32>
        %add3A_1228 = arith.addi %iota3A, %add3A_1227 : vector<16xi32>
        %gather3A_1229 = tpu.vector_load_idx %arg8[%broadcast_in_dim3A, %broadcast_in_dim3A_300, %broadcast_in_dim3A_1225, %add3A_1228] : memref<3x4x72x128xf32, #tpu.memory_space<vmem>>[vector<16xi32>, vector<16xi32>, vector<16xi32>, vector<16xi32>], vector<16xf32>,
        %mul3A_1230 = arith.mulf %gather3A_1229, %gather3A : vector<16xf32>
        %add3A_1231 = arith.constant 16 : i32
        %add3A_1232 = vector.broadcast %add3A_1231 : i32 to vector<16xi32>
        %add3A_1233 = arith.addi %iota3A, %add3A_1232 : vector<16xi32>
        %gather3A_1234 = tpu.vector_load_idx %arg8[%broadcast_in_dim3A, %broadcast_in_dim3A_300, %broadcast_in_dim3A_1225, %add3A_1233] : memref<3x4x72x128xf32, #tpu.memory_space<vmem>>[vector<16xi32>, vector<16xi32>, vector<16xi32>, vector<16xi32>], vector<16xf32>,
        %mul3A_1235 = arith.mulf %gather3A_1234, %gather3A_321 : vector<16xf32>
        %add3A_1236 = arith.addf %mul3A_1230, %mul3A_1235 : vector<16xf32>
        %add3A_1237 = arith.constant 32 : i32
        %add3A_1238 = vector.broadcast %add3A_1237 : i32 to vector<16xi32>
        %add3A_1239 = arith.addi %iota3A, %add3A_1238 : vector<16xi32>
        %gather3A_1240 = tpu.vector_load_idx %arg8[%broadcast_in_dim3A, %broadcast_in_dim3A_300, %broadcast_in_dim3A_1225, %add3A_1239] : memref<3x4x72x128xf32, #tpu.memory_space<vmem>>[vector<16xi32>, vector<16xi32>, vector<16xi32>, vector<16xi32>], vector<16xf32>,
        %mul3A_1241 = arith.mulf %gather3A_1240, %gather3A_332 : vector<16xf32>
        %add3A_1242 = arith.addf %add3A_1236, %mul3A_1241 : vector<16xf32>
        %add3A_1243 = arith.constant 48 : i32
        %add3A_1244 = vector.broadcast %add3A_1243 : i32 to vector<16xi32>
        %add3A_1245 = arith.addi %iota3A, %add3A_1244 : vector<16xi32>
        %gather3A_1246 = tpu.vector_load_idx %arg8[%broadcast_in_dim3A, %broadcast_in_dim3A_300, %broadcast_in_dim3A_1225, %add3A_1245] : memref<3x4x72x128xf32, #tpu.memory_space<vmem>>[vector<16xi32>, vector<16xi32>, vector<16xi32>, vector<16xi32>], vector<16xf32>,
        %mul3A_1247 = arith.mulf %gather3A_1246, %gather3A_343 : vector<16xf32>
        %add3A_1248 = arith.addf %add3A_1242, %mul3A_1247 : vector<16xf32>
        %eq3A_1249 = arith.constant 9 : i32
        %eq3A_1250 = vector.broadcast %eq3A_1249 : i32 to vector<16xi32>
        %eq3A_1251 = arith.cmpi eq, %iota3A, %eq3A_1250 : vector<16xi32>
        %jit3A_1252 = arith.constant 1.000000e+00 : f32
        %jit3A_1253 = arith.constant 0.000000e+00 : f32
        %broadcast_in_dim3A_1254 = vector.broadcast %jit3A_1252 : f32 to vector<16xf32>
        %broadcast_in_dim3A_1255 = vector.broadcast %jit3A_1253 : f32 to vector<16xf32>
        %select_n3A_1256 = arith.select %eq3A_1251, %broadcast_in_dim3A_1254, %broadcast_in_dim3A_1255 : vector<16xi1>, vector<16xf32>
        %reduce_sum3A_1257 = arith.constant true
        %reduce_sum3A_1258 = vector.broadcast %reduce_sum3A_1257 : i1 to vector<16xi1>
        %reduce_sum3A_1259 = tpu.scan <sum>, %add3A_1248 masked %reduce_sum3A_1258 : vector<16xf32>, vector<16xi1> -> vector<16xf32>
        %reduce_sum3A_1260 = vector.extract %reduce_sum3A_1259[15] : f32 from vector<16xf32>
        %mul3A_1261 = vector.broadcast %reduce_sum3A_1260 : f32 to vector<16xf32>
        %mul3A_1262 = arith.mulf %mul3A_1261, %select_n3A_1256 : vector<16xf32>
        %add3A_1263 = arith.addf %add3A_1222, %mul3A_1262 : vector<16xf32>
        %add3A_1264 = arith.constant 10 : i32
        %add3A_1265 = arith.addi %add3A_853, %add3A_1264 : i32
        %broadcast_in_dim3A_1266 = vector.broadcast %add3A_1265 : i32 to vector<16xi32>
        %add3A_1267 = arith.constant 0 : i32
        %add3A_1268 = vector.broadcast %add3A_1267 : i32 to vector<16xi32>
        %add3A_1269 = arith.addi %iota3A, %add3A_1268 : vector<16xi32>
        %gather3A_1270 = tpu.vector_load_idx %arg8[%broadcast_in_dim3A, %broadcast_in_dim3A_300, %broadcast_in_dim3A_1266, %add3A_1269] : memref<3x4x72x128xf32, #tpu.memory_space<vmem>>[vector<16xi32>, vector<16xi32>, vector<16xi32>, vector<16xi32>], vector<16xf32>,
        %mul3A_1271 = arith.mulf %gather3A_1270, %gather3A : vector<16xf32>
        %add3A_1272 = arith.constant 16 : i32
        %add3A_1273 = vector.broadcast %add3A_1272 : i32 to vector<16xi32>
        %add3A_1274 = arith.addi %iota3A, %add3A_1273 : vector<16xi32>
        %gather3A_1275 = tpu.vector_load_idx %arg8[%broadcast_in_dim3A, %broadcast_in_dim3A_300, %broadcast_in_dim3A_1266, %add3A_1274] : memref<3x4x72x128xf32, #tpu.memory_space<vmem>>[vector<16xi32>, vector<16xi32>, vector<16xi32>, vector<16xi32>], vector<16xf32>,
        %mul3A_1276 = arith.mulf %gather3A_1275, %gather3A_321 : vector<16xf32>
        %add3A_1277 = arith.addf %mul3A_1271, %mul3A_1276 : vector<16xf32>
        %add3A_1278 = arith.constant 32 : i32
        %add3A_1279 = vector.broadcast %add3A_1278 : i32 to vector<16xi32>
        %add3A_1280 = arith.addi %iota3A, %add3A_1279 : vector<16xi32>
        %gather3A_1281 = tpu.vector_load_idx %arg8[%broadcast_in_dim3A, %broadcast_in_dim3A_300, %broadcast_in_dim3A_1266, %add3A_1280] : memref<3x4x72x128xf32, #tpu.memory_space<vmem>>[vector<16xi32>, vector<16xi32>, vector<16xi32>, vector<16xi32>], vector<16xf32>,
        %mul3A_1282 = arith.mulf %gather3A_1281, %gather3A_332 : vector<16xf32>
        %add3A_1283 = arith.addf %add3A_1277, %mul3A_1282 : vector<16xf32>
        %add3A_1284 = arith.constant 48 : i32
        %add3A_1285 = vector.broadcast %add3A_1284 : i32 to vector<16xi32>
        %add3A_1286 = arith.addi %iota3A, %add3A_1285 : vector<16xi32>
        %gather3A_1287 = tpu.vector_load_idx %arg8[%broadcast_in_dim3A, %broadcast_in_dim3A_300, %broadcast_in_dim3A_1266, %add3A_1286] : memref<3x4x72x128xf32, #tpu.memory_space<vmem>>[vector<16xi32>, vector<16xi32>, vector<16xi32>, vector<16xi32>], vector<16xf32>,
        %mul3A_1288 = arith.mulf %gather3A_1287, %gather3A_343 : vector<16xf32>
        %add3A_1289 = arith.addf %add3A_1283, %mul3A_1288 : vector<16xf32>
        %eq3A_1290 = arith.constant 10 : i32
        %eq3A_1291 = vector.broadcast %eq3A_1290 : i32 to vector<16xi32>
        %eq3A_1292 = arith.cmpi eq, %iota3A, %eq3A_1291 : vector<16xi32>
        %jit3A_1293 = arith.constant 1.000000e+00 : f32
        %jit3A_1294 = arith.constant 0.000000e+00 : f32
        %broadcast_in_dim3A_1295 = vector.broadcast %jit3A_1293 : f32 to vector<16xf32>
        %broadcast_in_dim3A_1296 = vector.broadcast %jit3A_1294 : f32 to vector<16xf32>
        %select_n3A_1297 = arith.select %eq3A_1292, %broadcast_in_dim3A_1295, %broadcast_in_dim3A_1296 : vector<16xi1>, vector<16xf32>
        %reduce_sum3A_1298 = arith.constant true
        %reduce_sum3A_1299 = vector.broadcast %reduce_sum3A_1298 : i1 to vector<16xi1>
        %reduce_sum3A_1300 = tpu.scan <sum>, %add3A_1289 masked %reduce_sum3A_1299 : vector<16xf32>, vector<16xi1> -> vector<16xf32>
        %reduce_sum3A_1301 = vector.extract %reduce_sum3A_1300[15] : f32 from vector<16xf32>
        %mul3A_1302 = vector.broadcast %reduce_sum3A_1301 : f32 to vector<16xf32>
        %mul3A_1303 = arith.mulf %mul3A_1302, %select_n3A_1297 : vector<16xf32>
        %add3A_1304 = arith.addf %add3A_1263, %mul3A_1303 : vector<16xf32>
        %add3A_1305 = arith.constant 11 : i32
        %add3A_1306 = arith.addi %add3A_853, %add3A_1305 : i32
        %broadcast_in_dim3A_1307 = vector.broadcast %add3A_1306 : i32 to vector<16xi32>
        %add3A_1308 = arith.constant 0 : i32
        %add3A_1309 = vector.broadcast %add3A_1308 : i32 to vector<16xi32>
        %add3A_1310 = arith.addi %iota3A, %add3A_1309 : vector<16xi32>
        %gather3A_1311 = tpu.vector_load_idx %arg8[%broadcast_in_dim3A, %broadcast_in_dim3A_300, %broadcast_in_dim3A_1307, %add3A_1310] : memref<3x4x72x128xf32, #tpu.memory_space<vmem>>[vector<16xi32>, vector<16xi32>, vector<16xi32>, vector<16xi32>], vector<16xf32>,
        %mul3A_1312 = arith.mulf %gather3A_1311, %gather3A : vector<16xf32>
        %add3A_1313 = arith.constant 16 : i32
        %add3A_1314 = vector.broadcast %add3A_1313 : i32 to vector<16xi32>
        %add3A_1315 = arith.addi %iota3A, %add3A_1314 : vector<16xi32>
        %gather3A_1316 = tpu.vector_load_idx %arg8[%broadcast_in_dim3A, %broadcast_in_dim3A_300, %broadcast_in_dim3A_1307, %add3A_1315] : memref<3x4x72x128xf32, #tpu.memory_space<vmem>>[vector<16xi32>, vector<16xi32>, vector<16xi32>, vector<16xi32>], vector<16xf32>,
        %mul3A_1317 = arith.mulf %gather3A_1316, %gather3A_321 : vector<16xf32>
        %add3A_1318 = arith.addf %mul3A_1312, %mul3A_1317 : vector<16xf32>
        %add3A_1319 = arith.constant 32 : i32
        %add3A_1320 = vector.broadcast %add3A_1319 : i32 to vector<16xi32>
        %add3A_1321 = arith.addi %iota3A, %add3A_1320 : vector<16xi32>
        %gather3A_1322 = tpu.vector_load_idx %arg8[%broadcast_in_dim3A, %broadcast_in_dim3A_300, %broadcast_in_dim3A_1307, %add3A_1321] : memref<3x4x72x128xf32, #tpu.memory_space<vmem>>[vector<16xi32>, vector<16xi32>, vector<16xi32>, vector<16xi32>], vector<16xf32>,
        %mul3A_1323 = arith.mulf %gather3A_1322, %gather3A_332 : vector<16xf32>
        %add3A_1324 = arith.addf %add3A_1318, %mul3A_1323 : vector<16xf32>
        %add3A_1325 = arith.constant 48 : i32
        %add3A_1326 = vector.broadcast %add3A_1325 : i32 to vector<16xi32>
        %add3A_1327 = arith.addi %iota3A, %add3A_1326 : vector<16xi32>
        %gather3A_1328 = tpu.vector_load_idx %arg8[%broadcast_in_dim3A, %broadcast_in_dim3A_300, %broadcast_in_dim3A_1307, %add3A_1327] : memref<3x4x72x128xf32, #tpu.memory_space<vmem>>[vector<16xi32>, vector<16xi32>, vector<16xi32>, vector<16xi32>], vector<16xf32>,
        %mul3A_1329 = arith.mulf %gather3A_1328, %gather3A_343 : vector<16xf32>
        %add3A_1330 = arith.addf %add3A_1324, %mul3A_1329 : vector<16xf32>
        %eq3A_1331 = arith.constant 11 : i32
        %eq3A_1332 = vector.broadcast %eq3A_1331 : i32 to vector<16xi32>
        %eq3A_1333 = arith.cmpi eq, %iota3A, %eq3A_1332 : vector<16xi32>
        %jit3A_1334 = arith.constant 1.000000e+00 : f32
        %jit3A_1335 = arith.constant 0.000000e+00 : f32
        %broadcast_in_dim3A_1336 = vector.broadcast %jit3A_1334 : f32 to vector<16xf32>
        %broadcast_in_dim3A_1337 = vector.broadcast %jit3A_1335 : f32 to vector<16xf32>
        %select_n3A_1338 = arith.select %eq3A_1333, %broadcast_in_dim3A_1336, %broadcast_in_dim3A_1337 : vector<16xi1>, vector<16xf32>
        %reduce_sum3A_1339 = arith.constant true
        %reduce_sum3A_1340 = vector.broadcast %reduce_sum3A_1339 : i1 to vector<16xi1>
        %reduce_sum3A_1341 = tpu.scan <sum>, %add3A_1330 masked %reduce_sum3A_1340 : vector<16xf32>, vector<16xi1> -> vector<16xf32>
        %reduce_sum3A_1342 = vector.extract %reduce_sum3A_1341[15] : f32 from vector<16xf32>
        %mul3A_1343 = vector.broadcast %reduce_sum3A_1342 : f32 to vector<16xf32>
        %mul3A_1344 = arith.mulf %mul3A_1343, %select_n3A_1338 : vector<16xf32>
        %add3A_1345 = arith.addf %add3A_1304, %mul3A_1344 : vector<16xf32>
        %add3A_1346 = arith.constant 12 : i32
        %add3A_1347 = arith.addi %add3A_853, %add3A_1346 : i32
        %broadcast_in_dim3A_1348 = vector.broadcast %add3A_1347 : i32 to vector<16xi32>
        %add3A_1349 = arith.constant 0 : i32
        %add3A_1350 = vector.broadcast %add3A_1349 : i32 to vector<16xi32>
        %add3A_1351 = arith.addi %iota3A, %add3A_1350 : vector<16xi32>
        %gather3A_1352 = tpu.vector_load_idx %arg8[%broadcast_in_dim3A, %broadcast_in_dim3A_300, %broadcast_in_dim3A_1348, %add3A_1351] : memref<3x4x72x128xf32, #tpu.memory_space<vmem>>[vector<16xi32>, vector<16xi32>, vector<16xi32>, vector<16xi32>], vector<16xf32>,
        %mul3A_1353 = arith.mulf %gather3A_1352, %gather3A : vector<16xf32>
        %add3A_1354 = arith.constant 16 : i32
        %add3A_1355 = vector.broadcast %add3A_1354 : i32 to vector<16xi32>
        %add3A_1356 = arith.addi %iota3A, %add3A_1355 : vector<16xi32>
        %gather3A_1357 = tpu.vector_load_idx %arg8[%broadcast_in_dim3A, %broadcast_in_dim3A_300, %broadcast_in_dim3A_1348, %add3A_1356] : memref<3x4x72x128xf32, #tpu.memory_space<vmem>>[vector<16xi32>, vector<16xi32>, vector<16xi32>, vector<16xi32>], vector<16xf32>,
        %mul3A_1358 = arith.mulf %gather3A_1357, %gather3A_321 : vector<16xf32>
        %add3A_1359 = arith.addf %mul3A_1353, %mul3A_1358 : vector<16xf32>
        %add3A_1360 = arith.constant 32 : i32
        %add3A_1361 = vector.broadcast %add3A_1360 : i32 to vector<16xi32>
        %add3A_1362 = arith.addi %iota3A, %add3A_1361 : vector<16xi32>
        %gather3A_1363 = tpu.vector_load_idx %arg8[%broadcast_in_dim3A, %broadcast_in_dim3A_300, %broadcast_in_dim3A_1348, %add3A_1362] : memref<3x4x72x128xf32, #tpu.memory_space<vmem>>[vector<16xi32>, vector<16xi32>, vector<16xi32>, vector<16xi32>], vector<16xf32>,
        %mul3A_1364 = arith.mulf %gather3A_1363, %gather3A_332 : vector<16xf32>
        %add3A_1365 = arith.addf %add3A_1359, %mul3A_1364 : vector<16xf32>
        %add3A_1366 = arith.constant 48 : i32
        %add3A_1367 = vector.broadcast %add3A_1366 : i32 to vector<16xi32>
        %add3A_1368 = arith.addi %iota3A, %add3A_1367 : vector<16xi32>
        %gather3A_1369 = tpu.vector_load_idx %arg8[%broadcast_in_dim3A, %broadcast_in_dim3A_300, %broadcast_in_dim3A_1348, %add3A_1368] : memref<3x4x72x128xf32, #tpu.memory_space<vmem>>[vector<16xi32>, vector<16xi32>, vector<16xi32>, vector<16xi32>], vector<16xf32>,
        %mul3A_1370 = arith.mulf %gather3A_1369, %gather3A_343 : vector<16xf32>
        %add3A_1371 = arith.addf %add3A_1365, %mul3A_1370 : vector<16xf32>
        %eq3A_1372 = arith.constant 12 : i32
        %eq3A_1373 = vector.broadcast %eq3A_1372 : i32 to vector<16xi32>
        %eq3A_1374 = arith.cmpi eq, %iota3A, %eq3A_1373 : vector<16xi32>
        %jit3A_1375 = arith.constant 1.000000e+00 : f32
        %jit3A_1376 = arith.constant 0.000000e+00 : f32
        %broadcast_in_dim3A_1377 = vector.broadcast %jit3A_1375 : f32 to vector<16xf32>
        %broadcast_in_dim3A_1378 = vector.broadcast %jit3A_1376 : f32 to vector<16xf32>
        %select_n3A_1379 = arith.select %eq3A_1374, %broadcast_in_dim3A_1377, %broadcast_in_dim3A_1378 : vector<16xi1>, vector<16xf32>
        %reduce_sum3A_1380 = arith.constant true
        %reduce_sum3A_1381 = vector.broadcast %reduce_sum3A_1380 : i1 to vector<16xi1>
        %reduce_sum3A_1382 = tpu.scan <sum>, %add3A_1371 masked %reduce_sum3A_1381 : vector<16xf32>, vector<16xi1> -> vector<16xf32>
        %reduce_sum3A_1383 = vector.extract %reduce_sum3A_1382[15] : f32 from vector<16xf32>
        %mul3A_1384 = vector.broadcast %reduce_sum3A_1383 : f32 to vector<16xf32>
        %mul3A_1385 = arith.mulf %mul3A_1384, %select_n3A_1379 : vector<16xf32>
        %add3A_1386 = arith.addf %add3A_1345, %mul3A_1385 : vector<16xf32>
        %add3A_1387 = arith.constant 13 : i32
        %add3A_1388 = arith.addi %add3A_853, %add3A_1387 : i32
        %broadcast_in_dim3A_1389 = vector.broadcast %add3A_1388 : i32 to vector<16xi32>
        %add3A_1390 = arith.constant 0 : i32
        %add3A_1391 = vector.broadcast %add3A_1390 : i32 to vector<16xi32>
        %add3A_1392 = arith.addi %iota3A, %add3A_1391 : vector<16xi32>
        %gather3A_1393 = tpu.vector_load_idx %arg8[%broadcast_in_dim3A, %broadcast_in_dim3A_300, %broadcast_in_dim3A_1389, %add3A_1392] : memref<3x4x72x128xf32, #tpu.memory_space<vmem>>[vector<16xi32>, vector<16xi32>, vector<16xi32>, vector<16xi32>], vector<16xf32>,
        %mul3A_1394 = arith.mulf %gather3A_1393, %gather3A : vector<16xf32>
        %add3A_1395 = arith.constant 16 : i32
        %add3A_1396 = vector.broadcast %add3A_1395 : i32 to vector<16xi32>
        %add3A_1397 = arith.addi %iota3A, %add3A_1396 : vector<16xi32>
        %gather3A_1398 = tpu.vector_load_idx %arg8[%broadcast_in_dim3A, %broadcast_in_dim3A_300, %broadcast_in_dim3A_1389, %add3A_1397] : memref<3x4x72x128xf32, #tpu.memory_space<vmem>>[vector<16xi32>, vector<16xi32>, vector<16xi32>, vector<16xi32>], vector<16xf32>,
        %mul3A_1399 = arith.mulf %gather3A_1398, %gather3A_321 : vector<16xf32>
        %add3A_1400 = arith.addf %mul3A_1394, %mul3A_1399 : vector<16xf32>
        %add3A_1401 = arith.constant 32 : i32
        %add3A_1402 = vector.broadcast %add3A_1401 : i32 to vector<16xi32>
        %add3A_1403 = arith.addi %iota3A, %add3A_1402 : vector<16xi32>
        %gather3A_1404 = tpu.vector_load_idx %arg8[%broadcast_in_dim3A, %broadcast_in_dim3A_300, %broadcast_in_dim3A_1389, %add3A_1403] : memref<3x4x72x128xf32, #tpu.memory_space<vmem>>[vector<16xi32>, vector<16xi32>, vector<16xi32>, vector<16xi32>], vector<16xf32>,
        %mul3A_1405 = arith.mulf %gather3A_1404, %gather3A_332 : vector<16xf32>
        %add3A_1406 = arith.addf %add3A_1400, %mul3A_1405 : vector<16xf32>
        %add3A_1407 = arith.constant 48 : i32
        %add3A_1408 = vector.broadcast %add3A_1407 : i32 to vector<16xi32>
        %add3A_1409 = arith.addi %iota3A, %add3A_1408 : vector<16xi32>
        %gather3A_1410 = tpu.vector_load_idx %arg8[%broadcast_in_dim3A, %broadcast_in_dim3A_300, %broadcast_in_dim3A_1389, %add3A_1409] : memref<3x4x72x128xf32, #tpu.memory_space<vmem>>[vector<16xi32>, vector<16xi32>, vector<16xi32>, vector<16xi32>], vector<16xf32>,
        %mul3A_1411 = arith.mulf %gather3A_1410, %gather3A_343 : vector<16xf32>
        %add3A_1412 = arith.addf %add3A_1406, %mul3A_1411 : vector<16xf32>
        %eq3A_1413 = arith.constant 13 : i32
        %eq3A_1414 = vector.broadcast %eq3A_1413 : i32 to vector<16xi32>
        %eq3A_1415 = arith.cmpi eq, %iota3A, %eq3A_1414 : vector<16xi32>
        %jit3A_1416 = arith.constant 1.000000e+00 : f32
        %jit3A_1417 = arith.constant 0.000000e+00 : f32
        %broadcast_in_dim3A_1418 = vector.broadcast %jit3A_1416 : f32 to vector<16xf32>
        %broadcast_in_dim3A_1419 = vector.broadcast %jit3A_1417 : f32 to vector<16xf32>
        %select_n3A_1420 = arith.select %eq3A_1415, %broadcast_in_dim3A_1418, %broadcast_in_dim3A_1419 : vector<16xi1>, vector<16xf32>
        %reduce_sum3A_1421 = arith.constant true
        %reduce_sum3A_1422 = vector.broadcast %reduce_sum3A_1421 : i1 to vector<16xi1>
        %reduce_sum3A_1423 = tpu.scan <sum>, %add3A_1412 masked %reduce_sum3A_1422 : vector<16xf32>, vector<16xi1> -> vector<16xf32>
        %reduce_sum3A_1424 = vector.extract %reduce_sum3A_1423[15] : f32 from vector<16xf32>
        %mul3A_1425 = vector.broadcast %reduce_sum3A_1424 : f32 to vector<16xf32>
        %mul3A_1426 = arith.mulf %mul3A_1425, %select_n3A_1420 : vector<16xf32>
        %add3A_1427 = arith.addf %add3A_1386, %mul3A_1426 : vector<16xf32>
        %add3A_1428 = arith.constant 14 : i32
        %add3A_1429 = arith.addi %add3A_853, %add3A_1428 : i32
        %broadcast_in_dim3A_1430 = vector.broadcast %add3A_1429 : i32 to vector<16xi32>
        %add3A_1431 = arith.constant 0 : i32
        %add3A_1432 = vector.broadcast %add3A_1431 : i32 to vector<16xi32>
        %add3A_1433 = arith.addi %iota3A, %add3A_1432 : vector<16xi32>
        %gather3A_1434 = tpu.vector_load_idx %arg8[%broadcast_in_dim3A, %broadcast_in_dim3A_300, %broadcast_in_dim3A_1430, %add3A_1433] : memref<3x4x72x128xf32, #tpu.memory_space<vmem>>[vector<16xi32>, vector<16xi32>, vector<16xi32>, vector<16xi32>], vector<16xf32>,
        %mul3A_1435 = arith.mulf %gather3A_1434, %gather3A : vector<16xf32>
        %add3A_1436 = arith.constant 16 : i32
        %add3A_1437 = vector.broadcast %add3A_1436 : i32 to vector<16xi32>
        %add3A_1438 = arith.addi %iota3A, %add3A_1437 : vector<16xi32>
        %gather3A_1439 = tpu.vector_load_idx %arg8[%broadcast_in_dim3A, %broadcast_in_dim3A_300, %broadcast_in_dim3A_1430, %add3A_1438] : memref<3x4x72x128xf32, #tpu.memory_space<vmem>>[vector<16xi32>, vector<16xi32>, vector<16xi32>, vector<16xi32>], vector<16xf32>,
        %mul3A_1440 = arith.mulf %gather3A_1439, %gather3A_321 : vector<16xf32>
        %add3A_1441 = arith.addf %mul3A_1435, %mul3A_1440 : vector<16xf32>
        %add3A_1442 = arith.constant 32 : i32
        %add3A_1443 = vector.broadcast %add3A_1442 : i32 to vector<16xi32>
        %add3A_1444 = arith.addi %iota3A, %add3A_1443 : vector<16xi32>
        %gather3A_1445 = tpu.vector_load_idx %arg8[%broadcast_in_dim3A, %broadcast_in_dim3A_300, %broadcast_in_dim3A_1430, %add3A_1444] : memref<3x4x72x128xf32, #tpu.memory_space<vmem>>[vector<16xi32>, vector<16xi32>, vector<16xi32>, vector<16xi32>], vector<16xf32>,
        %mul3A_1446 = arith.mulf %gather3A_1445, %gather3A_332 : vector<16xf32>
        %add3A_1447 = arith.addf %add3A_1441, %mul3A_1446 : vector<16xf32>
        %add3A_1448 = arith.constant 48 : i32
        %add3A_1449 = vector.broadcast %add3A_1448 : i32 to vector<16xi32>
        %add3A_1450 = arith.addi %iota3A, %add3A_1449 : vector<16xi32>
        %gather3A_1451 = tpu.vector_load_idx %arg8[%broadcast_in_dim3A, %broadcast_in_dim3A_300, %broadcast_in_dim3A_1430, %add3A_1450] : memref<3x4x72x128xf32, #tpu.memory_space<vmem>>[vector<16xi32>, vector<16xi32>, vector<16xi32>, vector<16xi32>], vector<16xf32>,
        %mul3A_1452 = arith.mulf %gather3A_1451, %gather3A_343 : vector<16xf32>
        %add3A_1453 = arith.addf %add3A_1447, %mul3A_1452 : vector<16xf32>
        %eq3A_1454 = arith.constant 14 : i32
        %eq3A_1455 = vector.broadcast %eq3A_1454 : i32 to vector<16xi32>
        %eq3A_1456 = arith.cmpi eq, %iota3A, %eq3A_1455 : vector<16xi32>
        %jit3A_1457 = arith.constant 1.000000e+00 : f32
        %jit3A_1458 = arith.constant 0.000000e+00 : f32
        %broadcast_in_dim3A_1459 = vector.broadcast %jit3A_1457 : f32 to vector<16xf32>
        %broadcast_in_dim3A_1460 = vector.broadcast %jit3A_1458 : f32 to vector<16xf32>
        %select_n3A_1461 = arith.select %eq3A_1456, %broadcast_in_dim3A_1459, %broadcast_in_dim3A_1460 : vector<16xi1>, vector<16xf32>
        %reduce_sum3A_1462 = arith.constant true
        %reduce_sum3A_1463 = vector.broadcast %reduce_sum3A_1462 : i1 to vector<16xi1>
        %reduce_sum3A_1464 = tpu.scan <sum>, %add3A_1453 masked %reduce_sum3A_1463 : vector<16xf32>, vector<16xi1> -> vector<16xf32>
        %reduce_sum3A_1465 = vector.extract %reduce_sum3A_1464[15] : f32 from vector<16xf32>
        %mul3A_1466 = vector.broadcast %reduce_sum3A_1465 : f32 to vector<16xf32>
        %mul3A_1467 = arith.mulf %mul3A_1466, %select_n3A_1461 : vector<16xf32>
        %add3A_1468 = arith.addf %add3A_1427, %mul3A_1467 : vector<16xf32>
        %add3A_1469 = arith.constant 15 : i32
        %add3A_1470 = arith.addi %add3A_853, %add3A_1469 : i32
        %broadcast_in_dim3A_1471 = vector.broadcast %add3A_1470 : i32 to vector<16xi32>
        %add3A_1472 = arith.constant 0 : i32
        %add3A_1473 = vector.broadcast %add3A_1472 : i32 to vector<16xi32>
        %add3A_1474 = arith.addi %iota3A, %add3A_1473 : vector<16xi32>
        %gather3A_1475 = tpu.vector_load_idx %arg8[%broadcast_in_dim3A, %broadcast_in_dim3A_300, %broadcast_in_dim3A_1471, %add3A_1474] : memref<3x4x72x128xf32, #tpu.memory_space<vmem>>[vector<16xi32>, vector<16xi32>, vector<16xi32>, vector<16xi32>], vector<16xf32>,
        %mul3A_1476 = arith.mulf %gather3A_1475, %gather3A : vector<16xf32>
        %add3A_1477 = arith.constant 16 : i32
        %add3A_1478 = vector.broadcast %add3A_1477 : i32 to vector<16xi32>
        %add3A_1479 = arith.addi %iota3A, %add3A_1478 : vector<16xi32>
        %gather3A_1480 = tpu.vector_load_idx %arg8[%broadcast_in_dim3A, %broadcast_in_dim3A_300, %broadcast_in_dim3A_1471, %add3A_1479] : memref<3x4x72x128xf32, #tpu.memory_space<vmem>>[vector<16xi32>, vector<16xi32>, vector<16xi32>, vector<16xi32>], vector<16xf32>,
        %mul3A_1481 = arith.mulf %gather3A_1480, %gather3A_321 : vector<16xf32>
        %add3A_1482 = arith.addf %mul3A_1476, %mul3A_1481 : vector<16xf32>
        %add3A_1483 = arith.constant 32 : i32
        %add3A_1484 = vector.broadcast %add3A_1483 : i32 to vector<16xi32>
        %add3A_1485 = arith.addi %iota3A, %add3A_1484 : vector<16xi32>
        %gather3A_1486 = tpu.vector_load_idx %arg8[%broadcast_in_dim3A, %broadcast_in_dim3A_300, %broadcast_in_dim3A_1471, %add3A_1485] : memref<3x4x72x128xf32, #tpu.memory_space<vmem>>[vector<16xi32>, vector<16xi32>, vector<16xi32>, vector<16xi32>], vector<16xf32>,
        %mul3A_1487 = arith.mulf %gather3A_1486, %gather3A_332 : vector<16xf32>
        %add3A_1488 = arith.addf %add3A_1482, %mul3A_1487 : vector<16xf32>
        %add3A_1489 = arith.constant 48 : i32
        %add3A_1490 = vector.broadcast %add3A_1489 : i32 to vector<16xi32>
        %add3A_1491 = arith.addi %iota3A, %add3A_1490 : vector<16xi32>
        %gather3A_1492 = tpu.vector_load_idx %arg8[%broadcast_in_dim3A, %broadcast_in_dim3A_300, %broadcast_in_dim3A_1471, %add3A_1491] : memref<3x4x72x128xf32, #tpu.memory_space<vmem>>[vector<16xi32>, vector<16xi32>, vector<16xi32>, vector<16xi32>], vector<16xf32>,
        %mul3A_1493 = arith.mulf %gather3A_1492, %gather3A_343 : vector<16xf32>
        %add3A_1494 = arith.addf %add3A_1488, %mul3A_1493 : vector<16xf32>
        %eq3A_1495 = arith.constant 15 : i32
        %eq3A_1496 = vector.broadcast %eq3A_1495 : i32 to vector<16xi32>
        %eq3A_1497 = arith.cmpi eq, %iota3A, %eq3A_1496 : vector<16xi32>
        %jit3A_1498 = arith.constant 1.000000e+00 : f32
        %jit3A_1499 = arith.constant 0.000000e+00 : f32
        %broadcast_in_dim3A_1500 = vector.broadcast %jit3A_1498 : f32 to vector<16xf32>
        %broadcast_in_dim3A_1501 = vector.broadcast %jit3A_1499 : f32 to vector<16xf32>
        %select_n3A_1502 = arith.select %eq3A_1497, %broadcast_in_dim3A_1500, %broadcast_in_dim3A_1501 : vector<16xi1>, vector<16xf32>
        %reduce_sum3A_1503 = arith.constant true
        %reduce_sum3A_1504 = vector.broadcast %reduce_sum3A_1503 : i1 to vector<16xi1>
        %reduce_sum3A_1505 = tpu.scan <sum>, %add3A_1494 masked %reduce_sum3A_1504 : vector<16xf32>, vector<16xi1> -> vector<16xf32>
        %reduce_sum3A_1506 = vector.extract %reduce_sum3A_1505[15] : f32 from vector<16xf32>
        %mul3A_1507 = vector.broadcast %reduce_sum3A_1506 : f32 to vector<16xf32>
        %mul3A_1508 = arith.mulf %mul3A_1507, %select_n3A_1502 : vector<16xf32>
        %add3A_1509 = arith.addf %add3A_1468, %mul3A_1508 : vector<16xf32>
        %mul3A_1510 = arith.constant 256 : i32
        %mul3A_1511 = vector.broadcast %mul3A_1510 : i32 to vector<16xi32>
        %mul3A_1512 = arith.muli %broadcast_in_dim3A, %mul3A_1511 : vector<16xi32>
        %add3A_1513 = arith.constant 0 : i32
        %add3A_1514 = vector.broadcast %add3A_1513 : i32 to vector<16xi32>
        %add3A_1515 = arith.addi %mul3A_1512, %add3A_1514 : vector<16xi32>
        %mul3A_1516 = arith.constant 16 : i32
        %mul3A_1517 = arith.muli %scan3A_847, %mul3A_1516 : i32
        %add3A_1518 = vector.broadcast %mul3A_1517 : i32 to vector<16xi32>
        %add3A_1519 = arith.addi %add3A_1515, %add3A_1518 : vector<16xi32>
        %add3A_1520 = arith.addi %add3A_1519, %iota3A : vector<16xi32>
        tpu.vector_store_idx %arg10[%add3A_1520], %add3A_1509 : memref<768xf32, #tpu.memory_space<vmem>>[vector<16xi32>], vector<16xf32>,
      }
      %scan3A_424 = arith.constant 4 : i32
      %broadcast_in_dim3A_425 = arith.constant 1 : i32
      %broadcast_in_dim3A_426 = vector.broadcast %broadcast_in_dim3A_425 : i32 to vector<16xi32>
      %mul3A_427 = arith.constant 256 : i32
      %mul3A_428 = vector.broadcast %mul3A_427 : i32 to vector<16xi32>
      %mul3A_429 = arith.muli %broadcast_in_dim3A, %mul3A_428 : vector<16xi32>
      %add3A_430 = arith.constant 64 : i32
      %add3A_431 = vector.broadcast %add3A_430 : i32 to vector<16xi32>
      %add3A_432 = arith.addi %mul3A_429, %add3A_431 : vector<16xi32>
      %add3A_433 = arith.constant 0 : i32
      %add3A_434 = vector.broadcast %add3A_433 : i32 to vector<16xi32>
      %add3A_435 = arith.addi %add3A_432, %add3A_434 : vector<16xi32>
      %add3A_436 = arith.addi %add3A_435, %iota3A : vector<16xi32>
      %gather3A_437 = tpu.vector_load_idx %arg9[%add3A_436] : memref<768xf32, #tpu.memory_space<vmem>>[vector<16xi32>], vector<16xf32>,
      %mul3A_438 = arith.constant 256 : i32
      %mul3A_439 = vector.broadcast %mul3A_438 : i32 to vector<16xi32>
      %mul3A_440 = arith.muli %broadcast_in_dim3A, %mul3A_439 : vector<16xi32>
      %add3A_441 = arith.constant 64 : i32
      %add3A_442 = vector.broadcast %add3A_441 : i32 to vector<16xi32>
      %add3A_443 = arith.addi %mul3A_440, %add3A_442 : vector<16xi32>
      %add3A_444 = arith.constant 16 : i32
      %add3A_445 = vector.broadcast %add3A_444 : i32 to vector<16xi32>
      %add3A_446 = arith.addi %add3A_443, %add3A_445 : vector<16xi32>
      %add3A_447 = arith.addi %add3A_446, %iota3A : vector<16xi32>
      %gather3A_448 = tpu.vector_load_idx %arg9[%add3A_447] : memref<768xf32, #tpu.memory_space<vmem>>[vector<16xi32>], vector<16xf32>,
      %mul3A_449 = arith.constant 256 : i32
      %mul3A_450 = vector.broadcast %mul3A_449 : i32 to vector<16xi32>
      %mul3A_451 = arith.muli %broadcast_in_dim3A, %mul3A_450 : vector<16xi32>
      %add3A_452 = arith.constant 64 : i32
      %add3A_453 = vector.broadcast %add3A_452 : i32 to vector<16xi32>
      %add3A_454 = arith.addi %mul3A_451, %add3A_453 : vector<16xi32>
      %add3A_455 = arith.constant 32 : i32
      %add3A_456 = vector.broadcast %add3A_455 : i32 to vector<16xi32>
      %add3A_457 = arith.addi %add3A_454, %add3A_456 : vector<16xi32>
      %add3A_458 = arith.addi %add3A_457, %iota3A : vector<16xi32>
      %gather3A_459 = tpu.vector_load_idx %arg9[%add3A_458] : memref<768xf32, #tpu.memory_space<vmem>>[vector<16xi32>], vector<16xf32>,
      %mul3A_460 = arith.constant 256 : i32
      %mul3A_461 = vector.broadcast %mul3A_460 : i32 to vector<16xi32>
      %mul3A_462 = arith.muli %broadcast_in_dim3A, %mul3A_461 : vector<16xi32>
      %add3A_463 = arith.constant 64 : i32
      %add3A_464 = vector.broadcast %add3A_463 : i32 to vector<16xi32>
      %add3A_465 = arith.addi %mul3A_462, %add3A_464 : vector<16xi32>
      %add3A_466 = arith.constant 48 : i32
      %add3A_467 = vector.broadcast %add3A_466 : i32 to vector<16xi32>
      %add3A_468 = arith.addi %add3A_465, %add3A_467 : vector<16xi32>
      %add3A_469 = arith.addi %add3A_468, %iota3A : vector<16xi32>
      %gather3A_470 = tpu.vector_load_idx %arg9[%add3A_469] : memref<768xf32, #tpu.memory_space<vmem>>[vector<16xi32>], vector<16xf32>,
      %broadcast_in_dim3A_471 = arith.constant 0 : i32
      %broadcast_in_dim3A_472 = vector.broadcast %broadcast_in_dim3A_471 : i32 to vector<16xi32>
      %add3A_473 = arith.constant 0 : i32
      %add3A_474 = vector.broadcast %add3A_473 : i32 to vector<16xi32>
      %add3A_475 = arith.addi %iota3A, %add3A_474 : vector<16xi32>
      %gather3A_476 = tpu.vector_load_idx %arg8[%broadcast_in_dim3A, %broadcast_in_dim3A_426, %broadcast_in_dim3A_472, %add3A_475] : memref<3x4x72x128xf32, #tpu.memory_space<vmem>>[vector<16xi32>, vector<16xi32>, vector<16xi32>, vector<16xi32>], vector<16xf32>,
      %mul3A_477 = arith.mulf %gather3A_476, %gather3A_437 : vector<16xf32>
      %add3A_478 = arith.constant 16 : i32
      %add3A_479 = vector.broadcast %add3A_478 : i32 to vector<16xi32>
      %add3A_480 = arith.addi %iota3A, %add3A_479 : vector<16xi32>
      %gather3A_481 = tpu.vector_load_idx %arg8[%broadcast_in_dim3A, %broadcast_in_dim3A_426, %broadcast_in_dim3A_472, %add3A_480] : memref<3x4x72x128xf32, #tpu.memory_space<vmem>>[vector<16xi32>, vector<16xi32>, vector<16xi32>, vector<16xi32>], vector<16xf32>,
      %mul3A_482 = arith.mulf %gather3A_481, %gather3A_448 : vector<16xf32>
      %add3A_483 = arith.addf %mul3A_477, %mul3A_482 : vector<16xf32>
      %add3A_484 = arith.constant 32 : i32
      %add3A_485 = vector.broadcast %add3A_484 : i32 to vector<16xi32>
      %add3A_486 = arith.addi %iota3A, %add3A_485 : vector<16xi32>
      %gather3A_487 = tpu.vector_load_idx %arg8[%broadcast_in_dim3A, %broadcast_in_dim3A_426, %broadcast_in_dim3A_472, %add3A_486] : memref<3x4x72x128xf32, #tpu.memory_space<vmem>>[vector<16xi32>, vector<16xi32>, vector<16xi32>, vector<16xi32>], vector<16xf32>,
      %mul3A_488 = arith.mulf %gather3A_487, %gather3A_459 : vector<16xf32>
      %add3A_489 = arith.addf %add3A_483, %mul3A_488 : vector<16xf32>
      %add3A_490 = arith.constant 48 : i32
      %add3A_491 = vector.broadcast %add3A_490 : i32 to vector<16xi32>
      %add3A_492 = arith.addi %iota3A, %add3A_491 : vector<16xi32>
      %gather3A_493 = tpu.vector_load_idx %arg8[%broadcast_in_dim3A, %broadcast_in_dim3A_426, %broadcast_in_dim3A_472, %add3A_492] : memref<3x4x72x128xf32, #tpu.memory_space<vmem>>[vector<16xi32>, vector<16xi32>, vector<16xi32>, vector<16xi32>], vector<16xf32>,
      %mul3A_494 = arith.mulf %gather3A_493, %gather3A_470 : vector<16xf32>
      %add3A_495 = arith.addf %add3A_489, %mul3A_494 : vector<16xf32>
      %mul3A_496 = arith.constant 4 : i32
      %mul3A_497 = arith.muli %scan3A_184, %mul3A_496 : i32
      %add3A_498 = arith.constant 1 : i32
      %add3A_499 = arith.addi %mul3A_497, %add3A_498 : i32
      %jit3A_500 = arith.constant 128 : i32
      %div3A_501 = arith.divsi %add3A_499, %jit3A_500 : i32
      %sign3A_502 = arith.constant 0 : i32
      %sign3A_503 = arith.cmpi sgt, %add3A_499, %sign3A_502 : i32
      %sign3A_504 = arith.extui %sign3A_503 : i1 to i32
      %sign3A_505 = arith.constant 0 : i32
      %sign3A_506 = arith.cmpi slt, %add3A_499, %sign3A_505 : i32
      %sign3A_507 = arith.extui %sign3A_506 : i1 to i32
      %sign3A_508 = arith.subi %sign3A_504, %sign3A_507 : i32
      %sign3A_509 = arith.constant 0 : i32
      %sign3A_510 = arith.cmpi sgt, %jit3A_500, %sign3A_509 : i32
      %sign3A_511 = arith.extui %sign3A_510 : i1 to i32
      %sign3A_512 = arith.constant 0 : i32
      %sign3A_513 = arith.cmpi slt, %jit3A_500, %sign3A_512 : i32
      %sign3A_514 = arith.extui %sign3A_513 : i1 to i32
      %sign3A_515 = arith.subi %sign3A_511, %sign3A_514 : i32
      %ne3A_516 = arith.cmpi ne, %sign3A_508, %sign3A_515 : i32
      %rem3A_517 = arith.remsi %add3A_499, %jit3A_500 : i32
      %ne3A_518 = arith.constant 0 : i32
      %ne3A_519 = arith.cmpi ne, %rem3A_517, %ne3A_518 : i32
      %and3A_520 = arith.andi %ne3A_516, %ne3A_519 : i1
      %sub3A_521 = arith.constant 1 : i32
      %sub3A_522 = arith.subi %div3A_501, %sub3A_521 : i32
      %select_n3A_523 = arith.select %and3A_520, %sub3A_522, %div3A_501 : i32
      %broadcast_in_dim3A_524 = vector.broadcast %select_n3A_523 : i32 to vector<16xi32>
      %jit3A_525 = arith.constant 128 : i32
      %eq3A_526 = arith.constant 0 : i32
      %eq3A_527 = arith.cmpi eq, %jit3A_525, %eq3A_526 : i32
      %jit3A_528 = arith.constant 1 : i32
      %select_n3A_529 = arith.select %eq3A_527, %jit3A_528, %jit3A_525 : i32
      %rem3A_530 = arith.remsi %add3A_499, %select_n3A_529 : i32
      %ne3A_531 = arith.constant 0 : i32
      %ne3A_532 = arith.cmpi ne, %rem3A_530, %ne3A_531 : i32
      %lt3A_533 = arith.constant 0 : i32
      %lt3A_534 = arith.cmpi slt, %rem3A_530, %lt3A_533 : i32
      %lt3A_535 = arith.constant 0 : i32
      %lt3A_536 = arith.cmpi slt, %select_n3A_529, %lt3A_535 : i32
      %ne3A_537 = arith.xori %lt3A_534, %lt3A_536 : i1
      %and3A_538 = arith.andi %ne3A_537, %ne3A_532 : i1
      %add3A_539 = arith.addi %rem3A_530, %select_n3A_529 : i32
      %select_n3A_540 = arith.select %and3A_538, %add3A_539, %rem3A_530 : i32
      %broadcast_in_dim3A_541 = vector.broadcast %select_n3A_540 : i32 to vector<16xi32>
      %reduce_sum3A_542 = arith.constant true
      %reduce_sum3A_543 = vector.broadcast %reduce_sum3A_542 : i1 to vector<16xi1>
      %reduce_sum3A_544 = tpu.scan <sum>, %add3A_495 masked %reduce_sum3A_543 : vector<16xf32>, vector<16xi1> -> vector<16xf32>
      %reduce_sum3A_545 = vector.extract %reduce_sum3A_544[15] : f32 from vector<16xf32>
      %broadcast_in_dim3A_546 = vector.broadcast %reduce_sum3A_545 : f32 to vector<16xf32>
      %eq3A_547 = arith.constant 0 : i32
      %eq3A_548 = vector.broadcast %eq3A_547 : i32 to vector<16xi32>
      %eq3A_549 = arith.cmpi eq, %iota3A, %eq3A_548 : vector<16xi32>
      tpu.vector_store_idx %arg11[%broadcast_in_dim3A_524, %broadcast_in_dim3A_541], %broadcast_in_dim3A_546 masked %eq3A_549 : memref<5x128xf32, #tpu.memory_space<vmem>>[vector<16xi32>, vector<16xi32>], vector<16xf32>, vector<16xi1>
      %scan3A_550 = arith.constant 0 : i32
      %scan3A_551 = arith.constant 0 : i32
      %scan3A_552 = arith.constant 4 : i32
      %scan3A_553 = arith.addi %scan3A_551, %scan3A_552 : i32
      %scan3A_554 = arith.constant 1 : i32
      scf.for %scan3A_847 = %scan3A_551 to %scan3A_553 step %scan3A_554  : i32 {
        %broadcast_in_dim3A_848 = arith.constant 0.000000e+00 : f32
        %broadcast_in_dim3A_849 = vector.broadcast %broadcast_in_dim3A_848 : f32 to vector<16xf32>
        %mul3A_850 = arith.constant 16 : i32
        %mul3A_851 = arith.muli %scan3A_847, %mul3A_850 : i32
        %add3A_852 = arith.constant 1 : i32
        %add3A_853 = arith.addi %mul3A_851, %add3A_852 : i32
        %add3A_854 = arith.constant 0 : i32
        %add3A_855 = arith.addi %add3A_853, %add3A_854 : i32
        %broadcast_in_dim3A_856 = vector.broadcast %add3A_855 : i32 to vector<16xi32>
        %add3A_857 = arith.constant 0 : i32
        %add3A_858 = vector.broadcast %add3A_857 : i32 to vector<16xi32>
        %add3A_859 = arith.addi %iota3A, %add3A_858 : vector<16xi32>
        %gather3A_860 = tpu.vector_load_idx %arg8[%broadcast_in_dim3A, %broadcast_in_dim3A_426, %broadcast_in_dim3A_856, %add3A_859] : memref<3x4x72x128xf32, #tpu.memory_space<vmem>>[vector<16xi32>, vector<16xi32>, vector<16xi32>, vector<16xi32>], vector<16xf32>,
        %mul3A_861 = arith.mulf %gather3A_860, %gather3A_437 : vector<16xf32>
        %add3A_862 = arith.constant 16 : i32
        %add3A_863 = vector.broadcast %add3A_862 : i32 to vector<16xi32>
        %add3A_864 = arith.addi %iota3A, %add3A_863 : vector<16xi32>
        %gather3A_865 = tpu.vector_load_idx %arg8[%broadcast_in_dim3A, %broadcast_in_dim3A_426, %broadcast_in_dim3A_856, %add3A_864] : memref<3x4x72x128xf32, #tpu.memory_space<vmem>>[vector<16xi32>, vector<16xi32>, vector<16xi32>, vector<16xi32>], vector<16xf32>,
        %mul3A_866 = arith.mulf %gather3A_865, %gather3A_448 : vector<16xf32>
        %add3A_867 = arith.addf %mul3A_861, %mul3A_866 : vector<16xf32>
        %add3A_868 = arith.constant 32 : i32
        %add3A_869 = vector.broadcast %add3A_868 : i32 to vector<16xi32>
        %add3A_870 = arith.addi %iota3A, %add3A_869 : vector<16xi32>
        %gather3A_871 = tpu.vector_load_idx %arg8[%broadcast_in_dim3A, %broadcast_in_dim3A_426, %broadcast_in_dim3A_856, %add3A_870] : memref<3x4x72x128xf32, #tpu.memory_space<vmem>>[vector<16xi32>, vector<16xi32>, vector<16xi32>, vector<16xi32>], vector<16xf32>,
        %mul3A_872 = arith.mulf %gather3A_871, %gather3A_459 : vector<16xf32>
        %add3A_873 = arith.addf %add3A_867, %mul3A_872 : vector<16xf32>
        %add3A_874 = arith.constant 48 : i32
        %add3A_875 = vector.broadcast %add3A_874 : i32 to vector<16xi32>
        %add3A_876 = arith.addi %iota3A, %add3A_875 : vector<16xi32>
        %gather3A_877 = tpu.vector_load_idx %arg8[%broadcast_in_dim3A, %broadcast_in_dim3A_426, %broadcast_in_dim3A_856, %add3A_876] : memref<3x4x72x128xf32, #tpu.memory_space<vmem>>[vector<16xi32>, vector<16xi32>, vector<16xi32>, vector<16xi32>], vector<16xf32>,
        %mul3A_878 = arith.mulf %gather3A_877, %gather3A_470 : vector<16xf32>
        %add3A_879 = arith.addf %add3A_873, %mul3A_878 : vector<16xf32>
        %eq3A_880 = arith.constant 0 : i32
        %eq3A_881 = vector.broadcast %eq3A_880 : i32 to vector<16xi32>
        %eq3A_882 = arith.cmpi eq, %iota3A, %eq3A_881 : vector<16xi32>
        %jit3A_883 = arith.constant 1.000000e+00 : f32
        %jit3A_884 = arith.constant 0.000000e+00 : f32
        %broadcast_in_dim3A_885 = vector.broadcast %jit3A_883 : f32 to vector<16xf32>
        %broadcast_in_dim3A_886 = vector.broadcast %jit3A_884 : f32 to vector<16xf32>
        %select_n3A_887 = arith.select %eq3A_882, %broadcast_in_dim3A_885, %broadcast_in_dim3A_886 : vector<16xi1>, vector<16xf32>
        %reduce_sum3A_888 = arith.constant true
        %reduce_sum3A_889 = vector.broadcast %reduce_sum3A_888 : i1 to vector<16xi1>
        %reduce_sum3A_890 = tpu.scan <sum>, %add3A_879 masked %reduce_sum3A_889 : vector<16xf32>, vector<16xi1> -> vector<16xf32>
        %reduce_sum3A_891 = vector.extract %reduce_sum3A_890[15] : f32 from vector<16xf32>
        %mul3A_892 = vector.broadcast %reduce_sum3A_891 : f32 to vector<16xf32>
        %mul3A_893 = arith.mulf %mul3A_892, %select_n3A_887 : vector<16xf32>
        %add3A_894 = arith.addf %broadcast_in_dim3A_849, %mul3A_893 : vector<16xf32>
        %add3A_895 = arith.constant 1 : i32
        %add3A_896 = arith.addi %add3A_853, %add3A_895 : i32
        %broadcast_in_dim3A_897 = vector.broadcast %add3A_896 : i32 to vector<16xi32>
        %add3A_898 = arith.constant 0 : i32
        %add3A_899 = vector.broadcast %add3A_898 : i32 to vector<16xi32>
        %add3A_900 = arith.addi %iota3A, %add3A_899 : vector<16xi32>
        %gather3A_901 = tpu.vector_load_idx %arg8[%broadcast_in_dim3A, %broadcast_in_dim3A_426, %broadcast_in_dim3A_897, %add3A_900] : memref<3x4x72x128xf32, #tpu.memory_space<vmem>>[vector<16xi32>, vector<16xi32>, vector<16xi32>, vector<16xi32>], vector<16xf32>,
        %mul3A_902 = arith.mulf %gather3A_901, %gather3A_437 : vector<16xf32>
        %add3A_903 = arith.constant 16 : i32
        %add3A_904 = vector.broadcast %add3A_903 : i32 to vector<16xi32>
        %add3A_905 = arith.addi %iota3A, %add3A_904 : vector<16xi32>
        %gather3A_906 = tpu.vector_load_idx %arg8[%broadcast_in_dim3A, %broadcast_in_dim3A_426, %broadcast_in_dim3A_897, %add3A_905] : memref<3x4x72x128xf32, #tpu.memory_space<vmem>>[vector<16xi32>, vector<16xi32>, vector<16xi32>, vector<16xi32>], vector<16xf32>,
        %mul3A_907 = arith.mulf %gather3A_906, %gather3A_448 : vector<16xf32>
        %add3A_908 = arith.addf %mul3A_902, %mul3A_907 : vector<16xf32>
        %add3A_909 = arith.constant 32 : i32
        %add3A_910 = vector.broadcast %add3A_909 : i32 to vector<16xi32>
        %add3A_911 = arith.addi %iota3A, %add3A_910 : vector<16xi32>
        %gather3A_912 = tpu.vector_load_idx %arg8[%broadcast_in_dim3A, %broadcast_in_dim3A_426, %broadcast_in_dim3A_897, %add3A_911] : memref<3x4x72x128xf32, #tpu.memory_space<vmem>>[vector<16xi32>, vector<16xi32>, vector<16xi32>, vector<16xi32>], vector<16xf32>,
        %mul3A_913 = arith.mulf %gather3A_912, %gather3A_459 : vector<16xf32>
        %add3A_914 = arith.addf %add3A_908, %mul3A_913 : vector<16xf32>
        %add3A_915 = arith.constant 48 : i32
        %add3A_916 = vector.broadcast %add3A_915 : i32 to vector<16xi32>
        %add3A_917 = arith.addi %iota3A, %add3A_916 : vector<16xi32>
        %gather3A_918 = tpu.vector_load_idx %arg8[%broadcast_in_dim3A, %broadcast_in_dim3A_426, %broadcast_in_dim3A_897, %add3A_917] : memref<3x4x72x128xf32, #tpu.memory_space<vmem>>[vector<16xi32>, vector<16xi32>, vector<16xi32>, vector<16xi32>], vector<16xf32>,
        %mul3A_919 = arith.mulf %gather3A_918, %gather3A_470 : vector<16xf32>
        %add3A_920 = arith.addf %add3A_914, %mul3A_919 : vector<16xf32>
        %eq3A_921 = arith.constant 1 : i32
        %eq3A_922 = vector.broadcast %eq3A_921 : i32 to vector<16xi32>
        %eq3A_923 = arith.cmpi eq, %iota3A, %eq3A_922 : vector<16xi32>
        %jit3A_924 = arith.constant 1.000000e+00 : f32
        %jit3A_925 = arith.constant 0.000000e+00 : f32
        %broadcast_in_dim3A_926 = vector.broadcast %jit3A_924 : f32 to vector<16xf32>
        %broadcast_in_dim3A_927 = vector.broadcast %jit3A_925 : f32 to vector<16xf32>
        %select_n3A_928 = arith.select %eq3A_923, %broadcast_in_dim3A_926, %broadcast_in_dim3A_927 : vector<16xi1>, vector<16xf32>
        %reduce_sum3A_929 = arith.constant true
        %reduce_sum3A_930 = vector.broadcast %reduce_sum3A_929 : i1 to vector<16xi1>
        %reduce_sum3A_931 = tpu.scan <sum>, %add3A_920 masked %reduce_sum3A_930 : vector<16xf32>, vector<16xi1> -> vector<16xf32>
        %reduce_sum3A_932 = vector.extract %reduce_sum3A_931[15] : f32 from vector<16xf32>
        %mul3A_933 = vector.broadcast %reduce_sum3A_932 : f32 to vector<16xf32>
        %mul3A_934 = arith.mulf %mul3A_933, %select_n3A_928 : vector<16xf32>
        %add3A_935 = arith.addf %add3A_894, %mul3A_934 : vector<16xf32>
        %add3A_936 = arith.constant 2 : i32
        %add3A_937 = arith.addi %add3A_853, %add3A_936 : i32
        %broadcast_in_dim3A_938 = vector.broadcast %add3A_937 : i32 to vector<16xi32>
        %add3A_939 = arith.constant 0 : i32
        %add3A_940 = vector.broadcast %add3A_939 : i32 to vector<16xi32>
        %add3A_941 = arith.addi %iota3A, %add3A_940 : vector<16xi32>
        %gather3A_942 = tpu.vector_load_idx %arg8[%broadcast_in_dim3A, %broadcast_in_dim3A_426, %broadcast_in_dim3A_938, %add3A_941] : memref<3x4x72x128xf32, #tpu.memory_space<vmem>>[vector<16xi32>, vector<16xi32>, vector<16xi32>, vector<16xi32>], vector<16xf32>,
        %mul3A_943 = arith.mulf %gather3A_942, %gather3A_437 : vector<16xf32>
        %add3A_944 = arith.constant 16 : i32
        %add3A_945 = vector.broadcast %add3A_944 : i32 to vector<16xi32>
        %add3A_946 = arith.addi %iota3A, %add3A_945 : vector<16xi32>
        %gather3A_947 = tpu.vector_load_idx %arg8[%broadcast_in_dim3A, %broadcast_in_dim3A_426, %broadcast_in_dim3A_938, %add3A_946] : memref<3x4x72x128xf32, #tpu.memory_space<vmem>>[vector<16xi32>, vector<16xi32>, vector<16xi32>, vector<16xi32>], vector<16xf32>,
        %mul3A_948 = arith.mulf %gather3A_947, %gather3A_448 : vector<16xf32>
        %add3A_949 = arith.addf %mul3A_943, %mul3A_948 : vector<16xf32>
        %add3A_950 = arith.constant 32 : i32
        %add3A_951 = vector.broadcast %add3A_950 : i32 to vector<16xi32>
        %add3A_952 = arith.addi %iota3A, %add3A_951 : vector<16xi32>
        %gather3A_953 = tpu.vector_load_idx %arg8[%broadcast_in_dim3A, %broadcast_in_dim3A_426, %broadcast_in_dim3A_938, %add3A_952] : memref<3x4x72x128xf32, #tpu.memory_space<vmem>>[vector<16xi32>, vector<16xi32>, vector<16xi32>, vector<16xi32>], vector<16xf32>,
        %mul3A_954 = arith.mulf %gather3A_953, %gather3A_459 : vector<16xf32>
        %add3A_955 = arith.addf %add3A_949, %mul3A_954 : vector<16xf32>
        %add3A_956 = arith.constant 48 : i32
        %add3A_957 = vector.broadcast %add3A_956 : i32 to vector<16xi32>
        %add3A_958 = arith.addi %iota3A, %add3A_957 : vector<16xi32>
        %gather3A_959 = tpu.vector_load_idx %arg8[%broadcast_in_dim3A, %broadcast_in_dim3A_426, %broadcast_in_dim3A_938, %add3A_958] : memref<3x4x72x128xf32, #tpu.memory_space<vmem>>[vector<16xi32>, vector<16xi32>, vector<16xi32>, vector<16xi32>], vector<16xf32>,
        %mul3A_960 = arith.mulf %gather3A_959, %gather3A_470 : vector<16xf32>
        %add3A_961 = arith.addf %add3A_955, %mul3A_960 : vector<16xf32>
        %eq3A_962 = arith.constant 2 : i32
        %eq3A_963 = vector.broadcast %eq3A_962 : i32 to vector<16xi32>
        %eq3A_964 = arith.cmpi eq, %iota3A, %eq3A_963 : vector<16xi32>
        %jit3A_965 = arith.constant 1.000000e+00 : f32
        %jit3A_966 = arith.constant 0.000000e+00 : f32
        %broadcast_in_dim3A_967 = vector.broadcast %jit3A_965 : f32 to vector<16xf32>
        %broadcast_in_dim3A_968 = vector.broadcast %jit3A_966 : f32 to vector<16xf32>
        %select_n3A_969 = arith.select %eq3A_964, %broadcast_in_dim3A_967, %broadcast_in_dim3A_968 : vector<16xi1>, vector<16xf32>
        %reduce_sum3A_970 = arith.constant true
        %reduce_sum3A_971 = vector.broadcast %reduce_sum3A_970 : i1 to vector<16xi1>
        %reduce_sum3A_972 = tpu.scan <sum>, %add3A_961 masked %reduce_sum3A_971 : vector<16xf32>, vector<16xi1> -> vector<16xf32>
        %reduce_sum3A_973 = vector.extract %reduce_sum3A_972[15] : f32 from vector<16xf32>
        %mul3A_974 = vector.broadcast %reduce_sum3A_973 : f32 to vector<16xf32>
        %mul3A_975 = arith.mulf %mul3A_974, %select_n3A_969 : vector<16xf32>
        %add3A_976 = arith.addf %add3A_935, %mul3A_975 : vector<16xf32>
        %add3A_977 = arith.constant 3 : i32
        %add3A_978 = arith.addi %add3A_853, %add3A_977 : i32
        %broadcast_in_dim3A_979 = vector.broadcast %add3A_978 : i32 to vector<16xi32>
        %add3A_980 = arith.constant 0 : i32
        %add3A_981 = vector.broadcast %add3A_980 : i32 to vector<16xi32>
        %add3A_982 = arith.addi %iota3A, %add3A_981 : vector<16xi32>
        %gather3A_983 = tpu.vector_load_idx %arg8[%broadcast_in_dim3A, %broadcast_in_dim3A_426, %broadcast_in_dim3A_979, %add3A_982] : memref<3x4x72x128xf32, #tpu.memory_space<vmem>>[vector<16xi32>, vector<16xi32>, vector<16xi32>, vector<16xi32>], vector<16xf32>,
        %mul3A_984 = arith.mulf %gather3A_983, %gather3A_437 : vector<16xf32>
        %add3A_985 = arith.constant 16 : i32
        %add3A_986 = vector.broadcast %add3A_985 : i32 to vector<16xi32>
        %add3A_987 = arith.addi %iota3A, %add3A_986 : vector<16xi32>
        %gather3A_988 = tpu.vector_load_idx %arg8[%broadcast_in_dim3A, %broadcast_in_dim3A_426, %broadcast_in_dim3A_979, %add3A_987] : memref<3x4x72x128xf32, #tpu.memory_space<vmem>>[vector<16xi32>, vector<16xi32>, vector<16xi32>, vector<16xi32>], vector<16xf32>,
        %mul3A_989 = arith.mulf %gather3A_988, %gather3A_448 : vector<16xf32>
        %add3A_990 = arith.addf %mul3A_984, %mul3A_989 : vector<16xf32>
        %add3A_991 = arith.constant 32 : i32
        %add3A_992 = vector.broadcast %add3A_991 : i32 to vector<16xi32>
        %add3A_993 = arith.addi %iota3A, %add3A_992 : vector<16xi32>
        %gather3A_994 = tpu.vector_load_idx %arg8[%broadcast_in_dim3A, %broadcast_in_dim3A_426, %broadcast_in_dim3A_979, %add3A_993] : memref<3x4x72x128xf32, #tpu.memory_space<vmem>>[vector<16xi32>, vector<16xi32>, vector<16xi32>, vector<16xi32>], vector<16xf32>,
        %mul3A_995 = arith.mulf %gather3A_994, %gather3A_459 : vector<16xf32>
        %add3A_996 = arith.addf %add3A_990, %mul3A_995 : vector<16xf32>
        %add3A_997 = arith.constant 48 : i32
        %add3A_998 = vector.broadcast %add3A_997 : i32 to vector<16xi32>
        %add3A_999 = arith.addi %iota3A, %add3A_998 : vector<16xi32>
        %gather3A_1000 = tpu.vector_load_idx %arg8[%broadcast_in_dim3A, %broadcast_in_dim3A_426, %broadcast_in_dim3A_979, %add3A_999] : memref<3x4x72x128xf32, #tpu.memory_space<vmem>>[vector<16xi32>, vector<16xi32>, vector<16xi32>, vector<16xi32>], vector<16xf32>,
        %mul3A_1001 = arith.mulf %gather3A_1000, %gather3A_470 : vector<16xf32>
        %add3A_1002 = arith.addf %add3A_996, %mul3A_1001 : vector<16xf32>
        %eq3A_1003 = arith.constant 3 : i32
        %eq3A_1004 = vector.broadcast %eq3A_1003 : i32 to vector<16xi32>
        %eq3A_1005 = arith.cmpi eq, %iota3A, %eq3A_1004 : vector<16xi32>
        %jit3A_1006 = arith.constant 1.000000e+00 : f32
        %jit3A_1007 = arith.constant 0.000000e+00 : f32
        %broadcast_in_dim3A_1008 = vector.broadcast %jit3A_1006 : f32 to vector<16xf32>
        %broadcast_in_dim3A_1009 = vector.broadcast %jit3A_1007 : f32 to vector<16xf32>
        %select_n3A_1010 = arith.select %eq3A_1005, %broadcast_in_dim3A_1008, %broadcast_in_dim3A_1009 : vector<16xi1>, vector<16xf32>
        %reduce_sum3A_1011 = arith.constant true
        %reduce_sum3A_1012 = vector.broadcast %reduce_sum3A_1011 : i1 to vector<16xi1>
        %reduce_sum3A_1013 = tpu.scan <sum>, %add3A_1002 masked %reduce_sum3A_1012 : vector<16xf32>, vector<16xi1> -> vector<16xf32>
        %reduce_sum3A_1014 = vector.extract %reduce_sum3A_1013[15] : f32 from vector<16xf32>
        %mul3A_1015 = vector.broadcast %reduce_sum3A_1014 : f32 to vector<16xf32>
        %mul3A_1016 = arith.mulf %mul3A_1015, %select_n3A_1010 : vector<16xf32>
        %add3A_1017 = arith.addf %add3A_976, %mul3A_1016 : vector<16xf32>
        %add3A_1018 = arith.constant 4 : i32
        %add3A_1019 = arith.addi %add3A_853, %add3A_1018 : i32
        %broadcast_in_dim3A_1020 = vector.broadcast %add3A_1019 : i32 to vector<16xi32>
        %add3A_1021 = arith.constant 0 : i32
        %add3A_1022 = vector.broadcast %add3A_1021 : i32 to vector<16xi32>
        %add3A_1023 = arith.addi %iota3A, %add3A_1022 : vector<16xi32>
        %gather3A_1024 = tpu.vector_load_idx %arg8[%broadcast_in_dim3A, %broadcast_in_dim3A_426, %broadcast_in_dim3A_1020, %add3A_1023] : memref<3x4x72x128xf32, #tpu.memory_space<vmem>>[vector<16xi32>, vector<16xi32>, vector<16xi32>, vector<16xi32>], vector<16xf32>,
        %mul3A_1025 = arith.mulf %gather3A_1024, %gather3A_437 : vector<16xf32>
        %add3A_1026 = arith.constant 16 : i32
        %add3A_1027 = vector.broadcast %add3A_1026 : i32 to vector<16xi32>
        %add3A_1028 = arith.addi %iota3A, %add3A_1027 : vector<16xi32>
        %gather3A_1029 = tpu.vector_load_idx %arg8[%broadcast_in_dim3A, %broadcast_in_dim3A_426, %broadcast_in_dim3A_1020, %add3A_1028] : memref<3x4x72x128xf32, #tpu.memory_space<vmem>>[vector<16xi32>, vector<16xi32>, vector<16xi32>, vector<16xi32>], vector<16xf32>,
        %mul3A_1030 = arith.mulf %gather3A_1029, %gather3A_448 : vector<16xf32>
        %add3A_1031 = arith.addf %mul3A_1025, %mul3A_1030 : vector<16xf32>
        %add3A_1032 = arith.constant 32 : i32
        %add3A_1033 = vector.broadcast %add3A_1032 : i32 to vector<16xi32>
        %add3A_1034 = arith.addi %iota3A, %add3A_1033 : vector<16xi32>
        %gather3A_1035 = tpu.vector_load_idx %arg8[%broadcast_in_dim3A, %broadcast_in_dim3A_426, %broadcast_in_dim3A_1020, %add3A_1034] : memref<3x4x72x128xf32, #tpu.memory_space<vmem>>[vector<16xi32>, vector<16xi32>, vector<16xi32>, vector<16xi32>], vector<16xf32>,
        %mul3A_1036 = arith.mulf %gather3A_1035, %gather3A_459 : vector<16xf32>
        %add3A_1037 = arith.addf %add3A_1031, %mul3A_1036 : vector<16xf32>
        %add3A_1038 = arith.constant 48 : i32
        %add3A_1039 = vector.broadcast %add3A_1038 : i32 to vector<16xi32>
        %add3A_1040 = arith.addi %iota3A, %add3A_1039 : vector<16xi32>
        %gather3A_1041 = tpu.vector_load_idx %arg8[%broadcast_in_dim3A, %broadcast_in_dim3A_426, %broadcast_in_dim3A_1020, %add3A_1040] : memref<3x4x72x128xf32, #tpu.memory_space<vmem>>[vector<16xi32>, vector<16xi32>, vector<16xi32>, vector<16xi32>], vector<16xf32>,
        %mul3A_1042 = arith.mulf %gather3A_1041, %gather3A_470 : vector<16xf32>
        %add3A_1043 = arith.addf %add3A_1037, %mul3A_1042 : vector<16xf32>
        %eq3A_1044 = arith.constant 4 : i32
        %eq3A_1045 = vector.broadcast %eq3A_1044 : i32 to vector<16xi32>
        %eq3A_1046 = arith.cmpi eq, %iota3A, %eq3A_1045 : vector<16xi32>
        %jit3A_1047 = arith.constant 1.000000e+00 : f32
        %jit3A_1048 = arith.constant 0.000000e+00 : f32
        %broadcast_in_dim3A_1049 = vector.broadcast %jit3A_1047 : f32 to vector<16xf32>
        %broadcast_in_dim3A_1050 = vector.broadcast %jit3A_1048 : f32 to vector<16xf32>
        %select_n3A_1051 = arith.select %eq3A_1046, %broadcast_in_dim3A_1049, %broadcast_in_dim3A_1050 : vector<16xi1>, vector<16xf32>
        %reduce_sum3A_1052 = arith.constant true
        %reduce_sum3A_1053 = vector.broadcast %reduce_sum3A_1052 : i1 to vector<16xi1>
        %reduce_sum3A_1054 = tpu.scan <sum>, %add3A_1043 masked %reduce_sum3A_1053 : vector<16xf32>, vector<16xi1> -> vector<16xf32>
        %reduce_sum3A_1055 = vector.extract %reduce_sum3A_1054[15] : f32 from vector<16xf32>
        %mul3A_1056 = vector.broadcast %reduce_sum3A_1055 : f32 to vector<16xf32>
        %mul3A_1057 = arith.mulf %mul3A_1056, %select_n3A_1051 : vector<16xf32>
        %add3A_1058 = arith.addf %add3A_1017, %mul3A_1057 : vector<16xf32>
        %add3A_1059 = arith.constant 5 : i32
        %add3A_1060 = arith.addi %add3A_853, %add3A_1059 : i32
        %broadcast_in_dim3A_1061 = vector.broadcast %add3A_1060 : i32 to vector<16xi32>
        %add3A_1062 = arith.constant 0 : i32
        %add3A_1063 = vector.broadcast %add3A_1062 : i32 to vector<16xi32>
        %add3A_1064 = arith.addi %iota3A, %add3A_1063 : vector<16xi32>
        %gather3A_1065 = tpu.vector_load_idx %arg8[%broadcast_in_dim3A, %broadcast_in_dim3A_426, %broadcast_in_dim3A_1061, %add3A_1064] : memref<3x4x72x128xf32, #tpu.memory_space<vmem>>[vector<16xi32>, vector<16xi32>, vector<16xi32>, vector<16xi32>], vector<16xf32>,
        %mul3A_1066 = arith.mulf %gather3A_1065, %gather3A_437 : vector<16xf32>
        %add3A_1067 = arith.constant 16 : i32
        %add3A_1068 = vector.broadcast %add3A_1067 : i32 to vector<16xi32>
        %add3A_1069 = arith.addi %iota3A, %add3A_1068 : vector<16xi32>
        %gather3A_1070 = tpu.vector_load_idx %arg8[%broadcast_in_dim3A, %broadcast_in_dim3A_426, %broadcast_in_dim3A_1061, %add3A_1069] : memref<3x4x72x128xf32, #tpu.memory_space<vmem>>[vector<16xi32>, vector<16xi32>, vector<16xi32>, vector<16xi32>], vector<16xf32>,
        %mul3A_1071 = arith.mulf %gather3A_1070, %gather3A_448 : vector<16xf32>
        %add3A_1072 = arith.addf %mul3A_1066, %mul3A_1071 : vector<16xf32>
        %add3A_1073 = arith.constant 32 : i32
        %add3A_1074 = vector.broadcast %add3A_1073 : i32 to vector<16xi32>
        %add3A_1075 = arith.addi %iota3A, %add3A_1074 : vector<16xi32>
        %gather3A_1076 = tpu.vector_load_idx %arg8[%broadcast_in_dim3A, %broadcast_in_dim3A_426, %broadcast_in_dim3A_1061, %add3A_1075] : memref<3x4x72x128xf32, #tpu.memory_space<vmem>>[vector<16xi32>, vector<16xi32>, vector<16xi32>, vector<16xi32>], vector<16xf32>,
        %mul3A_1077 = arith.mulf %gather3A_1076, %gather3A_459 : vector<16xf32>
        %add3A_1078 = arith.addf %add3A_1072, %mul3A_1077 : vector<16xf32>
        %add3A_1079 = arith.constant 48 : i32
        %add3A_1080 = vector.broadcast %add3A_1079 : i32 to vector<16xi32>
        %add3A_1081 = arith.addi %iota3A, %add3A_1080 : vector<16xi32>
        %gather3A_1082 = tpu.vector_load_idx %arg8[%broadcast_in_dim3A, %broadcast_in_dim3A_426, %broadcast_in_dim3A_1061, %add3A_1081] : memref<3x4x72x128xf32, #tpu.memory_space<vmem>>[vector<16xi32>, vector<16xi32>, vector<16xi32>, vector<16xi32>], vector<16xf32>,
        %mul3A_1083 = arith.mulf %gather3A_1082, %gather3A_470 : vector<16xf32>
        %add3A_1084 = arith.addf %add3A_1078, %mul3A_1083 : vector<16xf32>
        %eq3A_1085 = arith.constant 5 : i32
        %eq3A_1086 = vector.broadcast %eq3A_1085 : i32 to vector<16xi32>
        %eq3A_1087 = arith.cmpi eq, %iota3A, %eq3A_1086 : vector<16xi32>
        %jit3A_1088 = arith.constant 1.000000e+00 : f32
        %jit3A_1089 = arith.constant 0.000000e+00 : f32
        %broadcast_in_dim3A_1090 = vector.broadcast %jit3A_1088 : f32 to vector<16xf32>
        %broadcast_in_dim3A_1091 = vector.broadcast %jit3A_1089 : f32 to vector<16xf32>
        %select_n3A_1092 = arith.select %eq3A_1087, %broadcast_in_dim3A_1090, %broadcast_in_dim3A_1091 : vector<16xi1>, vector<16xf32>
        %reduce_sum3A_1093 = arith.constant true
        %reduce_sum3A_1094 = vector.broadcast %reduce_sum3A_1093 : i1 to vector<16xi1>
        %reduce_sum3A_1095 = tpu.scan <sum>, %add3A_1084 masked %reduce_sum3A_1094 : vector<16xf32>, vector<16xi1> -> vector<16xf32>
        %reduce_sum3A_1096 = vector.extract %reduce_sum3A_1095[15] : f32 from vector<16xf32>
        %mul3A_1097 = vector.broadcast %reduce_sum3A_1096 : f32 to vector<16xf32>
        %mul3A_1098 = arith.mulf %mul3A_1097, %select_n3A_1092 : vector<16xf32>
        %add3A_1099 = arith.addf %add3A_1058, %mul3A_1098 : vector<16xf32>
        %add3A_1100 = arith.constant 6 : i32
        %add3A_1101 = arith.addi %add3A_853, %add3A_1100 : i32
        %broadcast_in_dim3A_1102 = vector.broadcast %add3A_1101 : i32 to vector<16xi32>
        %add3A_1103 = arith.constant 0 : i32
        %add3A_1104 = vector.broadcast %add3A_1103 : i32 to vector<16xi32>
        %add3A_1105 = arith.addi %iota3A, %add3A_1104 : vector<16xi32>
        %gather3A_1106 = tpu.vector_load_idx %arg8[%broadcast_in_dim3A, %broadcast_in_dim3A_426, %broadcast_in_dim3A_1102, %add3A_1105] : memref<3x4x72x128xf32, #tpu.memory_space<vmem>>[vector<16xi32>, vector<16xi32>, vector<16xi32>, vector<16xi32>], vector<16xf32>,
        %mul3A_1107 = arith.mulf %gather3A_1106, %gather3A_437 : vector<16xf32>
        %add3A_1108 = arith.constant 16 : i32
        %add3A_1109 = vector.broadcast %add3A_1108 : i32 to vector<16xi32>
        %add3A_1110 = arith.addi %iota3A, %add3A_1109 : vector<16xi32>
        %gather3A_1111 = tpu.vector_load_idx %arg8[%broadcast_in_dim3A, %broadcast_in_dim3A_426, %broadcast_in_dim3A_1102, %add3A_1110] : memref<3x4x72x128xf32, #tpu.memory_space<vmem>>[vector<16xi32>, vector<16xi32>, vector<16xi32>, vector<16xi32>], vector<16xf32>,
        %mul3A_1112 = arith.mulf %gather3A_1111, %gather3A_448 : vector<16xf32>
        %add3A_1113 = arith.addf %mul3A_1107, %mul3A_1112 : vector<16xf32>
        %add3A_1114 = arith.constant 32 : i32
        %add3A_1115 = vector.broadcast %add3A_1114 : i32 to vector<16xi32>
        %add3A_1116 = arith.addi %iota3A, %add3A_1115 : vector<16xi32>
        %gather3A_1117 = tpu.vector_load_idx %arg8[%broadcast_in_dim3A, %broadcast_in_dim3A_426, %broadcast_in_dim3A_1102, %add3A_1116] : memref<3x4x72x128xf32, #tpu.memory_space<vmem>>[vector<16xi32>, vector<16xi32>, vector<16xi32>, vector<16xi32>], vector<16xf32>,
        %mul3A_1118 = arith.mulf %gather3A_1117, %gather3A_459 : vector<16xf32>
        %add3A_1119 = arith.addf %add3A_1113, %mul3A_1118 : vector<16xf32>
        %add3A_1120 = arith.constant 48 : i32
        %add3A_1121 = vector.broadcast %add3A_1120 : i32 to vector<16xi32>
        %add3A_1122 = arith.addi %iota3A, %add3A_1121 : vector<16xi32>
        %gather3A_1123 = tpu.vector_load_idx %arg8[%broadcast_in_dim3A, %broadcast_in_dim3A_426, %broadcast_in_dim3A_1102, %add3A_1122] : memref<3x4x72x128xf32, #tpu.memory_space<vmem>>[vector<16xi32>, vector<16xi32>, vector<16xi32>, vector<16xi32>], vector<16xf32>,
        %mul3A_1124 = arith.mulf %gather3A_1123, %gather3A_470 : vector<16xf32>
        %add3A_1125 = arith.addf %add3A_1119, %mul3A_1124 : vector<16xf32>
        %eq3A_1126 = arith.constant 6 : i32
        %eq3A_1127 = vector.broadcast %eq3A_1126 : i32 to vector<16xi32>
        %eq3A_1128 = arith.cmpi eq, %iota3A, %eq3A_1127 : vector<16xi32>
        %jit3A_1129 = arith.constant 1.000000e+00 : f32
        %jit3A_1130 = arith.constant 0.000000e+00 : f32
        %broadcast_in_dim3A_1131 = vector.broadcast %jit3A_1129 : f32 to vector<16xf32>
        %broadcast_in_dim3A_1132 = vector.broadcast %jit3A_1130 : f32 to vector<16xf32>
        %select_n3A_1133 = arith.select %eq3A_1128, %broadcast_in_dim3A_1131, %broadcast_in_dim3A_1132 : vector<16xi1>, vector<16xf32>
        %reduce_sum3A_1134 = arith.constant true
        %reduce_sum3A_1135 = vector.broadcast %reduce_sum3A_1134 : i1 to vector<16xi1>
        %reduce_sum3A_1136 = tpu.scan <sum>, %add3A_1125 masked %reduce_sum3A_1135 : vector<16xf32>, vector<16xi1> -> vector<16xf32>
        %reduce_sum3A_1137 = vector.extract %reduce_sum3A_1136[15] : f32 from vector<16xf32>
        %mul3A_1138 = vector.broadcast %reduce_sum3A_1137 : f32 to vector<16xf32>
        %mul3A_1139 = arith.mulf %mul3A_1138, %select_n3A_1133 : vector<16xf32>
        %add3A_1140 = arith.addf %add3A_1099, %mul3A_1139 : vector<16xf32>
        %add3A_1141 = arith.constant 7 : i32
        %add3A_1142 = arith.addi %add3A_853, %add3A_1141 : i32
        %broadcast_in_dim3A_1143 = vector.broadcast %add3A_1142 : i32 to vector<16xi32>
        %add3A_1144 = arith.constant 0 : i32
        %add3A_1145 = vector.broadcast %add3A_1144 : i32 to vector<16xi32>
        %add3A_1146 = arith.addi %iota3A, %add3A_1145 : vector<16xi32>
        %gather3A_1147 = tpu.vector_load_idx %arg8[%broadcast_in_dim3A, %broadcast_in_dim3A_426, %broadcast_in_dim3A_1143, %add3A_1146] : memref<3x4x72x128xf32, #tpu.memory_space<vmem>>[vector<16xi32>, vector<16xi32>, vector<16xi32>, vector<16xi32>], vector<16xf32>,
        %mul3A_1148 = arith.mulf %gather3A_1147, %gather3A_437 : vector<16xf32>
        %add3A_1149 = arith.constant 16 : i32
        %add3A_1150 = vector.broadcast %add3A_1149 : i32 to vector<16xi32>
        %add3A_1151 = arith.addi %iota3A, %add3A_1150 : vector<16xi32>
        %gather3A_1152 = tpu.vector_load_idx %arg8[%broadcast_in_dim3A, %broadcast_in_dim3A_426, %broadcast_in_dim3A_1143, %add3A_1151] : memref<3x4x72x128xf32, #tpu.memory_space<vmem>>[vector<16xi32>, vector<16xi32>, vector<16xi32>, vector<16xi32>], vector<16xf32>,
        %mul3A_1153 = arith.mulf %gather3A_1152, %gather3A_448 : vector<16xf32>
        %add3A_1154 = arith.addf %mul3A_1148, %mul3A_1153 : vector<16xf32>
        %add3A_1155 = arith.constant 32 : i32
        %add3A_1156 = vector.broadcast %add3A_1155 : i32 to vector<16xi32>
        %add3A_1157 = arith.addi %iota3A, %add3A_1156 : vector<16xi32>
        %gather3A_1158 = tpu.vector_load_idx %arg8[%broadcast_in_dim3A, %broadcast_in_dim3A_426, %broadcast_in_dim3A_1143, %add3A_1157] : memref<3x4x72x128xf32, #tpu.memory_space<vmem>>[vector<16xi32>, vector<16xi32>, vector<16xi32>, vector<16xi32>], vector<16xf32>,
        %mul3A_1159 = arith.mulf %gather3A_1158, %gather3A_459 : vector<16xf32>
        %add3A_1160 = arith.addf %add3A_1154, %mul3A_1159 : vector<16xf32>
        %add3A_1161 = arith.constant 48 : i32
        %add3A_1162 = vector.broadcast %add3A_1161 : i32 to vector<16xi32>
        %add3A_1163 = arith.addi %iota3A, %add3A_1162 : vector<16xi32>
        %gather3A_1164 = tpu.vector_load_idx %arg8[%broadcast_in_dim3A, %broadcast_in_dim3A_426, %broadcast_in_dim3A_1143, %add3A_1163] : memref<3x4x72x128xf32, #tpu.memory_space<vmem>>[vector<16xi32>, vector<16xi32>, vector<16xi32>, vector<16xi32>], vector<16xf32>,
        %mul3A_1165 = arith.mulf %gather3A_1164, %gather3A_470 : vector<16xf32>
        %add3A_1166 = arith.addf %add3A_1160, %mul3A_1165 : vector<16xf32>
        %eq3A_1167 = arith.constant 7 : i32
        %eq3A_1168 = vector.broadcast %eq3A_1167 : i32 to vector<16xi32>
        %eq3A_1169 = arith.cmpi eq, %iota3A, %eq3A_1168 : vector<16xi32>
        %jit3A_1170 = arith.constant 1.000000e+00 : f32
        %jit3A_1171 = arith.constant 0.000000e+00 : f32
        %broadcast_in_dim3A_1172 = vector.broadcast %jit3A_1170 : f32 to vector<16xf32>
        %broadcast_in_dim3A_1173 = vector.broadcast %jit3A_1171 : f32 to vector<16xf32>
        %select_n3A_1174 = arith.select %eq3A_1169, %broadcast_in_dim3A_1172, %broadcast_in_dim3A_1173 : vector<16xi1>, vector<16xf32>
        %reduce_sum3A_1175 = arith.constant true
        %reduce_sum3A_1176 = vector.broadcast %reduce_sum3A_1175 : i1 to vector<16xi1>
        %reduce_sum3A_1177 = tpu.scan <sum>, %add3A_1166 masked %reduce_sum3A_1176 : vector<16xf32>, vector<16xi1> -> vector<16xf32>
        %reduce_sum3A_1178 = vector.extract %reduce_sum3A_1177[15] : f32 from vector<16xf32>
        %mul3A_1179 = vector.broadcast %reduce_sum3A_1178 : f32 to vector<16xf32>
        %mul3A_1180 = arith.mulf %mul3A_1179, %select_n3A_1174 : vector<16xf32>
        %add3A_1181 = arith.addf %add3A_1140, %mul3A_1180 : vector<16xf32>
        %add3A_1182 = arith.constant 8 : i32
        %add3A_1183 = arith.addi %add3A_853, %add3A_1182 : i32
        %broadcast_in_dim3A_1184 = vector.broadcast %add3A_1183 : i32 to vector<16xi32>
        %add3A_1185 = arith.constant 0 : i32
        %add3A_1186 = vector.broadcast %add3A_1185 : i32 to vector<16xi32>
        %add3A_1187 = arith.addi %iota3A, %add3A_1186 : vector<16xi32>
        %gather3A_1188 = tpu.vector_load_idx %arg8[%broadcast_in_dim3A, %broadcast_in_dim3A_426, %broadcast_in_dim3A_1184, %add3A_1187] : memref<3x4x72x128xf32, #tpu.memory_space<vmem>>[vector<16xi32>, vector<16xi32>, vector<16xi32>, vector<16xi32>], vector<16xf32>,
        %mul3A_1189 = arith.mulf %gather3A_1188, %gather3A_437 : vector<16xf32>
        %add3A_1190 = arith.constant 16 : i32
        %add3A_1191 = vector.broadcast %add3A_1190 : i32 to vector<16xi32>
        %add3A_1192 = arith.addi %iota3A, %add3A_1191 : vector<16xi32>
        %gather3A_1193 = tpu.vector_load_idx %arg8[%broadcast_in_dim3A, %broadcast_in_dim3A_426, %broadcast_in_dim3A_1184, %add3A_1192] : memref<3x4x72x128xf32, #tpu.memory_space<vmem>>[vector<16xi32>, vector<16xi32>, vector<16xi32>, vector<16xi32>], vector<16xf32>,
        %mul3A_1194 = arith.mulf %gather3A_1193, %gather3A_448 : vector<16xf32>
        %add3A_1195 = arith.addf %mul3A_1189, %mul3A_1194 : vector<16xf32>
        %add3A_1196 = arith.constant 32 : i32
        %add3A_1197 = vector.broadcast %add3A_1196 : i32 to vector<16xi32>
        %add3A_1198 = arith.addi %iota3A, %add3A_1197 : vector<16xi32>
        %gather3A_1199 = tpu.vector_load_idx %arg8[%broadcast_in_dim3A, %broadcast_in_dim3A_426, %broadcast_in_dim3A_1184, %add3A_1198] : memref<3x4x72x128xf32, #tpu.memory_space<vmem>>[vector<16xi32>, vector<16xi32>, vector<16xi32>, vector<16xi32>], vector<16xf32>,
        %mul3A_1200 = arith.mulf %gather3A_1199, %gather3A_459 : vector<16xf32>
        %add3A_1201 = arith.addf %add3A_1195, %mul3A_1200 : vector<16xf32>
        %add3A_1202 = arith.constant 48 : i32
        %add3A_1203 = vector.broadcast %add3A_1202 : i32 to vector<16xi32>
        %add3A_1204 = arith.addi %iota3A, %add3A_1203 : vector<16xi32>
        %gather3A_1205 = tpu.vector_load_idx %arg8[%broadcast_in_dim3A, %broadcast_in_dim3A_426, %broadcast_in_dim3A_1184, %add3A_1204] : memref<3x4x72x128xf32, #tpu.memory_space<vmem>>[vector<16xi32>, vector<16xi32>, vector<16xi32>, vector<16xi32>], vector<16xf32>,
        %mul3A_1206 = arith.mulf %gather3A_1205, %gather3A_470 : vector<16xf32>
        %add3A_1207 = arith.addf %add3A_1201, %mul3A_1206 : vector<16xf32>
        %eq3A_1208 = arith.constant 8 : i32
        %eq3A_1209 = vector.broadcast %eq3A_1208 : i32 to vector<16xi32>
        %eq3A_1210 = arith.cmpi eq, %iota3A, %eq3A_1209 : vector<16xi32>
        %jit3A_1211 = arith.constant 1.000000e+00 : f32
        %jit3A_1212 = arith.constant 0.000000e+00 : f32
        %broadcast_in_dim3A_1213 = vector.broadcast %jit3A_1211 : f32 to vector<16xf32>
        %broadcast_in_dim3A_1214 = vector.broadcast %jit3A_1212 : f32 to vector<16xf32>
        %select_n3A_1215 = arith.select %eq3A_1210, %broadcast_in_dim3A_1213, %broadcast_in_dim3A_1214 : vector<16xi1>, vector<16xf32>
        %reduce_sum3A_1216 = arith.constant true
        %reduce_sum3A_1217 = vector.broadcast %reduce_sum3A_1216 : i1 to vector<16xi1>
        %reduce_sum3A_1218 = tpu.scan <sum>, %add3A_1207 masked %reduce_sum3A_1217 : vector<16xf32>, vector<16xi1> -> vector<16xf32>
        %reduce_sum3A_1219 = vector.extract %reduce_sum3A_1218[15] : f32 from vector<16xf32>
        %mul3A_1220 = vector.broadcast %reduce_sum3A_1219 : f32 to vector<16xf32>
        %mul3A_1221 = arith.mulf %mul3A_1220, %select_n3A_1215 : vector<16xf32>
        %add3A_1222 = arith.addf %add3A_1181, %mul3A_1221 : vector<16xf32>
        %add3A_1223 = arith.constant 9 : i32
        %add3A_1224 = arith.addi %add3A_853, %add3A_1223 : i32
        %broadcast_in_dim3A_1225 = vector.broadcast %add3A_1224 : i32 to vector<16xi32>
        %add3A_1226 = arith.constant 0 : i32
        %add3A_1227 = vector.broadcast %add3A_1226 : i32 to vector<16xi32>
        %add3A_1228 = arith.addi %iota3A, %add3A_1227 : vector<16xi32>
        %gather3A_1229 = tpu.vector_load_idx %arg8[%broadcast_in_dim3A, %broadcast_in_dim3A_426, %broadcast_in_dim3A_1225, %add3A_1228] : memref<3x4x72x128xf32, #tpu.memory_space<vmem>>[vector<16xi32>, vector<16xi32>, vector<16xi32>, vector<16xi32>], vector<16xf32>,
        %mul3A_1230 = arith.mulf %gather3A_1229, %gather3A_437 : vector<16xf32>
        %add3A_1231 = arith.constant 16 : i32
        %add3A_1232 = vector.broadcast %add3A_1231 : i32 to vector<16xi32>
        %add3A_1233 = arith.addi %iota3A, %add3A_1232 : vector<16xi32>
        %gather3A_1234 = tpu.vector_load_idx %arg8[%broadcast_in_dim3A, %broadcast_in_dim3A_426, %broadcast_in_dim3A_1225, %add3A_1233] : memref<3x4x72x128xf32, #tpu.memory_space<vmem>>[vector<16xi32>, vector<16xi32>, vector<16xi32>, vector<16xi32>], vector<16xf32>,
        %mul3A_1235 = arith.mulf %gather3A_1234, %gather3A_448 : vector<16xf32>
        %add3A_1236 = arith.addf %mul3A_1230, %mul3A_1235 : vector<16xf32>
        %add3A_1237 = arith.constant 32 : i32
        %add3A_1238 = vector.broadcast %add3A_1237 : i32 to vector<16xi32>
        %add3A_1239 = arith.addi %iota3A, %add3A_1238 : vector<16xi32>
        %gather3A_1240 = tpu.vector_load_idx %arg8[%broadcast_in_dim3A, %broadcast_in_dim3A_426, %broadcast_in_dim3A_1225, %add3A_1239] : memref<3x4x72x128xf32, #tpu.memory_space<vmem>>[vector<16xi32>, vector<16xi32>, vector<16xi32>, vector<16xi32>], vector<16xf32>,
        %mul3A_1241 = arith.mulf %gather3A_1240, %gather3A_459 : vector<16xf32>
        %add3A_1242 = arith.addf %add3A_1236, %mul3A_1241 : vector<16xf32>
        %add3A_1243 = arith.constant 48 : i32
        %add3A_1244 = vector.broadcast %add3A_1243 : i32 to vector<16xi32>
        %add3A_1245 = arith.addi %iota3A, %add3A_1244 : vector<16xi32>
        %gather3A_1246 = tpu.vector_load_idx %arg8[%broadcast_in_dim3A, %broadcast_in_dim3A_426, %broadcast_in_dim3A_1225, %add3A_1245] : memref<3x4x72x128xf32, #tpu.memory_space<vmem>>[vector<16xi32>, vector<16xi32>, vector<16xi32>, vector<16xi32>], vector<16xf32>,
        %mul3A_1247 = arith.mulf %gather3A_1246, %gather3A_470 : vector<16xf32>
        %add3A_1248 = arith.addf %add3A_1242, %mul3A_1247 : vector<16xf32>
        %eq3A_1249 = arith.constant 9 : i32
        %eq3A_1250 = vector.broadcast %eq3A_1249 : i32 to vector<16xi32>
        %eq3A_1251 = arith.cmpi eq, %iota3A, %eq3A_1250 : vector<16xi32>
        %jit3A_1252 = arith.constant 1.000000e+00 : f32
        %jit3A_1253 = arith.constant 0.000000e+00 : f32
        %broadcast_in_dim3A_1254 = vector.broadcast %jit3A_1252 : f32 to vector<16xf32>
        %broadcast_in_dim3A_1255 = vector.broadcast %jit3A_1253 : f32 to vector<16xf32>
        %select_n3A_1256 = arith.select %eq3A_1251, %broadcast_in_dim3A_1254, %broadcast_in_dim3A_1255 : vector<16xi1>, vector<16xf32>
        %reduce_sum3A_1257 = arith.constant true
        %reduce_sum3A_1258 = vector.broadcast %reduce_sum3A_1257 : i1 to vector<16xi1>
        %reduce_sum3A_1259 = tpu.scan <sum>, %add3A_1248 masked %reduce_sum3A_1258 : vector<16xf32>, vector<16xi1> -> vector<16xf32>
        %reduce_sum3A_1260 = vector.extract %reduce_sum3A_1259[15] : f32 from vector<16xf32>
        %mul3A_1261 = vector.broadcast %reduce_sum3A_1260 : f32 to vector<16xf32>
        %mul3A_1262 = arith.mulf %mul3A_1261, %select_n3A_1256 : vector<16xf32>
        %add3A_1263 = arith.addf %add3A_1222, %mul3A_1262 : vector<16xf32>
        %add3A_1264 = arith.constant 10 : i32
        %add3A_1265 = arith.addi %add3A_853, %add3A_1264 : i32
        %broadcast_in_dim3A_1266 = vector.broadcast %add3A_1265 : i32 to vector<16xi32>
        %add3A_1267 = arith.constant 0 : i32
        %add3A_1268 = vector.broadcast %add3A_1267 : i32 to vector<16xi32>
        %add3A_1269 = arith.addi %iota3A, %add3A_1268 : vector<16xi32>
        %gather3A_1270 = tpu.vector_load_idx %arg8[%broadcast_in_dim3A, %broadcast_in_dim3A_426, %broadcast_in_dim3A_1266, %add3A_1269] : memref<3x4x72x128xf32, #tpu.memory_space<vmem>>[vector<16xi32>, vector<16xi32>, vector<16xi32>, vector<16xi32>], vector<16xf32>,
        %mul3A_1271 = arith.mulf %gather3A_1270, %gather3A_437 : vector<16xf32>
        %add3A_1272 = arith.constant 16 : i32
        %add3A_1273 = vector.broadcast %add3A_1272 : i32 to vector<16xi32>
        %add3A_1274 = arith.addi %iota3A, %add3A_1273 : vector<16xi32>
        %gather3A_1275 = tpu.vector_load_idx %arg8[%broadcast_in_dim3A, %broadcast_in_dim3A_426, %broadcast_in_dim3A_1266, %add3A_1274] : memref<3x4x72x128xf32, #tpu.memory_space<vmem>>[vector<16xi32>, vector<16xi32>, vector<16xi32>, vector<16xi32>], vector<16xf32>,
        %mul3A_1276 = arith.mulf %gather3A_1275, %gather3A_448 : vector<16xf32>
        %add3A_1277 = arith.addf %mul3A_1271, %mul3A_1276 : vector<16xf32>
        %add3A_1278 = arith.constant 32 : i32
        %add3A_1279 = vector.broadcast %add3A_1278 : i32 to vector<16xi32>
        %add3A_1280 = arith.addi %iota3A, %add3A_1279 : vector<16xi32>
        %gather3A_1281 = tpu.vector_load_idx %arg8[%broadcast_in_dim3A, %broadcast_in_dim3A_426, %broadcast_in_dim3A_1266, %add3A_1280] : memref<3x4x72x128xf32, #tpu.memory_space<vmem>>[vector<16xi32>, vector<16xi32>, vector<16xi32>, vector<16xi32>], vector<16xf32>,
        %mul3A_1282 = arith.mulf %gather3A_1281, %gather3A_459 : vector<16xf32>
        %add3A_1283 = arith.addf %add3A_1277, %mul3A_1282 : vector<16xf32>
        %add3A_1284 = arith.constant 48 : i32
        %add3A_1285 = vector.broadcast %add3A_1284 : i32 to vector<16xi32>
        %add3A_1286 = arith.addi %iota3A, %add3A_1285 : vector<16xi32>
        %gather3A_1287 = tpu.vector_load_idx %arg8[%broadcast_in_dim3A, %broadcast_in_dim3A_426, %broadcast_in_dim3A_1266, %add3A_1286] : memref<3x4x72x128xf32, #tpu.memory_space<vmem>>[vector<16xi32>, vector<16xi32>, vector<16xi32>, vector<16xi32>], vector<16xf32>,
        %mul3A_1288 = arith.mulf %gather3A_1287, %gather3A_470 : vector<16xf32>
        %add3A_1289 = arith.addf %add3A_1283, %mul3A_1288 : vector<16xf32>
        %eq3A_1290 = arith.constant 10 : i32
        %eq3A_1291 = vector.broadcast %eq3A_1290 : i32 to vector<16xi32>
        %eq3A_1292 = arith.cmpi eq, %iota3A, %eq3A_1291 : vector<16xi32>
        %jit3A_1293 = arith.constant 1.000000e+00 : f32
        %jit3A_1294 = arith.constant 0.000000e+00 : f32
        %broadcast_in_dim3A_1295 = vector.broadcast %jit3A_1293 : f32 to vector<16xf32>
        %broadcast_in_dim3A_1296 = vector.broadcast %jit3A_1294 : f32 to vector<16xf32>
        %select_n3A_1297 = arith.select %eq3A_1292, %broadcast_in_dim3A_1295, %broadcast_in_dim3A_1296 : vector<16xi1>, vector<16xf32>
        %reduce_sum3A_1298 = arith.constant true
        %reduce_sum3A_1299 = vector.broadcast %reduce_sum3A_1298 : i1 to vector<16xi1>
        %reduce_sum3A_1300 = tpu.scan <sum>, %add3A_1289 masked %reduce_sum3A_1299 : vector<16xf32>, vector<16xi1> -> vector<16xf32>
        %reduce_sum3A_1301 = vector.extract %reduce_sum3A_1300[15] : f32 from vector<16xf32>
        %mul3A_1302 = vector.broadcast %reduce_sum3A_1301 : f32 to vector<16xf32>
        %mul3A_1303 = arith.mulf %mul3A_1302, %select_n3A_1297 : vector<16xf32>
        %add3A_1304 = arith.addf %add3A_1263, %mul3A_1303 : vector<16xf32>
        %add3A_1305 = arith.constant 11 : i32
        %add3A_1306 = arith.addi %add3A_853, %add3A_1305 : i32
        %broadcast_in_dim3A_1307 = vector.broadcast %add3A_1306 : i32 to vector<16xi32>
        %add3A_1308 = arith.constant 0 : i32
        %add3A_1309 = vector.broadcast %add3A_1308 : i32 to vector<16xi32>
        %add3A_1310 = arith.addi %iota3A, %add3A_1309 : vector<16xi32>
        %gather3A_1311 = tpu.vector_load_idx %arg8[%broadcast_in_dim3A, %broadcast_in_dim3A_426, %broadcast_in_dim3A_1307, %add3A_1310] : memref<3x4x72x128xf32, #tpu.memory_space<vmem>>[vector<16xi32>, vector<16xi32>, vector<16xi32>, vector<16xi32>], vector<16xf32>,
        %mul3A_1312 = arith.mulf %gather3A_1311, %gather3A_437 : vector<16xf32>
        %add3A_1313 = arith.constant 16 : i32
        %add3A_1314 = vector.broadcast %add3A_1313 : i32 to vector<16xi32>
        %add3A_1315 = arith.addi %iota3A, %add3A_1314 : vector<16xi32>
        %gather3A_1316 = tpu.vector_load_idx %arg8[%broadcast_in_dim3A, %broadcast_in_dim3A_426, %broadcast_in_dim3A_1307, %add3A_1315] : memref<3x4x72x128xf32, #tpu.memory_space<vmem>>[vector<16xi32>, vector<16xi32>, vector<16xi32>, vector<16xi32>], vector<16xf32>,
        %mul3A_1317 = arith.mulf %gather3A_1316, %gather3A_448 : vector<16xf32>
        %add3A_1318 = arith.addf %mul3A_1312, %mul3A_1317 : vector<16xf32>
        %add3A_1319 = arith.constant 32 : i32
        %add3A_1320 = vector.broadcast %add3A_1319 : i32 to vector<16xi32>
        %add3A_1321 = arith.addi %iota3A, %add3A_1320 : vector<16xi32>
        %gather3A_1322 = tpu.vector_load_idx %arg8[%broadcast_in_dim3A, %broadcast_in_dim3A_426, %broadcast_in_dim3A_1307, %add3A_1321] : memref<3x4x72x128xf32, #tpu.memory_space<vmem>>[vector<16xi32>, vector<16xi32>, vector<16xi32>, vector<16xi32>], vector<16xf32>,
        %mul3A_1323 = arith.mulf %gather3A_1322, %gather3A_459 : vector<16xf32>
        %add3A_1324 = arith.addf %add3A_1318, %mul3A_1323 : vector<16xf32>
        %add3A_1325 = arith.constant 48 : i32
        %add3A_1326 = vector.broadcast %add3A_1325 : i32 to vector<16xi32>
        %add3A_1327 = arith.addi %iota3A, %add3A_1326 : vector<16xi32>
        %gather3A_1328 = tpu.vector_load_idx %arg8[%broadcast_in_dim3A, %broadcast_in_dim3A_426, %broadcast_in_dim3A_1307, %add3A_1327] : memref<3x4x72x128xf32, #tpu.memory_space<vmem>>[vector<16xi32>, vector<16xi32>, vector<16xi32>, vector<16xi32>], vector<16xf32>,
        %mul3A_1329 = arith.mulf %gather3A_1328, %gather3A_470 : vector<16xf32>
        %add3A_1330 = arith.addf %add3A_1324, %mul3A_1329 : vector<16xf32>
        %eq3A_1331 = arith.constant 11 : i32
        %eq3A_1332 = vector.broadcast %eq3A_1331 : i32 to vector<16xi32>
        %eq3A_1333 = arith.cmpi eq, %iota3A, %eq3A_1332 : vector<16xi32>
        %jit3A_1334 = arith.constant 1.000000e+00 : f32
        %jit3A_1335 = arith.constant 0.000000e+00 : f32
        %broadcast_in_dim3A_1336 = vector.broadcast %jit3A_1334 : f32 to vector<16xf32>
        %broadcast_in_dim3A_1337 = vector.broadcast %jit3A_1335 : f32 to vector<16xf32>
        %select_n3A_1338 = arith.select %eq3A_1333, %broadcast_in_dim3A_1336, %broadcast_in_dim3A_1337 : vector<16xi1>, vector<16xf32>
        %reduce_sum3A_1339 = arith.constant true
        %reduce_sum3A_1340 = vector.broadcast %reduce_sum3A_1339 : i1 to vector<16xi1>
        %reduce_sum3A_1341 = tpu.scan <sum>, %add3A_1330 masked %reduce_sum3A_1340 : vector<16xf32>, vector<16xi1> -> vector<16xf32>
        %reduce_sum3A_1342 = vector.extract %reduce_sum3A_1341[15] : f32 from vector<16xf32>
        %mul3A_1343 = vector.broadcast %reduce_sum3A_1342 : f32 to vector<16xf32>
        %mul3A_1344 = arith.mulf %mul3A_1343, %select_n3A_1338 : vector<16xf32>
        %add3A_1345 = arith.addf %add3A_1304, %mul3A_1344 : vector<16xf32>
        %add3A_1346 = arith.constant 12 : i32
        %add3A_1347 = arith.addi %add3A_853, %add3A_1346 : i32
        %broadcast_in_dim3A_1348 = vector.broadcast %add3A_1347 : i32 to vector<16xi32>
        %add3A_1349 = arith.constant 0 : i32
        %add3A_1350 = vector.broadcast %add3A_1349 : i32 to vector<16xi32>
        %add3A_1351 = arith.addi %iota3A, %add3A_1350 : vector<16xi32>
        %gather3A_1352 = tpu.vector_load_idx %arg8[%broadcast_in_dim3A, %broadcast_in_dim3A_426, %broadcast_in_dim3A_1348, %add3A_1351] : memref<3x4x72x128xf32, #tpu.memory_space<vmem>>[vector<16xi32>, vector<16xi32>, vector<16xi32>, vector<16xi32>], vector<16xf32>,
        %mul3A_1353 = arith.mulf %gather3A_1352, %gather3A_437 : vector<16xf32>
        %add3A_1354 = arith.constant 16 : i32
        %add3A_1355 = vector.broadcast %add3A_1354 : i32 to vector<16xi32>
        %add3A_1356 = arith.addi %iota3A, %add3A_1355 : vector<16xi32>
        %gather3A_1357 = tpu.vector_load_idx %arg8[%broadcast_in_dim3A, %broadcast_in_dim3A_426, %broadcast_in_dim3A_1348, %add3A_1356] : memref<3x4x72x128xf32, #tpu.memory_space<vmem>>[vector<16xi32>, vector<16xi32>, vector<16xi32>, vector<16xi32>], vector<16xf32>,
        %mul3A_1358 = arith.mulf %gather3A_1357, %gather3A_448 : vector<16xf32>
        %add3A_1359 = arith.addf %mul3A_1353, %mul3A_1358 : vector<16xf32>
        %add3A_1360 = arith.constant 32 : i32
        %add3A_1361 = vector.broadcast %add3A_1360 : i32 to vector<16xi32>
        %add3A_1362 = arith.addi %iota3A, %add3A_1361 : vector<16xi32>
        %gather3A_1363 = tpu.vector_load_idx %arg8[%broadcast_in_dim3A, %broadcast_in_dim3A_426, %broadcast_in_dim3A_1348, %add3A_1362] : memref<3x4x72x128xf32, #tpu.memory_space<vmem>>[vector<16xi32>, vector<16xi32>, vector<16xi32>, vector<16xi32>], vector<16xf32>,
        %mul3A_1364 = arith.mulf %gather3A_1363, %gather3A_459 : vector<16xf32>
        %add3A_1365 = arith.addf %add3A_1359, %mul3A_1364 : vector<16xf32>
        %add3A_1366 = arith.constant 48 : i32
        %add3A_1367 = vector.broadcast %add3A_1366 : i32 to vector<16xi32>
        %add3A_1368 = arith.addi %iota3A, %add3A_1367 : vector<16xi32>
        %gather3A_1369 = tpu.vector_load_idx %arg8[%broadcast_in_dim3A, %broadcast_in_dim3A_426, %broadcast_in_dim3A_1348, %add3A_1368] : memref<3x4x72x128xf32, #tpu.memory_space<vmem>>[vector<16xi32>, vector<16xi32>, vector<16xi32>, vector<16xi32>], vector<16xf32>,
        %mul3A_1370 = arith.mulf %gather3A_1369, %gather3A_470 : vector<16xf32>
        %add3A_1371 = arith.addf %add3A_1365, %mul3A_1370 : vector<16xf32>
        %eq3A_1372 = arith.constant 12 : i32
        %eq3A_1373 = vector.broadcast %eq3A_1372 : i32 to vector<16xi32>
        %eq3A_1374 = arith.cmpi eq, %iota3A, %eq3A_1373 : vector<16xi32>
        %jit3A_1375 = arith.constant 1.000000e+00 : f32
        %jit3A_1376 = arith.constant 0.000000e+00 : f32
        %broadcast_in_dim3A_1377 = vector.broadcast %jit3A_1375 : f32 to vector<16xf32>
        %broadcast_in_dim3A_1378 = vector.broadcast %jit3A_1376 : f32 to vector<16xf32>
        %select_n3A_1379 = arith.select %eq3A_1374, %broadcast_in_dim3A_1377, %broadcast_in_dim3A_1378 : vector<16xi1>, vector<16xf32>
        %reduce_sum3A_1380 = arith.constant true
        %reduce_sum3A_1381 = vector.broadcast %reduce_sum3A_1380 : i1 to vector<16xi1>
        %reduce_sum3A_1382 = tpu.scan <sum>, %add3A_1371 masked %reduce_sum3A_1381 : vector<16xf32>, vector<16xi1> -> vector<16xf32>
        %reduce_sum3A_1383 = vector.extract %reduce_sum3A_1382[15] : f32 from vector<16xf32>
        %mul3A_1384 = vector.broadcast %reduce_sum3A_1383 : f32 to vector<16xf32>
        %mul3A_1385 = arith.mulf %mul3A_1384, %select_n3A_1379 : vector<16xf32>
        %add3A_1386 = arith.addf %add3A_1345, %mul3A_1385 : vector<16xf32>
        %add3A_1387 = arith.constant 13 : i32
        %add3A_1388 = arith.addi %add3A_853, %add3A_1387 : i32
        %broadcast_in_dim3A_1389 = vector.broadcast %add3A_1388 : i32 to vector<16xi32>
        %add3A_1390 = arith.constant 0 : i32
        %add3A_1391 = vector.broadcast %add3A_1390 : i32 to vector<16xi32>
        %add3A_1392 = arith.addi %iota3A, %add3A_1391 : vector<16xi32>
        %gather3A_1393 = tpu.vector_load_idx %arg8[%broadcast_in_dim3A, %broadcast_in_dim3A_426, %broadcast_in_dim3A_1389, %add3A_1392] : memref<3x4x72x128xf32, #tpu.memory_space<vmem>>[vector<16xi32>, vector<16xi32>, vector<16xi32>, vector<16xi32>], vector<16xf32>,
        %mul3A_1394 = arith.mulf %gather3A_1393, %gather3A_437 : vector<16xf32>
        %add3A_1395 = arith.constant 16 : i32
        %add3A_1396 = vector.broadcast %add3A_1395 : i32 to vector<16xi32>
        %add3A_1397 = arith.addi %iota3A, %add3A_1396 : vector<16xi32>
        %gather3A_1398 = tpu.vector_load_idx %arg8[%broadcast_in_dim3A, %broadcast_in_dim3A_426, %broadcast_in_dim3A_1389, %add3A_1397] : memref<3x4x72x128xf32, #tpu.memory_space<vmem>>[vector<16xi32>, vector<16xi32>, vector<16xi32>, vector<16xi32>], vector<16xf32>,
        %mul3A_1399 = arith.mulf %gather3A_1398, %gather3A_448 : vector<16xf32>
        %add3A_1400 = arith.addf %mul3A_1394, %mul3A_1399 : vector<16xf32>
        %add3A_1401 = arith.constant 32 : i32
        %add3A_1402 = vector.broadcast %add3A_1401 : i32 to vector<16xi32>
        %add3A_1403 = arith.addi %iota3A, %add3A_1402 : vector<16xi32>
        %gather3A_1404 = tpu.vector_load_idx %arg8[%broadcast_in_dim3A, %broadcast_in_dim3A_426, %broadcast_in_dim3A_1389, %add3A_1403] : memref<3x4x72x128xf32, #tpu.memory_space<vmem>>[vector<16xi32>, vector<16xi32>, vector<16xi32>, vector<16xi32>], vector<16xf32>,
        %mul3A_1405 = arith.mulf %gather3A_1404, %gather3A_459 : vector<16xf32>
        %add3A_1406 = arith.addf %add3A_1400, %mul3A_1405 : vector<16xf32>
        %add3A_1407 = arith.constant 48 : i32
        %add3A_1408 = vector.broadcast %add3A_1407 : i32 to vector<16xi32>
        %add3A_1409 = arith.addi %iota3A, %add3A_1408 : vector<16xi32>
        %gather3A_1410 = tpu.vector_load_idx %arg8[%broadcast_in_dim3A, %broadcast_in_dim3A_426, %broadcast_in_dim3A_1389, %add3A_1409] : memref<3x4x72x128xf32, #tpu.memory_space<vmem>>[vector<16xi32>, vector<16xi32>, vector<16xi32>, vector<16xi32>], vector<16xf32>,
        %mul3A_1411 = arith.mulf %gather3A_1410, %gather3A_470 : vector<16xf32>
        %add3A_1412 = arith.addf %add3A_1406, %mul3A_1411 : vector<16xf32>
        %eq3A_1413 = arith.constant 13 : i32
        %eq3A_1414 = vector.broadcast %eq3A_1413 : i32 to vector<16xi32>
        %eq3A_1415 = arith.cmpi eq, %iota3A, %eq3A_1414 : vector<16xi32>
        %jit3A_1416 = arith.constant 1.000000e+00 : f32
        %jit3A_1417 = arith.constant 0.000000e+00 : f32
        %broadcast_in_dim3A_1418 = vector.broadcast %jit3A_1416 : f32 to vector<16xf32>
        %broadcast_in_dim3A_1419 = vector.broadcast %jit3A_1417 : f32 to vector<16xf32>
        %select_n3A_1420 = arith.select %eq3A_1415, %broadcast_in_dim3A_1418, %broadcast_in_dim3A_1419 : vector<16xi1>, vector<16xf32>
        %reduce_sum3A_1421 = arith.constant true
        %reduce_sum3A_1422 = vector.broadcast %reduce_sum3A_1421 : i1 to vector<16xi1>
        %reduce_sum3A_1423 = tpu.scan <sum>, %add3A_1412 masked %reduce_sum3A_1422 : vector<16xf32>, vector<16xi1> -> vector<16xf32>
        %reduce_sum3A_1424 = vector.extract %reduce_sum3A_1423[15] : f32 from vector<16xf32>
        %mul3A_1425 = vector.broadcast %reduce_sum3A_1424 : f32 to vector<16xf32>
        %mul3A_1426 = arith.mulf %mul3A_1425, %select_n3A_1420 : vector<16xf32>
        %add3A_1427 = arith.addf %add3A_1386, %mul3A_1426 : vector<16xf32>
        %add3A_1428 = arith.constant 14 : i32
        %add3A_1429 = arith.addi %add3A_853, %add3A_1428 : i32
        %broadcast_in_dim3A_1430 = vector.broadcast %add3A_1429 : i32 to vector<16xi32>
        %add3A_1431 = arith.constant 0 : i32
        %add3A_1432 = vector.broadcast %add3A_1431 : i32 to vector<16xi32>
        %add3A_1433 = arith.addi %iota3A, %add3A_1432 : vector<16xi32>
        %gather3A_1434 = tpu.vector_load_idx %arg8[%broadcast_in_dim3A, %broadcast_in_dim3A_426, %broadcast_in_dim3A_1430, %add3A_1433] : memref<3x4x72x128xf32, #tpu.memory_space<vmem>>[vector<16xi32>, vector<16xi32>, vector<16xi32>, vector<16xi32>], vector<16xf32>,
        %mul3A_1435 = arith.mulf %gather3A_1434, %gather3A_437 : vector<16xf32>
        %add3A_1436 = arith.constant 16 : i32
        %add3A_1437 = vector.broadcast %add3A_1436 : i32 to vector<16xi32>
        %add3A_1438 = arith.addi %iota3A, %add3A_1437 : vector<16xi32>
        %gather3A_1439 = tpu.vector_load_idx %arg8[%broadcast_in_dim3A, %broadcast_in_dim3A_426, %broadcast_in_dim3A_1430, %add3A_1438] : memref<3x4x72x128xf32, #tpu.memory_space<vmem>>[vector<16xi32>, vector<16xi32>, vector<16xi32>, vector<16xi32>], vector<16xf32>,
        %mul3A_1440 = arith.mulf %gather3A_1439, %gather3A_448 : vector<16xf32>
        %add3A_1441 = arith.addf %mul3A_1435, %mul3A_1440 : vector<16xf32>
        %add3A_1442 = arith.constant 32 : i32
        %add3A_1443 = vector.broadcast %add3A_1442 : i32 to vector<16xi32>
        %add3A_1444 = arith.addi %iota3A, %add3A_1443 : vector<16xi32>
        %gather3A_1445 = tpu.vector_load_idx %arg8[%broadcast_in_dim3A, %broadcast_in_dim3A_426, %broadcast_in_dim3A_1430, %add3A_1444] : memref<3x4x72x128xf32, #tpu.memory_space<vmem>>[vector<16xi32>, vector<16xi32>, vector<16xi32>, vector<16xi32>], vector<16xf32>,
        %mul3A_1446 = arith.mulf %gather3A_1445, %gather3A_459 : vector<16xf32>
        %add3A_1447 = arith.addf %add3A_1441, %mul3A_1446 : vector<16xf32>
        %add3A_1448 = arith.constant 48 : i32
        %add3A_1449 = vector.broadcast %add3A_1448 : i32 to vector<16xi32>
        %add3A_1450 = arith.addi %iota3A, %add3A_1449 : vector<16xi32>
        %gather3A_1451 = tpu.vector_load_idx %arg8[%broadcast_in_dim3A, %broadcast_in_dim3A_426, %broadcast_in_dim3A_1430, %add3A_1450] : memref<3x4x72x128xf32, #tpu.memory_space<vmem>>[vector<16xi32>, vector<16xi32>, vector<16xi32>, vector<16xi32>], vector<16xf32>,
        %mul3A_1452 = arith.mulf %gather3A_1451, %gather3A_470 : vector<16xf32>
        %add3A_1453 = arith.addf %add3A_1447, %mul3A_1452 : vector<16xf32>
        %eq3A_1454 = arith.constant 14 : i32
        %eq3A_1455 = vector.broadcast %eq3A_1454 : i32 to vector<16xi32>
        %eq3A_1456 = arith.cmpi eq, %iota3A, %eq3A_1455 : vector<16xi32>
        %jit3A_1457 = arith.constant 1.000000e+00 : f32
        %jit3A_1458 = arith.constant 0.000000e+00 : f32
        %broadcast_in_dim3A_1459 = vector.broadcast %jit3A_1457 : f32 to vector<16xf32>
        %broadcast_in_dim3A_1460 = vector.broadcast %jit3A_1458 : f32 to vector<16xf32>
        %select_n3A_1461 = arith.select %eq3A_1456, %broadcast_in_dim3A_1459, %broadcast_in_dim3A_1460 : vector<16xi1>, vector<16xf32>
        %reduce_sum3A_1462 = arith.constant true
        %reduce_sum3A_1463 = vector.broadcast %reduce_sum3A_1462 : i1 to vector<16xi1>
        %reduce_sum3A_1464 = tpu.scan <sum>, %add3A_1453 masked %reduce_sum3A_1463 : vector<16xf32>, vector<16xi1> -> vector<16xf32>
        %reduce_sum3A_1465 = vector.extract %reduce_sum3A_1464[15] : f32 from vector<16xf32>
        %mul3A_1466 = vector.broadcast %reduce_sum3A_1465 : f32 to vector<16xf32>
        %mul3A_1467 = arith.mulf %mul3A_1466, %select_n3A_1461 : vector<16xf32>
        %add3A_1468 = arith.addf %add3A_1427, %mul3A_1467 : vector<16xf32>
        %add3A_1469 = arith.constant 15 : i32
        %add3A_1470 = arith.addi %add3A_853, %add3A_1469 : i32
        %broadcast_in_dim3A_1471 = vector.broadcast %add3A_1470 : i32 to vector<16xi32>
        %add3A_1472 = arith.constant 0 : i32
        %add3A_1473 = vector.broadcast %add3A_1472 : i32 to vector<16xi32>
        %add3A_1474 = arith.addi %iota3A, %add3A_1473 : vector<16xi32>
        %gather3A_1475 = tpu.vector_load_idx %arg8[%broadcast_in_dim3A, %broadcast_in_dim3A_426, %broadcast_in_dim3A_1471, %add3A_1474] : memref<3x4x72x128xf32, #tpu.memory_space<vmem>>[vector<16xi32>, vector<16xi32>, vector<16xi32>, vector<16xi32>], vector<16xf32>,
        %mul3A_1476 = arith.mulf %gather3A_1475, %gather3A_437 : vector<16xf32>
        %add3A_1477 = arith.constant 16 : i32
        %add3A_1478 = vector.broadcast %add3A_1477 : i32 to vector<16xi32>
        %add3A_1479 = arith.addi %iota3A, %add3A_1478 : vector<16xi32>
        %gather3A_1480 = tpu.vector_load_idx %arg8[%broadcast_in_dim3A, %broadcast_in_dim3A_426, %broadcast_in_dim3A_1471, %add3A_1479] : memref<3x4x72x128xf32, #tpu.memory_space<vmem>>[vector<16xi32>, vector<16xi32>, vector<16xi32>, vector<16xi32>], vector<16xf32>,
        %mul3A_1481 = arith.mulf %gather3A_1480, %gather3A_448 : vector<16xf32>
        %add3A_1482 = arith.addf %mul3A_1476, %mul3A_1481 : vector<16xf32>
        %add3A_1483 = arith.constant 32 : i32
        %add3A_1484 = vector.broadcast %add3A_1483 : i32 to vector<16xi32>
        %add3A_1485 = arith.addi %iota3A, %add3A_1484 : vector<16xi32>
        %gather3A_1486 = tpu.vector_load_idx %arg8[%broadcast_in_dim3A, %broadcast_in_dim3A_426, %broadcast_in_dim3A_1471, %add3A_1485] : memref<3x4x72x128xf32, #tpu.memory_space<vmem>>[vector<16xi32>, vector<16xi32>, vector<16xi32>, vector<16xi32>], vector<16xf32>,
        %mul3A_1487 = arith.mulf %gather3A_1486, %gather3A_459 : vector<16xf32>
        %add3A_1488 = arith.addf %add3A_1482, %mul3A_1487 : vector<16xf32>
        %add3A_1489 = arith.constant 48 : i32
        %add3A_1490 = vector.broadcast %add3A_1489 : i32 to vector<16xi32>
        %add3A_1491 = arith.addi %iota3A, %add3A_1490 : vector<16xi32>
        %gather3A_1492 = tpu.vector_load_idx %arg8[%broadcast_in_dim3A, %broadcast_in_dim3A_426, %broadcast_in_dim3A_1471, %add3A_1491] : memref<3x4x72x128xf32, #tpu.memory_space<vmem>>[vector<16xi32>, vector<16xi32>, vector<16xi32>, vector<16xi32>], vector<16xf32>,
        %mul3A_1493 = arith.mulf %gather3A_1492, %gather3A_470 : vector<16xf32>
        %add3A_1494 = arith.addf %add3A_1488, %mul3A_1493 : vector<16xf32>
        %eq3A_1495 = arith.constant 15 : i32
        %eq3A_1496 = vector.broadcast %eq3A_1495 : i32 to vector<16xi32>
        %eq3A_1497 = arith.cmpi eq, %iota3A, %eq3A_1496 : vector<16xi32>
        %jit3A_1498 = arith.constant 1.000000e+00 : f32
        %jit3A_1499 = arith.constant 0.000000e+00 : f32
        %broadcast_in_dim3A_1500 = vector.broadcast %jit3A_1498 : f32 to vector<16xf32>
        %broadcast_in_dim3A_1501 = vector.broadcast %jit3A_1499 : f32 to vector<16xf32>
        %select_n3A_1502 = arith.select %eq3A_1497, %broadcast_in_dim3A_1500, %broadcast_in_dim3A_1501 : vector<16xi1>, vector<16xf32>
        %reduce_sum3A_1503 = arith.constant true
        %reduce_sum3A_1504 = vector.broadcast %reduce_sum3A_1503 : i1 to vector<16xi1>
        %reduce_sum3A_1505 = tpu.scan <sum>, %add3A_1494 masked %reduce_sum3A_1504 : vector<16xf32>, vector<16xi1> -> vector<16xf32>
        %reduce_sum3A_1506 = vector.extract %reduce_sum3A_1505[15] : f32 from vector<16xf32>
        %mul3A_1507 = vector.broadcast %reduce_sum3A_1506 : f32 to vector<16xf32>
        %mul3A_1508 = arith.mulf %mul3A_1507, %select_n3A_1502 : vector<16xf32>
        %add3A_1509 = arith.addf %add3A_1468, %mul3A_1508 : vector<16xf32>
        %mul3A_1510 = arith.constant 256 : i32
        %mul3A_1511 = vector.broadcast %mul3A_1510 : i32 to vector<16xi32>
        %mul3A_1512 = arith.muli %broadcast_in_dim3A, %mul3A_1511 : vector<16xi32>
        %add3A_1513 = arith.constant 64 : i32
        %add3A_1514 = vector.broadcast %add3A_1513 : i32 to vector<16xi32>
        %add3A_1515 = arith.addi %mul3A_1512, %add3A_1514 : vector<16xi32>
        %mul3A_1516 = arith.constant 16 : i32
        %mul3A_1517 = arith.muli %scan3A_847, %mul3A_1516 : i32
        %add3A_1518 = vector.broadcast %mul3A_1517 : i32 to vector<16xi32>
        %add3A_1519 = arith.addi %add3A_1515, %add3A_1518 : vector<16xi32>
        %add3A_1520 = arith.addi %add3A_1519, %iota3A : vector<16xi32>
        tpu.vector_store_idx %arg10[%add3A_1520], %add3A_1509 : memref<768xf32, #tpu.memory_space<vmem>>[vector<16xi32>], vector<16xf32>,
      }
      %scan3A_555 = arith.constant 4 : i32
      %broadcast_in_dim3A_556 = arith.constant 2 : i32
      %broadcast_in_dim3A_557 = vector.broadcast %broadcast_in_dim3A_556 : i32 to vector<16xi32>
      %mul3A_558 = arith.constant 256 : i32
      %mul3A_559 = vector.broadcast %mul3A_558 : i32 to vector<16xi32>
      %mul3A_560 = arith.muli %broadcast_in_dim3A, %mul3A_559 : vector<16xi32>
      %add3A_561 = arith.constant 128 : i32
      %add3A_562 = vector.broadcast %add3A_561 : i32 to vector<16xi32>
      %add3A_563 = arith.addi %mul3A_560, %add3A_562 : vector<16xi32>
      %add3A_564 = arith.constant 0 : i32
      %add3A_565 = vector.broadcast %add3A_564 : i32 to vector<16xi32>
      %add3A_566 = arith.addi %add3A_563, %add3A_565 : vector<16xi32>
      %add3A_567 = arith.addi %add3A_566, %iota3A : vector<16xi32>
      %gather3A_568 = tpu.vector_load_idx %arg9[%add3A_567] : memref<768xf32, #tpu.memory_space<vmem>>[vector<16xi32>], vector<16xf32>,
      %mul3A_569 = arith.constant 256 : i32
      %mul3A_570 = vector.broadcast %mul3A_569 : i32 to vector<16xi32>
      %mul3A_571 = arith.muli %broadcast_in_dim3A, %mul3A_570 : vector<16xi32>
      %add3A_572 = arith.constant 128 : i32
      %add3A_573 = vector.broadcast %add3A_572 : i32 to vector<16xi32>
      %add3A_574 = arith.addi %mul3A_571, %add3A_573 : vector<16xi32>
      %add3A_575 = arith.constant 16 : i32
      %add3A_576 = vector.broadcast %add3A_575 : i32 to vector<16xi32>
      %add3A_577 = arith.addi %add3A_574, %add3A_576 : vector<16xi32>
      %add3A_578 = arith.addi %add3A_577, %iota3A : vector<16xi32>
      %gather3A_579 = tpu.vector_load_idx %arg9[%add3A_578] : memref<768xf32, #tpu.memory_space<vmem>>[vector<16xi32>], vector<16xf32>,
      %mul3A_580 = arith.constant 256 : i32
      %mul3A_581 = vector.broadcast %mul3A_580 : i32 to vector<16xi32>
      %mul3A_582 = arith.muli %broadcast_in_dim3A, %mul3A_581 : vector<16xi32>
      %add3A_583 = arith.constant 128 : i32
      %add3A_584 = vector.broadcast %add3A_583 : i32 to vector<16xi32>
      %add3A_585 = arith.addi %mul3A_582, %add3A_584 : vector<16xi32>
      %add3A_586 = arith.constant 32 : i32
      %add3A_587 = vector.broadcast %add3A_586 : i32 to vector<16xi32>
      %add3A_588 = arith.addi %add3A_585, %add3A_587 : vector<16xi32>
      %add3A_589 = arith.addi %add3A_588, %iota3A : vector<16xi32>
      %gather3A_590 = tpu.vector_load_idx %arg9[%add3A_589] : memref<768xf32, #tpu.memory_space<vmem>>[vector<16xi32>], vector<16xf32>,
      %mul3A_591 = arith.constant 256 : i32
      %mul3A_592 = vector.broadcast %mul3A_591 : i32 to vector<16xi32>
      %mul3A_593 = arith.muli %broadcast_in_dim3A, %mul3A_592 : vector<16xi32>
      %add3A_594 = arith.constant 128 : i32
      %add3A_595 = vector.broadcast %add3A_594 : i32 to vector<16xi32>
      %add3A_596 = arith.addi %mul3A_593, %add3A_595 : vector<16xi32>
      %add3A_597 = arith.constant 48 : i32
      %add3A_598 = vector.broadcast %add3A_597 : i32 to vector<16xi32>
      %add3A_599 = arith.addi %add3A_596, %add3A_598 : vector<16xi32>
      %add3A_600 = arith.addi %add3A_599, %iota3A : vector<16xi32>
      %gather3A_601 = tpu.vector_load_idx %arg9[%add3A_600] : memref<768xf32, #tpu.memory_space<vmem>>[vector<16xi32>], vector<16xf32>,
      %broadcast_in_dim3A_602 = arith.constant 0 : i32
      %broadcast_in_dim3A_603 = vector.broadcast %broadcast_in_dim3A_602 : i32 to vector<16xi32>
      %add3A_604 = arith.constant 0 : i32
      %add3A_605 = vector.broadcast %add3A_604 : i32 to vector<16xi32>
      %add3A_606 = arith.addi %iota3A, %add3A_605 : vector<16xi32>
      %gather3A_607 = tpu.vector_load_idx %arg8[%broadcast_in_dim3A, %broadcast_in_dim3A_557, %broadcast_in_dim3A_603, %add3A_606] : memref<3x4x72x128xf32, #tpu.memory_space<vmem>>[vector<16xi32>, vector<16xi32>, vector<16xi32>, vector<16xi32>], vector<16xf32>,
      %mul3A_608 = arith.mulf %gather3A_607, %gather3A_568 : vector<16xf32>
      %add3A_609 = arith.constant 16 : i32
      %add3A_610 = vector.broadcast %add3A_609 : i32 to vector<16xi32>
      %add3A_611 = arith.addi %iota3A, %add3A_610 : vector<16xi32>
      %gather3A_612 = tpu.vector_load_idx %arg8[%broadcast_in_dim3A, %broadcast_in_dim3A_557, %broadcast_in_dim3A_603, %add3A_611] : memref<3x4x72x128xf32, #tpu.memory_space<vmem>>[vector<16xi32>, vector<16xi32>, vector<16xi32>, vector<16xi32>], vector<16xf32>,
      %mul3A_613 = arith.mulf %gather3A_612, %gather3A_579 : vector<16xf32>
      %add3A_614 = arith.addf %mul3A_608, %mul3A_613 : vector<16xf32>
      %add3A_615 = arith.constant 32 : i32
      %add3A_616 = vector.broadcast %add3A_615 : i32 to vector<16xi32>
      %add3A_617 = arith.addi %iota3A, %add3A_616 : vector<16xi32>
      %gather3A_618 = tpu.vector_load_idx %arg8[%broadcast_in_dim3A, %broadcast_in_dim3A_557, %broadcast_in_dim3A_603, %add3A_617] : memref<3x4x72x128xf32, #tpu.memory_space<vmem>>[vector<16xi32>, vector<16xi32>, vector<16xi32>, vector<16xi32>], vector<16xf32>,
      %mul3A_619 = arith.mulf %gather3A_618, %gather3A_590 : vector<16xf32>
      %add3A_620 = arith.addf %add3A_614, %mul3A_619 : vector<16xf32>
      %add3A_621 = arith.constant 48 : i32
      %add3A_622 = vector.broadcast %add3A_621 : i32 to vector<16xi32>
      %add3A_623 = arith.addi %iota3A, %add3A_622 : vector<16xi32>
      %gather3A_624 = tpu.vector_load_idx %arg8[%broadcast_in_dim3A, %broadcast_in_dim3A_557, %broadcast_in_dim3A_603, %add3A_623] : memref<3x4x72x128xf32, #tpu.memory_space<vmem>>[vector<16xi32>, vector<16xi32>, vector<16xi32>, vector<16xi32>], vector<16xf32>,
      %mul3A_625 = arith.mulf %gather3A_624, %gather3A_601 : vector<16xf32>
      %add3A_626 = arith.addf %add3A_620, %mul3A_625 : vector<16xf32>
      %mul3A_627 = arith.constant 4 : i32
      %mul3A_628 = arith.muli %scan3A_184, %mul3A_627 : i32
      %add3A_629 = arith.constant 2 : i32
      %add3A_630 = arith.addi %mul3A_628, %add3A_629 : i32
      %jit3A_631 = arith.constant 128 : i32
      %div3A_632 = arith.divsi %add3A_630, %jit3A_631 : i32
      %sign3A_633 = arith.constant 0 : i32
      %sign3A_634 = arith.cmpi sgt, %add3A_630, %sign3A_633 : i32
      %sign3A_635 = arith.extui %sign3A_634 : i1 to i32
      %sign3A_636 = arith.constant 0 : i32
      %sign3A_637 = arith.cmpi slt, %add3A_630, %sign3A_636 : i32
      %sign3A_638 = arith.extui %sign3A_637 : i1 to i32
      %sign3A_639 = arith.subi %sign3A_635, %sign3A_638 : i32
      %sign3A_640 = arith.constant 0 : i32
      %sign3A_641 = arith.cmpi sgt, %jit3A_631, %sign3A_640 : i32
      %sign3A_642 = arith.extui %sign3A_641 : i1 to i32
      %sign3A_643 = arith.constant 0 : i32
      %sign3A_644 = arith.cmpi slt, %jit3A_631, %sign3A_643 : i32
      %sign3A_645 = arith.extui %sign3A_644 : i1 to i32
      %sign3A_646 = arith.subi %sign3A_642, %sign3A_645 : i32
      %ne3A_647 = arith.cmpi ne, %sign3A_639, %sign3A_646 : i32
      %rem3A_648 = arith.remsi %add3A_630, %jit3A_631 : i32
      %ne3A_649 = arith.constant 0 : i32
      %ne3A_650 = arith.cmpi ne, %rem3A_648, %ne3A_649 : i32
      %and3A_651 = arith.andi %ne3A_647, %ne3A_650 : i1
      %sub3A_652 = arith.constant 1 : i32
      %sub3A_653 = arith.subi %div3A_632, %sub3A_652 : i32
      %select_n3A_654 = arith.select %and3A_651, %sub3A_653, %div3A_632 : i32
      %broadcast_in_dim3A_655 = vector.broadcast %select_n3A_654 : i32 to vector<16xi32>
      %jit3A_656 = arith.constant 128 : i32
      %eq3A_657 = arith.constant 0 : i32
      %eq3A_658 = arith.cmpi eq, %jit3A_656, %eq3A_657 : i32
      %jit3A_659 = arith.constant 1 : i32
      %select_n3A_660 = arith.select %eq3A_658, %jit3A_659, %jit3A_656 : i32
      %rem3A_661 = arith.remsi %add3A_630, %select_n3A_660 : i32
      %ne3A_662 = arith.constant 0 : i32
      %ne3A_663 = arith.cmpi ne, %rem3A_661, %ne3A_662 : i32
      %lt3A_664 = arith.constant 0 : i32
      %lt3A_665 = arith.cmpi slt, %rem3A_661, %lt3A_664 : i32
      %lt3A_666 = arith.constant 0 : i32
      %lt3A_667 = arith.cmpi slt, %select_n3A_660, %lt3A_666 : i32
      %ne3A_668 = arith.xori %lt3A_665, %lt3A_667 : i1
      %and3A_669 = arith.andi %ne3A_668, %ne3A_663 : i1
      %add3A_670 = arith.addi %rem3A_661, %select_n3A_660 : i32
      %select_n3A_671 = arith.select %and3A_669, %add3A_670, %rem3A_661 : i32
      %broadcast_in_dim3A_672 = vector.broadcast %select_n3A_671 : i32 to vector<16xi32>
      %reduce_sum3A_673 = arith.constant true
      %reduce_sum3A_674 = vector.broadcast %reduce_sum3A_673 : i1 to vector<16xi1>
      %reduce_sum3A_675 = tpu.scan <sum>, %add3A_626 masked %reduce_sum3A_674 : vector<16xf32>, vector<16xi1> -> vector<16xf32>
      %reduce_sum3A_676 = vector.extract %reduce_sum3A_675[15] : f32 from vector<16xf32>
      %broadcast_in_dim3A_677 = vector.broadcast %reduce_sum3A_676 : f32 to vector<16xf32>
      %eq3A_678 = arith.constant 0 : i32
      %eq3A_679 = vector.broadcast %eq3A_678 : i32 to vector<16xi32>
      %eq3A_680 = arith.cmpi eq, %iota3A, %eq3A_679 : vector<16xi32>
      tpu.vector_store_idx %arg11[%broadcast_in_dim3A_655, %broadcast_in_dim3A_672], %broadcast_in_dim3A_677 masked %eq3A_680 : memref<5x128xf32, #tpu.memory_space<vmem>>[vector<16xi32>, vector<16xi32>], vector<16xf32>, vector<16xi1>
      %scan3A_681 = arith.constant 0 : i32
      %scan3A_682 = arith.constant 0 : i32
      %scan3A_683 = arith.constant 4 : i32
      %scan3A_684 = arith.addi %scan3A_682, %scan3A_683 : i32
      %scan3A_685 = arith.constant 1 : i32
      scf.for %scan3A_847 = %scan3A_682 to %scan3A_684 step %scan3A_685  : i32 {
        %broadcast_in_dim3A_848 = arith.constant 0.000000e+00 : f32
        %broadcast_in_dim3A_849 = vector.broadcast %broadcast_in_dim3A_848 : f32 to vector<16xf32>
        %mul3A_850 = arith.constant 16 : i32
        %mul3A_851 = arith.muli %scan3A_847, %mul3A_850 : i32
        %add3A_852 = arith.constant 1 : i32
        %add3A_853 = arith.addi %mul3A_851, %add3A_852 : i32
        %add3A_854 = arith.constant 0 : i32
        %add3A_855 = arith.addi %add3A_853, %add3A_854 : i32
        %broadcast_in_dim3A_856 = vector.broadcast %add3A_855 : i32 to vector<16xi32>
        %add3A_857 = arith.constant 0 : i32
        %add3A_858 = vector.broadcast %add3A_857 : i32 to vector<16xi32>
        %add3A_859 = arith.addi %iota3A, %add3A_858 : vector<16xi32>
        %gather3A_860 = tpu.vector_load_idx %arg8[%broadcast_in_dim3A, %broadcast_in_dim3A_557, %broadcast_in_dim3A_856, %add3A_859] : memref<3x4x72x128xf32, #tpu.memory_space<vmem>>[vector<16xi32>, vector<16xi32>, vector<16xi32>, vector<16xi32>], vector<16xf32>,
        %mul3A_861 = arith.mulf %gather3A_860, %gather3A_568 : vector<16xf32>
        %add3A_862 = arith.constant 16 : i32
        %add3A_863 = vector.broadcast %add3A_862 : i32 to vector<16xi32>
        %add3A_864 = arith.addi %iota3A, %add3A_863 : vector<16xi32>
        %gather3A_865 = tpu.vector_load_idx %arg8[%broadcast_in_dim3A, %broadcast_in_dim3A_557, %broadcast_in_dim3A_856, %add3A_864] : memref<3x4x72x128xf32, #tpu.memory_space<vmem>>[vector<16xi32>, vector<16xi32>, vector<16xi32>, vector<16xi32>], vector<16xf32>,
        %mul3A_866 = arith.mulf %gather3A_865, %gather3A_579 : vector<16xf32>
        %add3A_867 = arith.addf %mul3A_861, %mul3A_866 : vector<16xf32>
        %add3A_868 = arith.constant 32 : i32
        %add3A_869 = vector.broadcast %add3A_868 : i32 to vector<16xi32>
        %add3A_870 = arith.addi %iota3A, %add3A_869 : vector<16xi32>
        %gather3A_871 = tpu.vector_load_idx %arg8[%broadcast_in_dim3A, %broadcast_in_dim3A_557, %broadcast_in_dim3A_856, %add3A_870] : memref<3x4x72x128xf32, #tpu.memory_space<vmem>>[vector<16xi32>, vector<16xi32>, vector<16xi32>, vector<16xi32>], vector<16xf32>,
        %mul3A_872 = arith.mulf %gather3A_871, %gather3A_590 : vector<16xf32>
        %add3A_873 = arith.addf %add3A_867, %mul3A_872 : vector<16xf32>
        %add3A_874 = arith.constant 48 : i32
        %add3A_875 = vector.broadcast %add3A_874 : i32 to vector<16xi32>
        %add3A_876 = arith.addi %iota3A, %add3A_875 : vector<16xi32>
        %gather3A_877 = tpu.vector_load_idx %arg8[%broadcast_in_dim3A, %broadcast_in_dim3A_557, %broadcast_in_dim3A_856, %add3A_876] : memref<3x4x72x128xf32, #tpu.memory_space<vmem>>[vector<16xi32>, vector<16xi32>, vector<16xi32>, vector<16xi32>], vector<16xf32>,
        %mul3A_878 = arith.mulf %gather3A_877, %gather3A_601 : vector<16xf32>
        %add3A_879 = arith.addf %add3A_873, %mul3A_878 : vector<16xf32>
        %eq3A_880 = arith.constant 0 : i32
        %eq3A_881 = vector.broadcast %eq3A_880 : i32 to vector<16xi32>
        %eq3A_882 = arith.cmpi eq, %iota3A, %eq3A_881 : vector<16xi32>
        %jit3A_883 = arith.constant 1.000000e+00 : f32
        %jit3A_884 = arith.constant 0.000000e+00 : f32
        %broadcast_in_dim3A_885 = vector.broadcast %jit3A_883 : f32 to vector<16xf32>
        %broadcast_in_dim3A_886 = vector.broadcast %jit3A_884 : f32 to vector<16xf32>
        %select_n3A_887 = arith.select %eq3A_882, %broadcast_in_dim3A_885, %broadcast_in_dim3A_886 : vector<16xi1>, vector<16xf32>
        %reduce_sum3A_888 = arith.constant true
        %reduce_sum3A_889 = vector.broadcast %reduce_sum3A_888 : i1 to vector<16xi1>
        %reduce_sum3A_890 = tpu.scan <sum>, %add3A_879 masked %reduce_sum3A_889 : vector<16xf32>, vector<16xi1> -> vector<16xf32>
        %reduce_sum3A_891 = vector.extract %reduce_sum3A_890[15] : f32 from vector<16xf32>
        %mul3A_892 = vector.broadcast %reduce_sum3A_891 : f32 to vector<16xf32>
        %mul3A_893 = arith.mulf %mul3A_892, %select_n3A_887 : vector<16xf32>
        %add3A_894 = arith.addf %broadcast_in_dim3A_849, %mul3A_893 : vector<16xf32>
        %add3A_895 = arith.constant 1 : i32
        %add3A_896 = arith.addi %add3A_853, %add3A_895 : i32
        %broadcast_in_dim3A_897 = vector.broadcast %add3A_896 : i32 to vector<16xi32>
        %add3A_898 = arith.constant 0 : i32
        %add3A_899 = vector.broadcast %add3A_898 : i32 to vector<16xi32>
        %add3A_900 = arith.addi %iota3A, %add3A_899 : vector<16xi32>
        %gather3A_901 = tpu.vector_load_idx %arg8[%broadcast_in_dim3A, %broadcast_in_dim3A_557, %broadcast_in_dim3A_897, %add3A_900] : memref<3x4x72x128xf32, #tpu.memory_space<vmem>>[vector<16xi32>, vector<16xi32>, vector<16xi32>, vector<16xi32>], vector<16xf32>,
        %mul3A_902 = arith.mulf %gather3A_901, %gather3A_568 : vector<16xf32>
        %add3A_903 = arith.constant 16 : i32
        %add3A_904 = vector.broadcast %add3A_903 : i32 to vector<16xi32>
        %add3A_905 = arith.addi %iota3A, %add3A_904 : vector<16xi32>
        %gather3A_906 = tpu.vector_load_idx %arg8[%broadcast_in_dim3A, %broadcast_in_dim3A_557, %broadcast_in_dim3A_897, %add3A_905] : memref<3x4x72x128xf32, #tpu.memory_space<vmem>>[vector<16xi32>, vector<16xi32>, vector<16xi32>, vector<16xi32>], vector<16xf32>,
        %mul3A_907 = arith.mulf %gather3A_906, %gather3A_579 : vector<16xf32>
        %add3A_908 = arith.addf %mul3A_902, %mul3A_907 : vector<16xf32>
        %add3A_909 = arith.constant 32 : i32
        %add3A_910 = vector.broadcast %add3A_909 : i32 to vector<16xi32>
        %add3A_911 = arith.addi %iota3A, %add3A_910 : vector<16xi32>
        %gather3A_912 = tpu.vector_load_idx %arg8[%broadcast_in_dim3A, %broadcast_in_dim3A_557, %broadcast_in_dim3A_897, %add3A_911] : memref<3x4x72x128xf32, #tpu.memory_space<vmem>>[vector<16xi32>, vector<16xi32>, vector<16xi32>, vector<16xi32>], vector<16xf32>,
        %mul3A_913 = arith.mulf %gather3A_912, %gather3A_590 : vector<16xf32>
        %add3A_914 = arith.addf %add3A_908, %mul3A_913 : vector<16xf32>
        %add3A_915 = arith.constant 48 : i32
        %add3A_916 = vector.broadcast %add3A_915 : i32 to vector<16xi32>
        %add3A_917 = arith.addi %iota3A, %add3A_916 : vector<16xi32>
        %gather3A_918 = tpu.vector_load_idx %arg8[%broadcast_in_dim3A, %broadcast_in_dim3A_557, %broadcast_in_dim3A_897, %add3A_917] : memref<3x4x72x128xf32, #tpu.memory_space<vmem>>[vector<16xi32>, vector<16xi32>, vector<16xi32>, vector<16xi32>], vector<16xf32>,
        %mul3A_919 = arith.mulf %gather3A_918, %gather3A_601 : vector<16xf32>
        %add3A_920 = arith.addf %add3A_914, %mul3A_919 : vector<16xf32>
        %eq3A_921 = arith.constant 1 : i32
        %eq3A_922 = vector.broadcast %eq3A_921 : i32 to vector<16xi32>
        %eq3A_923 = arith.cmpi eq, %iota3A, %eq3A_922 : vector<16xi32>
        %jit3A_924 = arith.constant 1.000000e+00 : f32
        %jit3A_925 = arith.constant 0.000000e+00 : f32
        %broadcast_in_dim3A_926 = vector.broadcast %jit3A_924 : f32 to vector<16xf32>
        %broadcast_in_dim3A_927 = vector.broadcast %jit3A_925 : f32 to vector<16xf32>
        %select_n3A_928 = arith.select %eq3A_923, %broadcast_in_dim3A_926, %broadcast_in_dim3A_927 : vector<16xi1>, vector<16xf32>
        %reduce_sum3A_929 = arith.constant true
        %reduce_sum3A_930 = vector.broadcast %reduce_sum3A_929 : i1 to vector<16xi1>
        %reduce_sum3A_931 = tpu.scan <sum>, %add3A_920 masked %reduce_sum3A_930 : vector<16xf32>, vector<16xi1> -> vector<16xf32>
        %reduce_sum3A_932 = vector.extract %reduce_sum3A_931[15] : f32 from vector<16xf32>
        %mul3A_933 = vector.broadcast %reduce_sum3A_932 : f32 to vector<16xf32>
        %mul3A_934 = arith.mulf %mul3A_933, %select_n3A_928 : vector<16xf32>
        %add3A_935 = arith.addf %add3A_894, %mul3A_934 : vector<16xf32>
        %add3A_936 = arith.constant 2 : i32
        %add3A_937 = arith.addi %add3A_853, %add3A_936 : i32
        %broadcast_in_dim3A_938 = vector.broadcast %add3A_937 : i32 to vector<16xi32>
        %add3A_939 = arith.constant 0 : i32
        %add3A_940 = vector.broadcast %add3A_939 : i32 to vector<16xi32>
        %add3A_941 = arith.addi %iota3A, %add3A_940 : vector<16xi32>
        %gather3A_942 = tpu.vector_load_idx %arg8[%broadcast_in_dim3A, %broadcast_in_dim3A_557, %broadcast_in_dim3A_938, %add3A_941] : memref<3x4x72x128xf32, #tpu.memory_space<vmem>>[vector<16xi32>, vector<16xi32>, vector<16xi32>, vector<16xi32>], vector<16xf32>,
        %mul3A_943 = arith.mulf %gather3A_942, %gather3A_568 : vector<16xf32>
        %add3A_944 = arith.constant 16 : i32
        %add3A_945 = vector.broadcast %add3A_944 : i32 to vector<16xi32>
        %add3A_946 = arith.addi %iota3A, %add3A_945 : vector<16xi32>
        %gather3A_947 = tpu.vector_load_idx %arg8[%broadcast_in_dim3A, %broadcast_in_dim3A_557, %broadcast_in_dim3A_938, %add3A_946] : memref<3x4x72x128xf32, #tpu.memory_space<vmem>>[vector<16xi32>, vector<16xi32>, vector<16xi32>, vector<16xi32>], vector<16xf32>,
        %mul3A_948 = arith.mulf %gather3A_947, %gather3A_579 : vector<16xf32>
        %add3A_949 = arith.addf %mul3A_943, %mul3A_948 : vector<16xf32>
        %add3A_950 = arith.constant 32 : i32
        %add3A_951 = vector.broadcast %add3A_950 : i32 to vector<16xi32>
        %add3A_952 = arith.addi %iota3A, %add3A_951 : vector<16xi32>
        %gather3A_953 = tpu.vector_load_idx %arg8[%broadcast_in_dim3A, %broadcast_in_dim3A_557, %broadcast_in_dim3A_938, %add3A_952] : memref<3x4x72x128xf32, #tpu.memory_space<vmem>>[vector<16xi32>, vector<16xi32>, vector<16xi32>, vector<16xi32>], vector<16xf32>,
        %mul3A_954 = arith.mulf %gather3A_953, %gather3A_590 : vector<16xf32>
        %add3A_955 = arith.addf %add3A_949, %mul3A_954 : vector<16xf32>
        %add3A_956 = arith.constant 48 : i32
        %add3A_957 = vector.broadcast %add3A_956 : i32 to vector<16xi32>
        %add3A_958 = arith.addi %iota3A, %add3A_957 : vector<16xi32>
        %gather3A_959 = tpu.vector_load_idx %arg8[%broadcast_in_dim3A, %broadcast_in_dim3A_557, %broadcast_in_dim3A_938, %add3A_958] : memref<3x4x72x128xf32, #tpu.memory_space<vmem>>[vector<16xi32>, vector<16xi32>, vector<16xi32>, vector<16xi32>], vector<16xf32>,
        %mul3A_960 = arith.mulf %gather3A_959, %gather3A_601 : vector<16xf32>
        %add3A_961 = arith.addf %add3A_955, %mul3A_960 : vector<16xf32>
        %eq3A_962 = arith.constant 2 : i32
        %eq3A_963 = vector.broadcast %eq3A_962 : i32 to vector<16xi32>
        %eq3A_964 = arith.cmpi eq, %iota3A, %eq3A_963 : vector<16xi32>
        %jit3A_965 = arith.constant 1.000000e+00 : f32
        %jit3A_966 = arith.constant 0.000000e+00 : f32
        %broadcast_in_dim3A_967 = vector.broadcast %jit3A_965 : f32 to vector<16xf32>
        %broadcast_in_dim3A_968 = vector.broadcast %jit3A_966 : f32 to vector<16xf32>
        %select_n3A_969 = arith.select %eq3A_964, %broadcast_in_dim3A_967, %broadcast_in_dim3A_968 : vector<16xi1>, vector<16xf32>
        %reduce_sum3A_970 = arith.constant true
        %reduce_sum3A_971 = vector.broadcast %reduce_sum3A_970 : i1 to vector<16xi1>
        %reduce_sum3A_972 = tpu.scan <sum>, %add3A_961 masked %reduce_sum3A_971 : vector<16xf32>, vector<16xi1> -> vector<16xf32>
        %reduce_sum3A_973 = vector.extract %reduce_sum3A_972[15] : f32 from vector<16xf32>
        %mul3A_974 = vector.broadcast %reduce_sum3A_973 : f32 to vector<16xf32>
        %mul3A_975 = arith.mulf %mul3A_974, %select_n3A_969 : vector<16xf32>
        %add3A_976 = arith.addf %add3A_935, %mul3A_975 : vector<16xf32>
        %add3A_977 = arith.constant 3 : i32
        %add3A_978 = arith.addi %add3A_853, %add3A_977 : i32
        %broadcast_in_dim3A_979 = vector.broadcast %add3A_978 : i32 to vector<16xi32>
        %add3A_980 = arith.constant 0 : i32
        %add3A_981 = vector.broadcast %add3A_980 : i32 to vector<16xi32>
        %add3A_982 = arith.addi %iota3A, %add3A_981 : vector<16xi32>
        %gather3A_983 = tpu.vector_load_idx %arg8[%broadcast_in_dim3A, %broadcast_in_dim3A_557, %broadcast_in_dim3A_979, %add3A_982] : memref<3x4x72x128xf32, #tpu.memory_space<vmem>>[vector<16xi32>, vector<16xi32>, vector<16xi32>, vector<16xi32>], vector<16xf32>,
        %mul3A_984 = arith.mulf %gather3A_983, %gather3A_568 : vector<16xf32>
        %add3A_985 = arith.constant 16 : i32
        %add3A_986 = vector.broadcast %add3A_985 : i32 to vector<16xi32>
        %add3A_987 = arith.addi %iota3A, %add3A_986 : vector<16xi32>
        %gather3A_988 = tpu.vector_load_idx %arg8[%broadcast_in_dim3A, %broadcast_in_dim3A_557, %broadcast_in_dim3A_979, %add3A_987] : memref<3x4x72x128xf32, #tpu.memory_space<vmem>>[vector<16xi32>, vector<16xi32>, vector<16xi32>, vector<16xi32>], vector<16xf32>,
        %mul3A_989 = arith.mulf %gather3A_988, %gather3A_579 : vector<16xf32>
        %add3A_990 = arith.addf %mul3A_984, %mul3A_989 : vector<16xf32>
        %add3A_991 = arith.constant 32 : i32
        %add3A_992 = vector.broadcast %add3A_991 : i32 to vector<16xi32>
        %add3A_993 = arith.addi %iota3A, %add3A_992 : vector<16xi32>
        %gather3A_994 = tpu.vector_load_idx %arg8[%broadcast_in_dim3A, %broadcast_in_dim3A_557, %broadcast_in_dim3A_979, %add3A_993] : memref<3x4x72x128xf32, #tpu.memory_space<vmem>>[vector<16xi32>, vector<16xi32>, vector<16xi32>, vector<16xi32>], vector<16xf32>,
        %mul3A_995 = arith.mulf %gather3A_994, %gather3A_590 : vector<16xf32>
        %add3A_996 = arith.addf %add3A_990, %mul3A_995 : vector<16xf32>
        %add3A_997 = arith.constant 48 : i32
        %add3A_998 = vector.broadcast %add3A_997 : i32 to vector<16xi32>
        %add3A_999 = arith.addi %iota3A, %add3A_998 : vector<16xi32>
        %gather3A_1000 = tpu.vector_load_idx %arg8[%broadcast_in_dim3A, %broadcast_in_dim3A_557, %broadcast_in_dim3A_979, %add3A_999] : memref<3x4x72x128xf32, #tpu.memory_space<vmem>>[vector<16xi32>, vector<16xi32>, vector<16xi32>, vector<16xi32>], vector<16xf32>,
        %mul3A_1001 = arith.mulf %gather3A_1000, %gather3A_601 : vector<16xf32>
        %add3A_1002 = arith.addf %add3A_996, %mul3A_1001 : vector<16xf32>
        %eq3A_1003 = arith.constant 3 : i32
        %eq3A_1004 = vector.broadcast %eq3A_1003 : i32 to vector<16xi32>
        %eq3A_1005 = arith.cmpi eq, %iota3A, %eq3A_1004 : vector<16xi32>
        %jit3A_1006 = arith.constant 1.000000e+00 : f32
        %jit3A_1007 = arith.constant 0.000000e+00 : f32
        %broadcast_in_dim3A_1008 = vector.broadcast %jit3A_1006 : f32 to vector<16xf32>
        %broadcast_in_dim3A_1009 = vector.broadcast %jit3A_1007 : f32 to vector<16xf32>
        %select_n3A_1010 = arith.select %eq3A_1005, %broadcast_in_dim3A_1008, %broadcast_in_dim3A_1009 : vector<16xi1>, vector<16xf32>
        %reduce_sum3A_1011 = arith.constant true
        %reduce_sum3A_1012 = vector.broadcast %reduce_sum3A_1011 : i1 to vector<16xi1>
        %reduce_sum3A_1013 = tpu.scan <sum>, %add3A_1002 masked %reduce_sum3A_1012 : vector<16xf32>, vector<16xi1> -> vector<16xf32>
        %reduce_sum3A_1014 = vector.extract %reduce_sum3A_1013[15] : f32 from vector<16xf32>
        %mul3A_1015 = vector.broadcast %reduce_sum3A_1014 : f32 to vector<16xf32>
        %mul3A_1016 = arith.mulf %mul3A_1015, %select_n3A_1010 : vector<16xf32>
        %add3A_1017 = arith.addf %add3A_976, %mul3A_1016 : vector<16xf32>
        %add3A_1018 = arith.constant 4 : i32
        %add3A_1019 = arith.addi %add3A_853, %add3A_1018 : i32
        %broadcast_in_dim3A_1020 = vector.broadcast %add3A_1019 : i32 to vector<16xi32>
        %add3A_1021 = arith.constant 0 : i32
        %add3A_1022 = vector.broadcast %add3A_1021 : i32 to vector<16xi32>
        %add3A_1023 = arith.addi %iota3A, %add3A_1022 : vector<16xi32>
        %gather3A_1024 = tpu.vector_load_idx %arg8[%broadcast_in_dim3A, %broadcast_in_dim3A_557, %broadcast_in_dim3A_1020, %add3A_1023] : memref<3x4x72x128xf32, #tpu.memory_space<vmem>>[vector<16xi32>, vector<16xi32>, vector<16xi32>, vector<16xi32>], vector<16xf32>,
        %mul3A_1025 = arith.mulf %gather3A_1024, %gather3A_568 : vector<16xf32>
        %add3A_1026 = arith.constant 16 : i32
        %add3A_1027 = vector.broadcast %add3A_1026 : i32 to vector<16xi32>
        %add3A_1028 = arith.addi %iota3A, %add3A_1027 : vector<16xi32>
        %gather3A_1029 = tpu.vector_load_idx %arg8[%broadcast_in_dim3A, %broadcast_in_dim3A_557, %broadcast_in_dim3A_1020, %add3A_1028] : memref<3x4x72x128xf32, #tpu.memory_space<vmem>>[vector<16xi32>, vector<16xi32>, vector<16xi32>, vector<16xi32>], vector<16xf32>,
        %mul3A_1030 = arith.mulf %gather3A_1029, %gather3A_579 : vector<16xf32>
        %add3A_1031 = arith.addf %mul3A_1025, %mul3A_1030 : vector<16xf32>
        %add3A_1032 = arith.constant 32 : i32
        %add3A_1033 = vector.broadcast %add3A_1032 : i32 to vector<16xi32>
        %add3A_1034 = arith.addi %iota3A, %add3A_1033 : vector<16xi32>
        %gather3A_1035 = tpu.vector_load_idx %arg8[%broadcast_in_dim3A, %broadcast_in_dim3A_557, %broadcast_in_dim3A_1020, %add3A_1034] : memref<3x4x72x128xf32, #tpu.memory_space<vmem>>[vector<16xi32>, vector<16xi32>, vector<16xi32>, vector<16xi32>], vector<16xf32>,
        %mul3A_1036 = arith.mulf %gather3A_1035, %gather3A_590 : vector<16xf32>
        %add3A_1037 = arith.addf %add3A_1031, %mul3A_1036 : vector<16xf32>
        %add3A_1038 = arith.constant 48 : i32
        %add3A_1039 = vector.broadcast %add3A_1038 : i32 to vector<16xi32>
        %add3A_1040 = arith.addi %iota3A, %add3A_1039 : vector<16xi32>
        %gather3A_1041 = tpu.vector_load_idx %arg8[%broadcast_in_dim3A, %broadcast_in_dim3A_557, %broadcast_in_dim3A_1020, %add3A_1040] : memref<3x4x72x128xf32, #tpu.memory_space<vmem>>[vector<16xi32>, vector<16xi32>, vector<16xi32>, vector<16xi32>], vector<16xf32>,
        %mul3A_1042 = arith.mulf %gather3A_1041, %gather3A_601 : vector<16xf32>
        %add3A_1043 = arith.addf %add3A_1037, %mul3A_1042 : vector<16xf32>
        %eq3A_1044 = arith.constant 4 : i32
        %eq3A_1045 = vector.broadcast %eq3A_1044 : i32 to vector<16xi32>
        %eq3A_1046 = arith.cmpi eq, %iota3A, %eq3A_1045 : vector<16xi32>
        %jit3A_1047 = arith.constant 1.000000e+00 : f32
        %jit3A_1048 = arith.constant 0.000000e+00 : f32
        %broadcast_in_dim3A_1049 = vector.broadcast %jit3A_1047 : f32 to vector<16xf32>
        %broadcast_in_dim3A_1050 = vector.broadcast %jit3A_1048 : f32 to vector<16xf32>
        %select_n3A_1051 = arith.select %eq3A_1046, %broadcast_in_dim3A_1049, %broadcast_in_dim3A_1050 : vector<16xi1>, vector<16xf32>
        %reduce_sum3A_1052 = arith.constant true
        %reduce_sum3A_1053 = vector.broadcast %reduce_sum3A_1052 : i1 to vector<16xi1>
        %reduce_sum3A_1054 = tpu.scan <sum>, %add3A_1043 masked %reduce_sum3A_1053 : vector<16xf32>, vector<16xi1> -> vector<16xf32>
        %reduce_sum3A_1055 = vector.extract %reduce_sum3A_1054[15] : f32 from vector<16xf32>
        %mul3A_1056 = vector.broadcast %reduce_sum3A_1055 : f32 to vector<16xf32>
        %mul3A_1057 = arith.mulf %mul3A_1056, %select_n3A_1051 : vector<16xf32>
        %add3A_1058 = arith.addf %add3A_1017, %mul3A_1057 : vector<16xf32>
        %add3A_1059 = arith.constant 5 : i32
        %add3A_1060 = arith.addi %add3A_853, %add3A_1059 : i32
        %broadcast_in_dim3A_1061 = vector.broadcast %add3A_1060 : i32 to vector<16xi32>
        %add3A_1062 = arith.constant 0 : i32
        %add3A_1063 = vector.broadcast %add3A_1062 : i32 to vector<16xi32>
        %add3A_1064 = arith.addi %iota3A, %add3A_1063 : vector<16xi32>
        %gather3A_1065 = tpu.vector_load_idx %arg8[%broadcast_in_dim3A, %broadcast_in_dim3A_557, %broadcast_in_dim3A_1061, %add3A_1064] : memref<3x4x72x128xf32, #tpu.memory_space<vmem>>[vector<16xi32>, vector<16xi32>, vector<16xi32>, vector<16xi32>], vector<16xf32>,
        %mul3A_1066 = arith.mulf %gather3A_1065, %gather3A_568 : vector<16xf32>
        %add3A_1067 = arith.constant 16 : i32
        %add3A_1068 = vector.broadcast %add3A_1067 : i32 to vector<16xi32>
        %add3A_1069 = arith.addi %iota3A, %add3A_1068 : vector<16xi32>
        %gather3A_1070 = tpu.vector_load_idx %arg8[%broadcast_in_dim3A, %broadcast_in_dim3A_557, %broadcast_in_dim3A_1061, %add3A_1069] : memref<3x4x72x128xf32, #tpu.memory_space<vmem>>[vector<16xi32>, vector<16xi32>, vector<16xi32>, vector<16xi32>], vector<16xf32>,
        %mul3A_1071 = arith.mulf %gather3A_1070, %gather3A_579 : vector<16xf32>
        %add3A_1072 = arith.addf %mul3A_1066, %mul3A_1071 : vector<16xf32>
        %add3A_1073 = arith.constant 32 : i32
        %add3A_1074 = vector.broadcast %add3A_1073 : i32 to vector<16xi32>
        %add3A_1075 = arith.addi %iota3A, %add3A_1074 : vector<16xi32>
        %gather3A_1076 = tpu.vector_load_idx %arg8[%broadcast_in_dim3A, %broadcast_in_dim3A_557, %broadcast_in_dim3A_1061, %add3A_1075] : memref<3x4x72x128xf32, #tpu.memory_space<vmem>>[vector<16xi32>, vector<16xi32>, vector<16xi32>, vector<16xi32>], vector<16xf32>,
        %mul3A_1077 = arith.mulf %gather3A_1076, %gather3A_590 : vector<16xf32>
        %add3A_1078 = arith.addf %add3A_1072, %mul3A_1077 : vector<16xf32>
        %add3A_1079 = arith.constant 48 : i32
        %add3A_1080 = vector.broadcast %add3A_1079 : i32 to vector<16xi32>
        %add3A_1081 = arith.addi %iota3A, %add3A_1080 : vector<16xi32>
        %gather3A_1082 = tpu.vector_load_idx %arg8[%broadcast_in_dim3A, %broadcast_in_dim3A_557, %broadcast_in_dim3A_1061, %add3A_1081] : memref<3x4x72x128xf32, #tpu.memory_space<vmem>>[vector<16xi32>, vector<16xi32>, vector<16xi32>, vector<16xi32>], vector<16xf32>,
        %mul3A_1083 = arith.mulf %gather3A_1082, %gather3A_601 : vector<16xf32>
        %add3A_1084 = arith.addf %add3A_1078, %mul3A_1083 : vector<16xf32>
        %eq3A_1085 = arith.constant 5 : i32
        %eq3A_1086 = vector.broadcast %eq3A_1085 : i32 to vector<16xi32>
        %eq3A_1087 = arith.cmpi eq, %iota3A, %eq3A_1086 : vector<16xi32>
        %jit3A_1088 = arith.constant 1.000000e+00 : f32
        %jit3A_1089 = arith.constant 0.000000e+00 : f32
        %broadcast_in_dim3A_1090 = vector.broadcast %jit3A_1088 : f32 to vector<16xf32>
        %broadcast_in_dim3A_1091 = vector.broadcast %jit3A_1089 : f32 to vector<16xf32>
        %select_n3A_1092 = arith.select %eq3A_1087, %broadcast_in_dim3A_1090, %broadcast_in_dim3A_1091 : vector<16xi1>, vector<16xf32>
        %reduce_sum3A_1093 = arith.constant true
        %reduce_sum3A_1094 = vector.broadcast %reduce_sum3A_1093 : i1 to vector<16xi1>
        %reduce_sum3A_1095 = tpu.scan <sum>, %add3A_1084 masked %reduce_sum3A_1094 : vector<16xf32>, vector<16xi1> -> vector<16xf32>
        %reduce_sum3A_1096 = vector.extract %reduce_sum3A_1095[15] : f32 from vector<16xf32>
        %mul3A_1097 = vector.broadcast %reduce_sum3A_1096 : f32 to vector<16xf32>
        %mul3A_1098 = arith.mulf %mul3A_1097, %select_n3A_1092 : vector<16xf32>
        %add3A_1099 = arith.addf %add3A_1058, %mul3A_1098 : vector<16xf32>
        %add3A_1100 = arith.constant 6 : i32
        %add3A_1101 = arith.addi %add3A_853, %add3A_1100 : i32
        %broadcast_in_dim3A_1102 = vector.broadcast %add3A_1101 : i32 to vector<16xi32>
        %add3A_1103 = arith.constant 0 : i32
        %add3A_1104 = vector.broadcast %add3A_1103 : i32 to vector<16xi32>
        %add3A_1105 = arith.addi %iota3A, %add3A_1104 : vector<16xi32>
        %gather3A_1106 = tpu.vector_load_idx %arg8[%broadcast_in_dim3A, %broadcast_in_dim3A_557, %broadcast_in_dim3A_1102, %add3A_1105] : memref<3x4x72x128xf32, #tpu.memory_space<vmem>>[vector<16xi32>, vector<16xi32>, vector<16xi32>, vector<16xi32>], vector<16xf32>,
        %mul3A_1107 = arith.mulf %gather3A_1106, %gather3A_568 : vector<16xf32>
        %add3A_1108 = arith.constant 16 : i32
        %add3A_1109 = vector.broadcast %add3A_1108 : i32 to vector<16xi32>
        %add3A_1110 = arith.addi %iota3A, %add3A_1109 : vector<16xi32>
        %gather3A_1111 = tpu.vector_load_idx %arg8[%broadcast_in_dim3A, %broadcast_in_dim3A_557, %broadcast_in_dim3A_1102, %add3A_1110] : memref<3x4x72x128xf32, #tpu.memory_space<vmem>>[vector<16xi32>, vector<16xi32>, vector<16xi32>, vector<16xi32>], vector<16xf32>,
        %mul3A_1112 = arith.mulf %gather3A_1111, %gather3A_579 : vector<16xf32>
        %add3A_1113 = arith.addf %mul3A_1107, %mul3A_1112 : vector<16xf32>
        %add3A_1114 = arith.constant 32 : i32
        %add3A_1115 = vector.broadcast %add3A_1114 : i32 to vector<16xi32>
        %add3A_1116 = arith.addi %iota3A, %add3A_1115 : vector<16xi32>
        %gather3A_1117 = tpu.vector_load_idx %arg8[%broadcast_in_dim3A, %broadcast_in_dim3A_557, %broadcast_in_dim3A_1102, %add3A_1116] : memref<3x4x72x128xf32, #tpu.memory_space<vmem>>[vector<16xi32>, vector<16xi32>, vector<16xi32>, vector<16xi32>], vector<16xf32>,
        %mul3A_1118 = arith.mulf %gather3A_1117, %gather3A_590 : vector<16xf32>
        %add3A_1119 = arith.addf %add3A_1113, %mul3A_1118 : vector<16xf32>
        %add3A_1120 = arith.constant 48 : i32
        %add3A_1121 = vector.broadcast %add3A_1120 : i32 to vector<16xi32>
        %add3A_1122 = arith.addi %iota3A, %add3A_1121 : vector<16xi32>
        %gather3A_1123 = tpu.vector_load_idx %arg8[%broadcast_in_dim3A, %broadcast_in_dim3A_557, %broadcast_in_dim3A_1102, %add3A_1122] : memref<3x4x72x128xf32, #tpu.memory_space<vmem>>[vector<16xi32>, vector<16xi32>, vector<16xi32>, vector<16xi32>], vector<16xf32>,
        %mul3A_1124 = arith.mulf %gather3A_1123, %gather3A_601 : vector<16xf32>
        %add3A_1125 = arith.addf %add3A_1119, %mul3A_1124 : vector<16xf32>
        %eq3A_1126 = arith.constant 6 : i32
        %eq3A_1127 = vector.broadcast %eq3A_1126 : i32 to vector<16xi32>
        %eq3A_1128 = arith.cmpi eq, %iota3A, %eq3A_1127 : vector<16xi32>
        %jit3A_1129 = arith.constant 1.000000e+00 : f32
        %jit3A_1130 = arith.constant 0.000000e+00 : f32
        %broadcast_in_dim3A_1131 = vector.broadcast %jit3A_1129 : f32 to vector<16xf32>
        %broadcast_in_dim3A_1132 = vector.broadcast %jit3A_1130 : f32 to vector<16xf32>
        %select_n3A_1133 = arith.select %eq3A_1128, %broadcast_in_dim3A_1131, %broadcast_in_dim3A_1132 : vector<16xi1>, vector<16xf32>
        %reduce_sum3A_1134 = arith.constant true
        %reduce_sum3A_1135 = vector.broadcast %reduce_sum3A_1134 : i1 to vector<16xi1>
        %reduce_sum3A_1136 = tpu.scan <sum>, %add3A_1125 masked %reduce_sum3A_1135 : vector<16xf32>, vector<16xi1> -> vector<16xf32>
        %reduce_sum3A_1137 = vector.extract %reduce_sum3A_1136[15] : f32 from vector<16xf32>
        %mul3A_1138 = vector.broadcast %reduce_sum3A_1137 : f32 to vector<16xf32>
        %mul3A_1139 = arith.mulf %mul3A_1138, %select_n3A_1133 : vector<16xf32>
        %add3A_1140 = arith.addf %add3A_1099, %mul3A_1139 : vector<16xf32>
        %add3A_1141 = arith.constant 7 : i32
        %add3A_1142 = arith.addi %add3A_853, %add3A_1141 : i32
        %broadcast_in_dim3A_1143 = vector.broadcast %add3A_1142 : i32 to vector<16xi32>
        %add3A_1144 = arith.constant 0 : i32
        %add3A_1145 = vector.broadcast %add3A_1144 : i32 to vector<16xi32>
        %add3A_1146 = arith.addi %iota3A, %add3A_1145 : vector<16xi32>
        %gather3A_1147 = tpu.vector_load_idx %arg8[%broadcast_in_dim3A, %broadcast_in_dim3A_557, %broadcast_in_dim3A_1143, %add3A_1146] : memref<3x4x72x128xf32, #tpu.memory_space<vmem>>[vector<16xi32>, vector<16xi32>, vector<16xi32>, vector<16xi32>], vector<16xf32>,
        %mul3A_1148 = arith.mulf %gather3A_1147, %gather3A_568 : vector<16xf32>
        %add3A_1149 = arith.constant 16 : i32
        %add3A_1150 = vector.broadcast %add3A_1149 : i32 to vector<16xi32>
        %add3A_1151 = arith.addi %iota3A, %add3A_1150 : vector<16xi32>
        %gather3A_1152 = tpu.vector_load_idx %arg8[%broadcast_in_dim3A, %broadcast_in_dim3A_557, %broadcast_in_dim3A_1143, %add3A_1151] : memref<3x4x72x128xf32, #tpu.memory_space<vmem>>[vector<16xi32>, vector<16xi32>, vector<16xi32>, vector<16xi32>], vector<16xf32>,
        %mul3A_1153 = arith.mulf %gather3A_1152, %gather3A_579 : vector<16xf32>
        %add3A_1154 = arith.addf %mul3A_1148, %mul3A_1153 : vector<16xf32>
        %add3A_1155 = arith.constant 32 : i32
        %add3A_1156 = vector.broadcast %add3A_1155 : i32 to vector<16xi32>
        %add3A_1157 = arith.addi %iota3A, %add3A_1156 : vector<16xi32>
        %gather3A_1158 = tpu.vector_load_idx %arg8[%broadcast_in_dim3A, %broadcast_in_dim3A_557, %broadcast_in_dim3A_1143, %add3A_1157] : memref<3x4x72x128xf32, #tpu.memory_space<vmem>>[vector<16xi32>, vector<16xi32>, vector<16xi32>, vector<16xi32>], vector<16xf32>,
        %mul3A_1159 = arith.mulf %gather3A_1158, %gather3A_590 : vector<16xf32>
        %add3A_1160 = arith.addf %add3A_1154, %mul3A_1159 : vector<16xf32>
        %add3A_1161 = arith.constant 48 : i32
        %add3A_1162 = vector.broadcast %add3A_1161 : i32 to vector<16xi32>
        %add3A_1163 = arith.addi %iota3A, %add3A_1162 : vector<16xi32>
        %gather3A_1164 = tpu.vector_load_idx %arg8[%broadcast_in_dim3A, %broadcast_in_dim3A_557, %broadcast_in_dim3A_1143, %add3A_1163] : memref<3x4x72x128xf32, #tpu.memory_space<vmem>>[vector<16xi32>, vector<16xi32>, vector<16xi32>, vector<16xi32>], vector<16xf32>,
        %mul3A_1165 = arith.mulf %gather3A_1164, %gather3A_601 : vector<16xf32>
        %add3A_1166 = arith.addf %add3A_1160, %mul3A_1165 : vector<16xf32>
        %eq3A_1167 = arith.constant 7 : i32
        %eq3A_1168 = vector.broadcast %eq3A_1167 : i32 to vector<16xi32>
        %eq3A_1169 = arith.cmpi eq, %iota3A, %eq3A_1168 : vector<16xi32>
        %jit3A_1170 = arith.constant 1.000000e+00 : f32
        %jit3A_1171 = arith.constant 0.000000e+00 : f32
        %broadcast_in_dim3A_1172 = vector.broadcast %jit3A_1170 : f32 to vector<16xf32>
        %broadcast_in_dim3A_1173 = vector.broadcast %jit3A_1171 : f32 to vector<16xf32>
        %select_n3A_1174 = arith.select %eq3A_1169, %broadcast_in_dim3A_1172, %broadcast_in_dim3A_1173 : vector<16xi1>, vector<16xf32>
        %reduce_sum3A_1175 = arith.constant true
        %reduce_sum3A_1176 = vector.broadcast %reduce_sum3A_1175 : i1 to vector<16xi1>
        %reduce_sum3A_1177 = tpu.scan <sum>, %add3A_1166 masked %reduce_sum3A_1176 : vector<16xf32>, vector<16xi1> -> vector<16xf32>
        %reduce_sum3A_1178 = vector.extract %reduce_sum3A_1177[15] : f32 from vector<16xf32>
        %mul3A_1179 = vector.broadcast %reduce_sum3A_1178 : f32 to vector<16xf32>
        %mul3A_1180 = arith.mulf %mul3A_1179, %select_n3A_1174 : vector<16xf32>
        %add3A_1181 = arith.addf %add3A_1140, %mul3A_1180 : vector<16xf32>
        %add3A_1182 = arith.constant 8 : i32
        %add3A_1183 = arith.addi %add3A_853, %add3A_1182 : i32
        %broadcast_in_dim3A_1184 = vector.broadcast %add3A_1183 : i32 to vector<16xi32>
        %add3A_1185 = arith.constant 0 : i32
        %add3A_1186 = vector.broadcast %add3A_1185 : i32 to vector<16xi32>
        %add3A_1187 = arith.addi %iota3A, %add3A_1186 : vector<16xi32>
        %gather3A_1188 = tpu.vector_load_idx %arg8[%broadcast_in_dim3A, %broadcast_in_dim3A_557, %broadcast_in_dim3A_1184, %add3A_1187] : memref<3x4x72x128xf32, #tpu.memory_space<vmem>>[vector<16xi32>, vector<16xi32>, vector<16xi32>, vector<16xi32>], vector<16xf32>,
        %mul3A_1189 = arith.mulf %gather3A_1188, %gather3A_568 : vector<16xf32>
        %add3A_1190 = arith.constant 16 : i32
        %add3A_1191 = vector.broadcast %add3A_1190 : i32 to vector<16xi32>
        %add3A_1192 = arith.addi %iota3A, %add3A_1191 : vector<16xi32>
        %gather3A_1193 = tpu.vector_load_idx %arg8[%broadcast_in_dim3A, %broadcast_in_dim3A_557, %broadcast_in_dim3A_1184, %add3A_1192] : memref<3x4x72x128xf32, #tpu.memory_space<vmem>>[vector<16xi32>, vector<16xi32>, vector<16xi32>, vector<16xi32>], vector<16xf32>,
        %mul3A_1194 = arith.mulf %gather3A_1193, %gather3A_579 : vector<16xf32>
        %add3A_1195 = arith.addf %mul3A_1189, %mul3A_1194 : vector<16xf32>
        %add3A_1196 = arith.constant 32 : i32
        %add3A_1197 = vector.broadcast %add3A_1196 : i32 to vector<16xi32>
        %add3A_1198 = arith.addi %iota3A, %add3A_1197 : vector<16xi32>
        %gather3A_1199 = tpu.vector_load_idx %arg8[%broadcast_in_dim3A, %broadcast_in_dim3A_557, %broadcast_in_dim3A_1184, %add3A_1198] : memref<3x4x72x128xf32, #tpu.memory_space<vmem>>[vector<16xi32>, vector<16xi32>, vector<16xi32>, vector<16xi32>], vector<16xf32>,
        %mul3A_1200 = arith.mulf %gather3A_1199, %gather3A_590 : vector<16xf32>
        %add3A_1201 = arith.addf %add3A_1195, %mul3A_1200 : vector<16xf32>
        %add3A_1202 = arith.constant 48 : i32
        %add3A_1203 = vector.broadcast %add3A_1202 : i32 to vector<16xi32>
        %add3A_1204 = arith.addi %iota3A, %add3A_1203 : vector<16xi32>
        %gather3A_1205 = tpu.vector_load_idx %arg8[%broadcast_in_dim3A, %broadcast_in_dim3A_557, %broadcast_in_dim3A_1184, %add3A_1204] : memref<3x4x72x128xf32, #tpu.memory_space<vmem>>[vector<16xi32>, vector<16xi32>, vector<16xi32>, vector<16xi32>], vector<16xf32>,
        %mul3A_1206 = arith.mulf %gather3A_1205, %gather3A_601 : vector<16xf32>
        %add3A_1207 = arith.addf %add3A_1201, %mul3A_1206 : vector<16xf32>
        %eq3A_1208 = arith.constant 8 : i32
        %eq3A_1209 = vector.broadcast %eq3A_1208 : i32 to vector<16xi32>
        %eq3A_1210 = arith.cmpi eq, %iota3A, %eq3A_1209 : vector<16xi32>
        %jit3A_1211 = arith.constant 1.000000e+00 : f32
        %jit3A_1212 = arith.constant 0.000000e+00 : f32
        %broadcast_in_dim3A_1213 = vector.broadcast %jit3A_1211 : f32 to vector<16xf32>
        %broadcast_in_dim3A_1214 = vector.broadcast %jit3A_1212 : f32 to vector<16xf32>
        %select_n3A_1215 = arith.select %eq3A_1210, %broadcast_in_dim3A_1213, %broadcast_in_dim3A_1214 : vector<16xi1>, vector<16xf32>
        %reduce_sum3A_1216 = arith.constant true
        %reduce_sum3A_1217 = vector.broadcast %reduce_sum3A_1216 : i1 to vector<16xi1>
        %reduce_sum3A_1218 = tpu.scan <sum>, %add3A_1207 masked %reduce_sum3A_1217 : vector<16xf32>, vector<16xi1> -> vector<16xf32>
        %reduce_sum3A_1219 = vector.extract %reduce_sum3A_1218[15] : f32 from vector<16xf32>
        %mul3A_1220 = vector.broadcast %reduce_sum3A_1219 : f32 to vector<16xf32>
        %mul3A_1221 = arith.mulf %mul3A_1220, %select_n3A_1215 : vector<16xf32>
        %add3A_1222 = arith.addf %add3A_1181, %mul3A_1221 : vector<16xf32>
        %add3A_1223 = arith.constant 9 : i32
        %add3A_1224 = arith.addi %add3A_853, %add3A_1223 : i32
        %broadcast_in_dim3A_1225 = vector.broadcast %add3A_1224 : i32 to vector<16xi32>
        %add3A_1226 = arith.constant 0 : i32
        %add3A_1227 = vector.broadcast %add3A_1226 : i32 to vector<16xi32>
        %add3A_1228 = arith.addi %iota3A, %add3A_1227 : vector<16xi32>
        %gather3A_1229 = tpu.vector_load_idx %arg8[%broadcast_in_dim3A, %broadcast_in_dim3A_557, %broadcast_in_dim3A_1225, %add3A_1228] : memref<3x4x72x128xf32, #tpu.memory_space<vmem>>[vector<16xi32>, vector<16xi32>, vector<16xi32>, vector<16xi32>], vector<16xf32>,
        %mul3A_1230 = arith.mulf %gather3A_1229, %gather3A_568 : vector<16xf32>
        %add3A_1231 = arith.constant 16 : i32
        %add3A_1232 = vector.broadcast %add3A_1231 : i32 to vector<16xi32>
        %add3A_1233 = arith.addi %iota3A, %add3A_1232 : vector<16xi32>
        %gather3A_1234 = tpu.vector_load_idx %arg8[%broadcast_in_dim3A, %broadcast_in_dim3A_557, %broadcast_in_dim3A_1225, %add3A_1233] : memref<3x4x72x128xf32, #tpu.memory_space<vmem>>[vector<16xi32>, vector<16xi32>, vector<16xi32>, vector<16xi32>], vector<16xf32>,
        %mul3A_1235 = arith.mulf %gather3A_1234, %gather3A_579 : vector<16xf32>
        %add3A_1236 = arith.addf %mul3A_1230, %mul3A_1235 : vector<16xf32>
        %add3A_1237 = arith.constant 32 : i32
        %add3A_1238 = vector.broadcast %add3A_1237 : i32 to vector<16xi32>
        %add3A_1239 = arith.addi %iota3A, %add3A_1238 : vector<16xi32>
        %gather3A_1240 = tpu.vector_load_idx %arg8[%broadcast_in_dim3A, %broadcast_in_dim3A_557, %broadcast_in_dim3A_1225, %add3A_1239] : memref<3x4x72x128xf32, #tpu.memory_space<vmem>>[vector<16xi32>, vector<16xi32>, vector<16xi32>, vector<16xi32>], vector<16xf32>,
        %mul3A_1241 = arith.mulf %gather3A_1240, %gather3A_590 : vector<16xf32>
        %add3A_1242 = arith.addf %add3A_1236, %mul3A_1241 : vector<16xf32>
        %add3A_1243 = arith.constant 48 : i32
        %add3A_1244 = vector.broadcast %add3A_1243 : i32 to vector<16xi32>
        %add3A_1245 = arith.addi %iota3A, %add3A_1244 : vector<16xi32>
        %gather3A_1246 = tpu.vector_load_idx %arg8[%broadcast_in_dim3A, %broadcast_in_dim3A_557, %broadcast_in_dim3A_1225, %add3A_1245] : memref<3x4x72x128xf32, #tpu.memory_space<vmem>>[vector<16xi32>, vector<16xi32>, vector<16xi32>, vector<16xi32>], vector<16xf32>,
        %mul3A_1247 = arith.mulf %gather3A_1246, %gather3A_601 : vector<16xf32>
        %add3A_1248 = arith.addf %add3A_1242, %mul3A_1247 : vector<16xf32>
        %eq3A_1249 = arith.constant 9 : i32
        %eq3A_1250 = vector.broadcast %eq3A_1249 : i32 to vector<16xi32>
        %eq3A_1251 = arith.cmpi eq, %iota3A, %eq3A_1250 : vector<16xi32>
        %jit3A_1252 = arith.constant 1.000000e+00 : f32
        %jit3A_1253 = arith.constant 0.000000e+00 : f32
        %broadcast_in_dim3A_1254 = vector.broadcast %jit3A_1252 : f32 to vector<16xf32>
        %broadcast_in_dim3A_1255 = vector.broadcast %jit3A_1253 : f32 to vector<16xf32>
        %select_n3A_1256 = arith.select %eq3A_1251, %broadcast_in_dim3A_1254, %broadcast_in_dim3A_1255 : vector<16xi1>, vector<16xf32>
        %reduce_sum3A_1257 = arith.constant true
        %reduce_sum3A_1258 = vector.broadcast %reduce_sum3A_1257 : i1 to vector<16xi1>
        %reduce_sum3A_1259 = tpu.scan <sum>, %add3A_1248 masked %reduce_sum3A_1258 : vector<16xf32>, vector<16xi1> -> vector<16xf32>
        %reduce_sum3A_1260 = vector.extract %reduce_sum3A_1259[15] : f32 from vector<16xf32>
        %mul3A_1261 = vector.broadcast %reduce_sum3A_1260 : f32 to vector<16xf32>
        %mul3A_1262 = arith.mulf %mul3A_1261, %select_n3A_1256 : vector<16xf32>
        %add3A_1263 = arith.addf %add3A_1222, %mul3A_1262 : vector<16xf32>
        %add3A_1264 = arith.constant 10 : i32
        %add3A_1265 = arith.addi %add3A_853, %add3A_1264 : i32
        %broadcast_in_dim3A_1266 = vector.broadcast %add3A_1265 : i32 to vector<16xi32>
        %add3A_1267 = arith.constant 0 : i32
        %add3A_1268 = vector.broadcast %add3A_1267 : i32 to vector<16xi32>
        %add3A_1269 = arith.addi %iota3A, %add3A_1268 : vector<16xi32>
        %gather3A_1270 = tpu.vector_load_idx %arg8[%broadcast_in_dim3A, %broadcast_in_dim3A_557, %broadcast_in_dim3A_1266, %add3A_1269] : memref<3x4x72x128xf32, #tpu.memory_space<vmem>>[vector<16xi32>, vector<16xi32>, vector<16xi32>, vector<16xi32>], vector<16xf32>,
        %mul3A_1271 = arith.mulf %gather3A_1270, %gather3A_568 : vector<16xf32>
        %add3A_1272 = arith.constant 16 : i32
        %add3A_1273 = vector.broadcast %add3A_1272 : i32 to vector<16xi32>
        %add3A_1274 = arith.addi %iota3A, %add3A_1273 : vector<16xi32>
        %gather3A_1275 = tpu.vector_load_idx %arg8[%broadcast_in_dim3A, %broadcast_in_dim3A_557, %broadcast_in_dim3A_1266, %add3A_1274] : memref<3x4x72x128xf32, #tpu.memory_space<vmem>>[vector<16xi32>, vector<16xi32>, vector<16xi32>, vector<16xi32>], vector<16xf32>,
        %mul3A_1276 = arith.mulf %gather3A_1275, %gather3A_579 : vector<16xf32>
        %add3A_1277 = arith.addf %mul3A_1271, %mul3A_1276 : vector<16xf32>
        %add3A_1278 = arith.constant 32 : i32
        %add3A_1279 = vector.broadcast %add3A_1278 : i32 to vector<16xi32>
        %add3A_1280 = arith.addi %iota3A, %add3A_1279 : vector<16xi32>
        %gather3A_1281 = tpu.vector_load_idx %arg8[%broadcast_in_dim3A, %broadcast_in_dim3A_557, %broadcast_in_dim3A_1266, %add3A_1280] : memref<3x4x72x128xf32, #tpu.memory_space<vmem>>[vector<16xi32>, vector<16xi32>, vector<16xi32>, vector<16xi32>], vector<16xf32>,
        %mul3A_1282 = arith.mulf %gather3A_1281, %gather3A_590 : vector<16xf32>
        %add3A_1283 = arith.addf %add3A_1277, %mul3A_1282 : vector<16xf32>
        %add3A_1284 = arith.constant 48 : i32
        %add3A_1285 = vector.broadcast %add3A_1284 : i32 to vector<16xi32>
        %add3A_1286 = arith.addi %iota3A, %add3A_1285 : vector<16xi32>
        %gather3A_1287 = tpu.vector_load_idx %arg8[%broadcast_in_dim3A, %broadcast_in_dim3A_557, %broadcast_in_dim3A_1266, %add3A_1286] : memref<3x4x72x128xf32, #tpu.memory_space<vmem>>[vector<16xi32>, vector<16xi32>, vector<16xi32>, vector<16xi32>], vector<16xf32>,
        %mul3A_1288 = arith.mulf %gather3A_1287, %gather3A_601 : vector<16xf32>
        %add3A_1289 = arith.addf %add3A_1283, %mul3A_1288 : vector<16xf32>
        %eq3A_1290 = arith.constant 10 : i32
        %eq3A_1291 = vector.broadcast %eq3A_1290 : i32 to vector<16xi32>
        %eq3A_1292 = arith.cmpi eq, %iota3A, %eq3A_1291 : vector<16xi32>
        %jit3A_1293 = arith.constant 1.000000e+00 : f32
        %jit3A_1294 = arith.constant 0.000000e+00 : f32
        %broadcast_in_dim3A_1295 = vector.broadcast %jit3A_1293 : f32 to vector<16xf32>
        %broadcast_in_dim3A_1296 = vector.broadcast %jit3A_1294 : f32 to vector<16xf32>
        %select_n3A_1297 = arith.select %eq3A_1292, %broadcast_in_dim3A_1295, %broadcast_in_dim3A_1296 : vector<16xi1>, vector<16xf32>
        %reduce_sum3A_1298 = arith.constant true
        %reduce_sum3A_1299 = vector.broadcast %reduce_sum3A_1298 : i1 to vector<16xi1>
        %reduce_sum3A_1300 = tpu.scan <sum>, %add3A_1289 masked %reduce_sum3A_1299 : vector<16xf32>, vector<16xi1> -> vector<16xf32>
        %reduce_sum3A_1301 = vector.extract %reduce_sum3A_1300[15] : f32 from vector<16xf32>
        %mul3A_1302 = vector.broadcast %reduce_sum3A_1301 : f32 to vector<16xf32>
        %mul3A_1303 = arith.mulf %mul3A_1302, %select_n3A_1297 : vector<16xf32>
        %add3A_1304 = arith.addf %add3A_1263, %mul3A_1303 : vector<16xf32>
        %add3A_1305 = arith.constant 11 : i32
        %add3A_1306 = arith.addi %add3A_853, %add3A_1305 : i32
        %broadcast_in_dim3A_1307 = vector.broadcast %add3A_1306 : i32 to vector<16xi32>
        %add3A_1308 = arith.constant 0 : i32
        %add3A_1309 = vector.broadcast %add3A_1308 : i32 to vector<16xi32>
        %add3A_1310 = arith.addi %iota3A, %add3A_1309 : vector<16xi32>
        %gather3A_1311 = tpu.vector_load_idx %arg8[%broadcast_in_dim3A, %broadcast_in_dim3A_557, %broadcast_in_dim3A_1307, %add3A_1310] : memref<3x4x72x128xf32, #tpu.memory_space<vmem>>[vector<16xi32>, vector<16xi32>, vector<16xi32>, vector<16xi32>], vector<16xf32>,
        %mul3A_1312 = arith.mulf %gather3A_1311, %gather3A_568 : vector<16xf32>
        %add3A_1313 = arith.constant 16 : i32
        %add3A_1314 = vector.broadcast %add3A_1313 : i32 to vector<16xi32>
        %add3A_1315 = arith.addi %iota3A, %add3A_1314 : vector<16xi32>
        %gather3A_1316 = tpu.vector_load_idx %arg8[%broadcast_in_dim3A, %broadcast_in_dim3A_557, %broadcast_in_dim3A_1307, %add3A_1315] : memref<3x4x72x128xf32, #tpu.memory_space<vmem>>[vector<16xi32>, vector<16xi32>, vector<16xi32>, vector<16xi32>], vector<16xf32>,
        %mul3A_1317 = arith.mulf %gather3A_1316, %gather3A_579 : vector<16xf32>
        %add3A_1318 = arith.addf %mul3A_1312, %mul3A_1317 : vector<16xf32>
        %add3A_1319 = arith.constant 32 : i32
        %add3A_1320 = vector.broadcast %add3A_1319 : i32 to vector<16xi32>
        %add3A_1321 = arith.addi %iota3A, %add3A_1320 : vector<16xi32>
        %gather3A_1322 = tpu.vector_load_idx %arg8[%broadcast_in_dim3A, %broadcast_in_dim3A_557, %broadcast_in_dim3A_1307, %add3A_1321] : memref<3x4x72x128xf32, #tpu.memory_space<vmem>>[vector<16xi32>, vector<16xi32>, vector<16xi32>, vector<16xi32>], vector<16xf32>,
        %mul3A_1323 = arith.mulf %gather3A_1322, %gather3A_590 : vector<16xf32>
        %add3A_1324 = arith.addf %add3A_1318, %mul3A_1323 : vector<16xf32>
        %add3A_1325 = arith.constant 48 : i32
        %add3A_1326 = vector.broadcast %add3A_1325 : i32 to vector<16xi32>
        %add3A_1327 = arith.addi %iota3A, %add3A_1326 : vector<16xi32>
        %gather3A_1328 = tpu.vector_load_idx %arg8[%broadcast_in_dim3A, %broadcast_in_dim3A_557, %broadcast_in_dim3A_1307, %add3A_1327] : memref<3x4x72x128xf32, #tpu.memory_space<vmem>>[vector<16xi32>, vector<16xi32>, vector<16xi32>, vector<16xi32>], vector<16xf32>,
        %mul3A_1329 = arith.mulf %gather3A_1328, %gather3A_601 : vector<16xf32>
        %add3A_1330 = arith.addf %add3A_1324, %mul3A_1329 : vector<16xf32>
        %eq3A_1331 = arith.constant 11 : i32
        %eq3A_1332 = vector.broadcast %eq3A_1331 : i32 to vector<16xi32>
        %eq3A_1333 = arith.cmpi eq, %iota3A, %eq3A_1332 : vector<16xi32>
        %jit3A_1334 = arith.constant 1.000000e+00 : f32
        %jit3A_1335 = arith.constant 0.000000e+00 : f32
        %broadcast_in_dim3A_1336 = vector.broadcast %jit3A_1334 : f32 to vector<16xf32>
        %broadcast_in_dim3A_1337 = vector.broadcast %jit3A_1335 : f32 to vector<16xf32>
        %select_n3A_1338 = arith.select %eq3A_1333, %broadcast_in_dim3A_1336, %broadcast_in_dim3A_1337 : vector<16xi1>, vector<16xf32>
        %reduce_sum3A_1339 = arith.constant true
        %reduce_sum3A_1340 = vector.broadcast %reduce_sum3A_1339 : i1 to vector<16xi1>
        %reduce_sum3A_1341 = tpu.scan <sum>, %add3A_1330 masked %reduce_sum3A_1340 : vector<16xf32>, vector<16xi1> -> vector<16xf32>
        %reduce_sum3A_1342 = vector.extract %reduce_sum3A_1341[15] : f32 from vector<16xf32>
        %mul3A_1343 = vector.broadcast %reduce_sum3A_1342 : f32 to vector<16xf32>
        %mul3A_1344 = arith.mulf %mul3A_1343, %select_n3A_1338 : vector<16xf32>
        %add3A_1345 = arith.addf %add3A_1304, %mul3A_1344 : vector<16xf32>
        %add3A_1346 = arith.constant 12 : i32
        %add3A_1347 = arith.addi %add3A_853, %add3A_1346 : i32
        %broadcast_in_dim3A_1348 = vector.broadcast %add3A_1347 : i32 to vector<16xi32>
        %add3A_1349 = arith.constant 0 : i32
        %add3A_1350 = vector.broadcast %add3A_1349 : i32 to vector<16xi32>
        %add3A_1351 = arith.addi %iota3A, %add3A_1350 : vector<16xi32>
        %gather3A_1352 = tpu.vector_load_idx %arg8[%broadcast_in_dim3A, %broadcast_in_dim3A_557, %broadcast_in_dim3A_1348, %add3A_1351] : memref<3x4x72x128xf32, #tpu.memory_space<vmem>>[vector<16xi32>, vector<16xi32>, vector<16xi32>, vector<16xi32>], vector<16xf32>,
        %mul3A_1353 = arith.mulf %gather3A_1352, %gather3A_568 : vector<16xf32>
        %add3A_1354 = arith.constant 16 : i32
        %add3A_1355 = vector.broadcast %add3A_1354 : i32 to vector<16xi32>
        %add3A_1356 = arith.addi %iota3A, %add3A_1355 : vector<16xi32>
        %gather3A_1357 = tpu.vector_load_idx %arg8[%broadcast_in_dim3A, %broadcast_in_dim3A_557, %broadcast_in_dim3A_1348, %add3A_1356] : memref<3x4x72x128xf32, #tpu.memory_space<vmem>>[vector<16xi32>, vector<16xi32>, vector<16xi32>, vector<16xi32>], vector<16xf32>,
        %mul3A_1358 = arith.mulf %gather3A_1357, %gather3A_579 : vector<16xf32>
        %add3A_1359 = arith.addf %mul3A_1353, %mul3A_1358 : vector<16xf32>
        %add3A_1360 = arith.constant 32 : i32
        %add3A_1361 = vector.broadcast %add3A_1360 : i32 to vector<16xi32>
        %add3A_1362 = arith.addi %iota3A, %add3A_1361 : vector<16xi32>
        %gather3A_1363 = tpu.vector_load_idx %arg8[%broadcast_in_dim3A, %broadcast_in_dim3A_557, %broadcast_in_dim3A_1348, %add3A_1362] : memref<3x4x72x128xf32, #tpu.memory_space<vmem>>[vector<16xi32>, vector<16xi32>, vector<16xi32>, vector<16xi32>], vector<16xf32>,
        %mul3A_1364 = arith.mulf %gather3A_1363, %gather3A_590 : vector<16xf32>
        %add3A_1365 = arith.addf %add3A_1359, %mul3A_1364 : vector<16xf32>
        %add3A_1366 = arith.constant 48 : i32
        %add3A_1367 = vector.broadcast %add3A_1366 : i32 to vector<16xi32>
        %add3A_1368 = arith.addi %iota3A, %add3A_1367 : vector<16xi32>
        %gather3A_1369 = tpu.vector_load_idx %arg8[%broadcast_in_dim3A, %broadcast_in_dim3A_557, %broadcast_in_dim3A_1348, %add3A_1368] : memref<3x4x72x128xf32, #tpu.memory_space<vmem>>[vector<16xi32>, vector<16xi32>, vector<16xi32>, vector<16xi32>], vector<16xf32>,
        %mul3A_1370 = arith.mulf %gather3A_1369, %gather3A_601 : vector<16xf32>
        %add3A_1371 = arith.addf %add3A_1365, %mul3A_1370 : vector<16xf32>
        %eq3A_1372 = arith.constant 12 : i32
        %eq3A_1373 = vector.broadcast %eq3A_1372 : i32 to vector<16xi32>
        %eq3A_1374 = arith.cmpi eq, %iota3A, %eq3A_1373 : vector<16xi32>
        %jit3A_1375 = arith.constant 1.000000e+00 : f32
        %jit3A_1376 = arith.constant 0.000000e+00 : f32
        %broadcast_in_dim3A_1377 = vector.broadcast %jit3A_1375 : f32 to vector<16xf32>
        %broadcast_in_dim3A_1378 = vector.broadcast %jit3A_1376 : f32 to vector<16xf32>
        %select_n3A_1379 = arith.select %eq3A_1374, %broadcast_in_dim3A_1377, %broadcast_in_dim3A_1378 : vector<16xi1>, vector<16xf32>
        %reduce_sum3A_1380 = arith.constant true
        %reduce_sum3A_1381 = vector.broadcast %reduce_sum3A_1380 : i1 to vector<16xi1>
        %reduce_sum3A_1382 = tpu.scan <sum>, %add3A_1371 masked %reduce_sum3A_1381 : vector<16xf32>, vector<16xi1> -> vector<16xf32>
        %reduce_sum3A_1383 = vector.extract %reduce_sum3A_1382[15] : f32 from vector<16xf32>
        %mul3A_1384 = vector.broadcast %reduce_sum3A_1383 : f32 to vector<16xf32>
        %mul3A_1385 = arith.mulf %mul3A_1384, %select_n3A_1379 : vector<16xf32>
        %add3A_1386 = arith.addf %add3A_1345, %mul3A_1385 : vector<16xf32>
        %add3A_1387 = arith.constant 13 : i32
        %add3A_1388 = arith.addi %add3A_853, %add3A_1387 : i32
        %broadcast_in_dim3A_1389 = vector.broadcast %add3A_1388 : i32 to vector<16xi32>
        %add3A_1390 = arith.constant 0 : i32
        %add3A_1391 = vector.broadcast %add3A_1390 : i32 to vector<16xi32>
        %add3A_1392 = arith.addi %iota3A, %add3A_1391 : vector<16xi32>
        %gather3A_1393 = tpu.vector_load_idx %arg8[%broadcast_in_dim3A, %broadcast_in_dim3A_557, %broadcast_in_dim3A_1389, %add3A_1392] : memref<3x4x72x128xf32, #tpu.memory_space<vmem>>[vector<16xi32>, vector<16xi32>, vector<16xi32>, vector<16xi32>], vector<16xf32>,
        %mul3A_1394 = arith.mulf %gather3A_1393, %gather3A_568 : vector<16xf32>
        %add3A_1395 = arith.constant 16 : i32
        %add3A_1396 = vector.broadcast %add3A_1395 : i32 to vector<16xi32>
        %add3A_1397 = arith.addi %iota3A, %add3A_1396 : vector<16xi32>
        %gather3A_1398 = tpu.vector_load_idx %arg8[%broadcast_in_dim3A, %broadcast_in_dim3A_557, %broadcast_in_dim3A_1389, %add3A_1397] : memref<3x4x72x128xf32, #tpu.memory_space<vmem>>[vector<16xi32>, vector<16xi32>, vector<16xi32>, vector<16xi32>], vector<16xf32>,
        %mul3A_1399 = arith.mulf %gather3A_1398, %gather3A_579 : vector<16xf32>
        %add3A_1400 = arith.addf %mul3A_1394, %mul3A_1399 : vector<16xf32>
        %add3A_1401 = arith.constant 32 : i32
        %add3A_1402 = vector.broadcast %add3A_1401 : i32 to vector<16xi32>
        %add3A_1403 = arith.addi %iota3A, %add3A_1402 : vector<16xi32>
        %gather3A_1404 = tpu.vector_load_idx %arg8[%broadcast_in_dim3A, %broadcast_in_dim3A_557, %broadcast_in_dim3A_1389, %add3A_1403] : memref<3x4x72x128xf32, #tpu.memory_space<vmem>>[vector<16xi32>, vector<16xi32>, vector<16xi32>, vector<16xi32>], vector<16xf32>,
        %mul3A_1405 = arith.mulf %gather3A_1404, %gather3A_590 : vector<16xf32>
        %add3A_1406 = arith.addf %add3A_1400, %mul3A_1405 : vector<16xf32>
        %add3A_1407 = arith.constant 48 : i32
        %add3A_1408 = vector.broadcast %add3A_1407 : i32 to vector<16xi32>
        %add3A_1409 = arith.addi %iota3A, %add3A_1408 : vector<16xi32>
        %gather3A_1410 = tpu.vector_load_idx %arg8[%broadcast_in_dim3A, %broadcast_in_dim3A_557, %broadcast_in_dim3A_1389, %add3A_1409] : memref<3x4x72x128xf32, #tpu.memory_space<vmem>>[vector<16xi32>, vector<16xi32>, vector<16xi32>, vector<16xi32>], vector<16xf32>,
        %mul3A_1411 = arith.mulf %gather3A_1410, %gather3A_601 : vector<16xf32>
        %add3A_1412 = arith.addf %add3A_1406, %mul3A_1411 : vector<16xf32>
        %eq3A_1413 = arith.constant 13 : i32
        %eq3A_1414 = vector.broadcast %eq3A_1413 : i32 to vector<16xi32>
        %eq3A_1415 = arith.cmpi eq, %iota3A, %eq3A_1414 : vector<16xi32>
        %jit3A_1416 = arith.constant 1.000000e+00 : f32
        %jit3A_1417 = arith.constant 0.000000e+00 : f32
        %broadcast_in_dim3A_1418 = vector.broadcast %jit3A_1416 : f32 to vector<16xf32>
        %broadcast_in_dim3A_1419 = vector.broadcast %jit3A_1417 : f32 to vector<16xf32>
        %select_n3A_1420 = arith.select %eq3A_1415, %broadcast_in_dim3A_1418, %broadcast_in_dim3A_1419 : vector<16xi1>, vector<16xf32>
        %reduce_sum3A_1421 = arith.constant true
        %reduce_sum3A_1422 = vector.broadcast %reduce_sum3A_1421 : i1 to vector<16xi1>
        %reduce_sum3A_1423 = tpu.scan <sum>, %add3A_1412 masked %reduce_sum3A_1422 : vector<16xf32>, vector<16xi1> -> vector<16xf32>
        %reduce_sum3A_1424 = vector.extract %reduce_sum3A_1423[15] : f32 from vector<16xf32>
        %mul3A_1425 = vector.broadcast %reduce_sum3A_1424 : f32 to vector<16xf32>
        %mul3A_1426 = arith.mulf %mul3A_1425, %select_n3A_1420 : vector<16xf32>
        %add3A_1427 = arith.addf %add3A_1386, %mul3A_1426 : vector<16xf32>
        %add3A_1428 = arith.constant 14 : i32
        %add3A_1429 = arith.addi %add3A_853, %add3A_1428 : i32
        %broadcast_in_dim3A_1430 = vector.broadcast %add3A_1429 : i32 to vector<16xi32>
        %add3A_1431 = arith.constant 0 : i32
        %add3A_1432 = vector.broadcast %add3A_1431 : i32 to vector<16xi32>
        %add3A_1433 = arith.addi %iota3A, %add3A_1432 : vector<16xi32>
        %gather3A_1434 = tpu.vector_load_idx %arg8[%broadcast_in_dim3A, %broadcast_in_dim3A_557, %broadcast_in_dim3A_1430, %add3A_1433] : memref<3x4x72x128xf32, #tpu.memory_space<vmem>>[vector<16xi32>, vector<16xi32>, vector<16xi32>, vector<16xi32>], vector<16xf32>,
        %mul3A_1435 = arith.mulf %gather3A_1434, %gather3A_568 : vector<16xf32>
        %add3A_1436 = arith.constant 16 : i32
        %add3A_1437 = vector.broadcast %add3A_1436 : i32 to vector<16xi32>
        %add3A_1438 = arith.addi %iota3A, %add3A_1437 : vector<16xi32>
        %gather3A_1439 = tpu.vector_load_idx %arg8[%broadcast_in_dim3A, %broadcast_in_dim3A_557, %broadcast_in_dim3A_1430, %add3A_1438] : memref<3x4x72x128xf32, #tpu.memory_space<vmem>>[vector<16xi32>, vector<16xi32>, vector<16xi32>, vector<16xi32>], vector<16xf32>,
        %mul3A_1440 = arith.mulf %gather3A_1439, %gather3A_579 : vector<16xf32>
        %add3A_1441 = arith.addf %mul3A_1435, %mul3A_1440 : vector<16xf32>
        %add3A_1442 = arith.constant 32 : i32
        %add3A_1443 = vector.broadcast %add3A_1442 : i32 to vector<16xi32>
        %add3A_1444 = arith.addi %iota3A, %add3A_1443 : vector<16xi32>
        %gather3A_1445 = tpu.vector_load_idx %arg8[%broadcast_in_dim3A, %broadcast_in_dim3A_557, %broadcast_in_dim3A_1430, %add3A_1444] : memref<3x4x72x128xf32, #tpu.memory_space<vmem>>[vector<16xi32>, vector<16xi32>, vector<16xi32>, vector<16xi32>], vector<16xf32>,
        %mul3A_1446 = arith.mulf %gather3A_1445, %gather3A_590 : vector<16xf32>
        %add3A_1447 = arith.addf %add3A_1441, %mul3A_1446 : vector<16xf32>
        %add3A_1448 = arith.constant 48 : i32
        %add3A_1449 = vector.broadcast %add3A_1448 : i32 to vector<16xi32>
        %add3A_1450 = arith.addi %iota3A, %add3A_1449 : vector<16xi32>
        %gather3A_1451 = tpu.vector_load_idx %arg8[%broadcast_in_dim3A, %broadcast_in_dim3A_557, %broadcast_in_dim3A_1430, %add3A_1450] : memref<3x4x72x128xf32, #tpu.memory_space<vmem>>[vector<16xi32>, vector<16xi32>, vector<16xi32>, vector<16xi32>], vector<16xf32>,
        %mul3A_1452 = arith.mulf %gather3A_1451, %gather3A_601 : vector<16xf32>
        %add3A_1453 = arith.addf %add3A_1447, %mul3A_1452 : vector<16xf32>
        %eq3A_1454 = arith.constant 14 : i32
        %eq3A_1455 = vector.broadcast %eq3A_1454 : i32 to vector<16xi32>
        %eq3A_1456 = arith.cmpi eq, %iota3A, %eq3A_1455 : vector<16xi32>
        %jit3A_1457 = arith.constant 1.000000e+00 : f32
        %jit3A_1458 = arith.constant 0.000000e+00 : f32
        %broadcast_in_dim3A_1459 = vector.broadcast %jit3A_1457 : f32 to vector<16xf32>
        %broadcast_in_dim3A_1460 = vector.broadcast %jit3A_1458 : f32 to vector<16xf32>
        %select_n3A_1461 = arith.select %eq3A_1456, %broadcast_in_dim3A_1459, %broadcast_in_dim3A_1460 : vector<16xi1>, vector<16xf32>
        %reduce_sum3A_1462 = arith.constant true
        %reduce_sum3A_1463 = vector.broadcast %reduce_sum3A_1462 : i1 to vector<16xi1>
        %reduce_sum3A_1464 = tpu.scan <sum>, %add3A_1453 masked %reduce_sum3A_1463 : vector<16xf32>, vector<16xi1> -> vector<16xf32>
        %reduce_sum3A_1465 = vector.extract %reduce_sum3A_1464[15] : f32 from vector<16xf32>
        %mul3A_1466 = vector.broadcast %reduce_sum3A_1465 : f32 to vector<16xf32>
        %mul3A_1467 = arith.mulf %mul3A_1466, %select_n3A_1461 : vector<16xf32>
        %add3A_1468 = arith.addf %add3A_1427, %mul3A_1467 : vector<16xf32>
        %add3A_1469 = arith.constant 15 : i32
        %add3A_1470 = arith.addi %add3A_853, %add3A_1469 : i32
        %broadcast_in_dim3A_1471 = vector.broadcast %add3A_1470 : i32 to vector<16xi32>
        %add3A_1472 = arith.constant 0 : i32
        %add3A_1473 = vector.broadcast %add3A_1472 : i32 to vector<16xi32>
        %add3A_1474 = arith.addi %iota3A, %add3A_1473 : vector<16xi32>
        %gather3A_1475 = tpu.vector_load_idx %arg8[%broadcast_in_dim3A, %broadcast_in_dim3A_557, %broadcast_in_dim3A_1471, %add3A_1474] : memref<3x4x72x128xf32, #tpu.memory_space<vmem>>[vector<16xi32>, vector<16xi32>, vector<16xi32>, vector<16xi32>], vector<16xf32>,
        %mul3A_1476 = arith.mulf %gather3A_1475, %gather3A_568 : vector<16xf32>
        %add3A_1477 = arith.constant 16 : i32
        %add3A_1478 = vector.broadcast %add3A_1477 : i32 to vector<16xi32>
        %add3A_1479 = arith.addi %iota3A, %add3A_1478 : vector<16xi32>
        %gather3A_1480 = tpu.vector_load_idx %arg8[%broadcast_in_dim3A, %broadcast_in_dim3A_557, %broadcast_in_dim3A_1471, %add3A_1479] : memref<3x4x72x128xf32, #tpu.memory_space<vmem>>[vector<16xi32>, vector<16xi32>, vector<16xi32>, vector<16xi32>], vector<16xf32>,
        %mul3A_1481 = arith.mulf %gather3A_1480, %gather3A_579 : vector<16xf32>
        %add3A_1482 = arith.addf %mul3A_1476, %mul3A_1481 : vector<16xf32>
        %add3A_1483 = arith.constant 32 : i32
        %add3A_1484 = vector.broadcast %add3A_1483 : i32 to vector<16xi32>
        %add3A_1485 = arith.addi %iota3A, %add3A_1484 : vector<16xi32>
        %gather3A_1486 = tpu.vector_load_idx %arg8[%broadcast_in_dim3A, %broadcast_in_dim3A_557, %broadcast_in_dim3A_1471, %add3A_1485] : memref<3x4x72x128xf32, #tpu.memory_space<vmem>>[vector<16xi32>, vector<16xi32>, vector<16xi32>, vector<16xi32>], vector<16xf32>,
        %mul3A_1487 = arith.mulf %gather3A_1486, %gather3A_590 : vector<16xf32>
        %add3A_1488 = arith.addf %add3A_1482, %mul3A_1487 : vector<16xf32>
        %add3A_1489 = arith.constant 48 : i32
        %add3A_1490 = vector.broadcast %add3A_1489 : i32 to vector<16xi32>
        %add3A_1491 = arith.addi %iota3A, %add3A_1490 : vector<16xi32>
        %gather3A_1492 = tpu.vector_load_idx %arg8[%broadcast_in_dim3A, %broadcast_in_dim3A_557, %broadcast_in_dim3A_1471, %add3A_1491] : memref<3x4x72x128xf32, #tpu.memory_space<vmem>>[vector<16xi32>, vector<16xi32>, vector<16xi32>, vector<16xi32>], vector<16xf32>,
        %mul3A_1493 = arith.mulf %gather3A_1492, %gather3A_601 : vector<16xf32>
        %add3A_1494 = arith.addf %add3A_1488, %mul3A_1493 : vector<16xf32>
        %eq3A_1495 = arith.constant 15 : i32
        %eq3A_1496 = vector.broadcast %eq3A_1495 : i32 to vector<16xi32>
        %eq3A_1497 = arith.cmpi eq, %iota3A, %eq3A_1496 : vector<16xi32>
        %jit3A_1498 = arith.constant 1.000000e+00 : f32
        %jit3A_1499 = arith.constant 0.000000e+00 : f32
        %broadcast_in_dim3A_1500 = vector.broadcast %jit3A_1498 : f32 to vector<16xf32>
        %broadcast_in_dim3A_1501 = vector.broadcast %jit3A_1499 : f32 to vector<16xf32>
        %select_n3A_1502 = arith.select %eq3A_1497, %broadcast_in_dim3A_1500, %broadcast_in_dim3A_1501 : vector<16xi1>, vector<16xf32>
        %reduce_sum3A_1503 = arith.constant true
        %reduce_sum3A_1504 = vector.broadcast %reduce_sum3A_1503 : i1 to vector<16xi1>
        %reduce_sum3A_1505 = tpu.scan <sum>, %add3A_1494 masked %reduce_sum3A_1504 : vector<16xf32>, vector<16xi1> -> vector<16xf32>
        %reduce_sum3A_1506 = vector.extract %reduce_sum3A_1505[15] : f32 from vector<16xf32>
        %mul3A_1507 = vector.broadcast %reduce_sum3A_1506 : f32 to vector<16xf32>
        %mul3A_1508 = arith.mulf %mul3A_1507, %select_n3A_1502 : vector<16xf32>
        %add3A_1509 = arith.addf %add3A_1468, %mul3A_1508 : vector<16xf32>
        %mul3A_1510 = arith.constant 256 : i32
        %mul3A_1511 = vector.broadcast %mul3A_1510 : i32 to vector<16xi32>
        %mul3A_1512 = arith.muli %broadcast_in_dim3A, %mul3A_1511 : vector<16xi32>
        %add3A_1513 = arith.constant 128 : i32
        %add3A_1514 = vector.broadcast %add3A_1513 : i32 to vector<16xi32>
        %add3A_1515 = arith.addi %mul3A_1512, %add3A_1514 : vector<16xi32>
        %mul3A_1516 = arith.constant 16 : i32
        %mul3A_1517 = arith.muli %scan3A_847, %mul3A_1516 : i32
        %add3A_1518 = vector.broadcast %mul3A_1517 : i32 to vector<16xi32>
        %add3A_1519 = arith.addi %add3A_1515, %add3A_1518 : vector<16xi32>
        %add3A_1520 = arith.addi %add3A_1519, %iota3A : vector<16xi32>
        tpu.vector_store_idx %arg10[%add3A_1520], %add3A_1509 : memref<768xf32, #tpu.memory_space<vmem>>[vector<16xi32>], vector<16xf32>,
      }
      %scan3A_686 = arith.constant 4 : i32
      %broadcast_in_dim3A_687 = arith.constant 3 : i32
      %broadcast_in_dim3A_688 = vector.broadcast %broadcast_in_dim3A_687 : i32 to vector<16xi32>
      %mul3A_689 = arith.constant 256 : i32
      %mul3A_690 = vector.broadcast %mul3A_689 : i32 to vector<16xi32>
      %mul3A_691 = arith.muli %broadcast_in_dim3A, %mul3A_690 : vector<16xi32>
      %add3A_692 = arith.constant 192 : i32
      %add3A_693 = vector.broadcast %add3A_692 : i32 to vector<16xi32>
      %add3A_694 = arith.addi %mul3A_691, %add3A_693 : vector<16xi32>
      %add3A_695 = arith.constant 0 : i32
      %add3A_696 = vector.broadcast %add3A_695 : i32 to vector<16xi32>
      %add3A_697 = arith.addi %add3A_694, %add3A_696 : vector<16xi32>
      %add3A_698 = arith.addi %add3A_697, %iota3A : vector<16xi32>
      %gather3A_699 = tpu.vector_load_idx %arg9[%add3A_698] : memref<768xf32, #tpu.memory_space<vmem>>[vector<16xi32>], vector<16xf32>,
      %mul3A_700 = arith.constant 256 : i32
      %mul3A_701 = vector.broadcast %mul3A_700 : i32 to vector<16xi32>
      %mul3A_702 = arith.muli %broadcast_in_dim3A, %mul3A_701 : vector<16xi32>
      %add3A_703 = arith.constant 192 : i32
      %add3A_704 = vector.broadcast %add3A_703 : i32 to vector<16xi32>
      %add3A_705 = arith.addi %mul3A_702, %add3A_704 : vector<16xi32>
      %add3A_706 = arith.constant 16 : i32
      %add3A_707 = vector.broadcast %add3A_706 : i32 to vector<16xi32>
      %add3A_708 = arith.addi %add3A_705, %add3A_707 : vector<16xi32>
      %add3A_709 = arith.addi %add3A_708, %iota3A : vector<16xi32>
      %gather3A_710 = tpu.vector_load_idx %arg9[%add3A_709] : memref<768xf32, #tpu.memory_space<vmem>>[vector<16xi32>], vector<16xf32>,
      %mul3A_711 = arith.constant 256 : i32
      %mul3A_712 = vector.broadcast %mul3A_711 : i32 to vector<16xi32>
      %mul3A_713 = arith.muli %broadcast_in_dim3A, %mul3A_712 : vector<16xi32>
      %add3A_714 = arith.constant 192 : i32
      %add3A_715 = vector.broadcast %add3A_714 : i32 to vector<16xi32>
      %add3A_716 = arith.addi %mul3A_713, %add3A_715 : vector<16xi32>
      %add3A_717 = arith.constant 32 : i32
      %add3A_718 = vector.broadcast %add3A_717 : i32 to vector<16xi32>
      %add3A_719 = arith.addi %add3A_716, %add3A_718 : vector<16xi32>
      %add3A_720 = arith.addi %add3A_719, %iota3A : vector<16xi32>
      %gather3A_721 = tpu.vector_load_idx %arg9[%add3A_720] : memref<768xf32, #tpu.memory_space<vmem>>[vector<16xi32>], vector<16xf32>,
      %mul3A_722 = arith.constant 256 : i32
      %mul3A_723 = vector.broadcast %mul3A_722 : i32 to vector<16xi32>
      %mul3A_724 = arith.muli %broadcast_in_dim3A, %mul3A_723 : vector<16xi32>
      %add3A_725 = arith.constant 192 : i32
      %add3A_726 = vector.broadcast %add3A_725 : i32 to vector<16xi32>
      %add3A_727 = arith.addi %mul3A_724, %add3A_726 : vector<16xi32>
      %add3A_728 = arith.constant 48 : i32
      %add3A_729 = vector.broadcast %add3A_728 : i32 to vector<16xi32>
      %add3A_730 = arith.addi %add3A_727, %add3A_729 : vector<16xi32>
      %add3A_731 = arith.addi %add3A_730, %iota3A : vector<16xi32>
      %gather3A_732 = tpu.vector_load_idx %arg9[%add3A_731] : memref<768xf32, #tpu.memory_space<vmem>>[vector<16xi32>], vector<16xf32>,
      %broadcast_in_dim3A_733 = arith.constant 0 : i32
      %broadcast_in_dim3A_734 = vector.broadcast %broadcast_in_dim3A_733 : i32 to vector<16xi32>
      %add3A_735 = arith.constant 0 : i32
      %add3A_736 = vector.broadcast %add3A_735 : i32 to vector<16xi32>
      %add3A_737 = arith.addi %iota3A, %add3A_736 : vector<16xi32>
      %gather3A_738 = tpu.vector_load_idx %arg8[%broadcast_in_dim3A, %broadcast_in_dim3A_688, %broadcast_in_dim3A_734, %add3A_737] : memref<3x4x72x128xf32, #tpu.memory_space<vmem>>[vector<16xi32>, vector<16xi32>, vector<16xi32>, vector<16xi32>], vector<16xf32>,
      %mul3A_739 = arith.mulf %gather3A_738, %gather3A_699 : vector<16xf32>
      %add3A_740 = arith.constant 16 : i32
      %add3A_741 = vector.broadcast %add3A_740 : i32 to vector<16xi32>
      %add3A_742 = arith.addi %iota3A, %add3A_741 : vector<16xi32>
      %gather3A_743 = tpu.vector_load_idx %arg8[%broadcast_in_dim3A, %broadcast_in_dim3A_688, %broadcast_in_dim3A_734, %add3A_742] : memref<3x4x72x128xf32, #tpu.memory_space<vmem>>[vector<16xi32>, vector<16xi32>, vector<16xi32>, vector<16xi32>], vector<16xf32>,
      %mul3A_744 = arith.mulf %gather3A_743, %gather3A_710 : vector<16xf32>
      %add3A_745 = arith.addf %mul3A_739, %mul3A_744 : vector<16xf32>
      %add3A_746 = arith.constant 32 : i32
      %add3A_747 = vector.broadcast %add3A_746 : i32 to vector<16xi32>
      %add3A_748 = arith.addi %iota3A, %add3A_747 : vector<16xi32>
      %gather3A_749 = tpu.vector_load_idx %arg8[%broadcast_in_dim3A, %broadcast_in_dim3A_688, %broadcast_in_dim3A_734, %add3A_748] : memref<3x4x72x128xf32, #tpu.memory_space<vmem>>[vector<16xi32>, vector<16xi32>, vector<16xi32>, vector<16xi32>], vector<16xf32>,
      %mul3A_750 = arith.mulf %gather3A_749, %gather3A_721 : vector<16xf32>
      %add3A_751 = arith.addf %add3A_745, %mul3A_750 : vector<16xf32>
      %add3A_752 = arith.constant 48 : i32
      %add3A_753 = vector.broadcast %add3A_752 : i32 to vector<16xi32>
      %add3A_754 = arith.addi %iota3A, %add3A_753 : vector<16xi32>
      %gather3A_755 = tpu.vector_load_idx %arg8[%broadcast_in_dim3A, %broadcast_in_dim3A_688, %broadcast_in_dim3A_734, %add3A_754] : memref<3x4x72x128xf32, #tpu.memory_space<vmem>>[vector<16xi32>, vector<16xi32>, vector<16xi32>, vector<16xi32>], vector<16xf32>,
      %mul3A_756 = arith.mulf %gather3A_755, %gather3A_732 : vector<16xf32>
      %add3A_757 = arith.addf %add3A_751, %mul3A_756 : vector<16xf32>
      %mul3A_758 = arith.constant 4 : i32
      %mul3A_759 = arith.muli %scan3A_184, %mul3A_758 : i32
      %add3A_760 = arith.constant 3 : i32
      %add3A_761 = arith.addi %mul3A_759, %add3A_760 : i32
      %jit3A_762 = arith.constant 128 : i32
      %div3A_763 = arith.divsi %add3A_761, %jit3A_762 : i32
      %sign3A_764 = arith.constant 0 : i32
      %sign3A_765 = arith.cmpi sgt, %add3A_761, %sign3A_764 : i32
      %sign3A_766 = arith.extui %sign3A_765 : i1 to i32
      %sign3A_767 = arith.constant 0 : i32
      %sign3A_768 = arith.cmpi slt, %add3A_761, %sign3A_767 : i32
      %sign3A_769 = arith.extui %sign3A_768 : i1 to i32
      %sign3A_770 = arith.subi %sign3A_766, %sign3A_769 : i32
      %sign3A_771 = arith.constant 0 : i32
      %sign3A_772 = arith.cmpi sgt, %jit3A_762, %sign3A_771 : i32
      %sign3A_773 = arith.extui %sign3A_772 : i1 to i32
      %sign3A_774 = arith.constant 0 : i32
      %sign3A_775 = arith.cmpi slt, %jit3A_762, %sign3A_774 : i32
      %sign3A_776 = arith.extui %sign3A_775 : i1 to i32
      %sign3A_777 = arith.subi %sign3A_773, %sign3A_776 : i32
      %ne3A_778 = arith.cmpi ne, %sign3A_770, %sign3A_777 : i32
      %rem3A_779 = arith.remsi %add3A_761, %jit3A_762 : i32
      %ne3A_780 = arith.constant 0 : i32
      %ne3A_781 = arith.cmpi ne, %rem3A_779, %ne3A_780 : i32
      %and3A_782 = arith.andi %ne3A_778, %ne3A_781 : i1
      %sub3A_783 = arith.constant 1 : i32
      %sub3A_784 = arith.subi %div3A_763, %sub3A_783 : i32
      %select_n3A_785 = arith.select %and3A_782, %sub3A_784, %div3A_763 : i32
      %broadcast_in_dim3A_786 = vector.broadcast %select_n3A_785 : i32 to vector<16xi32>
      %jit3A_787 = arith.constant 128 : i32
      %eq3A_788 = arith.constant 0 : i32
      %eq3A_789 = arith.cmpi eq, %jit3A_787, %eq3A_788 : i32
      %jit3A_790 = arith.constant 1 : i32
      %select_n3A_791 = arith.select %eq3A_789, %jit3A_790, %jit3A_787 : i32
      %rem3A_792 = arith.remsi %add3A_761, %select_n3A_791 : i32
      %ne3A_793 = arith.constant 0 : i32
      %ne3A_794 = arith.cmpi ne, %rem3A_792, %ne3A_793 : i32
      %lt3A_795 = arith.constant 0 : i32
      %lt3A_796 = arith.cmpi slt, %rem3A_792, %lt3A_795 : i32
      %lt3A_797 = arith.constant 0 : i32
      %lt3A_798 = arith.cmpi slt, %select_n3A_791, %lt3A_797 : i32
      %ne3A_799 = arith.xori %lt3A_796, %lt3A_798 : i1
      %and3A_800 = arith.andi %ne3A_799, %ne3A_794 : i1
      %add3A_801 = arith.addi %rem3A_792, %select_n3A_791 : i32
      %select_n3A_802 = arith.select %and3A_800, %add3A_801, %rem3A_792 : i32
      %broadcast_in_dim3A_803 = vector.broadcast %select_n3A_802 : i32 to vector<16xi32>
      %reduce_sum3A_804 = arith.constant true
      %reduce_sum3A_805 = vector.broadcast %reduce_sum3A_804 : i1 to vector<16xi1>
      %reduce_sum3A_806 = tpu.scan <sum>, %add3A_757 masked %reduce_sum3A_805 : vector<16xf32>, vector<16xi1> -> vector<16xf32>
      %reduce_sum3A_807 = vector.extract %reduce_sum3A_806[15] : f32 from vector<16xf32>
      %broadcast_in_dim3A_808 = vector.broadcast %reduce_sum3A_807 : f32 to vector<16xf32>
      %eq3A_809 = arith.constant 0 : i32
      %eq3A_810 = vector.broadcast %eq3A_809 : i32 to vector<16xi32>
      %eq3A_811 = arith.cmpi eq, %iota3A, %eq3A_810 : vector<16xi32>
      tpu.vector_store_idx %arg11[%broadcast_in_dim3A_786, %broadcast_in_dim3A_803], %broadcast_in_dim3A_808 masked %eq3A_811 : memref<5x128xf32, #tpu.memory_space<vmem>>[vector<16xi32>, vector<16xi32>], vector<16xf32>, vector<16xi1>
      %scan3A_812 = arith.constant 0 : i32
      %scan3A_813 = arith.constant 0 : i32
      %scan3A_814 = arith.constant 4 : i32
      %scan3A_815 = arith.addi %scan3A_813, %scan3A_814 : i32
      %scan3A_816 = arith.constant 1 : i32
      scf.for %scan3A_847 = %scan3A_813 to %scan3A_815 step %scan3A_816  : i32 {
        %broadcast_in_dim3A_848 = arith.constant 0.000000e+00 : f32
        %broadcast_in_dim3A_849 = vector.broadcast %broadcast_in_dim3A_848 : f32 to vector<16xf32>
        %mul3A_850 = arith.constant 16 : i32
        %mul3A_851 = arith.muli %scan3A_847, %mul3A_850 : i32
        %add3A_852 = arith.constant 1 : i32
        %add3A_853 = arith.addi %mul3A_851, %add3A_852 : i32
        %add3A_854 = arith.constant 0 : i32
        %add3A_855 = arith.addi %add3A_853, %add3A_854 : i32
        %broadcast_in_dim3A_856 = vector.broadcast %add3A_855 : i32 to vector<16xi32>
        %add3A_857 = arith.constant 0 : i32
        %add3A_858 = vector.broadcast %add3A_857 : i32 to vector<16xi32>
        %add3A_859 = arith.addi %iota3A, %add3A_858 : vector<16xi32>
        %gather3A_860 = tpu.vector_load_idx %arg8[%broadcast_in_dim3A, %broadcast_in_dim3A_688, %broadcast_in_dim3A_856, %add3A_859] : memref<3x4x72x128xf32, #tpu.memory_space<vmem>>[vector<16xi32>, vector<16xi32>, vector<16xi32>, vector<16xi32>], vector<16xf32>,
        %mul3A_861 = arith.mulf %gather3A_860, %gather3A_699 : vector<16xf32>
        %add3A_862 = arith.constant 16 : i32
        %add3A_863 = vector.broadcast %add3A_862 : i32 to vector<16xi32>
        %add3A_864 = arith.addi %iota3A, %add3A_863 : vector<16xi32>
        %gather3A_865 = tpu.vector_load_idx %arg8[%broadcast_in_dim3A, %broadcast_in_dim3A_688, %broadcast_in_dim3A_856, %add3A_864] : memref<3x4x72x128xf32, #tpu.memory_space<vmem>>[vector<16xi32>, vector<16xi32>, vector<16xi32>, vector<16xi32>], vector<16xf32>,
        %mul3A_866 = arith.mulf %gather3A_865, %gather3A_710 : vector<16xf32>
        %add3A_867 = arith.addf %mul3A_861, %mul3A_866 : vector<16xf32>
        %add3A_868 = arith.constant 32 : i32
        %add3A_869 = vector.broadcast %add3A_868 : i32 to vector<16xi32>
        %add3A_870 = arith.addi %iota3A, %add3A_869 : vector<16xi32>
        %gather3A_871 = tpu.vector_load_idx %arg8[%broadcast_in_dim3A, %broadcast_in_dim3A_688, %broadcast_in_dim3A_856, %add3A_870] : memref<3x4x72x128xf32, #tpu.memory_space<vmem>>[vector<16xi32>, vector<16xi32>, vector<16xi32>, vector<16xi32>], vector<16xf32>,
        %mul3A_872 = arith.mulf %gather3A_871, %gather3A_721 : vector<16xf32>
        %add3A_873 = arith.addf %add3A_867, %mul3A_872 : vector<16xf32>
        %add3A_874 = arith.constant 48 : i32
        %add3A_875 = vector.broadcast %add3A_874 : i32 to vector<16xi32>
        %add3A_876 = arith.addi %iota3A, %add3A_875 : vector<16xi32>
        %gather3A_877 = tpu.vector_load_idx %arg8[%broadcast_in_dim3A, %broadcast_in_dim3A_688, %broadcast_in_dim3A_856, %add3A_876] : memref<3x4x72x128xf32, #tpu.memory_space<vmem>>[vector<16xi32>, vector<16xi32>, vector<16xi32>, vector<16xi32>], vector<16xf32>,
        %mul3A_878 = arith.mulf %gather3A_877, %gather3A_732 : vector<16xf32>
        %add3A_879 = arith.addf %add3A_873, %mul3A_878 : vector<16xf32>
        %eq3A_880 = arith.constant 0 : i32
        %eq3A_881 = vector.broadcast %eq3A_880 : i32 to vector<16xi32>
        %eq3A_882 = arith.cmpi eq, %iota3A, %eq3A_881 : vector<16xi32>
        %jit3A_883 = arith.constant 1.000000e+00 : f32
        %jit3A_884 = arith.constant 0.000000e+00 : f32
        %broadcast_in_dim3A_885 = vector.broadcast %jit3A_883 : f32 to vector<16xf32>
        %broadcast_in_dim3A_886 = vector.broadcast %jit3A_884 : f32 to vector<16xf32>
        %select_n3A_887 = arith.select %eq3A_882, %broadcast_in_dim3A_885, %broadcast_in_dim3A_886 : vector<16xi1>, vector<16xf32>
        %reduce_sum3A_888 = arith.constant true
        %reduce_sum3A_889 = vector.broadcast %reduce_sum3A_888 : i1 to vector<16xi1>
        %reduce_sum3A_890 = tpu.scan <sum>, %add3A_879 masked %reduce_sum3A_889 : vector<16xf32>, vector<16xi1> -> vector<16xf32>
        %reduce_sum3A_891 = vector.extract %reduce_sum3A_890[15] : f32 from vector<16xf32>
        %mul3A_892 = vector.broadcast %reduce_sum3A_891 : f32 to vector<16xf32>
        %mul3A_893 = arith.mulf %mul3A_892, %select_n3A_887 : vector<16xf32>
        %add3A_894 = arith.addf %broadcast_in_dim3A_849, %mul3A_893 : vector<16xf32>
        %add3A_895 = arith.constant 1 : i32
        %add3A_896 = arith.addi %add3A_853, %add3A_895 : i32
        %broadcast_in_dim3A_897 = vector.broadcast %add3A_896 : i32 to vector<16xi32>
        %add3A_898 = arith.constant 0 : i32
        %add3A_899 = vector.broadcast %add3A_898 : i32 to vector<16xi32>
        %add3A_900 = arith.addi %iota3A, %add3A_899 : vector<16xi32>
        %gather3A_901 = tpu.vector_load_idx %arg8[%broadcast_in_dim3A, %broadcast_in_dim3A_688, %broadcast_in_dim3A_897, %add3A_900] : memref<3x4x72x128xf32, #tpu.memory_space<vmem>>[vector<16xi32>, vector<16xi32>, vector<16xi32>, vector<16xi32>], vector<16xf32>,
        %mul3A_902 = arith.mulf %gather3A_901, %gather3A_699 : vector<16xf32>
        %add3A_903 = arith.constant 16 : i32
        %add3A_904 = vector.broadcast %add3A_903 : i32 to vector<16xi32>
        %add3A_905 = arith.addi %iota3A, %add3A_904 : vector<16xi32>
        %gather3A_906 = tpu.vector_load_idx %arg8[%broadcast_in_dim3A, %broadcast_in_dim3A_688, %broadcast_in_dim3A_897, %add3A_905] : memref<3x4x72x128xf32, #tpu.memory_space<vmem>>[vector<16xi32>, vector<16xi32>, vector<16xi32>, vector<16xi32>], vector<16xf32>,
        %mul3A_907 = arith.mulf %gather3A_906, %gather3A_710 : vector<16xf32>
        %add3A_908 = arith.addf %mul3A_902, %mul3A_907 : vector<16xf32>
        %add3A_909 = arith.constant 32 : i32
        %add3A_910 = vector.broadcast %add3A_909 : i32 to vector<16xi32>
        %add3A_911 = arith.addi %iota3A, %add3A_910 : vector<16xi32>
        %gather3A_912 = tpu.vector_load_idx %arg8[%broadcast_in_dim3A, %broadcast_in_dim3A_688, %broadcast_in_dim3A_897, %add3A_911] : memref<3x4x72x128xf32, #tpu.memory_space<vmem>>[vector<16xi32>, vector<16xi32>, vector<16xi32>, vector<16xi32>], vector<16xf32>,
        %mul3A_913 = arith.mulf %gather3A_912, %gather3A_721 : vector<16xf32>
        %add3A_914 = arith.addf %add3A_908, %mul3A_913 : vector<16xf32>
        %add3A_915 = arith.constant 48 : i32
        %add3A_916 = vector.broadcast %add3A_915 : i32 to vector<16xi32>
        %add3A_917 = arith.addi %iota3A, %add3A_916 : vector<16xi32>
        %gather3A_918 = tpu.vector_load_idx %arg8[%broadcast_in_dim3A, %broadcast_in_dim3A_688, %broadcast_in_dim3A_897, %add3A_917] : memref<3x4x72x128xf32, #tpu.memory_space<vmem>>[vector<16xi32>, vector<16xi32>, vector<16xi32>, vector<16xi32>], vector<16xf32>,
        %mul3A_919 = arith.mulf %gather3A_918, %gather3A_732 : vector<16xf32>
        %add3A_920 = arith.addf %add3A_914, %mul3A_919 : vector<16xf32>
        %eq3A_921 = arith.constant 1 : i32
        %eq3A_922 = vector.broadcast %eq3A_921 : i32 to vector<16xi32>
        %eq3A_923 = arith.cmpi eq, %iota3A, %eq3A_922 : vector<16xi32>
        %jit3A_924 = arith.constant 1.000000e+00 : f32
        %jit3A_925 = arith.constant 0.000000e+00 : f32
        %broadcast_in_dim3A_926 = vector.broadcast %jit3A_924 : f32 to vector<16xf32>
        %broadcast_in_dim3A_927 = vector.broadcast %jit3A_925 : f32 to vector<16xf32>
        %select_n3A_928 = arith.select %eq3A_923, %broadcast_in_dim3A_926, %broadcast_in_dim3A_927 : vector<16xi1>, vector<16xf32>
        %reduce_sum3A_929 = arith.constant true
        %reduce_sum3A_930 = vector.broadcast %reduce_sum3A_929 : i1 to vector<16xi1>
        %reduce_sum3A_931 = tpu.scan <sum>, %add3A_920 masked %reduce_sum3A_930 : vector<16xf32>, vector<16xi1> -> vector<16xf32>
        %reduce_sum3A_932 = vector.extract %reduce_sum3A_931[15] : f32 from vector<16xf32>
        %mul3A_933 = vector.broadcast %reduce_sum3A_932 : f32 to vector<16xf32>
        %mul3A_934 = arith.mulf %mul3A_933, %select_n3A_928 : vector<16xf32>
        %add3A_935 = arith.addf %add3A_894, %mul3A_934 : vector<16xf32>
        %add3A_936 = arith.constant 2 : i32
        %add3A_937 = arith.addi %add3A_853, %add3A_936 : i32
        %broadcast_in_dim3A_938 = vector.broadcast %add3A_937 : i32 to vector<16xi32>
        %add3A_939 = arith.constant 0 : i32
        %add3A_940 = vector.broadcast %add3A_939 : i32 to vector<16xi32>
        %add3A_941 = arith.addi %iota3A, %add3A_940 : vector<16xi32>
        %gather3A_942 = tpu.vector_load_idx %arg8[%broadcast_in_dim3A, %broadcast_in_dim3A_688, %broadcast_in_dim3A_938, %add3A_941] : memref<3x4x72x128xf32, #tpu.memory_space<vmem>>[vector<16xi32>, vector<16xi32>, vector<16xi32>, vector<16xi32>], vector<16xf32>,
        %mul3A_943 = arith.mulf %gather3A_942, %gather3A_699 : vector<16xf32>
        %add3A_944 = arith.constant 16 : i32
        %add3A_945 = vector.broadcast %add3A_944 : i32 to vector<16xi32>
        %add3A_946 = arith.addi %iota3A, %add3A_945 : vector<16xi32>
        %gather3A_947 = tpu.vector_load_idx %arg8[%broadcast_in_dim3A, %broadcast_in_dim3A_688, %broadcast_in_dim3A_938, %add3A_946] : memref<3x4x72x128xf32, #tpu.memory_space<vmem>>[vector<16xi32>, vector<16xi32>, vector<16xi32>, vector<16xi32>], vector<16xf32>,
        %mul3A_948 = arith.mulf %gather3A_947, %gather3A_710 : vector<16xf32>
        %add3A_949 = arith.addf %mul3A_943, %mul3A_948 : vector<16xf32>
        %add3A_950 = arith.constant 32 : i32
        %add3A_951 = vector.broadcast %add3A_950 : i32 to vector<16xi32>
        %add3A_952 = arith.addi %iota3A, %add3A_951 : vector<16xi32>
        %gather3A_953 = tpu.vector_load_idx %arg8[%broadcast_in_dim3A, %broadcast_in_dim3A_688, %broadcast_in_dim3A_938, %add3A_952] : memref<3x4x72x128xf32, #tpu.memory_space<vmem>>[vector<16xi32>, vector<16xi32>, vector<16xi32>, vector<16xi32>], vector<16xf32>,
        %mul3A_954 = arith.mulf %gather3A_953, %gather3A_721 : vector<16xf32>
        %add3A_955 = arith.addf %add3A_949, %mul3A_954 : vector<16xf32>
        %add3A_956 = arith.constant 48 : i32
        %add3A_957 = vector.broadcast %add3A_956 : i32 to vector<16xi32>
        %add3A_958 = arith.addi %iota3A, %add3A_957 : vector<16xi32>
        %gather3A_959 = tpu.vector_load_idx %arg8[%broadcast_in_dim3A, %broadcast_in_dim3A_688, %broadcast_in_dim3A_938, %add3A_958] : memref<3x4x72x128xf32, #tpu.memory_space<vmem>>[vector<16xi32>, vector<16xi32>, vector<16xi32>, vector<16xi32>], vector<16xf32>,
        %mul3A_960 = arith.mulf %gather3A_959, %gather3A_732 : vector<16xf32>
        %add3A_961 = arith.addf %add3A_955, %mul3A_960 : vector<16xf32>
        %eq3A_962 = arith.constant 2 : i32
        %eq3A_963 = vector.broadcast %eq3A_962 : i32 to vector<16xi32>
        %eq3A_964 = arith.cmpi eq, %iota3A, %eq3A_963 : vector<16xi32>
        %jit3A_965 = arith.constant 1.000000e+00 : f32
        %jit3A_966 = arith.constant 0.000000e+00 : f32
        %broadcast_in_dim3A_967 = vector.broadcast %jit3A_965 : f32 to vector<16xf32>
        %broadcast_in_dim3A_968 = vector.broadcast %jit3A_966 : f32 to vector<16xf32>
        %select_n3A_969 = arith.select %eq3A_964, %broadcast_in_dim3A_967, %broadcast_in_dim3A_968 : vector<16xi1>, vector<16xf32>
        %reduce_sum3A_970 = arith.constant true
        %reduce_sum3A_971 = vector.broadcast %reduce_sum3A_970 : i1 to vector<16xi1>
        %reduce_sum3A_972 = tpu.scan <sum>, %add3A_961 masked %reduce_sum3A_971 : vector<16xf32>, vector<16xi1> -> vector<16xf32>
        %reduce_sum3A_973 = vector.extract %reduce_sum3A_972[15] : f32 from vector<16xf32>
        %mul3A_974 = vector.broadcast %reduce_sum3A_973 : f32 to vector<16xf32>
        %mul3A_975 = arith.mulf %mul3A_974, %select_n3A_969 : vector<16xf32>
        %add3A_976 = arith.addf %add3A_935, %mul3A_975 : vector<16xf32>
        %add3A_977 = arith.constant 3 : i32
        %add3A_978 = arith.addi %add3A_853, %add3A_977 : i32
        %broadcast_in_dim3A_979 = vector.broadcast %add3A_978 : i32 to vector<16xi32>
        %add3A_980 = arith.constant 0 : i32
        %add3A_981 = vector.broadcast %add3A_980 : i32 to vector<16xi32>
        %add3A_982 = arith.addi %iota3A, %add3A_981 : vector<16xi32>
        %gather3A_983 = tpu.vector_load_idx %arg8[%broadcast_in_dim3A, %broadcast_in_dim3A_688, %broadcast_in_dim3A_979, %add3A_982] : memref<3x4x72x128xf32, #tpu.memory_space<vmem>>[vector<16xi32>, vector<16xi32>, vector<16xi32>, vector<16xi32>], vector<16xf32>,
        %mul3A_984 = arith.mulf %gather3A_983, %gather3A_699 : vector<16xf32>
        %add3A_985 = arith.constant 16 : i32
        %add3A_986 = vector.broadcast %add3A_985 : i32 to vector<16xi32>
        %add3A_987 = arith.addi %iota3A, %add3A_986 : vector<16xi32>
        %gather3A_988 = tpu.vector_load_idx %arg8[%broadcast_in_dim3A, %broadcast_in_dim3A_688, %broadcast_in_dim3A_979, %add3A_987] : memref<3x4x72x128xf32, #tpu.memory_space<vmem>>[vector<16xi32>, vector<16xi32>, vector<16xi32>, vector<16xi32>], vector<16xf32>,
        %mul3A_989 = arith.mulf %gather3A_988, %gather3A_710 : vector<16xf32>
        %add3A_990 = arith.addf %mul3A_984, %mul3A_989 : vector<16xf32>
        %add3A_991 = arith.constant 32 : i32
        %add3A_992 = vector.broadcast %add3A_991 : i32 to vector<16xi32>
        %add3A_993 = arith.addi %iota3A, %add3A_992 : vector<16xi32>
        %gather3A_994 = tpu.vector_load_idx %arg8[%broadcast_in_dim3A, %broadcast_in_dim3A_688, %broadcast_in_dim3A_979, %add3A_993] : memref<3x4x72x128xf32, #tpu.memory_space<vmem>>[vector<16xi32>, vector<16xi32>, vector<16xi32>, vector<16xi32>], vector<16xf32>,
        %mul3A_995 = arith.mulf %gather3A_994, %gather3A_721 : vector<16xf32>
        %add3A_996 = arith.addf %add3A_990, %mul3A_995 : vector<16xf32>
        %add3A_997 = arith.constant 48 : i32
        %add3A_998 = vector.broadcast %add3A_997 : i32 to vector<16xi32>
        %add3A_999 = arith.addi %iota3A, %add3A_998 : vector<16xi32>
        %gather3A_1000 = tpu.vector_load_idx %arg8[%broadcast_in_dim3A, %broadcast_in_dim3A_688, %broadcast_in_dim3A_979, %add3A_999] : memref<3x4x72x128xf32, #tpu.memory_space<vmem>>[vector<16xi32>, vector<16xi32>, vector<16xi32>, vector<16xi32>], vector<16xf32>,
        %mul3A_1001 = arith.mulf %gather3A_1000, %gather3A_732 : vector<16xf32>
        %add3A_1002 = arith.addf %add3A_996, %mul3A_1001 : vector<16xf32>
        %eq3A_1003 = arith.constant 3 : i32
        %eq3A_1004 = vector.broadcast %eq3A_1003 : i32 to vector<16xi32>
        %eq3A_1005 = arith.cmpi eq, %iota3A, %eq3A_1004 : vector<16xi32>
        %jit3A_1006 = arith.constant 1.000000e+00 : f32
        %jit3A_1007 = arith.constant 0.000000e+00 : f32
        %broadcast_in_dim3A_1008 = vector.broadcast %jit3A_1006 : f32 to vector<16xf32>
        %broadcast_in_dim3A_1009 = vector.broadcast %jit3A_1007 : f32 to vector<16xf32>
        %select_n3A_1010 = arith.select %eq3A_1005, %broadcast_in_dim3A_1008, %broadcast_in_dim3A_1009 : vector<16xi1>, vector<16xf32>
        %reduce_sum3A_1011 = arith.constant true
        %reduce_sum3A_1012 = vector.broadcast %reduce_sum3A_1011 : i1 to vector<16xi1>
        %reduce_sum3A_1013 = tpu.scan <sum>, %add3A_1002 masked %reduce_sum3A_1012 : vector<16xf32>, vector<16xi1> -> vector<16xf32>
        %reduce_sum3A_1014 = vector.extract %reduce_sum3A_1013[15] : f32 from vector<16xf32>
        %mul3A_1015 = vector.broadcast %reduce_sum3A_1014 : f32 to vector<16xf32>
        %mul3A_1016 = arith.mulf %mul3A_1015, %select_n3A_1010 : vector<16xf32>
        %add3A_1017 = arith.addf %add3A_976, %mul3A_1016 : vector<16xf32>
        %add3A_1018 = arith.constant 4 : i32
        %add3A_1019 = arith.addi %add3A_853, %add3A_1018 : i32
        %broadcast_in_dim3A_1020 = vector.broadcast %add3A_1019 : i32 to vector<16xi32>
        %add3A_1021 = arith.constant 0 : i32
        %add3A_1022 = vector.broadcast %add3A_1021 : i32 to vector<16xi32>
        %add3A_1023 = arith.addi %iota3A, %add3A_1022 : vector<16xi32>
        %gather3A_1024 = tpu.vector_load_idx %arg8[%broadcast_in_dim3A, %broadcast_in_dim3A_688, %broadcast_in_dim3A_1020, %add3A_1023] : memref<3x4x72x128xf32, #tpu.memory_space<vmem>>[vector<16xi32>, vector<16xi32>, vector<16xi32>, vector<16xi32>], vector<16xf32>,
        %mul3A_1025 = arith.mulf %gather3A_1024, %gather3A_699 : vector<16xf32>
        %add3A_1026 = arith.constant 16 : i32
        %add3A_1027 = vector.broadcast %add3A_1026 : i32 to vector<16xi32>
        %add3A_1028 = arith.addi %iota3A, %add3A_1027 : vector<16xi32>
        %gather3A_1029 = tpu.vector_load_idx %arg8[%broadcast_in_dim3A, %broadcast_in_dim3A_688, %broadcast_in_dim3A_1020, %add3A_1028] : memref<3x4x72x128xf32, #tpu.memory_space<vmem>>[vector<16xi32>, vector<16xi32>, vector<16xi32>, vector<16xi32>], vector<16xf32>,
        %mul3A_1030 = arith.mulf %gather3A_1029, %gather3A_710 : vector<16xf32>
        %add3A_1031 = arith.addf %mul3A_1025, %mul3A_1030 : vector<16xf32>
        %add3A_1032 = arith.constant 32 : i32
        %add3A_1033 = vector.broadcast %add3A_1032 : i32 to vector<16xi32>
        %add3A_1034 = arith.addi %iota3A, %add3A_1033 : vector<16xi32>
        %gather3A_1035 = tpu.vector_load_idx %arg8[%broadcast_in_dim3A, %broadcast_in_dim3A_688, %broadcast_in_dim3A_1020, %add3A_1034] : memref<3x4x72x128xf32, #tpu.memory_space<vmem>>[vector<16xi32>, vector<16xi32>, vector<16xi32>, vector<16xi32>], vector<16xf32>,
        %mul3A_1036 = arith.mulf %gather3A_1035, %gather3A_721 : vector<16xf32>
        %add3A_1037 = arith.addf %add3A_1031, %mul3A_1036 : vector<16xf32>
        %add3A_1038 = arith.constant 48 : i32
        %add3A_1039 = vector.broadcast %add3A_1038 : i32 to vector<16xi32>
        %add3A_1040 = arith.addi %iota3A, %add3A_1039 : vector<16xi32>
        %gather3A_1041 = tpu.vector_load_idx %arg8[%broadcast_in_dim3A, %broadcast_in_dim3A_688, %broadcast_in_dim3A_1020, %add3A_1040] : memref<3x4x72x128xf32, #tpu.memory_space<vmem>>[vector<16xi32>, vector<16xi32>, vector<16xi32>, vector<16xi32>], vector<16xf32>,
        %mul3A_1042 = arith.mulf %gather3A_1041, %gather3A_732 : vector<16xf32>
        %add3A_1043 = arith.addf %add3A_1037, %mul3A_1042 : vector<16xf32>
        %eq3A_1044 = arith.constant 4 : i32
        %eq3A_1045 = vector.broadcast %eq3A_1044 : i32 to vector<16xi32>
        %eq3A_1046 = arith.cmpi eq, %iota3A, %eq3A_1045 : vector<16xi32>
        %jit3A_1047 = arith.constant 1.000000e+00 : f32
        %jit3A_1048 = arith.constant 0.000000e+00 : f32
        %broadcast_in_dim3A_1049 = vector.broadcast %jit3A_1047 : f32 to vector<16xf32>
        %broadcast_in_dim3A_1050 = vector.broadcast %jit3A_1048 : f32 to vector<16xf32>
        %select_n3A_1051 = arith.select %eq3A_1046, %broadcast_in_dim3A_1049, %broadcast_in_dim3A_1050 : vector<16xi1>, vector<16xf32>
        %reduce_sum3A_1052 = arith.constant true
        %reduce_sum3A_1053 = vector.broadcast %reduce_sum3A_1052 : i1 to vector<16xi1>
        %reduce_sum3A_1054 = tpu.scan <sum>, %add3A_1043 masked %reduce_sum3A_1053 : vector<16xf32>, vector<16xi1> -> vector<16xf32>
        %reduce_sum3A_1055 = vector.extract %reduce_sum3A_1054[15] : f32 from vector<16xf32>
        %mul3A_1056 = vector.broadcast %reduce_sum3A_1055 : f32 to vector<16xf32>
        %mul3A_1057 = arith.mulf %mul3A_1056, %select_n3A_1051 : vector<16xf32>
        %add3A_1058 = arith.addf %add3A_1017, %mul3A_1057 : vector<16xf32>
        %add3A_1059 = arith.constant 5 : i32
        %add3A_1060 = arith.addi %add3A_853, %add3A_1059 : i32
        %broadcast_in_dim3A_1061 = vector.broadcast %add3A_1060 : i32 to vector<16xi32>
        %add3A_1062 = arith.constant 0 : i32
        %add3A_1063 = vector.broadcast %add3A_1062 : i32 to vector<16xi32>
        %add3A_1064 = arith.addi %iota3A, %add3A_1063 : vector<16xi32>
        %gather3A_1065 = tpu.vector_load_idx %arg8[%broadcast_in_dim3A, %broadcast_in_dim3A_688, %broadcast_in_dim3A_1061, %add3A_1064] : memref<3x4x72x128xf32, #tpu.memory_space<vmem>>[vector<16xi32>, vector<16xi32>, vector<16xi32>, vector<16xi32>], vector<16xf32>,
        %mul3A_1066 = arith.mulf %gather3A_1065, %gather3A_699 : vector<16xf32>
        %add3A_1067 = arith.constant 16 : i32
        %add3A_1068 = vector.broadcast %add3A_1067 : i32 to vector<16xi32>
        %add3A_1069 = arith.addi %iota3A, %add3A_1068 : vector<16xi32>
        %gather3A_1070 = tpu.vector_load_idx %arg8[%broadcast_in_dim3A, %broadcast_in_dim3A_688, %broadcast_in_dim3A_1061, %add3A_1069] : memref<3x4x72x128xf32, #tpu.memory_space<vmem>>[vector<16xi32>, vector<16xi32>, vector<16xi32>, vector<16xi32>], vector<16xf32>,
        %mul3A_1071 = arith.mulf %gather3A_1070, %gather3A_710 : vector<16xf32>
        %add3A_1072 = arith.addf %mul3A_1066, %mul3A_1071 : vector<16xf32>
        %add3A_1073 = arith.constant 32 : i32
        %add3A_1074 = vector.broadcast %add3A_1073 : i32 to vector<16xi32>
        %add3A_1075 = arith.addi %iota3A, %add3A_1074 : vector<16xi32>
        %gather3A_1076 = tpu.vector_load_idx %arg8[%broadcast_in_dim3A, %broadcast_in_dim3A_688, %broadcast_in_dim3A_1061, %add3A_1075] : memref<3x4x72x128xf32, #tpu.memory_space<vmem>>[vector<16xi32>, vector<16xi32>, vector<16xi32>, vector<16xi32>], vector<16xf32>,
        %mul3A_1077 = arith.mulf %gather3A_1076, %gather3A_721 : vector<16xf32>
        %add3A_1078 = arith.addf %add3A_1072, %mul3A_1077 : vector<16xf32>
        %add3A_1079 = arith.constant 48 : i32
        %add3A_1080 = vector.broadcast %add3A_1079 : i32 to vector<16xi32>
        %add3A_1081 = arith.addi %iota3A, %add3A_1080 : vector<16xi32>
        %gather3A_1082 = tpu.vector_load_idx %arg8[%broadcast_in_dim3A, %broadcast_in_dim3A_688, %broadcast_in_dim3A_1061, %add3A_1081] : memref<3x4x72x128xf32, #tpu.memory_space<vmem>>[vector<16xi32>, vector<16xi32>, vector<16xi32>, vector<16xi32>], vector<16xf32>,
        %mul3A_1083 = arith.mulf %gather3A_1082, %gather3A_732 : vector<16xf32>
        %add3A_1084 = arith.addf %add3A_1078, %mul3A_1083 : vector<16xf32>
        %eq3A_1085 = arith.constant 5 : i32
        %eq3A_1086 = vector.broadcast %eq3A_1085 : i32 to vector<16xi32>
        %eq3A_1087 = arith.cmpi eq, %iota3A, %eq3A_1086 : vector<16xi32>
        %jit3A_1088 = arith.constant 1.000000e+00 : f32
        %jit3A_1089 = arith.constant 0.000000e+00 : f32
        %broadcast_in_dim3A_1090 = vector.broadcast %jit3A_1088 : f32 to vector<16xf32>
        %broadcast_in_dim3A_1091 = vector.broadcast %jit3A_1089 : f32 to vector<16xf32>
        %select_n3A_1092 = arith.select %eq3A_1087, %broadcast_in_dim3A_1090, %broadcast_in_dim3A_1091 : vector<16xi1>, vector<16xf32>
        %reduce_sum3A_1093 = arith.constant true
        %reduce_sum3A_1094 = vector.broadcast %reduce_sum3A_1093 : i1 to vector<16xi1>
        %reduce_sum3A_1095 = tpu.scan <sum>, %add3A_1084 masked %reduce_sum3A_1094 : vector<16xf32>, vector<16xi1> -> vector<16xf32>
        %reduce_sum3A_1096 = vector.extract %reduce_sum3A_1095[15] : f32 from vector<16xf32>
        %mul3A_1097 = vector.broadcast %reduce_sum3A_1096 : f32 to vector<16xf32>
        %mul3A_1098 = arith.mulf %mul3A_1097, %select_n3A_1092 : vector<16xf32>
        %add3A_1099 = arith.addf %add3A_1058, %mul3A_1098 : vector<16xf32>
        %add3A_1100 = arith.constant 6 : i32
        %add3A_1101 = arith.addi %add3A_853, %add3A_1100 : i32
        %broadcast_in_dim3A_1102 = vector.broadcast %add3A_1101 : i32 to vector<16xi32>
        %add3A_1103 = arith.constant 0 : i32
        %add3A_1104 = vector.broadcast %add3A_1103 : i32 to vector<16xi32>
        %add3A_1105 = arith.addi %iota3A, %add3A_1104 : vector<16xi32>
        %gather3A_1106 = tpu.vector_load_idx %arg8[%broadcast_in_dim3A, %broadcast_in_dim3A_688, %broadcast_in_dim3A_1102, %add3A_1105] : memref<3x4x72x128xf32, #tpu.memory_space<vmem>>[vector<16xi32>, vector<16xi32>, vector<16xi32>, vector<16xi32>], vector<16xf32>,
        %mul3A_1107 = arith.mulf %gather3A_1106, %gather3A_699 : vector<16xf32>
        %add3A_1108 = arith.constant 16 : i32
        %add3A_1109 = vector.broadcast %add3A_1108 : i32 to vector<16xi32>
        %add3A_1110 = arith.addi %iota3A, %add3A_1109 : vector<16xi32>
        %gather3A_1111 = tpu.vector_load_idx %arg8[%broadcast_in_dim3A, %broadcast_in_dim3A_688, %broadcast_in_dim3A_1102, %add3A_1110] : memref<3x4x72x128xf32, #tpu.memory_space<vmem>>[vector<16xi32>, vector<16xi32>, vector<16xi32>, vector<16xi32>], vector<16xf32>,
        %mul3A_1112 = arith.mulf %gather3A_1111, %gather3A_710 : vector<16xf32>
        %add3A_1113 = arith.addf %mul3A_1107, %mul3A_1112 : vector<16xf32>
        %add3A_1114 = arith.constant 32 : i32
        %add3A_1115 = vector.broadcast %add3A_1114 : i32 to vector<16xi32>
        %add3A_1116 = arith.addi %iota3A, %add3A_1115 : vector<16xi32>
        %gather3A_1117 = tpu.vector_load_idx %arg8[%broadcast_in_dim3A, %broadcast_in_dim3A_688, %broadcast_in_dim3A_1102, %add3A_1116] : memref<3x4x72x128xf32, #tpu.memory_space<vmem>>[vector<16xi32>, vector<16xi32>, vector<16xi32>, vector<16xi32>], vector<16xf32>,
        %mul3A_1118 = arith.mulf %gather3A_1117, %gather3A_721 : vector<16xf32>
        %add3A_1119 = arith.addf %add3A_1113, %mul3A_1118 : vector<16xf32>
        %add3A_1120 = arith.constant 48 : i32
        %add3A_1121 = vector.broadcast %add3A_1120 : i32 to vector<16xi32>
        %add3A_1122 = arith.addi %iota3A, %add3A_1121 : vector<16xi32>
        %gather3A_1123 = tpu.vector_load_idx %arg8[%broadcast_in_dim3A, %broadcast_in_dim3A_688, %broadcast_in_dim3A_1102, %add3A_1122] : memref<3x4x72x128xf32, #tpu.memory_space<vmem>>[vector<16xi32>, vector<16xi32>, vector<16xi32>, vector<16xi32>], vector<16xf32>,
        %mul3A_1124 = arith.mulf %gather3A_1123, %gather3A_732 : vector<16xf32>
        %add3A_1125 = arith.addf %add3A_1119, %mul3A_1124 : vector<16xf32>
        %eq3A_1126 = arith.constant 6 : i32
        %eq3A_1127 = vector.broadcast %eq3A_1126 : i32 to vector<16xi32>
        %eq3A_1128 = arith.cmpi eq, %iota3A, %eq3A_1127 : vector<16xi32>
        %jit3A_1129 = arith.constant 1.000000e+00 : f32
        %jit3A_1130 = arith.constant 0.000000e+00 : f32
        %broadcast_in_dim3A_1131 = vector.broadcast %jit3A_1129 : f32 to vector<16xf32>
        %broadcast_in_dim3A_1132 = vector.broadcast %jit3A_1130 : f32 to vector<16xf32>
        %select_n3A_1133 = arith.select %eq3A_1128, %broadcast_in_dim3A_1131, %broadcast_in_dim3A_1132 : vector<16xi1>, vector<16xf32>
        %reduce_sum3A_1134 = arith.constant true
        %reduce_sum3A_1135 = vector.broadcast %reduce_sum3A_1134 : i1 to vector<16xi1>
        %reduce_sum3A_1136 = tpu.scan <sum>, %add3A_1125 masked %reduce_sum3A_1135 : vector<16xf32>, vector<16xi1> -> vector<16xf32>
        %reduce_sum3A_1137 = vector.extract %reduce_sum3A_1136[15] : f32 from vector<16xf32>
        %mul3A_1138 = vector.broadcast %reduce_sum3A_1137 : f32 to vector<16xf32>
        %mul3A_1139 = arith.mulf %mul3A_1138, %select_n3A_1133 : vector<16xf32>
        %add3A_1140 = arith.addf %add3A_1099, %mul3A_1139 : vector<16xf32>
        %add3A_1141 = arith.constant 7 : i32
        %add3A_1142 = arith.addi %add3A_853, %add3A_1141 : i32
        %broadcast_in_dim3A_1143 = vector.broadcast %add3A_1142 : i32 to vector<16xi32>
        %add3A_1144 = arith.constant 0 : i32
        %add3A_1145 = vector.broadcast %add3A_1144 : i32 to vector<16xi32>
        %add3A_1146 = arith.addi %iota3A, %add3A_1145 : vector<16xi32>
        %gather3A_1147 = tpu.vector_load_idx %arg8[%broadcast_in_dim3A, %broadcast_in_dim3A_688, %broadcast_in_dim3A_1143, %add3A_1146] : memref<3x4x72x128xf32, #tpu.memory_space<vmem>>[vector<16xi32>, vector<16xi32>, vector<16xi32>, vector<16xi32>], vector<16xf32>,
        %mul3A_1148 = arith.mulf %gather3A_1147, %gather3A_699 : vector<16xf32>
        %add3A_1149 = arith.constant 16 : i32
        %add3A_1150 = vector.broadcast %add3A_1149 : i32 to vector<16xi32>
        %add3A_1151 = arith.addi %iota3A, %add3A_1150 : vector<16xi32>
        %gather3A_1152 = tpu.vector_load_idx %arg8[%broadcast_in_dim3A, %broadcast_in_dim3A_688, %broadcast_in_dim3A_1143, %add3A_1151] : memref<3x4x72x128xf32, #tpu.memory_space<vmem>>[vector<16xi32>, vector<16xi32>, vector<16xi32>, vector<16xi32>], vector<16xf32>,
        %mul3A_1153 = arith.mulf %gather3A_1152, %gather3A_710 : vector<16xf32>
        %add3A_1154 = arith.addf %mul3A_1148, %mul3A_1153 : vector<16xf32>
        %add3A_1155 = arith.constant 32 : i32
        %add3A_1156 = vector.broadcast %add3A_1155 : i32 to vector<16xi32>
        %add3A_1157 = arith.addi %iota3A, %add3A_1156 : vector<16xi32>
        %gather3A_1158 = tpu.vector_load_idx %arg8[%broadcast_in_dim3A, %broadcast_in_dim3A_688, %broadcast_in_dim3A_1143, %add3A_1157] : memref<3x4x72x128xf32, #tpu.memory_space<vmem>>[vector<16xi32>, vector<16xi32>, vector<16xi32>, vector<16xi32>], vector<16xf32>,
        %mul3A_1159 = arith.mulf %gather3A_1158, %gather3A_721 : vector<16xf32>
        %add3A_1160 = arith.addf %add3A_1154, %mul3A_1159 : vector<16xf32>
        %add3A_1161 = arith.constant 48 : i32
        %add3A_1162 = vector.broadcast %add3A_1161 : i32 to vector<16xi32>
        %add3A_1163 = arith.addi %iota3A, %add3A_1162 : vector<16xi32>
        %gather3A_1164 = tpu.vector_load_idx %arg8[%broadcast_in_dim3A, %broadcast_in_dim3A_688, %broadcast_in_dim3A_1143, %add3A_1163] : memref<3x4x72x128xf32, #tpu.memory_space<vmem>>[vector<16xi32>, vector<16xi32>, vector<16xi32>, vector<16xi32>], vector<16xf32>,
        %mul3A_1165 = arith.mulf %gather3A_1164, %gather3A_732 : vector<16xf32>
        %add3A_1166 = arith.addf %add3A_1160, %mul3A_1165 : vector<16xf32>
        %eq3A_1167 = arith.constant 7 : i32
        %eq3A_1168 = vector.broadcast %eq3A_1167 : i32 to vector<16xi32>
        %eq3A_1169 = arith.cmpi eq, %iota3A, %eq3A_1168 : vector<16xi32>
        %jit3A_1170 = arith.constant 1.000000e+00 : f32
        %jit3A_1171 = arith.constant 0.000000e+00 : f32
        %broadcast_in_dim3A_1172 = vector.broadcast %jit3A_1170 : f32 to vector<16xf32>
        %broadcast_in_dim3A_1173 = vector.broadcast %jit3A_1171 : f32 to vector<16xf32>
        %select_n3A_1174 = arith.select %eq3A_1169, %broadcast_in_dim3A_1172, %broadcast_in_dim3A_1173 : vector<16xi1>, vector<16xf32>
        %reduce_sum3A_1175 = arith.constant true
        %reduce_sum3A_1176 = vector.broadcast %reduce_sum3A_1175 : i1 to vector<16xi1>
        %reduce_sum3A_1177 = tpu.scan <sum>, %add3A_1166 masked %reduce_sum3A_1176 : vector<16xf32>, vector<16xi1> -> vector<16xf32>
        %reduce_sum3A_1178 = vector.extract %reduce_sum3A_1177[15] : f32 from vector<16xf32>
        %mul3A_1179 = vector.broadcast %reduce_sum3A_1178 : f32 to vector<16xf32>
        %mul3A_1180 = arith.mulf %mul3A_1179, %select_n3A_1174 : vector<16xf32>
        %add3A_1181 = arith.addf %add3A_1140, %mul3A_1180 : vector<16xf32>
        %add3A_1182 = arith.constant 8 : i32
        %add3A_1183 = arith.addi %add3A_853, %add3A_1182 : i32
        %broadcast_in_dim3A_1184 = vector.broadcast %add3A_1183 : i32 to vector<16xi32>
        %add3A_1185 = arith.constant 0 : i32
        %add3A_1186 = vector.broadcast %add3A_1185 : i32 to vector<16xi32>
        %add3A_1187 = arith.addi %iota3A, %add3A_1186 : vector<16xi32>
        %gather3A_1188 = tpu.vector_load_idx %arg8[%broadcast_in_dim3A, %broadcast_in_dim3A_688, %broadcast_in_dim3A_1184, %add3A_1187] : memref<3x4x72x128xf32, #tpu.memory_space<vmem>>[vector<16xi32>, vector<16xi32>, vector<16xi32>, vector<16xi32>], vector<16xf32>,
        %mul3A_1189 = arith.mulf %gather3A_1188, %gather3A_699 : vector<16xf32>
        %add3A_1190 = arith.constant 16 : i32
        %add3A_1191 = vector.broadcast %add3A_1190 : i32 to vector<16xi32>
        %add3A_1192 = arith.addi %iota3A, %add3A_1191 : vector<16xi32>
        %gather3A_1193 = tpu.vector_load_idx %arg8[%broadcast_in_dim3A, %broadcast_in_dim3A_688, %broadcast_in_dim3A_1184, %add3A_1192] : memref<3x4x72x128xf32, #tpu.memory_space<vmem>>[vector<16xi32>, vector<16xi32>, vector<16xi32>, vector<16xi32>], vector<16xf32>,
        %mul3A_1194 = arith.mulf %gather3A_1193, %gather3A_710 : vector<16xf32>
        %add3A_1195 = arith.addf %mul3A_1189, %mul3A_1194 : vector<16xf32>
        %add3A_1196 = arith.constant 32 : i32
        %add3A_1197 = vector.broadcast %add3A_1196 : i32 to vector<16xi32>
        %add3A_1198 = arith.addi %iota3A, %add3A_1197 : vector<16xi32>
        %gather3A_1199 = tpu.vector_load_idx %arg8[%broadcast_in_dim3A, %broadcast_in_dim3A_688, %broadcast_in_dim3A_1184, %add3A_1198] : memref<3x4x72x128xf32, #tpu.memory_space<vmem>>[vector<16xi32>, vector<16xi32>, vector<16xi32>, vector<16xi32>], vector<16xf32>,
        %mul3A_1200 = arith.mulf %gather3A_1199, %gather3A_721 : vector<16xf32>
        %add3A_1201 = arith.addf %add3A_1195, %mul3A_1200 : vector<16xf32>
        %add3A_1202 = arith.constant 48 : i32
        %add3A_1203 = vector.broadcast %add3A_1202 : i32 to vector<16xi32>
        %add3A_1204 = arith.addi %iota3A, %add3A_1203 : vector<16xi32>
        %gather3A_1205 = tpu.vector_load_idx %arg8[%broadcast_in_dim3A, %broadcast_in_dim3A_688, %broadcast_in_dim3A_1184, %add3A_1204] : memref<3x4x72x128xf32, #tpu.memory_space<vmem>>[vector<16xi32>, vector<16xi32>, vector<16xi32>, vector<16xi32>], vector<16xf32>,
        %mul3A_1206 = arith.mulf %gather3A_1205, %gather3A_732 : vector<16xf32>
        %add3A_1207 = arith.addf %add3A_1201, %mul3A_1206 : vector<16xf32>
        %eq3A_1208 = arith.constant 8 : i32
        %eq3A_1209 = vector.broadcast %eq3A_1208 : i32 to vector<16xi32>
        %eq3A_1210 = arith.cmpi eq, %iota3A, %eq3A_1209 : vector<16xi32>
        %jit3A_1211 = arith.constant 1.000000e+00 : f32
        %jit3A_1212 = arith.constant 0.000000e+00 : f32
        %broadcast_in_dim3A_1213 = vector.broadcast %jit3A_1211 : f32 to vector<16xf32>
        %broadcast_in_dim3A_1214 = vector.broadcast %jit3A_1212 : f32 to vector<16xf32>
        %select_n3A_1215 = arith.select %eq3A_1210, %broadcast_in_dim3A_1213, %broadcast_in_dim3A_1214 : vector<16xi1>, vector<16xf32>
        %reduce_sum3A_1216 = arith.constant true
        %reduce_sum3A_1217 = vector.broadcast %reduce_sum3A_1216 : i1 to vector<16xi1>
        %reduce_sum3A_1218 = tpu.scan <sum>, %add3A_1207 masked %reduce_sum3A_1217 : vector<16xf32>, vector<16xi1> -> vector<16xf32>
        %reduce_sum3A_1219 = vector.extract %reduce_sum3A_1218[15] : f32 from vector<16xf32>
        %mul3A_1220 = vector.broadcast %reduce_sum3A_1219 : f32 to vector<16xf32>
        %mul3A_1221 = arith.mulf %mul3A_1220, %select_n3A_1215 : vector<16xf32>
        %add3A_1222 = arith.addf %add3A_1181, %mul3A_1221 : vector<16xf32>
        %add3A_1223 = arith.constant 9 : i32
        %add3A_1224 = arith.addi %add3A_853, %add3A_1223 : i32
        %broadcast_in_dim3A_1225 = vector.broadcast %add3A_1224 : i32 to vector<16xi32>
        %add3A_1226 = arith.constant 0 : i32
        %add3A_1227 = vector.broadcast %add3A_1226 : i32 to vector<16xi32>
        %add3A_1228 = arith.addi %iota3A, %add3A_1227 : vector<16xi32>
        %gather3A_1229 = tpu.vector_load_idx %arg8[%broadcast_in_dim3A, %broadcast_in_dim3A_688, %broadcast_in_dim3A_1225, %add3A_1228] : memref<3x4x72x128xf32, #tpu.memory_space<vmem>>[vector<16xi32>, vector<16xi32>, vector<16xi32>, vector<16xi32>], vector<16xf32>,
        %mul3A_1230 = arith.mulf %gather3A_1229, %gather3A_699 : vector<16xf32>
        %add3A_1231 = arith.constant 16 : i32
        %add3A_1232 = vector.broadcast %add3A_1231 : i32 to vector<16xi32>
        %add3A_1233 = arith.addi %iota3A, %add3A_1232 : vector<16xi32>
        %gather3A_1234 = tpu.vector_load_idx %arg8[%broadcast_in_dim3A, %broadcast_in_dim3A_688, %broadcast_in_dim3A_1225, %add3A_1233] : memref<3x4x72x128xf32, #tpu.memory_space<vmem>>[vector<16xi32>, vector<16xi32>, vector<16xi32>, vector<16xi32>], vector<16xf32>,
        %mul3A_1235 = arith.mulf %gather3A_1234, %gather3A_710 : vector<16xf32>
        %add3A_1236 = arith.addf %mul3A_1230, %mul3A_1235 : vector<16xf32>
        %add3A_1237 = arith.constant 32 : i32
        %add3A_1238 = vector.broadcast %add3A_1237 : i32 to vector<16xi32>
        %add3A_1239 = arith.addi %iota3A, %add3A_1238 : vector<16xi32>
        %gather3A_1240 = tpu.vector_load_idx %arg8[%broadcast_in_dim3A, %broadcast_in_dim3A_688, %broadcast_in_dim3A_1225, %add3A_1239] : memref<3x4x72x128xf32, #tpu.memory_space<vmem>>[vector<16xi32>, vector<16xi32>, vector<16xi32>, vector<16xi32>], vector<16xf32>,
        %mul3A_1241 = arith.mulf %gather3A_1240, %gather3A_721 : vector<16xf32>
        %add3A_1242 = arith.addf %add3A_1236, %mul3A_1241 : vector<16xf32>
        %add3A_1243 = arith.constant 48 : i32
        %add3A_1244 = vector.broadcast %add3A_1243 : i32 to vector<16xi32>
        %add3A_1245 = arith.addi %iota3A, %add3A_1244 : vector<16xi32>
        %gather3A_1246 = tpu.vector_load_idx %arg8[%broadcast_in_dim3A, %broadcast_in_dim3A_688, %broadcast_in_dim3A_1225, %add3A_1245] : memref<3x4x72x128xf32, #tpu.memory_space<vmem>>[vector<16xi32>, vector<16xi32>, vector<16xi32>, vector<16xi32>], vector<16xf32>,
        %mul3A_1247 = arith.mulf %gather3A_1246, %gather3A_732 : vector<16xf32>
        %add3A_1248 = arith.addf %add3A_1242, %mul3A_1247 : vector<16xf32>
        %eq3A_1249 = arith.constant 9 : i32
        %eq3A_1250 = vector.broadcast %eq3A_1249 : i32 to vector<16xi32>
        %eq3A_1251 = arith.cmpi eq, %iota3A, %eq3A_1250 : vector<16xi32>
        %jit3A_1252 = arith.constant 1.000000e+00 : f32
        %jit3A_1253 = arith.constant 0.000000e+00 : f32
        %broadcast_in_dim3A_1254 = vector.broadcast %jit3A_1252 : f32 to vector<16xf32>
        %broadcast_in_dim3A_1255 = vector.broadcast %jit3A_1253 : f32 to vector<16xf32>
        %select_n3A_1256 = arith.select %eq3A_1251, %broadcast_in_dim3A_1254, %broadcast_in_dim3A_1255 : vector<16xi1>, vector<16xf32>
        %reduce_sum3A_1257 = arith.constant true
        %reduce_sum3A_1258 = vector.broadcast %reduce_sum3A_1257 : i1 to vector<16xi1>
        %reduce_sum3A_1259 = tpu.scan <sum>, %add3A_1248 masked %reduce_sum3A_1258 : vector<16xf32>, vector<16xi1> -> vector<16xf32>
        %reduce_sum3A_1260 = vector.extract %reduce_sum3A_1259[15] : f32 from vector<16xf32>
        %mul3A_1261 = vector.broadcast %reduce_sum3A_1260 : f32 to vector<16xf32>
        %mul3A_1262 = arith.mulf %mul3A_1261, %select_n3A_1256 : vector<16xf32>
        %add3A_1263 = arith.addf %add3A_1222, %mul3A_1262 : vector<16xf32>
        %add3A_1264 = arith.constant 10 : i32
        %add3A_1265 = arith.addi %add3A_853, %add3A_1264 : i32
        %broadcast_in_dim3A_1266 = vector.broadcast %add3A_1265 : i32 to vector<16xi32>
        %add3A_1267 = arith.constant 0 : i32
        %add3A_1268 = vector.broadcast %add3A_1267 : i32 to vector<16xi32>
        %add3A_1269 = arith.addi %iota3A, %add3A_1268 : vector<16xi32>
        %gather3A_1270 = tpu.vector_load_idx %arg8[%broadcast_in_dim3A, %broadcast_in_dim3A_688, %broadcast_in_dim3A_1266, %add3A_1269] : memref<3x4x72x128xf32, #tpu.memory_space<vmem>>[vector<16xi32>, vector<16xi32>, vector<16xi32>, vector<16xi32>], vector<16xf32>,
        %mul3A_1271 = arith.mulf %gather3A_1270, %gather3A_699 : vector<16xf32>
        %add3A_1272 = arith.constant 16 : i32
        %add3A_1273 = vector.broadcast %add3A_1272 : i32 to vector<16xi32>
        %add3A_1274 = arith.addi %iota3A, %add3A_1273 : vector<16xi32>
        %gather3A_1275 = tpu.vector_load_idx %arg8[%broadcast_in_dim3A, %broadcast_in_dim3A_688, %broadcast_in_dim3A_1266, %add3A_1274] : memref<3x4x72x128xf32, #tpu.memory_space<vmem>>[vector<16xi32>, vector<16xi32>, vector<16xi32>, vector<16xi32>], vector<16xf32>,
        %mul3A_1276 = arith.mulf %gather3A_1275, %gather3A_710 : vector<16xf32>
        %add3A_1277 = arith.addf %mul3A_1271, %mul3A_1276 : vector<16xf32>
        %add3A_1278 = arith.constant 32 : i32
        %add3A_1279 = vector.broadcast %add3A_1278 : i32 to vector<16xi32>
        %add3A_1280 = arith.addi %iota3A, %add3A_1279 : vector<16xi32>
        %gather3A_1281 = tpu.vector_load_idx %arg8[%broadcast_in_dim3A, %broadcast_in_dim3A_688, %broadcast_in_dim3A_1266, %add3A_1280] : memref<3x4x72x128xf32, #tpu.memory_space<vmem>>[vector<16xi32>, vector<16xi32>, vector<16xi32>, vector<16xi32>], vector<16xf32>,
        %mul3A_1282 = arith.mulf %gather3A_1281, %gather3A_721 : vector<16xf32>
        %add3A_1283 = arith.addf %add3A_1277, %mul3A_1282 : vector<16xf32>
        %add3A_1284 = arith.constant 48 : i32
        %add3A_1285 = vector.broadcast %add3A_1284 : i32 to vector<16xi32>
        %add3A_1286 = arith.addi %iota3A, %add3A_1285 : vector<16xi32>
        %gather3A_1287 = tpu.vector_load_idx %arg8[%broadcast_in_dim3A, %broadcast_in_dim3A_688, %broadcast_in_dim3A_1266, %add3A_1286] : memref<3x4x72x128xf32, #tpu.memory_space<vmem>>[vector<16xi32>, vector<16xi32>, vector<16xi32>, vector<16xi32>], vector<16xf32>,
        %mul3A_1288 = arith.mulf %gather3A_1287, %gather3A_732 : vector<16xf32>
        %add3A_1289 = arith.addf %add3A_1283, %mul3A_1288 : vector<16xf32>
        %eq3A_1290 = arith.constant 10 : i32
        %eq3A_1291 = vector.broadcast %eq3A_1290 : i32 to vector<16xi32>
        %eq3A_1292 = arith.cmpi eq, %iota3A, %eq3A_1291 : vector<16xi32>
        %jit3A_1293 = arith.constant 1.000000e+00 : f32
        %jit3A_1294 = arith.constant 0.000000e+00 : f32
        %broadcast_in_dim3A_1295 = vector.broadcast %jit3A_1293 : f32 to vector<16xf32>
        %broadcast_in_dim3A_1296 = vector.broadcast %jit3A_1294 : f32 to vector<16xf32>
        %select_n3A_1297 = arith.select %eq3A_1292, %broadcast_in_dim3A_1295, %broadcast_in_dim3A_1296 : vector<16xi1>, vector<16xf32>
        %reduce_sum3A_1298 = arith.constant true
        %reduce_sum3A_1299 = vector.broadcast %reduce_sum3A_1298 : i1 to vector<16xi1>
        %reduce_sum3A_1300 = tpu.scan <sum>, %add3A_1289 masked %reduce_sum3A_1299 : vector<16xf32>, vector<16xi1> -> vector<16xf32>
        %reduce_sum3A_1301 = vector.extract %reduce_sum3A_1300[15] : f32 from vector<16xf32>
        %mul3A_1302 = vector.broadcast %reduce_sum3A_1301 : f32 to vector<16xf32>
        %mul3A_1303 = arith.mulf %mul3A_1302, %select_n3A_1297 : vector<16xf32>
        %add3A_1304 = arith.addf %add3A_1263, %mul3A_1303 : vector<16xf32>
        %add3A_1305 = arith.constant 11 : i32
        %add3A_1306 = arith.addi %add3A_853, %add3A_1305 : i32
        %broadcast_in_dim3A_1307 = vector.broadcast %add3A_1306 : i32 to vector<16xi32>
        %add3A_1308 = arith.constant 0 : i32
        %add3A_1309 = vector.broadcast %add3A_1308 : i32 to vector<16xi32>
        %add3A_1310 = arith.addi %iota3A, %add3A_1309 : vector<16xi32>
        %gather3A_1311 = tpu.vector_load_idx %arg8[%broadcast_in_dim3A, %broadcast_in_dim3A_688, %broadcast_in_dim3A_1307, %add3A_1310] : memref<3x4x72x128xf32, #tpu.memory_space<vmem>>[vector<16xi32>, vector<16xi32>, vector<16xi32>, vector<16xi32>], vector<16xf32>,
        %mul3A_1312 = arith.mulf %gather3A_1311, %gather3A_699 : vector<16xf32>
        %add3A_1313 = arith.constant 16 : i32
        %add3A_1314 = vector.broadcast %add3A_1313 : i32 to vector<16xi32>
        %add3A_1315 = arith.addi %iota3A, %add3A_1314 : vector<16xi32>
        %gather3A_1316 = tpu.vector_load_idx %arg8[%broadcast_in_dim3A, %broadcast_in_dim3A_688, %broadcast_in_dim3A_1307, %add3A_1315] : memref<3x4x72x128xf32, #tpu.memory_space<vmem>>[vector<16xi32>, vector<16xi32>, vector<16xi32>, vector<16xi32>], vector<16xf32>,
        %mul3A_1317 = arith.mulf %gather3A_1316, %gather3A_710 : vector<16xf32>
        %add3A_1318 = arith.addf %mul3A_1312, %mul3A_1317 : vector<16xf32>
        %add3A_1319 = arith.constant 32 : i32
        %add3A_1320 = vector.broadcast %add3A_1319 : i32 to vector<16xi32>
        %add3A_1321 = arith.addi %iota3A, %add3A_1320 : vector<16xi32>
        %gather3A_1322 = tpu.vector_load_idx %arg8[%broadcast_in_dim3A, %broadcast_in_dim3A_688, %broadcast_in_dim3A_1307, %add3A_1321] : memref<3x4x72x128xf32, #tpu.memory_space<vmem>>[vector<16xi32>, vector<16xi32>, vector<16xi32>, vector<16xi32>], vector<16xf32>,
        %mul3A_1323 = arith.mulf %gather3A_1322, %gather3A_721 : vector<16xf32>
        %add3A_1324 = arith.addf %add3A_1318, %mul3A_1323 : vector<16xf32>
        %add3A_1325 = arith.constant 48 : i32
        %add3A_1326 = vector.broadcast %add3A_1325 : i32 to vector<16xi32>
        %add3A_1327 = arith.addi %iota3A, %add3A_1326 : vector<16xi32>
        %gather3A_1328 = tpu.vector_load_idx %arg8[%broadcast_in_dim3A, %broadcast_in_dim3A_688, %broadcast_in_dim3A_1307, %add3A_1327] : memref<3x4x72x128xf32, #tpu.memory_space<vmem>>[vector<16xi32>, vector<16xi32>, vector<16xi32>, vector<16xi32>], vector<16xf32>,
        %mul3A_1329 = arith.mulf %gather3A_1328, %gather3A_732 : vector<16xf32>
        %add3A_1330 = arith.addf %add3A_1324, %mul3A_1329 : vector<16xf32>
        %eq3A_1331 = arith.constant 11 : i32
        %eq3A_1332 = vector.broadcast %eq3A_1331 : i32 to vector<16xi32>
        %eq3A_1333 = arith.cmpi eq, %iota3A, %eq3A_1332 : vector<16xi32>
        %jit3A_1334 = arith.constant 1.000000e+00 : f32
        %jit3A_1335 = arith.constant 0.000000e+00 : f32
        %broadcast_in_dim3A_1336 = vector.broadcast %jit3A_1334 : f32 to vector<16xf32>
        %broadcast_in_dim3A_1337 = vector.broadcast %jit3A_1335 : f32 to vector<16xf32>
        %select_n3A_1338 = arith.select %eq3A_1333, %broadcast_in_dim3A_1336, %broadcast_in_dim3A_1337 : vector<16xi1>, vector<16xf32>
        %reduce_sum3A_1339 = arith.constant true
        %reduce_sum3A_1340 = vector.broadcast %reduce_sum3A_1339 : i1 to vector<16xi1>
        %reduce_sum3A_1341 = tpu.scan <sum>, %add3A_1330 masked %reduce_sum3A_1340 : vector<16xf32>, vector<16xi1> -> vector<16xf32>
        %reduce_sum3A_1342 = vector.extract %reduce_sum3A_1341[15] : f32 from vector<16xf32>
        %mul3A_1343 = vector.broadcast %reduce_sum3A_1342 : f32 to vector<16xf32>
        %mul3A_1344 = arith.mulf %mul3A_1343, %select_n3A_1338 : vector<16xf32>
        %add3A_1345 = arith.addf %add3A_1304, %mul3A_1344 : vector<16xf32>
        %add3A_1346 = arith.constant 12 : i32
        %add3A_1347 = arith.addi %add3A_853, %add3A_1346 : i32
        %broadcast_in_dim3A_1348 = vector.broadcast %add3A_1347 : i32 to vector<16xi32>
        %add3A_1349 = arith.constant 0 : i32
        %add3A_1350 = vector.broadcast %add3A_1349 : i32 to vector<16xi32>
        %add3A_1351 = arith.addi %iota3A, %add3A_1350 : vector<16xi32>
        %gather3A_1352 = tpu.vector_load_idx %arg8[%broadcast_in_dim3A, %broadcast_in_dim3A_688, %broadcast_in_dim3A_1348, %add3A_1351] : memref<3x4x72x128xf32, #tpu.memory_space<vmem>>[vector<16xi32>, vector<16xi32>, vector<16xi32>, vector<16xi32>], vector<16xf32>,
        %mul3A_1353 = arith.mulf %gather3A_1352, %gather3A_699 : vector<16xf32>
        %add3A_1354 = arith.constant 16 : i32
        %add3A_1355 = vector.broadcast %add3A_1354 : i32 to vector<16xi32>
        %add3A_1356 = arith.addi %iota3A, %add3A_1355 : vector<16xi32>
        %gather3A_1357 = tpu.vector_load_idx %arg8[%broadcast_in_dim3A, %broadcast_in_dim3A_688, %broadcast_in_dim3A_1348, %add3A_1356] : memref<3x4x72x128xf32, #tpu.memory_space<vmem>>[vector<16xi32>, vector<16xi32>, vector<16xi32>, vector<16xi32>], vector<16xf32>,
        %mul3A_1358 = arith.mulf %gather3A_1357, %gather3A_710 : vector<16xf32>
        %add3A_1359 = arith.addf %mul3A_1353, %mul3A_1358 : vector<16xf32>
        %add3A_1360 = arith.constant 32 : i32
        %add3A_1361 = vector.broadcast %add3A_1360 : i32 to vector<16xi32>
        %add3A_1362 = arith.addi %iota3A, %add3A_1361 : vector<16xi32>
        %gather3A_1363 = tpu.vector_load_idx %arg8[%broadcast_in_dim3A, %broadcast_in_dim3A_688, %broadcast_in_dim3A_1348, %add3A_1362] : memref<3x4x72x128xf32, #tpu.memory_space<vmem>>[vector<16xi32>, vector<16xi32>, vector<16xi32>, vector<16xi32>], vector<16xf32>,
        %mul3A_1364 = arith.mulf %gather3A_1363, %gather3A_721 : vector<16xf32>
        %add3A_1365 = arith.addf %add3A_1359, %mul3A_1364 : vector<16xf32>
        %add3A_1366 = arith.constant 48 : i32
        %add3A_1367 = vector.broadcast %add3A_1366 : i32 to vector<16xi32>
        %add3A_1368 = arith.addi %iota3A, %add3A_1367 : vector<16xi32>
        %gather3A_1369 = tpu.vector_load_idx %arg8[%broadcast_in_dim3A, %broadcast_in_dim3A_688, %broadcast_in_dim3A_1348, %add3A_1368] : memref<3x4x72x128xf32, #tpu.memory_space<vmem>>[vector<16xi32>, vector<16xi32>, vector<16xi32>, vector<16xi32>], vector<16xf32>,
        %mul3A_1370 = arith.mulf %gather3A_1369, %gather3A_732 : vector<16xf32>
        %add3A_1371 = arith.addf %add3A_1365, %mul3A_1370 : vector<16xf32>
        %eq3A_1372 = arith.constant 12 : i32
        %eq3A_1373 = vector.broadcast %eq3A_1372 : i32 to vector<16xi32>
        %eq3A_1374 = arith.cmpi eq, %iota3A, %eq3A_1373 : vector<16xi32>
        %jit3A_1375 = arith.constant 1.000000e+00 : f32
        %jit3A_1376 = arith.constant 0.000000e+00 : f32
        %broadcast_in_dim3A_1377 = vector.broadcast %jit3A_1375 : f32 to vector<16xf32>
        %broadcast_in_dim3A_1378 = vector.broadcast %jit3A_1376 : f32 to vector<16xf32>
        %select_n3A_1379 = arith.select %eq3A_1374, %broadcast_in_dim3A_1377, %broadcast_in_dim3A_1378 : vector<16xi1>, vector<16xf32>
        %reduce_sum3A_1380 = arith.constant true
        %reduce_sum3A_1381 = vector.broadcast %reduce_sum3A_1380 : i1 to vector<16xi1>
        %reduce_sum3A_1382 = tpu.scan <sum>, %add3A_1371 masked %reduce_sum3A_1381 : vector<16xf32>, vector<16xi1> -> vector<16xf32>
        %reduce_sum3A_1383 = vector.extract %reduce_sum3A_1382[15] : f32 from vector<16xf32>
        %mul3A_1384 = vector.broadcast %reduce_sum3A_1383 : f32 to vector<16xf32>
        %mul3A_1385 = arith.mulf %mul3A_1384, %select_n3A_1379 : vector<16xf32>
        %add3A_1386 = arith.addf %add3A_1345, %mul3A_1385 : vector<16xf32>
        %add3A_1387 = arith.constant 13 : i32
        %add3A_1388 = arith.addi %add3A_853, %add3A_1387 : i32
        %broadcast_in_dim3A_1389 = vector.broadcast %add3A_1388 : i32 to vector<16xi32>
        %add3A_1390 = arith.constant 0 : i32
        %add3A_1391 = vector.broadcast %add3A_1390 : i32 to vector<16xi32>
        %add3A_1392 = arith.addi %iota3A, %add3A_1391 : vector<16xi32>
        %gather3A_1393 = tpu.vector_load_idx %arg8[%broadcast_in_dim3A, %broadcast_in_dim3A_688, %broadcast_in_dim3A_1389, %add3A_1392] : memref<3x4x72x128xf32, #tpu.memory_space<vmem>>[vector<16xi32>, vector<16xi32>, vector<16xi32>, vector<16xi32>], vector<16xf32>,
        %mul3A_1394 = arith.mulf %gather3A_1393, %gather3A_699 : vector<16xf32>
        %add3A_1395 = arith.constant 16 : i32
        %add3A_1396 = vector.broadcast %add3A_1395 : i32 to vector<16xi32>
        %add3A_1397 = arith.addi %iota3A, %add3A_1396 : vector<16xi32>
        %gather3A_1398 = tpu.vector_load_idx %arg8[%broadcast_in_dim3A, %broadcast_in_dim3A_688, %broadcast_in_dim3A_1389, %add3A_1397] : memref<3x4x72x128xf32, #tpu.memory_space<vmem>>[vector<16xi32>, vector<16xi32>, vector<16xi32>, vector<16xi32>], vector<16xf32>,
        %mul3A_1399 = arith.mulf %gather3A_1398, %gather3A_710 : vector<16xf32>
        %add3A_1400 = arith.addf %mul3A_1394, %mul3A_1399 : vector<16xf32>
        %add3A_1401 = arith.constant 32 : i32
        %add3A_1402 = vector.broadcast %add3A_1401 : i32 to vector<16xi32>
        %add3A_1403 = arith.addi %iota3A, %add3A_1402 : vector<16xi32>
        %gather3A_1404 = tpu.vector_load_idx %arg8[%broadcast_in_dim3A, %broadcast_in_dim3A_688, %broadcast_in_dim3A_1389, %add3A_1403] : memref<3x4x72x128xf32, #tpu.memory_space<vmem>>[vector<16xi32>, vector<16xi32>, vector<16xi32>, vector<16xi32>], vector<16xf32>,
        %mul3A_1405 = arith.mulf %gather3A_1404, %gather3A_721 : vector<16xf32>
        %add3A_1406 = arith.addf %add3A_1400, %mul3A_1405 : vector<16xf32>
        %add3A_1407 = arith.constant 48 : i32
        %add3A_1408 = vector.broadcast %add3A_1407 : i32 to vector<16xi32>
        %add3A_1409 = arith.addi %iota3A, %add3A_1408 : vector<16xi32>
        %gather3A_1410 = tpu.vector_load_idx %arg8[%broadcast_in_dim3A, %broadcast_in_dim3A_688, %broadcast_in_dim3A_1389, %add3A_1409] : memref<3x4x72x128xf32, #tpu.memory_space<vmem>>[vector<16xi32>, vector<16xi32>, vector<16xi32>, vector<16xi32>], vector<16xf32>,
        %mul3A_1411 = arith.mulf %gather3A_1410, %gather3A_732 : vector<16xf32>
        %add3A_1412 = arith.addf %add3A_1406, %mul3A_1411 : vector<16xf32>
        %eq3A_1413 = arith.constant 13 : i32
        %eq3A_1414 = vector.broadcast %eq3A_1413 : i32 to vector<16xi32>
        %eq3A_1415 = arith.cmpi eq, %iota3A, %eq3A_1414 : vector<16xi32>
        %jit3A_1416 = arith.constant 1.000000e+00 : f32
        %jit3A_1417 = arith.constant 0.000000e+00 : f32
        %broadcast_in_dim3A_1418 = vector.broadcast %jit3A_1416 : f32 to vector<16xf32>
        %broadcast_in_dim3A_1419 = vector.broadcast %jit3A_1417 : f32 to vector<16xf32>
        %select_n3A_1420 = arith.select %eq3A_1415, %broadcast_in_dim3A_1418, %broadcast_in_dim3A_1419 : vector<16xi1>, vector<16xf32>
        %reduce_sum3A_1421 = arith.constant true
        %reduce_sum3A_1422 = vector.broadcast %reduce_sum3A_1421 : i1 to vector<16xi1>
        %reduce_sum3A_1423 = tpu.scan <sum>, %add3A_1412 masked %reduce_sum3A_1422 : vector<16xf32>, vector<16xi1> -> vector<16xf32>
        %reduce_sum3A_1424 = vector.extract %reduce_sum3A_1423[15] : f32 from vector<16xf32>
        %mul3A_1425 = vector.broadcast %reduce_sum3A_1424 : f32 to vector<16xf32>
        %mul3A_1426 = arith.mulf %mul3A_1425, %select_n3A_1420 : vector<16xf32>
        %add3A_1427 = arith.addf %add3A_1386, %mul3A_1426 : vector<16xf32>
        %add3A_1428 = arith.constant 14 : i32
        %add3A_1429 = arith.addi %add3A_853, %add3A_1428 : i32
        %broadcast_in_dim3A_1430 = vector.broadcast %add3A_1429 : i32 to vector<16xi32>
        %add3A_1431 = arith.constant 0 : i32
        %add3A_1432 = vector.broadcast %add3A_1431 : i32 to vector<16xi32>
        %add3A_1433 = arith.addi %iota3A, %add3A_1432 : vector<16xi32>
        %gather3A_1434 = tpu.vector_load_idx %arg8[%broadcast_in_dim3A, %broadcast_in_dim3A_688, %broadcast_in_dim3A_1430, %add3A_1433] : memref<3x4x72x128xf32, #tpu.memory_space<vmem>>[vector<16xi32>, vector<16xi32>, vector<16xi32>, vector<16xi32>], vector<16xf32>,
        %mul3A_1435 = arith.mulf %gather3A_1434, %gather3A_699 : vector<16xf32>
        %add3A_1436 = arith.constant 16 : i32
        %add3A_1437 = vector.broadcast %add3A_1436 : i32 to vector<16xi32>
        %add3A_1438 = arith.addi %iota3A, %add3A_1437 : vector<16xi32>
        %gather3A_1439 = tpu.vector_load_idx %arg8[%broadcast_in_dim3A, %broadcast_in_dim3A_688, %broadcast_in_dim3A_1430, %add3A_1438] : memref<3x4x72x128xf32, #tpu.memory_space<vmem>>[vector<16xi32>, vector<16xi32>, vector<16xi32>, vector<16xi32>], vector<16xf32>,
        %mul3A_1440 = arith.mulf %gather3A_1439, %gather3A_710 : vector<16xf32>
        %add3A_1441 = arith.addf %mul3A_1435, %mul3A_1440 : vector<16xf32>
        %add3A_1442 = arith.constant 32 : i32
        %add3A_1443 = vector.broadcast %add3A_1442 : i32 to vector<16xi32>
        %add3A_1444 = arith.addi %iota3A, %add3A_1443 : vector<16xi32>
        %gather3A_1445 = tpu.vector_load_idx %arg8[%broadcast_in_dim3A, %broadcast_in_dim3A_688, %broadcast_in_dim3A_1430, %add3A_1444] : memref<3x4x72x128xf32, #tpu.memory_space<vmem>>[vector<16xi32>, vector<16xi32>, vector<16xi32>, vector<16xi32>], vector<16xf32>,
        %mul3A_1446 = arith.mulf %gather3A_1445, %gather3A_721 : vector<16xf32>
        %add3A_1447 = arith.addf %add3A_1441, %mul3A_1446 : vector<16xf32>
        %add3A_1448 = arith.constant 48 : i32
        %add3A_1449 = vector.broadcast %add3A_1448 : i32 to vector<16xi32>
        %add3A_1450 = arith.addi %iota3A, %add3A_1449 : vector<16xi32>
        %gather3A_1451 = tpu.vector_load_idx %arg8[%broadcast_in_dim3A, %broadcast_in_dim3A_688, %broadcast_in_dim3A_1430, %add3A_1450] : memref<3x4x72x128xf32, #tpu.memory_space<vmem>>[vector<16xi32>, vector<16xi32>, vector<16xi32>, vector<16xi32>], vector<16xf32>,
        %mul3A_1452 = arith.mulf %gather3A_1451, %gather3A_732 : vector<16xf32>
        %add3A_1453 = arith.addf %add3A_1447, %mul3A_1452 : vector<16xf32>
        %eq3A_1454 = arith.constant 14 : i32
        %eq3A_1455 = vector.broadcast %eq3A_1454 : i32 to vector<16xi32>
        %eq3A_1456 = arith.cmpi eq, %iota3A, %eq3A_1455 : vector<16xi32>
        %jit3A_1457 = arith.constant 1.000000e+00 : f32
        %jit3A_1458 = arith.constant 0.000000e+00 : f32
        %broadcast_in_dim3A_1459 = vector.broadcast %jit3A_1457 : f32 to vector<16xf32>
        %broadcast_in_dim3A_1460 = vector.broadcast %jit3A_1458 : f32 to vector<16xf32>
        %select_n3A_1461 = arith.select %eq3A_1456, %broadcast_in_dim3A_1459, %broadcast_in_dim3A_1460 : vector<16xi1>, vector<16xf32>
        %reduce_sum3A_1462 = arith.constant true
        %reduce_sum3A_1463 = vector.broadcast %reduce_sum3A_1462 : i1 to vector<16xi1>
        %reduce_sum3A_1464 = tpu.scan <sum>, %add3A_1453 masked %reduce_sum3A_1463 : vector<16xf32>, vector<16xi1> -> vector<16xf32>
        %reduce_sum3A_1465 = vector.extract %reduce_sum3A_1464[15] : f32 from vector<16xf32>
        %mul3A_1466 = vector.broadcast %reduce_sum3A_1465 : f32 to vector<16xf32>
        %mul3A_1467 = arith.mulf %mul3A_1466, %select_n3A_1461 : vector<16xf32>
        %add3A_1468 = arith.addf %add3A_1427, %mul3A_1467 : vector<16xf32>
        %add3A_1469 = arith.constant 15 : i32
        %add3A_1470 = arith.addi %add3A_853, %add3A_1469 : i32
        %broadcast_in_dim3A_1471 = vector.broadcast %add3A_1470 : i32 to vector<16xi32>
        %add3A_1472 = arith.constant 0 : i32
        %add3A_1473 = vector.broadcast %add3A_1472 : i32 to vector<16xi32>
        %add3A_1474 = arith.addi %iota3A, %add3A_1473 : vector<16xi32>
        %gather3A_1475 = tpu.vector_load_idx %arg8[%broadcast_in_dim3A, %broadcast_in_dim3A_688, %broadcast_in_dim3A_1471, %add3A_1474] : memref<3x4x72x128xf32, #tpu.memory_space<vmem>>[vector<16xi32>, vector<16xi32>, vector<16xi32>, vector<16xi32>], vector<16xf32>,
        %mul3A_1476 = arith.mulf %gather3A_1475, %gather3A_699 : vector<16xf32>
        %add3A_1477 = arith.constant 16 : i32
        %add3A_1478 = vector.broadcast %add3A_1477 : i32 to vector<16xi32>
        %add3A_1479 = arith.addi %iota3A, %add3A_1478 : vector<16xi32>
        %gather3A_1480 = tpu.vector_load_idx %arg8[%broadcast_in_dim3A, %broadcast_in_dim3A_688, %broadcast_in_dim3A_1471, %add3A_1479] : memref<3x4x72x128xf32, #tpu.memory_space<vmem>>[vector<16xi32>, vector<16xi32>, vector<16xi32>, vector<16xi32>], vector<16xf32>,
        %mul3A_1481 = arith.mulf %gather3A_1480, %gather3A_710 : vector<16xf32>
        %add3A_1482 = arith.addf %mul3A_1476, %mul3A_1481 : vector<16xf32>
        %add3A_1483 = arith.constant 32 : i32
        %add3A_1484 = vector.broadcast %add3A_1483 : i32 to vector<16xi32>
        %add3A_1485 = arith.addi %iota3A, %add3A_1484 : vector<16xi32>
        %gather3A_1486 = tpu.vector_load_idx %arg8[%broadcast_in_dim3A, %broadcast_in_dim3A_688, %broadcast_in_dim3A_1471, %add3A_1485] : memref<3x4x72x128xf32, #tpu.memory_space<vmem>>[vector<16xi32>, vector<16xi32>, vector<16xi32>, vector<16xi32>], vector<16xf32>,
        %mul3A_1487 = arith.mulf %gather3A_1486, %gather3A_721 : vector<16xf32>
        %add3A_1488 = arith.addf %add3A_1482, %mul3A_1487 : vector<16xf32>
        %add3A_1489 = arith.constant 48 : i32
        %add3A_1490 = vector.broadcast %add3A_1489 : i32 to vector<16xi32>
        %add3A_1491 = arith.addi %iota3A, %add3A_1490 : vector<16xi32>
        %gather3A_1492 = tpu.vector_load_idx %arg8[%broadcast_in_dim3A, %broadcast_in_dim3A_688, %broadcast_in_dim3A_1471, %add3A_1491] : memref<3x4x72x128xf32, #tpu.memory_space<vmem>>[vector<16xi32>, vector<16xi32>, vector<16xi32>, vector<16xi32>], vector<16xf32>,
        %mul3A_1493 = arith.mulf %gather3A_1492, %gather3A_732 : vector<16xf32>
        %add3A_1494 = arith.addf %add3A_1488, %mul3A_1493 : vector<16xf32>
        %eq3A_1495 = arith.constant 15 : i32
        %eq3A_1496 = vector.broadcast %eq3A_1495 : i32 to vector<16xi32>
        %eq3A_1497 = arith.cmpi eq, %iota3A, %eq3A_1496 : vector<16xi32>
        %jit3A_1498 = arith.constant 1.000000e+00 : f32
        %jit3A_1499 = arith.constant 0.000000e+00 : f32
        %broadcast_in_dim3A_1500 = vector.broadcast %jit3A_1498 : f32 to vector<16xf32>
        %broadcast_in_dim3A_1501 = vector.broadcast %jit3A_1499 : f32 to vector<16xf32>
        %select_n3A_1502 = arith.select %eq3A_1497, %broadcast_in_dim3A_1500, %broadcast_in_dim3A_1501 : vector<16xi1>, vector<16xf32>
        %reduce_sum3A_1503 = arith.constant true
        %reduce_sum3A_1504 = vector.broadcast %reduce_sum3A_1503 : i1 to vector<16xi1>
        %reduce_sum3A_1505 = tpu.scan <sum>, %add3A_1494 masked %reduce_sum3A_1504 : vector<16xf32>, vector<16xi1> -> vector<16xf32>
        %reduce_sum3A_1506 = vector.extract %reduce_sum3A_1505[15] : f32 from vector<16xf32>
        %mul3A_1507 = vector.broadcast %reduce_sum3A_1506 : f32 to vector<16xf32>
        %mul3A_1508 = arith.mulf %mul3A_1507, %select_n3A_1502 : vector<16xf32>
        %add3A_1509 = arith.addf %add3A_1468, %mul3A_1508 : vector<16xf32>
        %mul3A_1510 = arith.constant 256 : i32
        %mul3A_1511 = vector.broadcast %mul3A_1510 : i32 to vector<16xi32>
        %mul3A_1512 = arith.muli %broadcast_in_dim3A, %mul3A_1511 : vector<16xi32>
        %add3A_1513 = arith.constant 192 : i32
        %add3A_1514 = vector.broadcast %add3A_1513 : i32 to vector<16xi32>
        %add3A_1515 = arith.addi %mul3A_1512, %add3A_1514 : vector<16xi32>
        %mul3A_1516 = arith.constant 16 : i32
        %mul3A_1517 = arith.muli %scan3A_847, %mul3A_1516 : i32
        %add3A_1518 = vector.broadcast %mul3A_1517 : i32 to vector<16xi32>
        %add3A_1519 = arith.addi %add3A_1515, %add3A_1518 : vector<16xi32>
        %add3A_1520 = arith.addi %add3A_1519, %iota3A : vector<16xi32>
        tpu.vector_store_idx %arg10[%add3A_1520], %add3A_1509 : memref<768xf32, #tpu.memory_space<vmem>>[vector<16xi32>], vector<16xf32>,
      }
      %scan3A_817 = arith.constant 4 : i32
      %jit3A_818 = arith.constant 3 : i32
      %eq3A_819 = arith.constant 0 : i32
      %eq3A_820 = arith.cmpi eq, %jit3A_818, %eq3A_819 : i32
      %jit3A_821 = arith.constant 1 : i32
      %select_n3A_822 = arith.select %eq3A_820, %jit3A_821, %jit3A_818 : i32
      %rem3A_823 = arith.remsi %scan3A_184, %select_n3A_822 : i32
      %ne3A_824 = arith.constant 0 : i32
      %ne3A_825 = arith.cmpi ne, %rem3A_823, %ne3A_824 : i32
      %lt3A_826 = arith.constant 0 : i32
      %lt3A_827 = arith.cmpi slt, %rem3A_823, %lt3A_826 : i32
      %lt3A_828 = arith.constant 0 : i32
      %lt3A_829 = arith.cmpi slt, %select_n3A_822, %lt3A_828 : i32
      %ne3A_830 = arith.xori %lt3A_827, %lt3A_829 : i1
      %and3A_831 = arith.andi %ne3A_830, %ne3A_825 : i1
      %add3A_832 = arith.addi %rem3A_823, %select_n3A_822 : i32
      %select_n3A_833 = arith.select %and3A_831, %add3A_832, %rem3A_823 : i32
      %mul3A_834 = arith.constant 4 : i32
      %mul3A_835 = arith.muli %select_n3A_833, %mul3A_834 : i32
      %mul3A_836 = arith.constant 64 : i32
      %mul3A_837 = arith.muli %mul3A_835, %mul3A_836 : i32
      %mul3A_838 = arith.constant 4 : i32
      %mul3A_839 = arith.muli %scan3A_184, %mul3A_838 : i32
      %add3A_840 = arith.addi %mul3A_2, %mul3A_839 : i32
      %mul3A_841 = arith.constant 64 : i32
      %mul3A_842 = arith.muli %add3A_840, %mul3A_841 : i32
      %dma_start3A_843 = tpu.memref_slice %arg10[%mul3A_837] : memref<768xf32, #tpu.memory_space<vmem>> -> memref<256xf32, #tpu.memory_space<vmem>>
      %dma_start3A_844 = tpu.memref_slice %arg6[%mul3A_842] : memref<1310720xf32, #tpu.memory_space<hbm>> -> memref<256xf32, #tpu.memory_space<hbm>>
      %dma_start3A_845 = tpu.memref_slice %arg6[%mul3A_842] : memref<1310720xf32, #tpu.memory_space<hbm>> -> memref<256xf32, #tpu.memory_space<hbm>>
      %dma_start3A_846 = tpu.memref_slice %arg10[%mul3A_837] : memref<768xf32, #tpu.memory_space<vmem>> -> memref<256xf32, #tpu.memory_space<vmem>>
      tpu.enqueue_dma source(%dma_start3A_846 : memref<256xf32, #tpu.memory_space<vmem>>) target(%dma_start3A_845 : memref<256xf32, #tpu.memory_space<hbm>>) target_semaphore(%arg14 : memref<!tpu.dma_semaphore, #tpu.memory_space<semaphore_mem>>)
    }
    %scan3A_163 = arith.constant 160 : i32
    %add3A_164 = arith.constant 632 : i32
    %add3A_165 = arith.addi %mul3A_2, %add3A_164 : i32
    %mul3A_166 = arith.constant 64 : i32
    %mul3A_167 = arith.muli %add3A_165, %mul3A_166 : i32
    %dma_wait3A_168 = arith.constant 512 : i32
    %dma_wait3A_169 = tpu.memref_slice %arg10[%dma_wait3A_168] : memref<768xf32, #tpu.memory_space<vmem>> -> memref<256xf32, #tpu.memory_space<vmem>>
    %dma_wait3A_170 = tpu.memref_slice %arg6[%mul3A_167] : memref<1310720xf32, #tpu.memory_space<hbm>> -> memref<256xf32, #tpu.memory_space<hbm>>
    %dma_wait3A_171 = tpu.memref_slice %arg6[%mul3A_167] : memref<1310720xf32, #tpu.memory_space<hbm>> -> memref<256xf32, #tpu.memory_space<hbm>>
    %dma_wait3A_172 = arith.constant 512 : i32
    %dma_wait3A_173 = tpu.memref_slice %arg10[%dma_wait3A_172] : memref<768xf32, #tpu.memory_space<vmem>> -> memref<256xf32, #tpu.memory_space<vmem>>
    tpu.wait_dma2 semaphore(%arg14 : memref<!tpu.dma_semaphore, #tpu.memory_space<semaphore_mem>>) src(%dma_wait3A_173 : memref<256xf32, #tpu.memory_space<vmem>>) dst(%dma_wait3A_171 : memref<256xf32, #tpu.memory_space<hbm>>)
    %add3A_174 = arith.constant 636 : i32
    %add3A_175 = arith.addi %mul3A_2, %add3A_174 : i32
    %mul3A_176 = arith.constant 64 : i32
    %mul3A_177 = arith.muli %add3A_175, %mul3A_176 : i32
    %dma_wait3A_178 = arith.constant 0 : i32
    %dma_wait3A_179 = tpu.memref_slice %arg10[%dma_wait3A_178] : memref<768xf32, #tpu.memory_space<vmem>> -> memref<256xf32, #tpu.memory_space<vmem>>
    %dma_wait3A_180 = tpu.memref_slice %arg6[%mul3A_177] : memref<1310720xf32, #tpu.memory_space<hbm>> -> memref<256xf32, #tpu.memory_space<hbm>>
    %dma_wait3A_181 = tpu.memref_slice %arg6[%mul3A_177] : memref<1310720xf32, #tpu.memory_space<hbm>> -> memref<256xf32, #tpu.memory_space<hbm>>
    %dma_wait3A_182 = arith.constant 0 : i32
    %dma_wait3A_183 = tpu.memref_slice %arg10[%dma_wait3A_182] : memref<768xf32, #tpu.memory_space<vmem>> -> memref<256xf32, #tpu.memory_space<vmem>>
    tpu.wait_dma2 semaphore(%arg14 : memref<!tpu.dma_semaphore, #tpu.memory_space<semaphore_mem>>) src(%dma_wait3A_183 : memref<256xf32, #tpu.memory_space<vmem>>) dst(%dma_wait3A_181 : memref<256xf32, #tpu.memory_space<hbm>>)
    "tpu.region"() ({
      %run_scoped3A = tpu.sem_alloc : memref<!tpu.dma_semaphore, #tpu.memory_space<semaphore_mem>>
      %dma_start3A_184 = arith.constant 0 : i32
      %dma_start3A_185 = arith.constant 0 : i32
      %dma_start3A_186 = tpu.memref_slice %arg5[%add3A, %dma_start3A_184, %dma_start3A_185] : memref<32x5x128xf32, #tpu.memory_space<hbm>> -> memref<1x5x128xf32, #tpu.memory_space<hbm>>
      %dma_start3A_187 = tpu.memref_squeeze %dma_start3A_186 : memref<1x5x128xf32, #tpu.memory_space<hbm>> -> memref<5x128xf32, #tpu.memory_space<hbm>>
      %dma_start3A_188 = arith.constant 0 : i32
      %dma_start3A_189 = arith.constant 0 : i32
      %dma_start3A_190 = tpu.memref_slice %arg5[%add3A, %dma_start3A_188, %dma_start3A_189] : memref<32x5x128xf32, #tpu.memory_space<hbm>> -> memref<1x5x128xf32, #tpu.memory_space<hbm>>
      %dma_start3A_191 = tpu.memref_squeeze %dma_start3A_190 : memref<1x5x128xf32, #tpu.memory_space<hbm>> -> memref<5x128xf32, #tpu.memory_space<hbm>>
      tpu.enqueue_dma source(%arg11 : memref<5x128xf32, #tpu.memory_space<vmem>>) target(%dma_start3A_191 : memref<5x128xf32, #tpu.memory_space<hbm>>) target_semaphore(%run_scoped3A : memref<!tpu.dma_semaphore, #tpu.memory_space<semaphore_mem>>)
      %dma_wait3A_192 = arith.constant 0 : i32
      %dma_wait3A_193 = arith.constant 0 : i32
      %dma_wait3A_194 = tpu.memref_slice %arg5[%add3A, %dma_wait3A_192, %dma_wait3A_193] : memref<32x5x128xf32, #tpu.memory_space<hbm>> -> memref<1x5x128xf32, #tpu.memory_space<hbm>>
      %dma_wait3A_195 = tpu.memref_squeeze %dma_wait3A_194 : memref<1x5x128xf32, #tpu.memory_space<hbm>> -> memref<5x128xf32, #tpu.memory_space<hbm>>
      %dma_wait3A_196 = arith.constant 0 : i32
      %dma_wait3A_197 = arith.constant 0 : i32
      %dma_wait3A_198 = tpu.memref_slice %arg5[%add3A, %dma_wait3A_196, %dma_wait3A_197] : memref<32x5x128xf32, #tpu.memory_space<hbm>> -> memref<1x5x128xf32, #tpu.memory_space<hbm>>
      %dma_wait3A_199 = tpu.memref_squeeze %dma_wait3A_198 : memref<1x5x128xf32, #tpu.memory_space<hbm>> -> memref<5x128xf32, #tpu.memory_space<hbm>>
      tpu.wait_dma2 semaphore(%run_scoped3A : memref<!tpu.dma_semaphore, #tpu.memory_space<semaphore_mem>>) src(%arg11 : memref<5x128xf32, #tpu.memory_space<vmem>>) dst(%dma_wait3A_199 : memref<5x128xf32, #tpu.memory_space<hbm>>)
      tpu.yield
    }) : () -> ()
    return
  }
}

module attributes {stable_mosaic.version = 14 : i64} {
  func.func @_proj_body(%arg0: i32, %arg1: memref<2048x64xf32, #tpu.memory_space<vmem>>, %arg2: memref<64x64xf32, #tpu.memory_space<vmem>>, %arg3: memref<1x64xf32, #tpu.memory_space<vmem>>, %arg4: memref<2048x64xf32, #tpu.memory_space<vmem>>) attributes {dimension_semantics = [#tpu.dimension_semantics<arbitrary>], iteration_bounds = array<i64: 10>, scalar_prefetch = 0 : i64, scratch_operands = 0 : i64, tpu.core_type = #tpu.core_type<tc>, window_params = [{transform_indices = @transform_0, window_bounds = array<i64: 2048, 64>}, {pipeline_mode = #tpu.pipeline_mode<synchronous>, transform_indices = @transform_1, window_bounds = array<i64: 64, 64>}, {pipeline_mode = #tpu.pipeline_mode<synchronous>, transform_indices = @transform_2, window_bounds = array<i64: 1, 64>}, {transform_indices = @transform_3, window_bounds = array<i64: 2048, 64>}]} {
    %get3A = arith.constant 0 : index
    %get3A_0 = arith.constant 0 : index
    %get3A_1 = vector.load %arg1[%get3A, %get3A_0] : memref<2048x64xf32, #tpu.memory_space<vmem>>, vector<2048x64xf32>
    %get3A_2 = arith.constant 0 : index
    %get3A_3 = arith.constant 0 : index
    %get3A_4 = vector.load %arg2[%get3A_2, %get3A_3] : memref<64x64xf32, #tpu.memory_space<vmem>>, vector<64x64xf32>
    %dot_general3A = arith.constant dense<0.000000e+00> : vector<2048x64xf32>
    %dot_general3A_5 = tpu.matmul %get3A_1, %get3A_4, %dot_general3A {dimension_numbers = #tpu.dot_dimension_numbers<[1], [0], [0], [1], [0, 0, 1, 1], [], []>, transpose_lhs_hint = false} : vector<2048x64xf32>, vector<64x64xf32>, vector<2048x64xf32> -> vector<2048x64xf32>
    %get3A_6 = arith.constant 0 : index
    %get3A_7 = arith.constant 0 : index
    %get3A_8 = vector.load %arg3[%get3A_6, %get3A_7] : memref<1x64xf32, #tpu.memory_space<vmem>>, vector<1x64xf32>
    %add3A = vector.broadcast %get3A_8 : vector<1x64xf32> to vector<2048x64xf32>
    %add3A_9 = arith.addf %dot_general3A_5, %add3A : vector<2048x64xf32>
    %swap3A = arith.constant 0 : index
    %swap3A_10 = arith.constant 0 : index
    %swap3A_11 = vector.load %arg4[%swap3A, %swap3A_10] : memref<2048x64xf32, #tpu.memory_space<vmem>>, vector<2048x64xf32>
    tpu.vector_store %arg4[%swap3A, %swap3A_10], %add3A_9 {strides = array<i32>} : memref<2048x64xf32, #tpu.memory_space<vmem>>, vector<2048x64xf32>,
    return
  }
  func.func @transform_0(%arg0: i32) -> (i32, i32) {
    %c0_i32 = arith.constant 0 : i32
    %c0_i32_0 = arith.constant 0 : i32
    return %arg0, %c0_i32 : i32, i32
  }
  func.func @transform_1(%arg0: i32) -> (i32, i32) {
    %c0_i32 = arith.constant 0 : i32
    %c0_i32_0 = arith.constant 0 : i32
    %c0_i32_1 = arith.constant 0 : i32
    return %c0_i32, %c0_i32_0 : i32, i32
  }
  func.func @transform_2(%arg0: i32) -> (i32, i32) {
    %c0_i32 = arith.constant 0 : i32
    %c0_i32_0 = arith.constant 0 : i32
    %c0_i32_1 = arith.constant 0 : i32
    return %c0_i32, %c0_i32_0 : i32, i32
  }
  func.func @transform_3(%arg0: i32) -> (i32, i32) {
    %c0_i32 = arith.constant 0 : i32
    %c0_i32_0 = arith.constant 0 : i32
    return %arg0, %c0_i32 : i32, i32
  }
}

module attributes {stable_mosaic.version = 14 : i64} {
  func.func @_widen_body(%arg0: i32, %arg1: memref<64x32768xf32, #tpu.memory_space<vmem>>, %arg2: memref<64x64xf32, #tpu.memory_space<vmem>>, %arg3: memref<32768x128xf32, #tpu.memory_space<vmem>>) attributes {dimension_semantics = [#tpu.dimension_semantics<arbitrary>], iteration_bounds = array<i64: 31>, scalar_prefetch = 0 : i64, scratch_operands = 0 : i64, tpu.core_type = #tpu.core_type<tc>, window_params = [{transform_indices = @transform_0, window_bounds = array<i64: 64, 32768>}, {pipeline_mode = #tpu.pipeline_mode<synchronous>, transform_indices = @transform_1, window_bounds = array<i64: 64, 64>}, {transform_indices = @transform_2, window_bounds = array<i64: 32768, 128>}]} {
    %get3A = arith.constant 0 : index
    %get3A_0 = arith.constant 0 : index
    %get3A_1 = vector.load %arg1[%get3A, %get3A_0] : memref<64x32768xf32, #tpu.memory_space<vmem>>, vector<64x32768xf32>
    %get3A_2 = arith.constant 0 : index
    %get3A_3 = arith.constant 0 : index
    %get3A_4 = vector.load %arg2[%get3A_2, %get3A_3] : memref<64x64xf32, #tpu.memory_space<vmem>>, vector<64x64xf32>
    %dot_general3A = arith.constant dense<0.000000e+00> : vector<32768x64xf32>
    %dot_general3A_5 = tpu.matmul %get3A_1, %get3A_4, %dot_general3A {dimension_numbers = #tpu.dot_dimension_numbers<[0], [0], [1], [1], [0, 1, 1, 1], [], []>, transpose_lhs_hint = false} : vector<64x32768xf32>, vector<64x64xf32>, vector<32768x64xf32> -> vector<32768x64xf32>
    %swap3A = arith.constant 0 : index
    %swap3A_6 = arith.constant 0 : index
    %swap3A_7 = vector.load %arg3[%swap3A, %swap3A_6] : memref<32768x128xf32, #tpu.memory_space<vmem>>, vector<32768x64xf32>
    tpu.vector_store %arg3[%swap3A, %swap3A_6], %dot_general3A_5 {strides = array<i32>} : memref<32768x128xf32, #tpu.memory_space<vmem>>, vector<32768x64xf32>,
    return
  }
  func.func @transform_0(%arg0: i32) -> (i32, i32) {
    %c0_i32 = arith.constant 0 : i32
    %c0_i32_0 = arith.constant 0 : i32
    return %c0_i32, %arg0 : i32, i32
  }
  func.func @transform_1(%arg0: i32) -> (i32, i32) {
    %c0_i32 = arith.constant 0 : i32
    %c0_i32_0 = arith.constant 0 : i32
    %c0_i32_1 = arith.constant 0 : i32
    return %c0_i32, %c0_i32_0 : i32, i32
  }
  func.func @transform_2(%arg0: i32) -> (i32, i32) {
    %c0_i32 = arith.constant 0 : i32
    %c0_i32_0 = arith.constant 0 : i32
    return %arg0, %c0_i32 : i32, i32
  }
}

module attributes {stable_mosaic.version = 14 : i64} {
  func.func @body(%arg0: i32, %arg1: memref<2048x1xf32, #tpu.memory_space<vmem>>, %arg2: memref<2048x64xf32, #tpu.memory_space<vmem>>, %arg3: memref<2048x65xf32, #tpu.memory_space<vmem>>, %arg4: memref<1x1xf32, #tpu.memory_space<smem>>) attributes {dimension_semantics = [#tpu.dimension_semantics<arbitrary>], iteration_bounds = array<i64: 10>, scalar_prefetch = 0 : i64, scratch_operands = 0 : i64, tpu.core_type = #tpu.core_type<tc>, window_params = [{transform_indices = @transform_0, window_bounds = array<i64: 2048, 1>}, {transform_indices = @transform_1, window_bounds = array<i64: 2048, 64>}, {transform_indices = @transform_2, window_bounds = array<i64: 2048, 65>}, {transform_indices = @transform_3, window_bounds = array<i64: 1, 1>}]} {
    %get3A = arith.constant 0 : index
    %get3A_0 = arith.constant 0 : index
    %get3A_1 = vector.load %arg1[%get3A, %get3A_0] : memref<2048x1xf32, #tpu.memory_space<vmem>>, vector<2048x1xf32>
    %get3A_2 = arith.constant 0 : index
    %get3A_3 = arith.constant 0 : index
    %get3A_4 = vector.load %arg2[%get3A_2, %get3A_3] : memref<2048x64xf32, #tpu.memory_space<vmem>>, vector<2048x64xf32>
    %concatenate3A = tpu.concatenate %get3A_1, %get3A_4 in 1 : vector<2048x1xf32>, vector<2048x64xf32> -> vector<2048x65xf32>
    %swap3A = arith.constant 0 : index
    %swap3A_5 = arith.constant 0 : index
    %swap3A_6 = vector.load %arg3[%swap3A, %swap3A_5] : memref<2048x65xf32, #tpu.memory_space<vmem>>, vector<2048x65xf32>
    tpu.vector_store %arg3[%swap3A, %swap3A_5], %concatenate3A {strides = array<i32>} : memref<2048x65xf32, #tpu.memory_space<vmem>>, vector<2048x65xf32>,
    %mul3A = arith.constant 1.000000e+00 : f32
    %mul3A_7 = vector.broadcast %mul3A : f32 to vector<2048x1xf32>
    %mul3A_8 = arith.mulf %get3A_1, %mul3A_7 : vector<2048x1xf32>
    %mul3A_9 = arith.constant 1.000000e+00 : f32
    %mul3A_10 = vector.broadcast %mul3A_9 : f32 to vector<2048x64xf32>
    %mul3A_11 = arith.mulf %get3A_4, %mul3A_10 : vector<2048x64xf32>
    %reduce_max3A = arith.constant dense<0xFF800000> : vector<2048xf32>
    %reduce_max3A_12 = vector.multi_reduction <maximumf>, %mul3A_11, %reduce_max3A [1] : vector<2048x64xf32> to vector<2048xf32>
    %broadcast_in_dim3A = vector.shape_cast %reduce_max3A_12 : vector<2048xf32> to vector<2048x1xf32>
    %max3A = arith.maximumf %mul3A_8, %broadcast_in_dim3A : vector<2048x1xf32>
    %sub3A = arith.subf %mul3A_8, %max3A : vector<2048x1xf32>
    %exp3A = math.exp %sub3A : vector<2048x1xf32>
    %sub3A_13 = vector.broadcast %max3A : vector<2048x1xf32> to vector<2048x64xf32>
    %sub3A_14 = arith.subf %mul3A_11, %sub3A_13 : vector<2048x64xf32>
    %exp3A_15 = math.exp %sub3A_14 : vector<2048x64xf32>
    %reduce_sum3A = arith.constant dense<0.000000e+00> : vector<2048xf32>
    %reduce_sum3A_16 = vector.multi_reduction <add>, %exp3A_15, %reduce_sum3A [1] : vector<2048x64xf32> to vector<2048xf32>
    %broadcast_in_dim3A_17 = vector.shape_cast %reduce_sum3A_16 : vector<2048xf32> to vector<2048x1xf32>
    %add3A = arith.addf %exp3A, %broadcast_in_dim3A_17 : vector<2048x1xf32>
    %log3A = math.log %add3A : vector<2048x1xf32>
    %add3A_18 = arith.addf %max3A, %log3A : vector<2048x1xf32>
    %sub3A_19 = arith.subf %add3A_18, %mul3A_8 : vector<2048x1xf32>
    %reduce_sum3A_20 = vector.shape_cast %sub3A_19 : vector<2048x1xf32> to vector<1x2048x1xf32>
    %reduce_sum3A_21 = arith.constant dense<0.000000e+00> : vector<1xf32>
    %reduce_sum3A_22 = vector.multi_reduction <add>, %reduce_sum3A_20, %reduce_sum3A_21 [1, 2] : vector<1x2048x1xf32> to vector<1xf32>
    %reduce_sum3A_23 = vector.shape_cast %reduce_sum3A_22 : vector<1xf32> to vector<1x1x1xf32>
    %reduce_sum3A_24 = vector.extract %reduce_sum3A_23[0, 0, 0] : f32 from vector<1x1x1xf32>
    %eq3A = arith.constant 0 : i32
    %eq3A_25 = arith.cmpi eq, %arg0, %eq3A : i32
    %convert_element_type3A = arith.extui %eq3A_25 : i1 to i32
    %cond3A = arith.constant 0 : i32
    %cond3A_26 = arith.cmpi ne, %convert_element_type3A, %cond3A : i32
    scf.if %cond3A_26 {
      %swap3A_35 = arith.constant 0.000000e+00 : f32
      %swap3A_36 = arith.constant 0 : index
      %swap3A_37 = arith.constant 0 : index
      %swap3A_38 = memref.load %arg4[%swap3A_36, %swap3A_37] : memref<1x1xf32, #tpu.memory_space<smem>>
      memref.store %swap3A_35, %arg4[%swap3A_36, %swap3A_37] : memref<1x1xf32, #tpu.memory_space<smem>>
    } else {
    }
    %get3A_27 = arith.constant 0 : index
    %get3A_28 = arith.constant 0 : index
    %get3A_29 = memref.load %arg4[%get3A_27, %get3A_28] : memref<1x1xf32, #tpu.memory_space<smem>>
    %div3A = arith.constant 2.048000e+04 : f32
    %div3A_30 = arith.divf %reduce_sum3A_24, %div3A : f32
    %add3A_31 = arith.addf %get3A_29, %div3A_30 : f32
    %swap3A_32 = arith.constant 0 : index
    %swap3A_33 = arith.constant 0 : index
    %swap3A_34 = memref.load %arg4[%swap3A_32, %swap3A_33] : memref<1x1xf32, #tpu.memory_space<smem>>
    memref.store %add3A_31, %arg4[%swap3A_32, %swap3A_33] : memref<1x1xf32, #tpu.memory_space<smem>>
    return
  }
  func.func @transform_0(%arg0: i32) -> (i32, i32) {
    %c0_i32 = arith.constant 0 : i32
    %c0_i32_0 = arith.constant 0 : i32
    return %arg0, %c0_i32 : i32, i32
  }
  func.func @transform_1(%arg0: i32) -> (i32, i32) {
    %c0_i32 = arith.constant 0 : i32
    %c0_i32_0 = arith.constant 0 : i32
    return %arg0, %c0_i32 : i32, i32
  }
  func.func @transform_2(%arg0: i32) -> (i32, i32) {
    %c0_i32 = arith.constant 0 : i32
    %c0_i32_0 = arith.constant 0 : i32
    return %arg0, %c0_i32 : i32, i32
  }
  func.func @transform_3(%arg0: i32) -> (i32, i32) {
    %c0_i32 = arith.constant 0 : i32
    %c0_i32_0 = arith.constant 0 : i32
    %c0_i32_1 = arith.constant 0 : i32
    return %c0_i32, %c0_i32_0 : i32, i32
  }
}

</mosaic_0001>

<sc_bundles>
// kernel: kernel.6.cloned.1.call-start
scs
__scs_entry_jumppad:
0x0: {  	(pc) =	sbr.rel $0x88, $3  }
0x1: {  	(tag) =	ssettag $0x0;
	lr =	simm.s32 $0x1  }
0x2: {  	[smem:$0x3F9B] =	sst lr;
	_ =	strace $0xD0000000  }
0x3: {  	_ = 	snop  }
0x4: {  	_ = 	snop  }
0x5: {  	_ = 	snop  }
0x6: {  	_ = 	snop  }
0x7: {  	_ = 	snop  }
__scs_overlays_trampoline_lowered:
0x8: {  	[smem:$0x3FAA] =	sst s0  }
0x9: {  	[smem:$0x3FAB] =	sst s1  }
0xa: {  	[smem:$0x3FAC] =	sst s2  }
0xb: {  	[smem:$0x3FAD] =	sst s3  }
0xc: {  	[smem:$0x3FAE] =	sst s4  }
0xd: {  	[smem:$0x3FAF] =	sst s5  }
0xe: {  	[smem:$0x3FB0] =	sst s6  }
0xf: {  	[smem:$0x3FB1] =	sst s7  }
0x10: {  	[smem:$0x3FB2] =	sst s8  }
0x11: {  	[smem:$0x3FB3] =	sst s9;
	s0 =	simm.s32 @!p0 $0x0  }
0x12: {  	s1 =	sld [smem:$0x3F99];
	s0 =	simm.s32 @p0 $0x1  }
0x13: {  	[smem:$0x3FB4] =	sst s0;
	s0 =	simm.s32 @!p1 $0x0  }
0x14: {  	s2 =	sld [smem:$0x3F98];
	s0 =	simm.s32 @p1 $0x1  }
0x15: {  	[smem:$0x3FB5] =	sst s0;
	s0 =	simm.s32 @!p2 $0x0  }
0x16: {  	s3 =	sld [smem:$0x3FDB];
	s0 =	simm.s32 @p2 $0x1  }
0x17: {  	s4 =	simm.s32 $0x1BF5;
	[smem:$0x3FB7] =	sst s0  }
0x18: {  	s0 =	sld [smem:$0x3F9A];
	_ =	swait.ge [sflag:s4], $0x0  }
0x19: {  	s7 =	sld [smem:$0x3F9B]  }
0x1a: {  	s8 =	sadd.s32 $0xFFFFE003, lr  }
0x1b: {  	s9 =	sadd.s32 $0xFFFFFEF7, lr;
	s5 =	simm.s32 $0xFFFFFFFF;
	p2 =	slt.u32 s8, $0xFFFFF086  }
0x1c: {  	p1 =	slt.u32 s9, $0xF7A;
	s5 =	simm.s32 @!p2 $0x0  }
0x1d: {  	s5 =	simm.s32 @p1 $0x1;
	p0 =	seq.s32 s7, s2  }
0x1e: {  	s7 =	smul.u32 @!p0 $0xF7A, s2;
	p2 =	seq.s32 @!p0 s5, $0x0  }
0x1f: {  	s9 =	smul.u32 $0xF7A, s1;
	s8 =	simm.s32 @!p0 $0x1BF5;
	p2 =	por !p2, p0  }
0x20: {  	[sflag:s8] =	ssyncset.s32 @!p0 $0xFFFFF086;
	s6 =	sadd.s32 @!p0 s3, s7;
	s7 =	simm.s32 @!p0 $0x108  }
0x21: {  	s3 =	sadd.s32 s3, s9;
	s6 =	sadd.s32 @!p0 $0x88, s6;
	s7 =	simm.s32 @p2 $0x1082  }
0x22: {  	[simem:s7], [sflag:s8] =	dma.local @!p0 [hbm:s6], $0xF7A  }
0x23: {  	s9 =	sor.u32 $0xD0000000, s2;
	s6 =	simm.s32 $0x108;
	_ =	swait.ge @!p0 [sflag:s8], $0x0  }
0x24: {  	s3 =	sadd.s32 $0x88, s3;
	s6 =	simm.s32 @!p1 $0x1082;
	[sflag:s4] =	ssyncset.s32 $0xFFFFF086  }
0x25: {  	[simem:s6], [sflag:s4] =	dma.local [hbm:s3], $0xF7A  }
0x26: {  	[smem:$0x3F9B] =	sst s1;
	(tag) =	ssettag s2;
	_ =	strace s9  }
0x27: {  	s1 =	sld [smem:$0x3FAB]  }
0x28: {  	s2 =	sld [smem:$0x3FAC]  }
0x29: {  	s4 =	sld [smem:$0x3FAE]  }
0x2a: {  	p0 =	seq.s32 s5, $0x0;
	s5 =	sld [smem:$0x3FAF]  }
0x2b: {  	s6 =	sld [smem:$0x3FB0]  }
0x2c: {  	s7 =	sld [smem:$0x3FB1]  }
0x2d: {  	s3 =	simm.s32 $0x108;
	s8 =	sld [smem:$0x3FB2]  }
0x2e: {  	s3 =	simm.s32 @!p0 $0x1082;
	s9 =	sld [smem:$0x3FB3]  }
0x2f: {  	lr =	sadd.s32 s0, s3;
	s0 =	sld [smem:$0x3FAA]  }
0x30: {  	s3 =	sld [smem:$0x3FAD]  }
0x31: {  	[smem:$0x3FB6] =	sst s10  }
0x32: {  	s10 =	sld [smem:$0x3FB4];
	_ =	sdelay $0x3  }
0x33: {  	p0 =	seq.s32 s10, $0x1;
	s10 =	sld [smem:$0x3FB6];
	_ =	sdelay $0x3  }
0x34: {  	[smem:$0x3FB6] =	sst s10  }
0x35: {  	s10 =	sld [smem:$0x3FB5];
	_ =	sdelay $0x3  }
0x36: {  	p1 =	seq.s32 s10, $0x1;
	s10 =	sld [smem:$0x3FB6];
	_ =	sdelay $0x3  }
0x37: {  	[smem:$0x3FB6] =	sst s10  }
0x38: {  	s10 =	sld [smem:$0x3FB7]  }
0x39: {  	_ = 	snop;
	(pc) =	sbr.ind lr, $3  }
0x3a: {  	_ = 	snop  }
0x3b: {  	_ = 	snop  }
0x3c: {  	p2 =	seq.s32 s10, $0x1;
	s10 =	sld [smem:$0x3FB6]  }
0x3d: {  	_ =	shalt  }
0x3e: {  	_ =	shalt  }
0x3f: {  	_ =	shalt  }
0x40: {  	_ =	shalt  }
0x41: {  	_ =	shalt  }
0x42: {  	_ =	shalt  }
0x43: {  	_ =	shalt  }
0x44: {  	_ =	shalt  }
0x45: {  	_ =	shalt  }
0x46: {  	_ =	shalt  }
0x47: {  	_ =	shalt  }
0x48: {  	_ =	shalt  }
0x49: {  	_ =	shalt  }
0x4a: {  	_ =	shalt  }
0x4b: {  	_ =	shalt  }
0x4c: {  	_ =	shalt  }
0x4d: {  	_ =	shalt  }
0x4e: {  	_ =	shalt  }
0x4f: {  	_ =	shalt  }
0x50: {  	_ =	shalt  }
0x51: {  	_ =	shalt  }
0x52: {  	_ =	shalt  }
0x53: {  	_ =	shalt  }
0x54: {  	_ =	shalt  }
0x55: {  	_ =	shalt  }
0x56: {  	_ =	shalt  }
0x57: {  	_ =	shalt  }
0x58: {  	_ =	shalt  }
0x59: {  	_ =	shalt  }
0x5a: {  	_ =	shalt  }
0x5b: {  	_ =	shalt  }
0x5c: {  	_ =	shalt  }
0x5d: {  	_ =	shalt  }
0x5e: {  	_ =	shalt  }
0x5f: {  	_ =	shalt  }
0x60: {  	_ =	shalt  }
0x61: {  	_ =	shalt  }
0x62: {  	_ =	shalt  }
0x63: {  	_ =	shalt  }
0x64: {  	_ =	shalt  }
0x65: {  	_ =	shalt  }
0x66: {  	_ =	shalt  }
0x67: {  	_ =	shalt  }
0x68: {  	_ =	shalt  }
0x69: {  	_ =	shalt  }
0x6a: {  	_ =	shalt  }
0x6b: {  	_ =	shalt  }
0x6c: {  	_ =	shalt  }
0x6d: {  	_ =	shalt  }
0x6e: {  	_ =	shalt  }
0x6f: {  	_ =	shalt  }
0x70: {  	_ =	shalt  }
0x71: {  	_ =	shalt  }
0x72: {  	_ =	shalt  }
0x73: {  	_ =	shalt  }
0x74: {  	_ =	shalt  }
0x75: {  	_ =	shalt  }
0x76: {  	_ =	shalt  }
0x77: {  	_ =	shalt  }
0x78: {  	_ =	shalt  }
0x79: {  	_ =	shalt  }
0x7a: {  	_ =	shalt  }
0x7b: {  	_ =	shalt  }
0x7c: {  	_ =	shalt  }
0x7d: {  	_ =	shalt  }
0x7e: {  	_ =	shalt  }
0x7f: {  	_ =	shalt  }
0x80: {  	_ =	shalt  }
0x81: {  	_ =	shalt  }
0x82: {  	_ =	shalt  }
0x83: {  	_ =	shalt  }
0x84: {  	_ =	shalt  }
0x85: {  	_ =	shalt  }
0x86: {  	_ =	shalt  }
0x87: {  	_ =	shalt  }
.Lfunc_end0:
.L_simem_size_0:
called_computation_lowered:
.L_overlay_start_0:
0x88: {  	s2 =	sld [smem:$0x3FD9]  }
0x89: {  	s3 =	sld [smem:$0x3FFE];
	_ =	sdelay $0x1  }
0x8a: {  	s1 =	srdreg.scid  }
0x8b: {  	s0 =	sand.u32 $0x1, s1  }
0x8c: {  	s14 =	sshll.u32 s0, $0xA;
	s2 =	sadd.s32 s3, s2  }
0x8d: {  	s2 =	sadd.s32 s2, s14  }
0x8e: {  	[smem:$0x3FC2] =	sst s2  }
0x8f: {  	_ = 	snop  }
0x90: {  	s2 =	sld [smem:$0x3FD0];
	_ =	sdelay $0x2  }
0x91: {  	s15 =	simm.s32 $0xA;
	s4 =	simm.s32 $0x10  }
0x92: {  	[smem:s4], [sflag:s15] =	dma.local [hbm:s2], $0x1  }
0x93: {  	_ =	swait.eq [sflag:s15], $0x1  }
0x94: {  	[sflag:s15] =	ssyncset.done $0x0  }
0x95: {  	[sflag:s15] =	ssyncadd.s32 $0xFFFFFFFF  }
0x96: {  	s16 =	sld [smem:$0x10];
	(tm) =	ssettm $0x1  }
0x97: {  	s17 =	sld [smem:$0x3FFB];
	_ =	sdelay $0x3  }
0x98: {  	_ =	strace s17  }
0x99: {  	s3 =	sld [smem:$0x3FFC];
	_ =	sdelay $0x3  }
0x9a: {  	_ =	strace s3  }
0x9b: {  	s3 =	sld [smem:$0x3FFD];
	_ =	sdelay $0x3  }
0x9c: {  	_ =	strace s3  }
0x9d: {  	_ =	strace $0x8FFFFFFF  }
0x9e: {  	s18 =	sld [smem:$0x3FDB];
	_ =	sdelay $0x1  }
0x9f: {  	s19 =	simm.s32 $_scs_section_size  }
0xa0: {  	s5 =	simm.s32 $_size__tile_overlayer_lowered;
	s6 =	simm.s32 $_tile_overlayer_lowered  }
0xa1: {  	s22 =	simm.s32 $0x1BFF;
	s21 =	sshll.u32 s6, $0x1;
	s3 =	sadd.s32 s19, s18  }
0xa2: {  	s7 =	simm.s32 $0x0;
	s20 =	sshll.u32 s5, $0x1;
	s5 =	sadd.s32 s21, s3  }
0xa3: {  	[timem:s7], [sflag:s22] =	dma.local [hbm:s5], s20  }
0xa4: {  	_ =	swait.ge [sflag:s22], s20  }
0xa5: {  	s4 =	ssub.s32 $0x0, s20;
	[sflag:s22] =	ssyncset.done $0x0  }
0xa6: {  	[sflag:s22] =	ssyncadd.s32 s4;
	_ =	sdelay $0x1  }
0xa7: {  	s23 =	simm.s32 $0x1B8B  }
0xa8: {  	_ =	swait.ge [sflag:s23], $0x1  }
0xa9: {  	[sflag:s23] =	ssyncset.done $0x0  }
0xaa: {  	s25 =	simm.s32 $0x1B8E;
	s24 =	sld [smem:$0x3FFE];
	[sflag:s23] =	ssyncadd.s32 $0xFFFFFFFF  }
0xab: {  	s26 =	simm.s32 $execute0_lowered;
	[smem:$0x3FD2] =	sst s25  }
0xac: {  	s5 =	sshll.u32 s26, $0x1;
	_ =	strace $0x80000046;
	[dreg:$0x1] =	wrdreg $0xFFFFFFFF  }
0xad: {  	s28 =	simm.s32 $_size_execute0_lowered;
	s3 =	sadd.s32 s3, s5;
	[dreg:$0x0] =	wrdreg $0x0  }
0xae: {  	s5 =	sshll.u32 s28, $0x1;
	[dreg:$0x2] =	wrdreg s3  }
0xaf: {  	[dreg:$0x3] =	wrdreg s5  }
0xb0: {  	[dreg:$0x4] =	wrdreg $0xC0  }
0xb1: {  	_ =	task [dreg:s7], $0x5FFFF  }
0xb2: {  	[dreg:$0x1] =	wrdreg $0xFFFFFFFF  }
0xb3: {  	[dreg:$0x0] =	wrdreg $0x60  }
0xb4: {  	[dreg:$0x2] =	wrdreg s24  }
0xb5: {  	[dreg:$0x3] =	wrdreg s16  }
0xb6: {  	[dreg:$0x4] =	wrdreg $0x9  }
0xb7: {  	_ =	task.clear_ibuf [dreg:s7], $0x5FFFF;
	_ =	strace $0x90000046  }
0xb8: {  	s29 =	simm.s32 $0x9;
	_ =	strace $0x80000048  }
0xb9: {  	_ =	swait.ge [sflag:s29], $0x1  }
0xba: {  	[sflag:s29] =	ssyncadd.s32 $0xFFFFFFFF  }
0xbb: {  	_ =	strace $0x90000048  }
0xbc: {  	_ =	sfence  }
0xbd: {  	s30 =	sld [smem:$0x0];
	_ =	sdelay $0x2  }
0xbe: {  	s31 =	sshll.u32 s1, $0xD;
	s1 =	sshrl.u32 s1, $0x2  }
0xbf: {  	s3 =	sand.u32 $0x4000, s31;
	s1 =	sadd.s32 s1, s30  }
0xc0: {  	s0 =	sor.u32 s3, s0;
	s1 =	sshll.u32 s1, $0x11  }
0xc1: {  	s0 =	sor.u32 s1, s0  }
0xc2: {  	s0 =	sadd.s32 $0x8F2B, s0  }
0xc3: {  	[sflag:s0] =	ssyncadd.remote.s32 $0x1  }
0xc4: {  	_ =	sfence.sel $0xFFFF  }
0xc5: {  	[dreg:$0x0] =	wrdreg $0xFFFFFFFF;
	(pc) =	sbr.abs _section_cstart, $3  }
0xc6: {  	[dreg:$0x1] =	wrdreg $0xFFFFFFFF  }
0xc7: {  	_ =	task.clear_ibuf [dreg:s7], $0x2FFFF;
	_ =	strace $0x9FFFFFFF  }
0xc8: {  	(tm) =	ssettm $0x7FFFFFFF  }
0xc9: {  	_ =	shalt  }
tec
execute0_lowered:
.L_overlay_start_1:
0x0: {  	(tag) =	ssettag $0x1  }
0x1: {  	s0 =	rddreg [dreg:$0x0];
	s3 =	simm.s32 $0x0;
	vm0 =	vcmask $0x300;
	v0 =	vimm.f32 $0.0e+00  }
0x2: {  	v19 =	vlaneseq.u32;
	[smem:$0x7FF] =	sst s3;
	v1 =	vsel vm0, $0x3F800000, v0  }
0x3: {  	s2 =	rddreg [dreg:$0x1];
	v56 =	vor.u32 $0x40, v19;
	_ =	strace $0x80000047;
	[tilespmem:$0x1FE80] =	vst v1  }
0x4: {  	v57 =	vor.u32 $0x50, v19;
	[tilespmem:$0x1FE90] =	vst v56  }
0x5: {  	v58 =	vor.u32 $0x60, v19;
	[tilespmem:$0x1FEA0] =	vst v57  }
0x6: {  	v59 =	vor.u32 $0x70, v19;
	[tilespmem:$0x1FEB0] =	vst v58  }
0x7: {  	v60 =	vor.u32 $0x2400, v19;
	[tilespmem:$0x1FEC0] =	vst v59  }
0x8: {  	v61 =	vor.u32 $0x2410, v19;
	[tilespmem:$0x1FED0] =	vst v60  }
0x9: {  	v62 =	vor.u32 $0x2420, v19;
	[tilespmem:$0x1FEE0] =	vst v61  }
0xa: {  	vm14 =	vcmask $0x704;
	v63 =	vor.u32 $0x2430, v19;
	[tilespmem:$0x1FEF0] =	vst v62  }
0xb: {  	vm15 =	vcmask $0xB08;
	v54 =	vsel vm14, $0x3F800000, v0;
	[tilespmem:$0x1FF00] =	vst v63  }
0xc: {  	vm4 =	vcmask $0x1310;
	v2 =	vsel vm15, $0x3F800000, v0;
	[tilespmem:$0x1FF10] =	vst v54  }
0xd: {  	s1 =	srdreg.scid;
	s4 =	stileid.u32;
	vm6 =	vcmask $0x1B18;
	s16 =	simm.s32 $0x1;
	v34 =	vsel vm4, $0x3F800000, v0;
	[tilespmem:$0x1FF20] =	vst v2  }
0xe: {  	vm7 =	vcmask $0x1F1C;
	s17 =	simm.s32 $0x1B380;
	s1 =	sand.u32 $0x1, s1;
	s4 =	sshll.u32 s4, $0x1;
	v3 =	vsel vm6, $0x3F800000, v0;
	[tilespmem:$0x1FF30] =	vst v34  }
0xf: {  	vm8 =	vcmask $0x2320;
	s18 =	simm.s32 $0x41;
	s19 =	simm.s32 $0x380;
	v4 =	vsel vm7, $0x3F800000, v0;
	s9 =	sor.u32 s1, s4;
	[tilespmem:$0x1FF40] =	vst v3  }
0x10: {  	vm9 =	vcmask $0x2724;
	s28 =	simm.s32 $0x3;
	s29 =	simm.s32 $0x4;
	v5 =	vsel vm8, $0x3F800000, v0;
	[tilespmem:$0x1FF50] =	vst v4;
	s5 =	smul.u32 $0x280, s9  }
0x11: {  	vm12 =	vcmask $0x3330;
	s30 =	simm.s32 $0x0;
	s6 =	sadd.s32 $0x2A000, s0;
	v6 =	vsel vm9, $0x3F800000, v0;
	[tilespmem:$0x1FF60] =	vst v5;
	s8 =	smul.u32 $0x1680, s9  }
0x12: {  	vm11 =	vcmask $0x2F2C;
	v8 =	vsel vm12, $0x3F800000, v0;
	s4 =	sadd.s32 $0x2000, s0;
	s1 =	ssub.s32 $0x2, s1;
	[tilespmem:$0x1FF70] =	vst v6;
	s10 =	smul.u32 $0x1400, s9  }
0x13: {  	vm13 =	vcmask $0x3734;
	v7 =	vsel vm11, $0x3F800000, v0;
	[tilespmem:$0x1FF80] =	vst v8;
	s7 =	sshll.u32 s9, $0x7;
	s23 =	sshrl.u32 s1, $0x1;
	s13 =	smul.u32 $0xA000, s9  }
0x14: {  	vm10 =	vcmask $0x2B28;
	v9 =	vsel vm13, $0x3F800000, v0;
	[tilespmem:$0x1FFA0] =	vst v7;
	s14 =	sadd.s32 s7, s0;
	s7 =	sadd.s32 $0xF6D400, s0;
	s0 =	ssub.s32 s1, s23  }
0x15: {  	vm1 =	vcmask $0xF0C;
	v36 =	vsel vm10, $0x3F800000, v0;
	[tilespmem:$0x1FFB0] =	vst v9;
	s11 =	sor.u32 $0x4, s5;
	s8 =	sadd.s32 s2, s8;
	s10 =	sadd.s32 s4, s10  }
0x16: {  	vm5 =	vcmask $0x1714;
	v29 =	vsel vm1, $0x3F800000, v0;
	[tilespmem:$0x1FFD0] =	vst v36;
	s31 =	sadd.s32 $0xF6C400, s14;
	s12 =	smul.u32 $0x9, s11;
	[dreg:$0x3] =	wrdreg s10  }
0x17: {  	v10 =	vsel vm5, $0x3F800000, v0;
	vm14 =	vcmask $0x3B38;
	[tilespmem:$0x1FFE0] =	vst v29;
	s24 =	sshll.u32 s11, $0x3;
	s26 =	sadd.s32 $0x48, s8;
	[dreg:$0x7] =	wrdreg s31  }
0x18: {  	v55 =	vimm.f32 $1.000000000e+00;
	vm15 =	vcmask $0x3B00;
	v11 =	vsel vm14, $0x3F800000, v0;
	[tilespmem:$0x1FFF0] =	vst v10;
	s23 =	simm.s32 $0x2;
	s1 =	sadd.s32 s4, s24;
	[dreg:$0x6] =	wrdreg s26  }
0x19: {  	v13 =	vsel vm15, $0x0, v55;
	[tilespmem:$0x1FF90] =	vst v11;
	s15 =	smax.u32 s0, $0x1;
	s25 =	sadd.s32 s2, s12;
	[dreg:$0x5] =	wrdreg s1  }
0x1a: {  	v12 =	vor.u32 $0x10, v19;
	v14 =	vor.u32 $0x20, v19;
	v16 =	vor.u32 $0x30, v19;
	[tilespmem:$0x1FFC0] =	vst v13;
	s24 =	simm.s32 $0x1B980;
	[dreg:$0x4] =	wrdreg s25;
	s25 =	simm.s32 $0x1B680  }
.LBB2_1:
0x1b: {  	[tilespmem:s3], [sflag:$0x1] =	stream.linear.gather [hbm4b:s8+s3], $0x120, $0x38;
	[tilespmem:$0x1BD80] =	vst v63  }
0x1c: {  	_ =	swait.ge [sflag:s16], $0x120  }
0x1d: {  	[sflag:s16] =	ssyncset.done $0x0  }
0x1e: {  	s0 =	rddreg [dreg:$0x3];
	[sflag:s16] =	ssyncadd.s32 $0xFFFFFEE0  }
0x1f: {  	[tilespmem:s17], [sflag:$0x2] =	stream.linear.gather [hbm4b:s0+s3], $0x100, $0x38;
	[tilespmem:$0x1BD80] =	vst v63  }
0x20: {  	_ = 	snop  }
0x21: {  	[tilespmem:s19], [sflag:$0x2] =	stream.indirect.gather [hbm4b:s6+s18], $0x80, s3, s18, $0xb8;
	[tilespmem:$0x1BD80] =	vst v63  }
0x22: {  	s10 =	simm.s32 $0x48;
	s1 =	simm.s32 $0x2780  }
0x23: {  	[tilespmem:s1], [sflag:$0x2] =	stream.indirect.gather [hbm4b:s6+s18], $0x80, s10, s18, $0xb8;
	[tilespmem:$0x1BD80] =	vst v63  }
0x24: {  	s11 =	simm.s32 $0x90;
	s12 =	simm.s32 $0x4B80  }
0x25: {  	[tilespmem:s12], [sflag:$0x2] =	stream.indirect.gather [hbm4b:s6+s18], $0x80, s11, s18, $0xb8;
	[tilespmem:$0x1BD80] =	vst v63  }
0x26: {  	s14 =	simm.s32 $0xD8;
	s20 =	simm.s32 $0x6F80  }
0x27: {  	[tilespmem:s20], [sflag:$0x2] =	stream.indirect.gather [hbm4b:s6+s18], $0x80, s14, s18, $0xb8;
	[tilespmem:$0x1BD80] =	vst v63  }
0x28: {  	s22 =	simm.s32 $0x120;
	s21 =	rddreg [dreg:$0x4]  }
0x29: {  	[tilespmem:s22], [sflag:$0x1] =	stream.linear.gather [hbm4b:s21+s3], $0x120, $0x38;
	[tilespmem:$0x1BD80] =	vst v63  }
0x2a: {  	_ =	swait.ge [sflag:s16], $0x120  }
0x2b: {  	[sflag:s16] =	ssyncset.done $0x0  }
0x2c: {  	s9 =	simm.s32 $0x1B480;
	s26 =	rddreg [dreg:$0x5];
	[sflag:s16] =	ssyncadd.s32 $0xFFFFFEE0  }
0x2d: {  	[tilespmem:s9], [sflag:$0x2] =	stream.linear.gather [hbm4b:s26+s3], $0x100, $0x38;
	[tilespmem:$0x1BD80] =	vst v63  }
0x2e: {  	s9 =	simm.s32 $0x9380  }
0x2f: {  	[tilespmem:s9], [sflag:$0x2] =	stream.indirect.gather [hbm4b:s6+s18], $0x80, s22, s18, $0xb8;
	[tilespmem:$0x1BD80] =	vst v63  }
0x30: {  	s10 =	simm.s32 $0x168;
	s11 =	simm.s32 $0xB780  }
0x31: {  	[tilespmem:s11], [sflag:$0x2] =	stream.indirect.gather [hbm4b:s6+s18], $0x80, s10, s18, $0xb8;
	[tilespmem:$0x1BD80] =	vst v63  }
0x32: {  	s12 =	simm.s32 $0x1B0;
	s14 =	simm.s32 $0xDB80  }
0x33: {  	[tilespmem:s14], [sflag:$0x2] =	stream.indirect.gather [hbm4b:s6+s18], $0x80, s12, s18, $0xb8;
	[tilespmem:$0x1BD80] =	vst v63  }
0x34: {  	s20 =	simm.s32 $0x1F8;
	s21 =	simm.s32 $0xFF80  }
0x35: {  	[tilespmem:s21], [sflag:$0x2] =	stream.indirect.gather [hbm4b:s6+s18], $0x80, s20, s18, $0xb8;
	[tilespmem:$0x1BD80] =	vst v63  }
0x36: {  	s31 =	simm.s32 $0x0;
	s26 =	simm.s32 $0x240;
	s22 =	rddreg [dreg:$0x6]  }
0x37: {  	[tilespmem:s26], [sflag:$0x1] =	stream.linear.gather [hbm4b:s22+s3], $0x120, $0x38;
	[tilespmem:$0x1BD80] =	vst v63  }
.LBB2_2:
0x38: {  	_ =	swait.ge [sflag:s23], $0x100  }
0x39: {  	[sflag:s23] =	ssyncset.done $0x0  }
0x3a: {  	[sflag:s23] =	ssyncadd.s32 $0xFFFFFF00  }
0x3b: {  	_ =	swait.ge [sflag:s23], $0x2080  }
0x3c: {  	[sflag:s23] =	ssyncset.done $0x0  }
0x3d: {  	[sflag:s23] =	ssyncadd.s32 $0xFFFFDF80  }
0x3e: {  	_ =	swait.ge [sflag:s23], $0x2080  }
0x3f: {  	[sflag:s23] =	ssyncset.done $0x0  }
0x40: {  	[sflag:s23] =	ssyncadd.s32 $0xFFFFDF80  }
0x41: {  	_ =	swait.ge [sflag:s23], $0x2080  }
0x42: {  	p0 =	slt.u32 s31, $0x3;
	[sflag:s23] =	ssyncset.done $0x0  }
0x43: {  	p1 =	sgt.u32 @!p0 s31, $0x9D;
	[sflag:s23] =	ssyncadd.s32 $0xFFFFDF80  }
0x44: {  	p1 =	por p0, !p1;
	_ =	swait.ge [sflag:s23], $0x2080  }
.Ltmp0:
0x45: {  	[sflag:s23] =	ssyncset.done $0x0;
	(pc) =	sbr.rel @!p1 .LBB2_4-.Ltmp0, $4  }
0x46: {  	s0 =	simm.s32 @!p0 $0x3;
	[sflag:s23] =	ssyncadd.s32 $0xFFFFDF80  }
0x47: {  	_ =	swait.ge @!p0 [sflag:s0], $0x100  }
0x48: {  	[sflag:s0] =	ssyncset.done @!p0 $0x0  }
0x49: {  	[sflag:s0] =	ssyncadd.s32 @!p0 $0xFFFFFF00  }
0x4a: {  	s0 =	sadd.s32 $0x2, s31  }
0x4b: {  	s1 =	smul.u32 $0xAB, s0;
	_ =	sdelay $0x1  }
0x4c: {  	s1 =	sshrl.u32 s1, $0x9  }
0x4d: {  	s1 =	sand.u32 $0x7F, s1  }
0x4e: {  	s1 =	smul.u32 $0x3, s1  }
0x4f: {  	_ =	swait.ge [sflag:s16], $0x120  }
0x50: {  	[sflag:s16] =	ssyncset.done $0x0;
	s1 =	ssub.s32 s0, s1;
	s0 =	sshll.u32 s0, $0x8  }
0x51: {  	[sflag:s16] =	ssyncadd.s32 $0xFFFFFEE0;
	s1 =	sand.u32 $0xFF, s1;
	s0 =	sadd.s32 s13, s0  }
0x52: {  	s9 =	sshll.u32 s1, $0x8;
	s0 =	sshrl.u32 s0, $0x3;
	s20 =	smul.u32 $0x24000, s1  }
0x53: {  	s1 =	smul.u32 $0x480, s1;
	s9 =	sadd.s32 $0x1B380, s9;
	s0 =	sadd.s32 s4, s0  }
0x54: {  	[tilespmem:s9], [sflag:$0x2] =	stream.linear.gather [hbm4b:s0+s3], $0x100, $0x38;
	[tilespmem:$0x1BD80] =	vst v63  }
0x55: {  	p0 =	sgt.u32 s31, $0x9C;
	s0 =	sshrl.u32 s20, $0x2  }
0x56: {  	s1 =	sshrl.u32 s1, $0x2;
	s9 =	sadd.s32 @!p0 $0x3, s31;
	s21 =	sor.u32 $0x380, s0  }
0x57: {  	[tilespmem:s21], [sflag:$0x2] =	stream.indirect.gather [hbm4b:s6+s18], $0x80, s1, s18, $0xb8;
	[tilespmem:$0x1BD80] =	vst v63  }
0x58: {  	s20 =	sadd.s32 $0x2780, s0;
	s22 =	smul.u32 @!p0 $0xAB, s9;
	s21 =	sadd.s32 $0x48, s1  }
0x59: {  	[tilespmem:s20], [sflag:$0x2] =	stream.indirect.gather [hbm4b:s6+s18], $0x80, s21, s18, $0xb8;
	[tilespmem:$0x1BD80] =	vst v63  }
0x5a: {  	s20 =	sshrl.u32 @!p0 s22, $0x9  }
0x5b: {  	s20 =	sand.u32 @!p0 $0x7F, s20  }
0x5c: {  	s26 =	sadd.s32 $0x90, s1;
	s22 =	sadd.s32 $0x4B80, s0;
	s20 =	smul.u32 @!p0 $0x3, s20  }
0x5d: {  	[tilespmem:s22], [sflag:$0x2] =	stream.indirect.gather [hbm4b:s6+s18], $0x80, s26, s18, $0xb8;
	[tilespmem:$0x1BD80] =	vst v63  }
0x5e: {  	s20 =	ssub.s32 @!p0 s9, s20  }
0x5f: {  	s9 =	sshll.u32 @!p0 s9, $0x2;
	s20 =	sand.u32 @!p0 $0xFF, s20  }
0x60: {  	s9 =	sadd.s32 @!p0 s5, s9;
	s20 =	smul.u32 @!p0 $0x480, s20  }
0x61: {  	s1 =	sadd.s32 $0xD8, s1;
	s0 =	sadd.s32 $0x6F80, s0;
	s9 =	smul.u32 @!p0 $0x9, s9  }
0x62: {  	[tilespmem:s0], [sflag:$0x2] =	stream.indirect.gather [hbm4b:s6+s18], $0x80, s1, s18, $0xb8;
	[tilespmem:$0x1BD80] =	vst v63  }
0x63: {  	s0 =	sshrl.u32 @!p0 s20, $0x2;
	s1 =	sadd.s32 @!p0 s2, s9;
	s9 =	simm.s32 @!p0 $0x0  }
0x64: {  	[tilespmem:s0], [sflag:$0x1] =	stream.linear.gather @!p0 [hbm4b:s1+s9], $0x120, $0x38;
	[tilespmem:$0x1BD80] =	vst v63  }
.LBB2_4:
0x65: {  	s0 =	smul.u32 $0xAB, s31;
	_ =	sdelay $0x1  }
0x66: {  	s0 =	sshrl.u32 s0, $0x9  }
0x67: {  	s0 =	sand.u32 $0x7F, s0  }
0x68: {  	s0 =	smul.u32 $0x3, s0;
	_ =	sdelay $0x1  }
0x69: {  	s0 =	ssub.s32 s31, s0  }
0x6a: {  	s0 =	sand.u32 $0xFF, s0  }
0x6b: {  	v0 =	vmov s0  }
0x6c: {  	v5 =	vshll.u32 v0, $0x8  }
0x6d: {  	v35 =	vmul.u32 $0x9000, v0;
	v1 =	vor.u32 v19, v5  }
0x6e: {  	v0 =	vor.u32 v12, v5  }
0x6f: {  	v2 =	vor.u32 v19, v35  }
0x70: {  	v3 =	vor.u32 v12, v35  }
0x71: {  	v4 =	vor.u32 v14, v5  }
0x72: {  	v32 =	vld.idx.msk [tilespmem:v1+s17+$0x0], $0xffff;
	v1 =	vor.u32 v14, v35  }
0x73: {  	v33 =	vld.idx.msk [tilespmem:v0+s17+$0x0], $0xffff;
	v0 =	vor.u32 v16, v5  }
0x74: {  	[tilespmem:$0x1FE00] =	vst v5;
	v5 =	vor.u32 v16, v35;
	v2 =	vld.idx.msk [tilespmem:v2+s19+$0x0], $0xffff  }
0x75: {  	v3 =	vld.idx.msk [tilespmem:v3+s19+$0x0], $0xffff  }
0x76: {  	v31 =	vld.idx.msk [tilespmem:v4+s17+$0x0], $0xffff  }
0x77: {  	v1 =	vld.idx.msk [tilespmem:v1+s19+$0x0], $0xffff  }
0x78: {  	v30 =	vld.idx.msk [tilespmem:v0+s17+$0x0], $0xffff  }
0x79: {  	v0 =	vld.idx.msk [tilespmem:v5+s19+$0x0], $0xffff  }
0x7a: {  	v2 =	vmul.f32 v2, v32;
	v3 =	vmul.f32 v3, v33;
	_ =	sdelay $0x1  }
0x7b: {  	v2 =	vadd.f32 v3, v2;
	v1 =	vmul.f32 v1, v31;
	_ =	sdelay $0x1  }
0x7c: {  	v0 =	vmul.f32 v0, v30;
	v1 =	vadd.f32 v1, v2;
	_ =	sdelay $0x1  }
0x7d: {  	v0 =	vadd.f32 v0, v1;
	_ =	sdelay $0x1  }
0x7e: {  	(xrf2) =	vadd.scan.msk.f32 $0xffff, v0;
	_ =	sdelay $0x4  }
0x7f: {  	s1 =	sshll.u32 s31, $0x2  }
0x80: {  	s20 =	sand.u32 $0x7C, s1;
	s21 =	sand.u32 $0xFFFFFF80, s1  }
0x81: {  	s9 =	sor.u32 s20, s21  }
0x82: {  	v0 =	vmov s9;
	_ =	sdelay $0x1  }
0x83: {  	v3, _, _ =	vpop (xrf2)  }
0x84: {  	s26 =	simm.s32 $0x800;
	v3 =	vbroadcast v3, $0xF  }
0x85: {  	s14 =	simm.s32 $0x680;
	v1 =	vadd.s32 s26, v35  }
0x86: {  	v34 =	vadd.s32 s14, v35;
	v2 =	vor.u32 v16, v1;
	[tilespmem:v0+s24+$0x0] =	vst.idx.msk $0x1, v3;
	v0 =	vor.u32 v12, v1  }
0x87: {  	v5 =	vor.u32 v14, v1;
	v20 =	vor.u32 v19, v1;
	v1 =	vor.u32 v16, v34;
	_ =	sdelay $0x2  }
0x88: {  	s12 =	simm.s32 $0x700  }
0x89: {  	v4 =	vadd.s32 s12, v35;
	v53 =	vld.idx.msk [tilespmem:v0+s19+$0x0], $0xffff  }
0x8a: {  	v21 =	vor.u32 v14, v4;
	v0 =	vld.idx.msk [tilespmem:v1+s19+$0x0], $0xffff;
	_ =	sdelay $0x4  }
0x8b: {  	v23 =	vor.u32 v19, v4;
	[tilespmem:$0x1FE10] =	vst v0;
	v0 =	vld.idx.msk [tilespmem:v21+s19+$0x0], $0xffff;
	_ =	sdelay $0x2  }
0x8c: {  	s10 =	simm.s32 $0x580  }
0x8d: {  	v37 =	vadd.s32 s10, v35  }
0x8e: {  	v24 =	vor.u32 v16, v37;
	[tilespmem:$0x1FE40] =	vst v0;
	v0 =	vld.idx.msk [tilespmem:v23+s19+$0x0], $0xffff  }
0x8f: {  	s22 =	simm.s32 $0x600  }
0x90: {  	v6 =	vor.u32 v16, v4;
	v3 =	vadd.s32 s22, v35  }
0x91: {  	v22 =	vor.u32 v16, v3  }
0x92: {  	s11 =	simm.s32 $0x500;
	v18 =	vld.idx.msk [tilespmem:v2+s19+$0x0], $0xffff  }
0x93: {  	v25 =	vor.u32 v14, v3;
	v1 =	vadd.s32 s11, v35;
	[tilespmem:$0x1FE30] =	vst v0;
	v0 =	vld.idx.msk [tilespmem:v24+s19+$0x0], $0xffff  }
0x94: {  	v55 =	vld.idx.msk [tilespmem:v5+s19+$0x0], $0xffff;
	v26 =	vor.u32 v16, v1  }
0x95: {  	v4 =	vor.u32 v12, v4;
	v15 =	vld.idx.msk [tilespmem:v6+s19+$0x0], $0xffff  }
0x96: {  	s10 =	simm.s32 $0x400;
	v17 =	vld.idx.msk [tilespmem:v22+s19+$0x0], $0xffff;
	v22 =	vor.u32 v19, v3  }
0x97: {  	v27 =	vadd.s32 s10, v35;
	s22 =	simm.s32 $0x380;
	v20 =	vld.idx.msk [tilespmem:v20+s19+$0x0], $0xffff;
	v52 =	vor.u32 v19, v1  }
0x98: {  	v42 =	vadd.s32 s22, v35;
	[tilespmem:$0x1FE20] =	vst v0;
	v0 =	vld.idx.msk [tilespmem:v25+s19+$0x0], $0xffff;
	v25 =	vor.u32 v16, v27  }
0x99: {  	v51 =	vld.idx.msk [tilespmem:v26+s19+$0x0], $0xffff;
	v26 =	vor.u32 v16, v42  }
0x9a: {  	v62 =	vld.idx.msk [tilespmem:v4+s19+$0x0], $0xffff  }
0x9b: {  	v2 =	vor.u32 v19, v27;
	v28 =	vld.idx.msk [tilespmem:v22+s19+$0x0], $0xffff  }
0x9c: {  	v56 =	vor.u32 v14, v27;
	s22 =	simm.s32 $0x200;
	v3 =	vor.u32 v12, v3;
	v46 =	vor.u32 v14, v1;
	v4 =	vld.idx.msk [tilespmem:v52+s19+$0x0], $0xffff  }
0x9d: {  	s11 =	simm.s32 $0x300;
	v52 =	vmul.f32 v53, v33;
	v24 =	vadd.s32 s22, v35;
	v54 =	vld.idx.msk [tilespmem:v25+s19+$0x0], $0xffff;
	v25 =	vmul.f32 v20, v32  }
0x9e: {  	v40 =	vadd.s32 s11, v35;
	v1 =	vor.u32 v12, v1;
	v49 =	vld.idx.msk [tilespmem:v26+s19+$0x0], $0xffff;
	[tilespmem:$0x1FE50] =	vst v0;
	v0 =	vor.u32 v14, v24  }
0x9f: {  	v22 =	vor.u32 v16, v40;
	v26 =	vmul.f32 v55, v31;
	[tilespmem:$0x1FE60] =	vst v0;
	v0 =	vld [tilespmem:$0x1FE30];
	v25 =	vadd.f32 v52, v25  }
0xa0: {  	v6 =	vor.u32 v16, v24;
	v63 =	vor.u32 v19, v24;
	v20 =	vor.u32 v12, v24;
	v24 =	vld.idx.msk [tilespmem:v2+s19+$0x0], $0xffff  }
0xa1: {  	s14 =	simm.s32 $0x280;
	v27 =	vor.u32 v12, v27;
	v2 =	vadd.f32 v26, v25;
	v26 =	vmul.f32 v18, v30;
	v18 =	vld [tilespmem:$0x1FE40]  }
0xa2: {  	v43 =	vadd.s32 s14, v35;
	s14 =	simm.s32 $0x100;
	v23 =	vld.idx.msk [tilespmem:v3+s19+$0x0], $0xffff;
	v3 =	vor.u32 v14, v40  }
0xa3: {  	v57 =	vadd.s32 s14, v35;
	s12 =	simm.s32 $0x480  }
0xa4: {  	v39 =	vadd.s32 s12, v35;
	v62 =	vmul.f32 v62, v33;
	v1 =	vld.idx.msk [tilespmem:v1+s19+$0x0], $0xffff;
	v0 =	vmul.f32 v0, v32  }
0xa5: {  	v60 =	vor.u32 v16, v57;
	v58 =	vor.u32 v14, v57;
	v38 =	vor.u32 v16, v39;
	v55 =	vld.idx.msk [tilespmem:v22+s19+$0x0], $0xffff  }
0xa6: {  	v22 =	vor.u32 v19, v57;
	v25 =	vld.idx.msk [tilespmem:v27+s19+$0x0], $0xffff;
	v0 =	vadd.f32 v62, v0;
	v27 =	vmul.f32 v18, v31  }
0xa7: {  	v2 =	vadd.f32 v26, v2;
	v62 =	vld.idx.msk [tilespmem:v3+s19+$0x0], $0xffff;
	v3 =	vmul.f32 v28, v32;
	v28 =	vmul.f32 v23, v33  }
0xa8: {  	v23 =	vor.u32 v12, v57;
	v57 =	vld.idx.msk [tilespmem:v6+s19+$0x0], $0xffff;
	v6 =	vadd.f32 v27, v0;
	v27 =	vmul.f32 v15, v30;
	_ =	sdelay $0x1  }
0xa9: {  	(xrf2) =	vadd.scan.msk.f32 $0xffff, v2;
	v2 =	vmul.f32 v4, v32;
	v4 =	vmul.f32 v1, v33;
	v1 =	vadd.f32 v27, v6;
	v6 =	vld [tilespmem:$0x1FE60]  }
0xaa: {  	v5 =	vor.u32 v19, v40;
	v0 =	vld [tilespmem:$0x1FE50]  }
0xab: {  	s10 =	simm.s32 $0x180;
	v21 =	vor.u32 v12, v40  }
0xac: {  	v47 =	vadd.s32 s10, v35;
	s12 =	simm.s32 $0x80;
	v38 =	vld.idx.msk [tilespmem:v38+s19+$0x0], $0xffff  }
0xad: {  	[tilespmem:$0x1FE70] =	vst v35;
	v45 =	vor.u32 v16, v43;
	v50 =	vor.u32 v16, v47;
	v48 =	vadd.s32 s12, v35;
	v61 =	vld.idx.msk [tilespmem:v56+s19+$0x0], $0xffff  }
0xae: {  	v56 =	vor.u32 v14, v48;
	v41 =	vor.u32 v14, v42;
	v44 =	vor.u32 v19, v42;
	v59 =	vld.idx.msk [tilespmem:v46+s19+$0x0], $0xffff  }
0xaf: {  	v46 =	vor.u32 v12, v43;
	v26 =	vld.idx.msk [tilespmem:v5+s19+$0x0], $0xffff;
	v3 =	vadd.f32 v28, v3;
	v5 =	vmul.f32 v0, v31  }
0xb0: {  	v53 =	vor.u32 v16, v48;
	v40 =	vor.u32 v19, v43;
	v52 =	vor.u32 v19, v47;
	v0 =	vld.idx.msk [tilespmem:v21+s19+$0x0], $0xffff  }
0xb1: {  	s1 =	sadd.s32 s5, s1;
	s9 =	simm.s32 $0x20;
	s22 =	simm.s32 $0x10;
	v28 =	vmul.f32 v17, v30;
	v27 =	vor.u32 v19, v48;
	v3 =	vadd.f32 v5, v3;
	v21 =	vld.idx.msk [tilespmem:v6+s19+$0x0], $0xffff  }
.LBB2_5:
0xb2: {  	v5 =	vld.idx.msk [tilespmem:v63+s19+$0x0], $0xffff  }
0xb3: {  	v3 =	vadd.f32 v28, v3  }
0xb4: {  	(xrf2) =	vadd.scan.msk.f32 $0xffff, v1;
	v1 =	vld.idx.msk [tilespmem:v20+s19+$0x0], $0xffff  }
0xb5: {  	v2 =	vadd.f32 v4, v2;
	(xrf2) =	vadd.scan.msk.f32 $0xffff, v3;
	v4 =	vmul.f32 v59, v31;
	v6 =	vmul.f32 v24, v32  }
0xb6: {  	v3 =	vld.idx.msk [tilespmem:v23+s19+$0x0], $0xffff;
	v20 =	vmul.f32 v25, v33;
	v24 =	vor.u32 v12, v48;
	v23 =	vmul.f32 v26, v32  }
0xb7: {  	v22 =	vld.idx.msk [tilespmem:v22+s19+$0x0], $0xffff;
	v0 =	vmul.f32 v0, v33;
	v5 =	vmul.f32 v5, v32;
	v2 =	vadd.f32 v4, v2  }
0xb8: {  	v27 =	vld.idx.msk [tilespmem:v27+s19+$0x0], $0xffff;
	v4 =	vmul.f32 v51, v30;
	v6 =	vadd.f32 v20, v6;
	v20 =	vmul.f32 v61, v31  }
0xb9: {  	v28 =	vld.idx.msk [tilespmem:v56+s19+$0x0], $0xffff;
	v0 =	vadd.f32 v0, v23;
	v23 =	vmul.f32 v62, v31;
	v1 =	vmul.f32 v1, v33  }
0xba: {  	v25 =	vld.idx.msk [tilespmem:v60+s19+$0x0], $0xffff;
	v2 =	vadd.f32 v4, v2;
	v6 =	vadd.f32 v20, v6;
	v20 =	vmul.f32 v54, v30  }
0xbb: {  	v26 =	vor.u32 v12, v47;
	v4 =	vld.idx.msk [tilespmem:v58+s19+$0x0], $0xffff;
	v0 =	vadd.f32 v23, v0;
	v1 =	vadd.f32 v1, v5  }
0xbc: {  	v5 =	vmul.f32 v21, v31;
	(xrf2) =	vadd.scan.msk.f32 $0xffff, v2;
	v2 =	vld.idx.msk [tilespmem:v24+s19+$0x0], $0xffff;
	v6 =	vadd.f32 v20, v6  }
0xbd: {  	v23 =	vmul.f32 v55, v30;
	v3 =	vmul.f32 v3, v33;
	v21 =	vld.idx.msk [tilespmem:v52+s19+$0x0], $0xffff;
	v24 =	vor.u32 v14, v47  }
0xbe: {  	v54, _, _ =	vpop (xrf2);
	v1 =	vadd.f32 v5, v1;
	v5 =	vmul.f32 v57, v30;
	(xrf2) =	vadd.scan.msk.f32 $0xffff, v6;
	v6 =	vmul.f32 v22, v32  }
0xbf: {  	v20 =	vld.idx.msk [tilespmem:v53+s19+$0x0], $0xffff;
	v0 =	vadd.f32 v23, v0;
	v23 =	vor.u32 v14, v43  }
0xc0: {  	v22 =	vld.idx.msk [tilespmem:v26+s19+$0x0], $0xffff;
	v1 =	vadd.f32 v5, v1;
	v4 =	vmul.f32 v4, v31;
	v3 =	vadd.f32 v3, v6  }
0xc1: {  	v56, _, _ =	vpop (xrf2);
	v5 =	vld.idx.msk [tilespmem:v40+s19+$0x0], $0xffff;
	(xrf2) =	vadd.scan.msk.f32 $0xffff, v0;
	v0 =	vmul.f32 v27, v32;
	v2 =	vmul.f32 v2, v33  }
0xc2: {  	v24 =	vld.idx.msk [tilespmem:v24+s19+$0x0], $0xffff;
	v3 =	vadd.f32 v4, v3;
	v4 =	vmul.f32 v25, v30  }
0xc3: {  	v26 =	vld.idx.msk [tilespmem:v46+s19+$0x0], $0xffff;
	v25 =	vor.u32 v12, v42;
	v0 =	vadd.f32 v2, v0;
	v2 =	vmul.f32 v28, v31  }
0xc4: {  	v58, _, _ =	vpop (xrf2);
	v6 =	vld.idx.msk [tilespmem:v50+s19+$0x0], $0xffff;
	(xrf2) =	vadd.scan.msk.f32 $0xffff, v1;
	v1 =	vmul.f32 v20, v30;
	v3 =	vadd.f32 v4, v3  }
0xc5: {  	v4 =	vld.idx.msk [tilespmem:v45+s19+$0x0], $0xffff;
	v0 =	vadd.f32 v2, v0;
	v2 =	vmul.f32 v21, v32;
	v21 =	vmul.f32 v22, v33  }
0xc6: {  	v27 =	vor.u32 v12, v39;
	v20 =	vor.u32 v19, v39;
	v22 =	vld.idx.msk [tilespmem:v23+s19+$0x0], $0xffff  }
0xc7: {  	v23 =	vld.idx.msk [tilespmem:v44+s19+$0x0], $0xffff;
	v0 =	vadd.f32 v1, v0;
	v1 =	vadd.f32 v21, v2;
	v2 =	vmul.f32 v24, v31  }
0xc8: {  	v28 =	vor.u32 v14, v39;
	v59, _, _ =	vpop (xrf2);
	(xrf2) =	vadd.scan.msk.f32 $0xffff, v3;
	v3 =	vld.idx.msk [tilespmem:v25+s19+$0x0], $0xffff  }
0xc9: {  	v1 =	vadd.f32 v2, v1;
	v2 =	vmul.f32 v5, v32;
	v5 =	vmul.f32 v26, v33  }
0xca: {  	v6 =	vmul.f32 v6, v30;
	v21 =	vld.idx.msk [tilespmem:v41+s19+$0x0], $0xffff  }
0xcb: {  	v60, _, _ =	vpop (xrf2);
	(xrf2) =	vadd.scan.msk.f32 $0xffff, v0;
	v0 =	vld.idx.msk [tilespmem:v20+s19+$0x0], $0xffff;
	v2 =	vadd.f32 v5, v2;
	v5 =	vmul.f32 v22, v31  }
0xcc: {  	v20 =	vor.u32 v12, v37;
	v4 =	vmul.f32 v4, v30;
	v7 =	vadd.f32 v6, v1;
	v6 =	vld.idx.msk [tilespmem:v27+s19+$0x0], $0xffff  }
0xcd: {  	v3 =	vmul.f32 v3, v33;
	v2 =	vadd.f32 v5, v2;
	v5 =	vmul.f32 v23, v32  }
0xce: {  	v22 =	vld.idx.msk [tilespmem:v28+s19+$0x0], $0xffff;
	v27 =	vor.u32 v19, v34  }
0xcf: {  	v2 =	vadd.f32 v4, v2;
	v3 =	vadd.f32 v3, v5;
	v4 =	vmul.f32 v21, v31  }
0xd0: {  	v26, _, _ =	vpop (xrf2);
	(xrf2) =	vadd.scan.msk.f32 $0xffff, v7;
	v7 =	vld [tilespmem:$0x1FE10];
	v0 =	vmul.f32 v0, v32  }
0xd1: {  	v5 =	vld.idx.msk [tilespmem:v20+s19+$0x0], $0xffff;
	v20 =	vmul.f32 v49, v30;
	v3 =	vadd.f32 v4, v3;
	v4 =	vmul.f32 v6, v33  }
0xd2: {  	v24 =	vor.u32 v19, v37  }
0xd3: {  	v1, _, _ =	vpop (xrf2);
	v3 =	vadd.f32 v20, v3;
	v0 =	vadd.f32 v4, v0;
	v4 =	vmul.f32 v22, v31  }
0xd4: {  	v63, _, _ =	vpop (xrf2);
	(xrf2) =	vadd.scan.msk.f32 $0xffff, v2;
	v6 =	vld.idx.msk [tilespmem:v27+s19+$0x0], $0xffff  }
0xd5: {  	v27 =	vmul.f32 v7, v30;
	v7 =	vmul.f32 v38, v30;
	v22, _, _ =	vpop (xrf2);
	v0 =	vadd.f32 v4, v0;
	(xrf2) =	vadd.scan.msk.f32 $0xffff, v3;
	v3 =	vld [tilespmem:$0x1FE80];
	_ =	sdelay $0x1  }
0xd6: {  	v0 =	vadd.f32 v7, v0;
	v7 =	vld [tilespmem:$0x1FF10]  }
0xd7: {  	v23 =	vld.idx.msk [tilespmem:v24+s19+$0x0], $0xffff;
	v24 =	vor.u32 v12, v34;
	v22 =	vbroadcast v22, $0xF;
	_ =	sdelay $0x1  }
0xd8: {  	v3 =	vmul.f32 v3, v22;
	v22 =	vbroadcast v63, $0xF;
	_ =	sdelay $0x1  }
0xd9: {  	v25 =	vor.u32 v14, v37;
	v3 =	vadd.f32 $0.0e+00, v3;
	v22 =	vmul.f32 v7, v22  }
0xda: {  	v20 =	vld.idx.msk [tilespmem:v24+s19+$0x0], $0xffff  }
0xdb: {  	v24, _, _ =	vpop (xrf2);
	(xrf2) =	vadd.scan.msk.f32 $0xffff, v0;
	v0 =	vadd.f32 v22, v3;
	v3 =	vld [tilespmem:$0x1FF20];
	_ =	sdelay $0x2  }
0xdc: {  	v21 =	vld.idx.msk [tilespmem:v25+s19+$0x0], $0xffff;
	v24 =	vbroadcast v24, $0xF;
	_ =	sdelay $0x1  }
0xdd: {  	v1 =	vbroadcast v1, $0xF;
	v2 =	vld [tilespmem:$0x1FE20];
	v3 =	vmul.f32 v3, v24  }
0xde: {  	v5 =	vmul.f32 v5, v33;
	v4 =	vmul.f32 v23, v32  }
0xdf: {  	v1 =	vmul.f32 v29, v1;
	v0 =	vadd.f32 v3, v0  }
0xe0: {  	v4 =	vadd.f32 v5, v4;
	v5 =	vmul.f32 v21, v31  }
0xe1: {  	v0 =	vadd.f32 v1, v0;
	v1 =	vld [tilespmem:$0x1FF30]  }
0xe2: {  	v2 =	vmul.f32 v2, v30;
	v4 =	vadd.f32 v5, v4  }
0xe3: {  	v5 =	vmul.f32 v6, v32;
	v6 =	vmul.f32 v20, v33;
	v20, _, _ =	vpop (xrf2)  }
0xe4: {  	v2 =	vadd.f32 v2, v4;
	v3 =	vbroadcast v20, $0xF;
	_ =	sdelay $0x1  }
0xe5: {  	s10 =	sadd.s32 $0xFFFFFF80, s26;
	(xrf2) =	vadd.scan.msk.f32 $0xffff, v2;
	v2 =	vbroadcast v26, $0xF;
	v1 =	vmul.f32 v1, v3  }
0xe6: {  	v61 =	vadd.s32 s10, v35  }
0xe7: {  	v28 =	vor.u32 v14, v34;
	v0 =	vadd.f32 v1, v0;
	v1 =	vmul.f32 v10, v2  }
0xe8: {  	v35 =	vor.u32 v12, v61  }
0xe9: {  	v25 =	vor.u32 v19, v61;
	v0 =	vadd.f32 v1, v0;
	v1 =	vld [tilespmem:$0x1FF40];
	_ =	sdelay $0x1  }
0xea: {  	v20, _, _ =	vpop (xrf2)  }
0xeb: {  	v28 =	vld.idx.msk [tilespmem:v28+s19+$0x0], $0xffff;
	v2 =	vbroadcast v20, $0xF  }
0xec: {  	v62 =	vor.u32 v14, v61;
	v21 =	vld.idx.msk [tilespmem:v35+s19+$0x0], $0xffff  }
0xed: {  	v23 =	vld.idx.msk [tilespmem:v25+s19+$0x0], $0xffff;
	v1 =	vmul.f32 v1, v2;
	_ =	sdelay $0x1  }
0xee: {  	v0 =	vadd.f32 v1, v0;
	v1 =	vld [tilespmem:$0x1FF50]  }
0xef: {  	v25 =	vor.u32 v16, v61;
	v4 =	vadd.f32 v6, v5;
	v5 =	vmul.f32 v28, v31  }
0xf0: {  	v40 =	vld.idx.msk [tilespmem:v62+s19+$0x0], $0xffff;
	v7 =	vmul.f32 v21, v33  }
0xf1: {  	v4 =	vadd.f32 v5, v4;
	v5 =	vmul.f32 v23, v32;
	v2 =	vbroadcast v60, $0xF;
	_ =	sdelay $0x1  }
0xf2: {  	v3 =	vadd.f32 v27, v4;
	v4 =	vadd.f32 v7, v5;
	v1 =	vmul.f32 v1, v2  }
0xf3: {  	v6 =	vld.idx.msk [tilespmem:v25+s19+$0x0], $0xffff  }
0xf4: {  	v5 =	vmul.f32 v40, v31;
	v0 =	vadd.f32 v1, v0;
	v1 =	vld [tilespmem:$0x1FF60];
	_ =	sdelay $0x1  }
0xf5: {  	v7 =	vadd.f32 v5, v4;
	v4, _, _ =	vpop (xrf2)  }
0xf6: {  	v2 =	vbroadcast v4, $0xF;
	_ =	sdelay $0x1  }
0xf7: {  	v5 =	vmul.f32 v6, v30;
	v1 =	vmul.f32 v1, v2;
	_ =	sdelay $0x1  }
0xf8: {  	(xrf2) =	vadd.scan.msk.f32 $0xffff, v3;
	v3 =	vadd.f32 v5, v7;
	v0 =	vadd.f32 v1, v0;
	v1 =	vld [tilespmem:$0x1FF70];
	_ =	sdelay $0x2  }
0xf9: {  	v2 =	vbroadcast v59, $0xF  }
0xfa: {  	(xrf2) =	vadd.scan.msk.f32 $0xffff, v3;
	v3, _, _ =	vpop (xrf2)  }
0xfb: {  	v1 =	vmul.f32 v1, v2;
	v2 =	vbroadcast v3, $0xF;
	_ =	sdelay $0x1  }
0xfc: {  	v0 =	vadd.f32 v1, v0;
	v1 =	vmul.f32 v36, v2;
	_ =	sdelay $0x1  }
0xfd: {  	v0 =	vadd.f32 v1, v0;
	v1 =	vld [tilespmem:$0x1FFA0];
	_ =	sdelay $0x2  }
0xfe: {  	v2 =	vbroadcast v58, $0xF;
	_ =	sdelay $0x1  }
0xff: {  	v1 =	vmul.f32 v1, v2;
	_ =	sdelay $0x1  }
0x100: {  	v0 =	vadd.f32 v1, v0;
	v1 =	vld [tilespmem:$0x1FF80];
	_ =	sdelay $0x1  }
0x101: {  	v3, _, _ =	vpop (xrf2)  }
0x102: {  	v2 =	vbroadcast v3, $0xF;
	_ =	sdelay $0x1  }
0x103: {  	v1 =	vmul.f32 v1, v2;
	_ =	sdelay $0x1  }
0x104: {  	v0 =	vadd.f32 v1, v0;
	v1 =	vld [tilespmem:$0x1FFB0];
	_ =	sdelay $0x2  }
0x105: {  	v2 =	vbroadcast v56, $0xF;
	_ =	sdelay $0x1  }
0x106: {  	v1 =	vmul.f32 v1, v2;
	_ =	sdelay $0x1  }
0x107: {  	v0 =	vadd.f32 v1, v0;
	v1 =	vld [tilespmem:$0x1FF90];
	_ =	sdelay $0x1  }
0x108: {  	v4, _, _ =	vpop (xrf2)  }
0x109: {  	v3 =	vld [tilespmem:$0x1FE00];
	v2 =	vbroadcast v4, $0xF;
	_ =	sdelay $0x1  }
0x10a: {  	v1 =	vmul.f32 v1, v2  }
0x10b: {  	v4 =	vld [tilespmem:$0x1FE70]  }
0x10c: {  	s26 =	sadd.s32 $0xFFFFFFF0, s22;
	v0 =	vadd.f32 v1, v0;
	v1 =	vld [tilespmem:$0x1FFC0]  }
0x10d: {  	v3 =	vor.u32 s26, v3  }
0x10e: {  	v7 =	vld [tilespmem:$0x1FE70];
	v3 =	vbroadcast v3, $0x0  }
0x10f: {  	s26 =	sshll.u32 s9, $0x7;
	v2 =	vbroadcast v54, $0xF  }
0x110: {  	v3 =	vor.u32 v19, v3;
	v4 =	vadd.s32 s26, v4  }
0x111: {  	v5 =	vor.u32 v16, v4;
	v1 =	vmul.f32 v1, v2  }
0x112: {  	s12 =	sadd.s32 $0xFFFFFE80, s26;
	v2 =	vld [tilespmem:$0x1FE70]  }
0x113: {  	v49 =	vadd.s32 s12, v7;
	v7 =	vld [tilespmem:$0x1FE70];
	v0 =	vadd.f32 v1, v0;
	_ =	sdelay $0x1  }
0x114: {  	[tilespmem:v3+s25+$0x0] =	vst.idx.msk $0xffff, v0  }
0x115: {  	s11 =	sadd.s32 $0xFFFFFF00, s26;
	v3 =	vld.idx.msk [tilespmem:v5+s19+$0x0], $0xffff  }
0x116: {  	v0 =	vor.u32 v16, v49;
	v2 =	vadd.s32 s11, v2;
	v5 =	vld [tilespmem:$0x1FE70];
	s11 =	sadd.s32 $0xFFFFFD80, s26  }
0x117: {  	v37 =	vadd.s32 s11, v7;
	v7 =	vld [tilespmem:$0x1FE70];
	_ =	sdelay $0x2  }
0x118: {  	s14 =	sadd.s32 $0xFFFFFE00, s26;
	v20 =	vor.u32 v16, v2  }
0x119: {  	v0 =	vld.idx.msk [tilespmem:v0+s19+$0x0], $0xffff;
	v5 =	vadd.s32 s14, v5;
	s14 =	sadd.s32 $0xFFFFFC80, s26  }
0x11a: {  	v39 =	vadd.s32 s14, v7;
	v7 =	vld [tilespmem:$0x1FE70];
	_ =	sdelay $0x2  }
0x11b: {  	v26 =	vld.idx.msk [tilespmem:v20+s19+$0x0], $0xffff  }
0x11c: {  	s11 =	sadd.s32 $0xFFFFFB80, s26;
	v20 =	vor.u32 v19, v2;
	[tilespmem:$0x1FE10] =	vst v0;
	v0 =	vld [tilespmem:$0x1FE70]  }
0x11d: {  	v42 =	vadd.s32 s11, v7;
	v7 =	vld [tilespmem:$0x1FE70];
	_ =	sdelay $0x2  }
0x11e: {  	s12 =	sadd.s32 $0xFFFFFD00, s26  }
0x11f: {  	v6 =	vor.u32 v14, v4;
	v27 =	vld.idx.msk [tilespmem:v20+s19+$0x0], $0xffff;
	v0 =	vadd.s32 s12, v0;
	s12 =	sadd.s32 $0xFFFFFC00, s26  }
0x120: {  	v20 =	vadd.s32 s12, v7;
	v7 =	vld [tilespmem:$0x1FE70]  }
0x121: {  	v1 =	vor.u32 v19, v4  }
0x122: {  	v4 =	vor.u32 v12, v4  }
0x123: {  	v8 =	vld [tilespmem:$0x1FE70];
	v21 =	vor.u32 v14, v2  }
0x124: {  	s10 =	sadd.s32 $0xFFFFFA80, s26;
	v6 =	vld.idx.msk [tilespmem:v6+s19+$0x0], $0xffff;
	v22 =	vor.u32 v16, v5  }
0x125: {  	v23 =	vor.u32 v16, v37;
	v43 =	vadd.s32 s10, v7;
	v7 =	vld [tilespmem:$0x1FE70]  }
0x126: {  	v1 =	vld.idx.msk [tilespmem:v1+s19+$0x0], $0xffff;
	v2 =	vor.u32 v12, v2  }
0x127: {  	v4 =	vld.idx.msk [tilespmem:v4+s19+$0x0], $0xffff;
	v41 =	vor.u32 v16, v39  }
0x128: {  	v21 =	vld.idx.msk [tilespmem:v21+s19+$0x0], $0xffff  }
0x129: {  	v24 =	vor.u32 v14, v5;
	s14 =	sadd.s32 $0xFFFFFB00, s26;
	v28 =	vld.idx.msk [tilespmem:v22+s19+$0x0], $0xffff;
	v22 =	vor.u32 v19, v5;
	v5 =	vor.u32 v12, v5  }
0x12a: {  	v40 =	vadd.s32 s14, v7;
	v7 =	vld.idx.msk [tilespmem:v23+s19+$0x0], $0xffff  }
0x12b: {  	v2 =	vld.idx.msk [tilespmem:v2+s19+$0x0], $0xffff;
	v25 =	vor.u32 v16, v0  }
0x12c: {  	v41 =	vld.idx.msk [tilespmem:v41+s19+$0x0], $0xffff;
	v46 =	vor.u32 v14, v0;
	v52 =	vor.u32 v19, v0;
	v0 =	vor.u32 v12, v0;
	s10 =	sadd.s32 $0xFFFFF880, s26  }
0x12d: {  	v48 =	vadd.s32 s10, v8;
	v8 =	vld [tilespmem:$0x1FE70]  }
0x12e: {  	v5 =	vld.idx.msk [tilespmem:v5+s19+$0x0], $0xffff  }
0x12f: {  	v35 =	vmov v10;
	v10 =	vmov v29;
	[tilespmem:$0x1FE20] =	vst v7;
	v7 =	vld [tilespmem:$0x1FE70]  }
0x130: {  	v44 =	vor.u32 v19, v42;
	v2 =	vmul.f32 v2, v33;
	v55 =	vor.u32 v14, v20;
	v51 =	vld.idx.msk [tilespmem:v25+s19+$0x0], $0xffff  }
0x131: {  	v62 =	vor.u32 v19, v20;
	v29 =	vld.idx.msk [tilespmem:v0+s19+$0x0], $0xffff;
	v0 =	vmul.f32 v1, v32;
	v1 =	vmul.f32 v4, v33;
	s14 =	sadd.s32 $0xFFFFF900, s26  }
0x132: {  	v4 =	vmul.f32 v27, v32;
	v57 =	vadd.s32 s14, v8;
	v8 =	vld.idx.msk [tilespmem:v22+s19+$0x0], $0xffff;
	v22 =	vor.u32 v16, v40  }
0x133: {  	s11 =	sadd.s32 $0xFFFFF980, s26;
	v59 =	vld.idx.msk [tilespmem:v46+s19+$0x0], $0xffff;
	v0 =	vadd.f32 v1, v0;
	v1 =	vmul.f32 v6, v31;
	v15 =	vor.u32 v19, v40  }
0x134: {  	v9 =	vor.u32 v12, v20;
	v2 =	vadd.f32 v2, v4;
	v47 =	vadd.s32 s11, v7;
	v7 =	vld [tilespmem:$0x1FE70]  }
0x135: {  	v61 =	vld.idx.msk [tilespmem:v55+s19+$0x0], $0xffff;
	v0 =	vadd.f32 v1, v0;
	v1 =	vmul.f32 v3, v30;
	v17 =	vor.u32 v12, v40  }
0x136: {  	v3 =	vmul.f32 v21, v31;
	v13 =	vor.u32 v14, v40;
	v40 =	vor.u32 v19, v43;
	v19 =	vld.idx.msk [tilespmem:v52+s19+$0x0], $0xffff  }
0x137: {  	v25 =	vor.u32 v16, v42;
	v5 =	vmul.f32 v5, v33;
	v0 =	vadd.f32 v1, v0;
	v55 =	vld.idx.msk [tilespmem:v22+s19+$0x0], $0xffff  }
0x138: {  	s12 =	sadd.s32 $0xFFFFFA00, s26;
	v1 =	vadd.f32 v3, v2;
	v3 =	vmul.f32 v26, v30;
	v4 =	vmul.f32 v8, v32;
	v26 =	vld.idx.msk [tilespmem:v15+s19+$0x0], $0xffff  }
0x139: {  	v34 =	vor.u32 v14, v42;
	v23 =	vadd.s32 s12, v7;
	v7 =	vld.idx.msk [tilespmem:v24+s19+$0x0], $0xffff;
	v24 =	vor.u32 v16, v20  }
0x13a: {  	v38 =	vmovc v36;
	v28 =	vmul.f32 v28, v30;
	(xrf2) =	vadd.scan.msk.f32 $0xffff, v0;
	v0 =	vld.idx.msk [tilespmem:v17+s19+$0x0], $0xffff;
	v5 =	vadd.f32 v5, v4  }
0x13b: {  	v36 =	vlaneseq.u32;
	v4 =	vmul.f32 v29, v33;
	v29 =	vmovc v10;
	v10 =	vmovc v35;
	v35 =	vld [tilespmem:$0x1FE70];
	v11 =	vor.u32 v16, v23  }
0x13c: {  	v18 =	vor.u32 v14, v23;
	v63 =	vor.u32 v36, v23;
	v20 =	vor.u32 v12, v23;
	v23 =	vld.idx.msk [tilespmem:v25+s19+$0x0], $0xffff  }
0x13d: {  	p0 =	sne.s32 s9, $0x40;
	v45 =	vor.u32 v16, v43;
	v46 =	vor.u32 v12, v43;
	v53 =	vor.u32 v16, v48;
	v25 =	vld.idx.msk [tilespmem:v9+s19+$0x0], $0xffff  }
.Ltmp1:
0x13e: {  	v56 =	vor.u32 v14, v48;
	v60 =	vor.u32 v16, v57;
	v58 =	vor.u32 v14, v57;
	v54 =	vld.idx.msk [tilespmem:v24+s19+$0x0], $0xffff;
	(pc) =	sbr.rel @p0 .LBB2_5-.Ltmp1, $4  }
0x13f: {  	v1 =	vadd.f32 v3, v1;
	v22 =	vor.u32 v36, v57;
	v2 =	vmul.f32 v19, v32;
	v24 =	vld.idx.msk [tilespmem:v62+s19+$0x0], $0xffff  }
0x140: {  	v19 =	vlaneseq.u32;
	v52 =	vor.u32 v36, v47;
	v36 =	vmovc v38;
	v62 =	vld.idx.msk [tilespmem:v13+s19+$0x0], $0xffff;
	v6 =	vmul.f32 v7, v31  }
0x141: {  	v38 =	vmovc v41;
	v41 =	vmovc v34;
	v34 =	vmov v49;
	v49 =	vmov v23;
	v23 =	vor.u32 v12, v57;
	v57 =	vld.idx.msk [tilespmem:v11+s19+$0x0], $0xffff  }
0x142: {  	s22 =	smov.u32 s9;
	s9 =	sadd.s32 $0x10, s9;
	v27 =	vor.u32 v19, v48;
	v50 =	vor.u32 v16, v47;
	v21 =	vld.idx.msk [tilespmem:v18+s19+$0x0], $0xffff;
	v3 =	vadd.f32 v6, v5  }
0x143: {  	_ =	sdelay $0x3  }
0x144: {  	v5 =	vld.idx.msk [tilespmem:v63+s19+$0x0], $0xffff  }
0x145: {  	v2 =	vadd.f32 v4, v2;
	v4 =	vmul.f32 v59, v31;
	v7 =	vmul.f32 v25, v33;
	v8 =	vld.idx.msk [tilespmem:v20+s19+$0x0], $0xffff  }
0x146: {  	v9 =	vor.u32 v12, v48;
	v11 =	vmul.f32 v51, v30;
	(xrf2) =	vadd.scan.msk.f32 $0xffff, v1;
	v13 =	vmul.f32 v26, v32  }
0x147: {  	v1 =	vld.idx.msk [tilespmem:v22+s19+$0x0], $0xffff;
	v0 =	vmul.f32 v0, v33;
	v6 =	vmul.f32 v24, v32;
	v3 =	vadd.f32 v28, v3  }
0x148: {  	v48 =	vmul.f32 v54, v30;
	v15 =	vor.u32 v12, v47;
	v17 =	vld.idx.msk [tilespmem:v27+s19+$0x0], $0xffff;
	v2 =	vadd.f32 v4, v2  }
0x149: {  	v6 =	vadd.f32 v7, v6;
	v7 =	vmul.f32 v61, v31;
	(xrf2) =	vadd.scan.msk.f32 $0xffff, v3;
	v3 =	vld.idx.msk [tilespmem:v23+s19+$0x0], $0xffff  }
0x14a: {  	v51 =	vor.u32 v14, v47;
	v4 =	vld.idx.msk [tilespmem:v60+s19+$0x0], $0xffff;
	v0 =	vadd.f32 v0, v13;
	v13 =	vmul.f32 v62, v31  }
0x14b: {  	v18 =	vmul.f32 v55, v30;
	v2 =	vadd.f32 v11, v2;
	v6 =	vadd.f32 v7, v6;
	v7 =	vld.idx.msk [tilespmem:v58+s19+$0x0], $0xffff  }
0x14c: {  	v0 =	vadd.f32 v13, v0;
	v5 =	vmul.f32 v5, v32;
	v8 =	vmul.f32 v8, v33;
	v9 =	vld.idx.msk [tilespmem:v9+s19+$0x0], $0xffff  }
0x14d: {  	v13 =	vld.idx.msk [tilespmem:v53+s19+$0x0], $0xffff;
	v1 =	vmul.f32 v1, v32;
	(xrf2) =	vadd.scan.msk.f32 $0xffff, v2;
	v6 =	vadd.f32 v48, v6  }
0x14e: {  	v2 =	vld.idx.msk [tilespmem:v56+s19+$0x0], $0xffff;
	v5 =	vadd.f32 v8, v5;
	v8 =	vmul.f32 v21, v31;
	v3 =	vmul.f32 v3, v33  }
0x14f: {  	v17 =	vmul.f32 v17, v32;
	v0 =	vadd.f32 v18, v0;
	(xrf2) =	vadd.scan.msk.f32 $0xffff, v6;
	v6 =	vld.idx.msk [tilespmem:v52+s19+$0x0], $0xffff  }
0x150: {  	v5 =	vadd.f32 v8, v5;
	v8 =	vld.idx.msk [tilespmem:v15+s19+$0x0], $0xffff;
	v15 =	vmul.f32 v57, v30;
	v1 =	vadd.f32 v3, v1  }
0x151: {  	v3 =	vmul.f32 v7, v31;
	v7 =	vor.u32 v14, v43;
	v9 =	vmul.f32 v9, v33  }
0x152: {  	v4 =	vmul.f32 v4, v30;
	(xrf2) =	vadd.scan.msk.f32 $0xffff, v0;
	v0 =	vld.idx.msk [tilespmem:v51+s19+$0x0], $0xffff;
	v5 =	vadd.f32 v15, v5  }
0x153: {  	v52 =	vor.u32 v12, v42;
	v2 =	vmul.f32 v2, v31;
	v15 =	vld.idx.msk [tilespmem:v46+s19+$0x0], $0xffff;
	v9 =	vadd.f32 v9, v17  }
0x154: {  	v1 =	vadd.f32 v3, v1;
	v3 =	vld.idx.msk [tilespmem:v40+s19+$0x0], $0xffff;
	(xrf2) =	vadd.scan.msk.f32 $0xffff, v5;
	v5 =	vmul.f32 v13, v30  }
0x155: {  	v18 =	vld.idx.msk [tilespmem:v50+s19+$0x0], $0xffff;
	v2 =	vadd.f32 v2, v9;
	v6 =	vmul.f32 v6, v32;
	v8 =	vmul.f32 v8, v33  }
0x156: {  	v1 =	vadd.f32 v4, v1;
	v7 =	vld.idx.msk [tilespmem:v7+s19+$0x0], $0xffff  }
0x157: {  	v17 =	vld.idx.msk [tilespmem:v44+s19+$0x0], $0xffff;
	v0 =	vmul.f32 v0, v31;
	v2 =	vadd.f32 v5, v2;
	v5 =	vadd.f32 v8, v6  }
0x158: {  	(xrf2) =	vadd.scan.msk.f32 $0xffff, v1;
	v1 =	vld.idx.msk [tilespmem:v52+s19+$0x0], $0xffff  }
0x159: {  	v13 =	vld.idx.msk [tilespmem:v45+s19+$0x0], $0xffff;
	v3 =	vmul.f32 v3, v32;
	v0 =	vadd.f32 v0, v5;
	v5 =	vmul.f32 v15, v33  }
0x15a: {  	v54 =	vor.u32 v19, v37;
	(xrf2) =	vadd.scan.msk.f32 $0xffff, v2;
	v2 =	vld.idx.msk [tilespmem:v41+s19+$0x0], $0xffff  }
0x15b: {  	v53 =	vor.u32 v12, v39;
	v3 =	vadd.f32 v5, v3;
	v5 =	vmul.f32 v7, v31  }
0x15c: {  	v4 =	vor.u32 v19, v39;
	v8 =	vmul.f32 v18, v30;
	v15 =	vor.u32 v12, v37  }
0x15d: {  	v1 =	vmul.f32 v1, v33;
	v3 =	vadd.f32 v5, v3;
	v5 =	vmul.f32 v17, v32  }
0x15e: {  	v6 =	vor.u32 v14, v39;
	v13 =	vmul.f32 v13, v30;
	v0 =	vadd.f32 v8, v0  }
0x15f: {  	v8 =	vor.u32 v14, v37;
	v2 =	vmul.f32 v2, v31;
	v1 =	vadd.f32 v1, v5  }
0x160: {  	s9 =	sadd.s32 $0xFFFFFF80, s26;
	v22 =	vmul.f32 v49, v30;
	v55, _, _ =	vpop (xrf2);
	v9 =	vld.idx.msk [tilespmem:v53+s19+$0x0], $0xffff;
	v3 =	vadd.f32 v13, v3;
	v13 =	vor.u32 v14, v34  }
0x161: {  	v20 =	vadd.s32 s9, v35;
	v4 =	vld.idx.msk [tilespmem:v4+s19+$0x0], $0xffff;
	v7, _, _ =	vpop (xrf2);
	v37 =	vlaneseq.u32;
	v1 =	vadd.f32 v2, v1  }
0x162: {  	v18, _, _ =	vpop (xrf2);
	v23 =	vor.u32 v37, v20;
	v15 =	vld.idx.msk [tilespmem:v15+s19+$0x0], $0xffff  }
0x163: {  	v6 =	vld.idx.msk [tilespmem:v6+s19+$0x0], $0xffff;
	(xrf2) =	vadd.scan.msk.f32 $0xffff, v0;
	v0, _, _ =	vpop (xrf2);
	v1 =	vadd.f32 v22, v1  }
0x164: {  	v21, _, _ =	vpop (xrf2);
	(xrf2) =	vadd.scan.msk.f32 $0xffff, v3;
	v3 =	vld.idx.msk [tilespmem:v8+s19+$0x0], $0xffff  }
0x165: {  	v5, _, _ =	vpop (xrf2);
	(xrf2) =	vadd.scan.msk.f32 $0xffff, v1;
	v1 =	vld.idx.msk [tilespmem:v13+s19+$0x0], $0xffff  }
0x166: {  	v2 =	vmul.f32 v4, v32;
	v4 =	vmul.f32 v9, v33;
	v24, _, _ =	vpop (xrf2);
	v13 =	vld [tilespmem:$0x1FE80]  }
0x167: {  	v8, _, _ =	vpop (xrf2);
	v57 =	vmul.f32 v15, v33;
	v15 =	vld.idx.msk [tilespmem:v23+s19+$0x0], $0xffff  }
0x168: {  	v2 =	vadd.f32 v4, v2;
	v4 =	vmul.f32 v6, v31;
	v23 =	vld [tilespmem:$0x1FF10];
	v6, _, _ =	vpop (xrf2)  }
0x169: {  	v6 =	vbroadcast v6, $0xF;
	_ =	sdelay $0x1  }
0x16a: {  	v11 =	vld.idx.msk [tilespmem:v54+s19+$0x0], $0xffff;
	v8 =	vbroadcast v8, $0xF;
	v6 =	vmul.f32 v13, v6;
	_ =	sdelay $0x1  }
0x16b: {  	v8 =	vmul.f32 v23, v8;
	v6 =	vadd.f32 $0.0e+00, v6  }
0x16c: {  	v56 =	vld [tilespmem:$0x1FE20];
	v17 =	vor.u32 v19, v34  }
0x16d: {  	v19 =	vor.u32 v12, v34;
	v6 =	vadd.f32 v8, v6;
	v8 =	vld [tilespmem:$0x1FF20]  }
0x16e: {  	v2 =	vadd.f32 v4, v2;
	v4 =	vmul.f32 v11, v32  }
0x16f: {  	v58, _, _ =	vpop (xrf2)  }
0x170: {  	v3 =	vmul.f32 v3, v31;
	v4 =	vadd.f32 v57, v4;
	v11 =	vbroadcast v58, $0xF  }
0x171: {  	v27 =	vmul.f32 v38, v30;
	v9 =	vmul.f32 v56, v30;
	v17 =	vld.idx.msk [tilespmem:v17+s19+$0x0], $0xffff  }
0x172: {  	v19 =	vld.idx.msk [tilespmem:v19+s19+$0x0], $0xffff;
	v59 =	vbroadcast v24, $0xF;
	v3 =	vadd.f32 v3, v4;
	v8 =	vmul.f32 v8, v11  }
0x173: {  	v2 =	vadd.f32 v27, v2  }
0x174: {  	v3 =	vadd.f32 v9, v3;
	v6 =	vadd.f32 v8, v6;
	v8 =	vmul.f32 v29, v59  }
0x175: {  	v25 =	vld [tilespmem:$0x1FE10];
	(xrf2) =	vadd.scan.msk.f32 $0xffff, v2  }
0x176: {  	v60, _, _ =	vpop (xrf2);
	(xrf2) =	vadd.scan.msk.f32 $0xffff, v3;
	v3 =	vadd.f32 v8, v6;
	v6 =	vld [tilespmem:$0x1FF30]  }
0x177: {  	v26 =	vor.u32 v12, v20;
	v4 =	vmul.f32 v17, v32;
	v17 =	vmul.f32 v19, v33  }
0x178: {  	v22 =	vor.u32 v14, v20  }
0x179: {  	v1 =	vmul.f32 v1, v31;
	v4 =	vadd.f32 v17, v4;
	v9 =	vbroadcast v60, $0xF  }
0x17a: {  	v25 =	vmul.f32 v25, v30;
	v5 =	vbroadcast v5, $0xF  }
0x17b: {  	v13 =	vor.u32 v16, v20;
	v1 =	vadd.f32 v1, v4;
	v6 =	vmul.f32 v6, v9  }
0x17c: {  	v20 =	vld.idx.msk [tilespmem:v26+s19+$0x0], $0xffff  }
0x17d: {  	v5 =	vmul.f32 v10, v5;
	v1 =	vadd.f32 v25, v1;
	v3 =	vadd.f32 v6, v3  }
0x17e: {  	v2 =	vld.idx.msk [tilespmem:v22+s19+$0x0], $0xffff  }
0x17f: {  	v8, _, _ =	vpop (xrf2);
	(xrf2) =	vadd.scan.msk.f32 $0xffff, v1;
	v1 =	vadd.f32 v5, v3;
	v3 =	vld [tilespmem:$0x1FF40]  }
0x180: {  	v13 =	vld.idx.msk [tilespmem:v13+s19+$0x0], $0xffff  }
0x181: {  	v4 =	vmul.f32 v15, v32;
	v61 =	vmul.f32 v20, v33  }
0x182: {  	v6 =	vbroadcast v8, $0xF  }
0x183: {  	v2 =	vmul.f32 v2, v31;
	v4 =	vadd.f32 v61, v4  }
0x184: {  	v3 =	vmul.f32 v3, v6  }
0x185: {  	v2 =	vadd.f32 v2, v4;
	v4 =	vmul.f32 v13, v30  }
0x186: {  	v1 =	vadd.f32 v3, v1;
	v3 =	vld [tilespmem:$0x1FF50]  }
0x187: {  	v2 =	vadd.f32 v4, v2;
	_ =	sdelay $0x1  }
0x188: {  	v4, _, _ =	vpop (xrf2);
	(xrf2) =	vadd.scan.msk.f32 $0xffff, v2;
	v2 =	vld [tilespmem:$0x1FF60];
	v5 =	vbroadcast v21, $0xF;
	_ =	sdelay $0x1  }
0x189: {  	v40 =	vld [tilespmem:$0x1FF70];
	v3 =	vmul.f32 v3, v5  }
0x18a: {  	v4 =	vbroadcast v4, $0xF;
	_ =	sdelay $0x1  }
0x18b: {  	v0 =	vbroadcast v0, $0xF;
	v2 =	vmul.f32 v2, v4;
	v1 =	vadd.f32 v3, v1  }
0x18c: {  	v3, _, _ =	vpop (xrf2)  }
0x18d: {  	v0 =	vmul.f32 v40, v0;
	v1 =	vadd.f32 v2, v1;
	v2 =	vbroadcast v3, $0xF;
	_ =	sdelay $0x1  }
0x18e: {  	v0 =	vadd.f32 v0, v1;
	v1 =	vmul.f32 v36, v2;
	_ =	sdelay $0x1  }
0x18f: {  	v0 =	vadd.f32 v1, v0;
	v1 =	vld [tilespmem:$0x1FFA0];
	_ =	sdelay $0x2  }
0x190: {  	v2 =	vbroadcast v18, $0xF;
	_ =	sdelay $0x1  }
0x191: {  	v1 =	vmul.f32 v1, v2;
	_ =	sdelay $0x1  }
0x192: {  	v0 =	vadd.f32 v1, v0;
	v1 =	vld [tilespmem:$0x1FF80];
	_ =	sdelay $0x1  }
0x193: {  	v3, _, _ =	vpop (xrf2)  }
0x194: {  	v2 =	vbroadcast v3, $0xF;
	_ =	sdelay $0x1  }
0x195: {  	v1 =	vmul.f32 v1, v2;
	_ =	sdelay $0x1  }
0x196: {  	v0 =	vadd.f32 v1, v0;
	v1 =	vld [tilespmem:$0x1FFB0];
	_ =	sdelay $0x2  }
0x197: {  	v2 =	vbroadcast v7, $0xF;
	_ =	sdelay $0x1  }
0x198: {  	v1 =	vmul.f32 v1, v2;
	_ =	sdelay $0x1  }
0x199: {  	v0 =	vadd.f32 v1, v0;
	v1 =	vld [tilespmem:$0x1FF90];
	_ =	sdelay $0x1  }
0x19a: {  	v4, _, _ =	vpop (xrf2)  }
0x19b: {  	v2 =	vbroadcast v4, $0xF;
	_ =	sdelay $0x1  }
0x19c: {  	v1 =	vmul.f32 v1, v2  }
0x19d: {  	v38 =	vld [tilespmem:$0x1FE00]  }
0x19e: {  	v0 =	vadd.f32 v1, v0;
	v1 =	vld [tilespmem:$0x1FFC0];
	_ =	sdelay $0x2  }
0x19f: {  	v2 =	vbroadcast v55, $0xF  }
0x1a0: {  	s14 =	sadd.s32 $0xFFFFFFF0, s22  }
0x1a1: {  	v3 =	vor.u32 s14, v38;
	v1 =	vmul.f32 v1, v2;
	v2 =	vld [tilespmem:$0x1FE90]  }
0x1a2: {  	v3 =	vbroadcast v3, $0x0  }
0x1a3: {  	v4 =	vld [tilespmem:$0x1FEA0]  }
0x1a4: {  	v3 =	vor.u32 v37, v3;
	_ =	sdelay $0x1  }
0x1a5: {  	v2 =	vor.u32 v2, v38  }
0x1a6: {  	v5 =	vld [tilespmem:$0x1FEE0];
	v0 =	vadd.f32 v1, v0  }
0x1a7: {  	v4 =	vor.u32 v4, v38;
	v1 =	vld [tilespmem:$0x1FED0]  }
0x1a8: {  	[tilespmem:v3+s25+$0x0] =	vst.idx.msk $0xffff, v0;
	v0 =	vld [tilespmem:$0x1FEB0]  }
0x1a9: {  	v3 =	vld [tilespmem:$0x1FEC0]  }
0x1aa: {  	v32 =	vld.idx.msk [tilespmem:v2+s17+$0x0], $0xffff  }
0x1ab: {  	v2 =	vld [tilespmem:$0x1FEF0]  }
0x1ac: {  	v33 =	vld.idx.msk [tilespmem:v4+s17+$0x0], $0xffff  }
0x1ad: {  	v5 =	vadd.s32 v5, v35;
	v4 =	vld [tilespmem:$0x1FF00]  }
0x1ae: {  	v1 =	vadd.s32 v1, v35  }
0x1af: {  	v0 =	vor.u32 v0, v38  }
0x1b0: {  	v2 =	vadd.s32 v2, v35  }
0x1b1: {  	v3 =	vor.u32 v3, v38  }
0x1b2: {  	v5 =	vld.idx.msk [tilespmem:v5+s19+$0x0], $0xffff;
	v4 =	vadd.s32 v4, v35  }
0x1b3: {  	v1 =	vld.idx.msk [tilespmem:v1+s19+$0x0], $0xffff  }
0x1b4: {  	v31 =	vld.idx.msk [tilespmem:v0+s17+$0x0], $0xffff  }
0x1b5: {  	v0 =	vld.idx.msk [tilespmem:v2+s19+$0x0], $0xffff  }
0x1b6: {  	v30 =	vld.idx.msk [tilespmem:v3+s17+$0x0], $0xffff  }
0x1b7: {  	v2 =	vld.idx.msk [tilespmem:v4+s19+$0x0], $0xffff  }
0x1b8: {  	v3 =	vmul.f32 v5, v33;
	v1 =	vmul.f32 v1, v32;
	_ =	sdelay $0x1  }
0x1b9: {  	v1 =	vadd.f32 v3, v1;
	v0 =	vmul.f32 v0, v31;
	_ =	sdelay $0x1  }
0x1ba: {  	v0 =	vadd.f32 v0, v1;
	v1 =	vmul.f32 v2, v30;
	_ =	sdelay $0x1  }
0x1bb: {  	v0 =	vadd.f32 v1, v0;
	_ =	sdelay $0x1  }
0x1bc: {  	(xrf2) =	vadd.scan.msk.f32 $0xffff, v0;
	_ =	sdelay $0x5  }
0x1bd: {  	s20 =	sadd.s32 s20, s21  }
0x1be: {  	s22 =	simm.s32 $0x800;
	s21 =	sadd.s32 $0x1, s20;
	v34 =	vadd.s32 $0x2400, v35  }
0x1bf: {  	v1 =	vadd.s32 s22, v34;
	v0 =	vmov s21  }
0x1c0: {  	s26 =	simm.s32 $0x700;
	v2 =	vor.u32 v16, v1  }
0x1c1: {  	v4 =	vadd.s32 s26, v34;
	v5 =	vor.u32 v14, v1;
	v3, _, _ =	vpop (xrf2)  }
0x1c2: {  	v6 =	vor.u32 v16, v4;
	v3 =	vbroadcast v3, $0xF  }
0x1c3: {  	v7 =	vor.u32 v37, v1  }
0x1c4: {  	v8 =	vor.u32 v14, v4;
	[tilespmem:v0+s24+$0x0] =	vst.idx.msk $0x1, v3  }
0x1c5: {  	s12 =	simm.s32 $0x580;
	v63 =	vor.u32 v37, v4;
	v2 =	vld.idx.msk [tilespmem:v2+s19+$0x0], $0xffff  }
0x1c6: {  	v39 =	vadd.s32 s12, v34;
	s12 =	simm.s32 $0x300;
	v4 =	vor.u32 v12, v4;
	v42 =	vld.idx.msk [tilespmem:v5+s19+$0x0], $0xffff  }
0x1c7: {  	s10 =	simm.s32 $0x680;
	v20 =	vadd.s32 s12, v34;
	v13 =	vor.u32 v16, v39;
	v35 =	vld.idx.msk [tilespmem:v6+s19+$0x0], $0xffff  }
0x1c8: {  	v25 =	vor.u32 v16, v20;
	v36 =	vadd.s32 s10, v34;
	v7 =	vld.idx.msk [tilespmem:v7+s19+$0x0], $0xffff  }
0x1c9: {  	s11 =	simm.s32 $0x600;
	v0 =	vor.u32 v12, v1;
	v1 =	vor.u32 v16, v36;
	v56 =	vld.idx.msk [tilespmem:v8+s19+$0x0], $0xffff  }
0x1ca: {  	v3 =	vadd.s32 s11, v34;
	v55 =	vld.idx.msk [tilespmem:v63+s19+$0x0], $0xffff  }
0x1cb: {  	s21 =	simm.s32 $0x480;
	v62 =	vor.u32 v16, v3;
	v4 =	vld.idx.msk [tilespmem:v4+s19+$0x0], $0xffff  }
0x1cc: {  	v41 =	vadd.s32 s21, v34;
	v15 =	vor.u32 v14, v3;
	v5 =	vld.idx.msk [tilespmem:v13+s19+$0x0], $0xffff  }
0x1cd: {  	v21 =	vor.u32 v16, v41;
	v57 =	vld.idx.msk [tilespmem:v25+s19+$0x0], $0xffff  }
0x1ce: {  	s11 =	simm.s32 $0x400;
	v18 =	vor.u32 v37, v3;
	v1 =	vld.idx.msk [tilespmem:v1+s19+$0x0], $0xffff  }
0x1cf: {  	v19 =	vadd.s32 s11, v34;
	v3 =	vor.u32 v12, v3;
	v0 =	vld.idx.msk [tilespmem:v0+s19+$0x0], $0xffff  }
0x1d0: {  	s10 =	simm.s32 $0x380;
	v23 =	vor.u32 v16, v19;
	v9 =	vld.idx.msk [tilespmem:v62+s19+$0x0], $0xffff  }
0x1d1: {  	v29 =	vor.u32 v14, v20;
	v44 =	vadd.s32 s10, v34;
	s26 =	simm.s32 $0x280;
	v27 =	vor.u32 v14, v19;
	v15 =	vld.idx.msk [tilespmem:v15+s19+$0x0], $0xffff  }
0x1d2: {  	v43 =	vor.u32 v14, v44;
	v46 =	vor.u32 v37, v44;
	s14 =	simm.s32 $0x500;
	v45 =	vadd.s32 s26, v34;
	s26 =	simm.s32 $0x100;
	[tilespmem:$0x1FDD0] =	vst v5;
	v5 =	vld.idx.msk [tilespmem:v21+s19+$0x0], $0xffff  }
0x1d3: {  	v26 =	vadd.s32 s26, v34;
	v47 =	vor.u32 v16, v45;
	v18 =	vld.idx.msk [tilespmem:v18+s19+$0x0], $0xffff;
	[tilespmem:$0x1FDC0] =	vst v1;
	v1 =	vadd.s32 s14, v34  }
0x1d4: {  	v51 =	vor.u32 v37, v45;
	v49 =	vor.u32 v12, v45;
	s21 =	simm.s32 $0x80;
	v3 =	vld.idx.msk [tilespmem:v3+s19+$0x0], $0xffff;
	v17 =	vor.u32 v16, v1  }
0x1d5: {  	v61 =	vor.u32 v14, v26;
	v50 =	vadd.s32 s21, v34;
	v54 =	vld.idx.msk [tilespmem:v23+s19+$0x0], $0xffff;
	v22 =	vor.u32 v14, v1  }
0x1d6: {  	v59 =	vor.u32 v14, v50;
	v6 =	vor.u32 v37, v20;
	v63 =	vld.idx.msk [tilespmem:v27+s19+$0x0], $0xffff;
	v24 =	vor.u32 v37, v1  }
0x1d7: {  	s11 =	simm.s32 $0x180;
	v1 =	vor.u32 v12, v1;
	[tilespmem:$0x1FDE0] =	vst v5;
	v5 =	vor.u32 v12, v20;
	v20 =	vld.idx.msk [tilespmem:v29+s19+$0x0], $0xffff  }
0x1d8: {  	v48 =	vadd.s32 s11, v34;
	v28 =	vor.u32 v37, v19;
	v19 =	vor.u32 v12, v19;
	v29 =	vld [tilespmem:$0x1FF60]  }
0x1d9: {  	v52 =	vor.u32 v16, v48;
	v7 =	vmul.f32 v7, v32;
	v4 =	vmul.f32 v4, v33;
	s14 =	simm.s32 $0x200;
	v53 =	vld.idx.msk [tilespmem:v17+s19+$0x0], $0xffff  }
0x1da: {  	v62 =	vor.u32 v16, v26;
	v0 =	vmul.f32 v0, v33;
	v13 =	vadd.s32 s14, v34;
	v60 =	vld.idx.msk [tilespmem:v22+s19+$0x0], $0xffff  }
0x1db: {  	v3 =	vmul.f32 v3, v33;
	v58 =	vor.u32 v16, v13;
	v8 =	vor.u32 v14, v13;
	v11 =	vld.idx.msk [tilespmem:v24+s19+$0x0], $0xffff  }
0x1dc: {  	v0 =	vadd.f32 v0, v7;
	v7 =	vmul.f32 v55, v32;
	v21 =	vld.idx.msk [tilespmem:v1+s19+$0x0], $0xffff;
	v1 =	vmul.f32 v42, v31  }
0x1dd: {  	v55 =	vor.u32 v16, v50;
	v23 =	vor.u32 v37, v13;
	v17 =	vor.u32 v16, v44;
	v24 =	vld.idx.msk [tilespmem:v28+s19+$0x0], $0xffff  }
0x1de: {  	v22 =	vor.u32 v12, v13;
	v28 =	vld.idx.msk [tilespmem:v19+s19+$0x0], $0xffff;
	v19 =	vlaneseq.u32;
	v0 =	vadd.f32 v1, v0  }
0x1df: {  	v37 =	vld [tilespmem:$0x1FF10];
	v1 =	vmul.f32 v2, v30;
	v2 =	vadd.f32 v4, v7;
	v4 =	vmul.f32 v56, v31  }
0x1e0: {  	v58 =	vld.idx.msk [tilespmem:v58+s19+$0x0], $0xffff;
	v25 =	vor.u32 v19, v26;
	v26 =	vor.u32 v12, v26;
	v7 =	vmul.f32 v18, v32  }
0x1e1: {  	v0 =	vadd.f32 v1, v0;
	v1 =	vadd.f32 v4, v2;
	v4 =	vor.u32 $0x40, v38;
	v38 =	vld [tilespmem:$0x1FF20]  }
0x1e2: {  	v27 =	vor.u32 v19, v50;
	v56 =	vor.u32 v19, v48;
	v2 =	vmul.f32 v35, v30;
	v42 =	vld.idx.msk [tilespmem:v17+s19+$0x0], $0xffff  }
0x1e3: {  	v3 =	vadd.f32 v3, v7;
	v7 =	vmul.f32 v15, v31;
	(xrf2) =	vadd.scan.msk.f32 $0xffff, v0;
	v0 =	vld.idx.msk [tilespmem:v6+s19+$0x0], $0xffff  }
0x1e4: {  	[tilespmem:$0x1FDF0] =	vst v4;
	v4 =	vmul.f32 v11, v32;
	v2 =	vadd.f32 v2, v1;
	v1 =	vld.idx.msk [tilespmem:v5+s19+$0x0], $0xffff  }
0x1e5: {  	s9 =	simm.s32 $0x20;
	s21 =	simm.s32 $0x10;
	v6 =	vmul.f32 v21, v33;
	v3 =	vadd.f32 v7, v3;
	v21 =	vld.idx.msk [tilespmem:v8+s19+$0x0], $0xffff;
	v5 =	vmul.f32 v9, v30  }
.LBB2_7:
0x1e6: {  	v7 =	vld.idx.msk [tilespmem:v23+s19+$0x0], $0xffff  }
0x1e7: {  	v11 =	vld.idx.msk [tilespmem:v62+s19+$0x0], $0xffff  }
0x1e8: {  	v13 =	vld.idx.msk [tilespmem:v25+s19+$0x0], $0xffff;
	v15 =	vor.u32 v12, v48;
	v4 =	vadd.f32 v6, v4  }
0x1e9: {  	(xrf2) =	vadd.scan.msk.f32 $0xffff, v2;
	v3 =	vadd.f32 v5, v3;
	v8 =	vmul.f32 v24, v32;
	v6 =	vmul.f32 v60, v31  }
0x1ea: {  	v17 =	vld.idx.msk [tilespmem:v27+s19+$0x0], $0xffff;
	v5 =	vor.u32 v12, v50;
	v9 =	vmul.f32 v28, v33;
	v0 =	vmul.f32 v0, v32  }
0x1eb: {  	v2 =	vld.idx.msk [tilespmem:v22+s19+$0x0], $0xffff;
	v1 =	vmul.f32 v1, v33;
	v4 =	vadd.f32 v6, v4;
	v6 =	vmul.f32 v53, v30  }
0x1ec: {  	(xrf2) =	vadd.scan.msk.f32 $0xffff, v3;
	v3 =	vld.idx.msk [tilespmem:v26+s19+$0x0], $0xffff;
	v8 =	vadd.f32 v9, v8;
	v53 =	vmul.f32 v63, v31  }
0x1ed: {  	v18 =	vld.idx.msk [tilespmem:v59+s19+$0x0], $0xffff;
	v0 =	vadd.f32 v1, v0;
	v1 =	vmul.f32 v20, v31;
	v4 =	vadd.f32 v6, v4  }
0x1ee: {  	v54 =	vmul.f32 v54, v30;
	v6 =	vld.idx.msk [tilespmem:v61+s19+$0x0], $0xffff;
	v8 =	vadd.f32 v53, v8;
	v61 =	vor.u32 v14, v48  }
0x1ef: {  	v0 =	vadd.f32 v1, v0;
	v1 =	vmul.f32 v57, v30;
	(xrf2) =	vadd.scan.msk.f32 $0xffff, v4;
	v4 =	vld.idx.msk [tilespmem:v5+s19+$0x0], $0xffff  }
0x1f0: {  	v2 =	vmul.f32 v2, v33;
	v5 =	vmul.f32 v7, v32;
	v7 =	vadd.f32 v54, v8;
	v8 =	vld.idx.msk [tilespmem:v55+s19+$0x0], $0xffff  }
0x1f1: {  	v3 =	vmul.f32 v3, v33;
	v0 =	vadd.f32 v1, v0;
	v1 =	vld.idx.msk [tilespmem:v15+s19+$0x0], $0xffff  }
0x1f2: {  	v60, _, _ =	vpop (xrf2);
	v15 =	vor.u32 v14, v45;
	v2 =	vadd.f32 v2, v5;
	v5 =	vmul.f32 v21, v31;
	(xrf2) =	vadd.scan.msk.f32 $0xffff, v7  }
0x1f3: {  	v62, _, _ =	vpop (xrf2);
	v7 =	vmul.f32 v13, v32;
	v13 =	vld.idx.msk [tilespmem:v56+s19+$0x0], $0xffff;
	(xrf2) =	vadd.scan.msk.f32 $0xffff, v0;
	v0 =	vmul.f32 v17, v32  }
0x1f4: {  	v9 =	vld.idx.msk [tilespmem:v61+s19+$0x0], $0xffff;
	v2 =	vadd.f32 v5, v2;
	v5 =	vmul.f32 v58, v30;
	v4 =	vmul.f32 v4, v33  }
0x1f5: {  	v35 =	vor.u32 v12, v44;
	v6 =	vmul.f32 v6, v31;
	v17 =	vld.idx.msk [tilespmem:v49+s19+$0x0], $0xffff;
	v3 =	vadd.f32 v3, v7  }
0x1f6: {  	v7 =	vld.idx.msk [tilespmem:v52+s19+$0x0], $0xffff;
	v2 =	vadd.f32 v5, v2;
	v0 =	vadd.f32 v4, v0;
	v4 =	vmul.f32 v18, v31  }
0x1f7: {  	v1 =	vmul.f32 v1, v33;
	v3 =	vadd.f32 v6, v3;
	v5 =	vmul.f32 v11, v30;
	v6 =	vld.idx.msk [tilespmem:v51+s19+$0x0], $0xffff  }
0x1f8: {  	v63, _, _ =	vpop (xrf2);
	(xrf2) =	vadd.scan.msk.f32 $0xffff, v2;
	v2 =	vmul.f32 v8, v30;
	v0 =	vadd.f32 v4, v0;
	v4 =	vmul.f32 v13, v32  }
0x1f9: {  	v18 =	vor.u32 v12, v41;
	v3 =	vadd.f32 v5, v3;
	v13 =	vld.idx.msk [tilespmem:v15+s19+$0x0], $0xffff  }
0x1fa: {  	v15 =	vld.idx.msk [tilespmem:v46+s19+$0x0], $0xffff;
	v0 =	vadd.f32 v2, v0;
	v1 =	vadd.f32 v1, v4;
	v2 =	vmul.f32 v9, v31  }
0x1fb: {  	v8 =	vor.u32 v19, v41;
	v51, _, _ =	vpop (xrf2);
	(xrf2) =	vadd.scan.msk.f32 $0xffff, v3;
	v3 =	vld.idx.msk [tilespmem:v35+s19+$0x0], $0xffff;
	v4 =	vmul.f32 v7, v30  }
0x1fc: {  	v5 =	vld.idx.msk [tilespmem:v47+s19+$0x0], $0xffff;
	v1 =	vadd.f32 v2, v1;
	v2 =	vmul.f32 v6, v32;
	v6 =	vmul.f32 v17, v33  }
0x1fd: {  	v19 =	vor.u32 v14, v41;
	v7 =	vld.idx.msk [tilespmem:v43+s19+$0x0], $0xffff  }
0x1fe: {  	v52, _, _ =	vpop (xrf2);
	(xrf2) =	vadd.scan.msk.f32 $0xffff, v0;
	v10 =	vadd.f32 v4, v1;
	v2 =	vadd.f32 v6, v2;
	v4 =	vmul.f32 v13, v31;
	_ =	sdelay $0x1  }
0x1ff: {  	v0 =	vld.idx.msk [tilespmem:v8+s19+$0x0], $0xffff;
	v3 =	vmul.f32 v3, v33;
	v2 =	vadd.f32 v4, v2;
	v4 =	vmul.f32 v15, v32  }
0x200: {  	v6 =	vld.idx.msk [tilespmem:v18+s19+$0x0], $0xffff  }
0x201: {  	v3 =	vadd.f32 v3, v4;
	v4 =	vmul.f32 v7, v31  }
0x202: {  	v58 =	vlaneseq.u32;
	v5 =	vmul.f32 v5, v30;
	v13 =	vld.idx.msk [tilespmem:v19+s19+$0x0], $0xffff  }
0x203: {  	v53 =	vor.u32 v58, v39;
	v17, _, _ =	vpop (xrf2);
	(xrf2) =	vadd.scan.msk.f32 $0xffff, v10;
	v7 =	vmul.f32 v42, v30;
	v3 =	vadd.f32 v4, v3  }
0x204: {  	v2 =	vadd.f32 v5, v2  }
0x205: {  	v1, _, _ =	vpop (xrf2);
	v0 =	vmul.f32 v0, v32;
	v4 =	vmul.f32 v6, v33;
	v3 =	vadd.f32 v7, v3  }
0x206: {  	v57 =	vld [tilespmem:$0x1FDE0];
	v22, _, _ =	vpop (xrf2);
	(xrf2) =	vadd.scan.msk.f32 $0xffff, v2  }
0x207: {  	v0 =	vadd.f32 v4, v0;
	v4 =	vmul.f32 v13, v31;
	v13, _, _ =	vpop (xrf2);
	(xrf2) =	vadd.scan.msk.f32 $0xffff, v3;
	v3 =	vld [tilespmem:$0x1FE80]  }
0x208: {  	v9 =	vld.idx.msk [tilespmem:v53+s19+$0x0], $0xffff;
	v15 =	vor.u32 v12, v36;
	_ =	sdelay $0x1  }
0x209: {  	v13 =	vbroadcast v13, $0xF  }
0x20a: {  	v8 =	vor.u32 v12, v39;
	v59 =	vbroadcast v22, $0xF  }
0x20b: {  	v10 =	vmul.f32 v57, v30;
	v0 =	vadd.f32 v4, v0;
	v3 =	vmul.f32 v3, v13  }
0x20c: {  	v7 =	vld.idx.msk [tilespmem:v15+s19+$0x0], $0xffff;
	v4 =	vmul.f32 v9, v32;
	v9 =	vmul.f32 v37, v59;
	v15, _, _ =	vpop (xrf2)  }
0x20d: {  	v0 =	vadd.f32 v10, v0;
	v15 =	vbroadcast v15, $0xF;
	v3 =	vadd.f32 $0.0e+00, v3  }
0x20e: {  	v54 =	vor.u32 v14, v39  }
0x20f: {  	(xrf2) =	vadd.scan.msk.f32 $0xffff, v0;
	v0 =	vadd.f32 v9, v3;
	v3 =	vmul.f32 v38, v15  }
0x210: {  	v18 =	vor.u32 v58, v36;
	v5 =	vld.idx.msk [tilespmem:v8+s19+$0x0], $0xffff  }
0x211: {  	v0 =	vadd.f32 v3, v0;
	v3 =	vld [tilespmem:$0x1FFE0];
	_ =	sdelay $0x1  }
0x212: {  	v8 =	vld.idx.msk [tilespmem:v54+s19+$0x0], $0xffff  }
0x213: {  	v1 =	vbroadcast v1, $0xF  }
0x214: {  	v6 =	vld.idx.msk [tilespmem:v18+s19+$0x0], $0xffff  }
0x215: {  	v5 =	vmul.f32 v5, v33;
	v1 =	vmul.f32 v3, v1;
	_ =	sdelay $0x1  }
0x216: {  	v4 =	vadd.f32 v5, v4;
	v5 =	vmul.f32 v8, v31;
	v0 =	vadd.f32 v1, v0;
	v1 =	vld [tilespmem:$0x1FF30]  }
0x217: {  	v2 =	vld [tilespmem:$0x1FDD0]  }
0x218: {  	v4 =	vadd.f32 v5, v4;
	v5 =	vmul.f32 v6, v32;
	v6 =	vmul.f32 v7, v33;
	v7, _, _ =	vpop (xrf2)  }
0x219: {  	v3 =	vbroadcast v7, $0xF;
	_ =	sdelay $0x1  }
0x21a: {  	s10 =	sadd.s32 $0xFFFFFF80, s22;
	v1 =	vmul.f32 v1, v3  }
0x21b: {  	v20 =	vadd.s32 s10, v34;
	v19 =	vor.u32 v14, v36;
	v2 =	vmul.f32 v2, v30  }
0x21c: {  	v55 =	vor.u32 v58, v20;
	v0 =	vadd.f32 v1, v0;
	v1 =	vld [tilespmem:$0x1FFF0]  }
0x21d: {  	v23 =	vor.u32 v12, v20;
	v2 =	vadd.f32 v2, v4;
	_ =	sdelay $0x1  }
0x21e: {  	v56 =	vld [tilespmem:$0x1FDC0];
	(xrf2) =	vadd.scan.msk.f32 $0xffff, v2;
	v2 =	vbroadcast v17, $0xF  }
0x21f: {  	v19 =	vld.idx.msk [tilespmem:v19+s19+$0x0], $0xffff  }
0x220: {  	v11 =	vld.idx.msk [tilespmem:v55+s19+$0x0], $0xffff;
	v1 =	vmul.f32 v1, v2  }
0x221: {  	v21 =	vor.u32 v14, v20;
	v8 =	vld.idx.msk [tilespmem:v23+s19+$0x0], $0xffff  }
0x222: {  	v0 =	vadd.f32 v1, v0;
	v1 =	vld [tilespmem:$0x1FF40];
	_ =	sdelay $0x1  }
0x223: {  	v4 =	vadd.f32 v6, v5;
	v5 =	vmul.f32 v19, v31;
	v7, _, _ =	vpop (xrf2)  }
0x224: {  	v13 =	vor.u32 v16, v20;
	v2 =	vbroadcast v7, $0xF  }
0x225: {  	v18 =	vmul.f32 v56, v30;
	v20 =	vld.idx.msk [tilespmem:v21+s19+$0x0], $0xffff;
	v8 =	vmul.f32 v8, v33;
	v4 =	vadd.f32 v5, v4  }
0x226: {  	v5 =	vmul.f32 v11, v32;
	v1 =	vmul.f32 v1, v2  }
0x227: {  	v3 =	vadd.f32 v18, v4  }
0x228: {  	v4 =	vadd.f32 v8, v5;
	v0 =	vadd.f32 v1, v0;
	v1 =	vld [tilespmem:$0x1FF50]  }
0x229: {  	v6 =	vld.idx.msk [tilespmem:v13+s19+$0x0], $0xffff  }
0x22a: {  	v5 =	vmul.f32 v20, v31  }
0x22b: {  	v2 =	vbroadcast v52, $0xF  }
0x22c: {  	v7 =	vadd.f32 v5, v4;
	v4, _, _ =	vpop (xrf2)  }
0x22d: {  	v1 =	vmul.f32 v1, v2;
	v2 =	vbroadcast v4, $0xF  }
0x22e: {  	v5 =	vmul.f32 v6, v30  }
0x22f: {  	v0 =	vadd.f32 v1, v0;
	v1 =	vmul.f32 v29, v2;
	v2 =	vbroadcast v51, $0xF;
	_ =	sdelay $0x1  }
0x230: {  	(xrf2) =	vadd.scan.msk.f32 $0xffff, v3;
	v3 =	vadd.f32 v5, v7;
	v0 =	vadd.f32 v1, v0;
	v1 =	vmul.f32 v40, v2;
	_ =	sdelay $0x1  }
0x231: {  	v0 =	vadd.f32 v1, v0;
	v1 =	vld [tilespmem:$0x1FFD0];
	_ =	sdelay $0x1  }
0x232: {  	(xrf2) =	vadd.scan.msk.f32 $0xffff, v3;
	v3, _, _ =	vpop (xrf2)  }
0x233: {  	v2 =	vbroadcast v3, $0xF;
	_ =	sdelay $0x1  }
0x234: {  	v1 =	vmul.f32 v1, v2;
	_ =	sdelay $0x1  }
0x235: {  	v0 =	vadd.f32 v1, v0;
	v1 =	vld [tilespmem:$0x1FFA0];
	_ =	sdelay $0x2  }
0x236: {  	v2 =	vbroadcast v63, $0xF;
	_ =	sdelay $0x1  }
0x237: {  	v1 =	vmul.f32 v1, v2;
	_ =	sdelay $0x1  }
0x238: {  	v0 =	vadd.f32 v1, v0;
	v1 =	vld [tilespmem:$0x1FF80];
	_ =	sdelay $0x1  }
0x239: {  	v3, _, _ =	vpop (xrf2)  }
0x23a: {  	v2 =	vbroadcast v3, $0xF;
	_ =	sdelay $0x1  }
0x23b: {  	v1 =	vmul.f32 v1, v2;
	_ =	sdelay $0x1  }
0x23c: {  	v0 =	vadd.f32 v1, v0;
	v1 =	vld [tilespmem:$0x1FFB0];
	_ =	sdelay $0x2  }
0x23d: {  	v2 =	vbroadcast v62, $0xF;
	_ =	sdelay $0x1  }
0x23e: {  	v1 =	vmul.f32 v1, v2;
	_ =	sdelay $0x1  }
0x23f: {  	v0 =	vadd.f32 v1, v0;
	v1 =	vld [tilespmem:$0x1FF90];
	_ =	sdelay $0x1  }
0x240: {  	v4, _, _ =	vpop (xrf2)  }
0x241: {  	v3 =	vld [tilespmem:$0x1FDF0];
	v2 =	vbroadcast v4, $0xF;
	_ =	sdelay $0x1  }
0x242: {  	v1 =	vmul.f32 v1, v2;
	_ =	sdelay $0x1  }
0x243: {  	s11 =	sadd.s32 $0xFFFFFFF0, s21;
	v0 =	vadd.f32 v1, v0;
	v1 =	vld [tilespmem:$0x1FFC0]  }
0x244: {  	v3 =	vor.u32 s11, v3  }
0x245: {  	v3 =	vbroadcast v3, $0x0  }
0x246: {  	s22 =	sshll.u32 s9, $0x7;
	v2 =	vbroadcast v60, $0xF  }
0x247: {  	v3 =	vor.u32 v58, v3;
	v4 =	vadd.s32 s22, v34  }
0x248: {  	s14 =	sadd.s32 $0xFFFFFE80, s22;
	s11 =	sadd.s32 $0xFFFFFD80, s22;
	v5 =	vor.u32 v16, v4;
	v1 =	vmul.f32 v1, v2  }
0x249: {  	v36 =	vadd.s32 s14, v34;
	s14 =	sadd.s32 $0xFFFFFC80, s22;
	v39 =	vadd.s32 s11, v34;
	v6 =	vor.u32 v14, v4  }
0x24a: {  	v41 =	vadd.s32 s14, v34;
	s14 =	sadd.s32 $0xFFFFFB00, s22;
	v13 =	vor.u32 v16, v39;
	v0 =	vadd.f32 v1, v0  }
0x24b: {  	v21 =	vor.u32 v16, v41;
	v20 =	vadd.s32 s14, v34  }
0x24c: {  	v25 =	vor.u32 v16, v20;
	[tilespmem:v3+s25+$0x0] =	vst.idx.msk $0xffff, v0  }
0x24d: {  	v29 =	vor.u32 v14, v20;
	v3 =	vld.idx.msk [tilespmem:v5+s19+$0x0], $0xffff  }
0x24e: {  	s12 =	sadd.s32 $0xFFFFFF00, s22;
	v6 =	vld.idx.msk [tilespmem:v6+s19+$0x0], $0xffff  }
0x24f: {  	v2 =	vadd.s32 s12, v34;
	v0 =	vor.u32 v16, v36;
	v62 =	vld.idx.msk [tilespmem:v13+s19+$0x0], $0xffff  }
0x250: {  	v7 =	vor.u32 v16, v2;
	v63 =	vld.idx.msk [tilespmem:v21+s19+$0x0], $0xffff  }
0x251: {  	v8 =	vor.u32 v14, v2;
	v57 =	vld.idx.msk [tilespmem:v25+s19+$0x0], $0xffff  }
0x252: {  	v35 =	vor.u32 v58, v20;
	v37 =	vor.u32 v12, v20;
	v61 =	vor.u32 v58, v2;
	v20 =	vld.idx.msk [tilespmem:v29+s19+$0x0], $0xffff  }
0x253: {  	v2 =	vor.u32 v12, v2;
	v29 =	vld [tilespmem:$0x1FF60]  }
0x254: {  	s26 =	sadd.s32 $0xFFFFFE00, s22;
	v1 =	vor.u32 v58, v4;
	v0 =	vld.idx.msk [tilespmem:v0+s19+$0x0], $0xffff  }
0x255: {  	v4 =	vor.u32 v12, v4;
	v5 =	vadd.s32 s26, v34;
	v7 =	vld.idx.msk [tilespmem:v7+s19+$0x0], $0xffff  }
0x256: {  	v60 =	vor.u32 v16, v5;
	v8 =	vld.idx.msk [tilespmem:v8+s19+$0x0], $0xffff  }
0x257: {  	v15 =	vor.u32 v14, v5;
	v11 =	vld.idx.msk [tilespmem:v61+s19+$0x0], $0xffff  }
0x258: {  	s12 =	sadd.s32 $0xFFFFFD00, s22;
	v18 =	vor.u32 v58, v5;
	v2 =	vld.idx.msk [tilespmem:v2+s19+$0x0], $0xffff  }
0x259: {  	v5 =	vor.u32 v12, v5;
	v1 =	vld.idx.msk [tilespmem:v1+s19+$0x0], $0xffff;
	[tilespmem:$0x1FDC0] =	vst v0;
	v0 =	vadd.s32 s12, v34  }
0x25a: {  	s14 =	sadd.s32 $0xFFFFF880, s22;
	v4 =	vld.idx.msk [tilespmem:v4+s19+$0x0], $0xffff;
	v17 =	vor.u32 v16, v0  }
0x25b: {  	v50 =	vadd.s32 s14, v34;
	v9 =	vld.idx.msk [tilespmem:v60+s19+$0x0], $0xffff;
	v22 =	vor.u32 v14, v0  }
0x25c: {  	v55 =	vor.u32 v16, v50;
	s11 =	sadd.s32 $0xFFFFFB80, s22;
	v15 =	vld.idx.msk [tilespmem:v15+s19+$0x0], $0xffff;
	s12 =	sadd.s32 $0xFFFFFC00, s22;
	v24 =	vor.u32 v58, v0  }
0x25d: {  	v44 =	vadd.s32 s11, v34;
	s11 =	sadd.s32 $0xFFFFF980, s22;
	v18 =	vld.idx.msk [tilespmem:v18+s19+$0x0], $0xffff;
	v19 =	vadd.s32 s12, v34;
	v0 =	vor.u32 v12, v0  }
0x25e: {  	v59 =	vor.u32 v14, v50;
	v48 =	vadd.s32 s11, v34;
	v5 =	vld.idx.msk [tilespmem:v5+s19+$0x0], $0xffff;
	v23 =	vor.u32 v16, v19  }
0x25f: {  	v43 =	vor.u32 v14, v44;
	v46 =	vor.u32 v58, v44;
	v27 =	vor.u32 v14, v19;
	v53 =	vld.idx.msk [tilespmem:v17+s19+$0x0], $0xffff  }
0x260: {  	v52 =	vor.u32 v16, v48;
	v56 =	vor.u32 v58, v48;
	s26 =	sadd.s32 $0xFFFFFA80, s22;
	s12 =	sadd.s32 $0xFFFFFA00, s22;
	v28 =	vor.u32 v58, v19;
	v60 =	vld.idx.msk [tilespmem:v22+s19+$0x0], $0xffff  }
0x261: {  	v45 =	vadd.s32 s26, v34;
	v13 =	vadd.s32 s12, v34;
	v19 =	vor.u32 v12, v19;
	v40 =	vld.idx.msk [tilespmem:v24+s19+$0x0], $0xffff  }
0x262: {  	s26 =	sadd.s32 $0xFFFFF900, s22;
	v47 =	vor.u32 v16, v45;
	v51 =	vor.u32 v58, v45;
	v21 =	vor.u32 v16, v13;
	v10 =	vld.idx.msk [tilespmem:v0+s19+$0x0], $0xffff  }
0x263: {  	v26 =	vadd.s32 s26, v34;
	v49 =	vor.u32 v12, v45;
	[tilespmem:$0x1FDD0] =	vst v62;
	v38 =	vor.u32 v14, v13;
	v54 =	vld.idx.msk [tilespmem:v23+s19+$0x0], $0xffff  }
0x264: {  	v61 =	vor.u32 v14, v26;
	v25 =	vor.u32 v58, v26;
	[tilespmem:$0x1FDE0] =	vst v63;
	v63 =	vld.idx.msk [tilespmem:v27+s19+$0x0], $0xffff  }
0x265: {  	v17 =	vor.u32 v16, v44;
	v0 =	vmul.f32 v1, v32;
	v1 =	vmul.f32 v4, v33;
	v24 =	vld.idx.msk [tilespmem:v28+s19+$0x0], $0xffff  }
0x266: {  	v62 =	vor.u32 v16, v26;
	v2 =	vmul.f32 v2, v33;
	v4 =	vmul.f32 v11, v32;
	v28 =	vld.idx.msk [tilespmem:v19+s19+$0x0], $0xffff  }
0x267: {  	v23 =	vor.u32 v58, v13;
	v0 =	vadd.f32 v1, v0;
	v1 =	vmul.f32 v6, v31;
	v58 =	vld.idx.msk [tilespmem:v21+s19+$0x0], $0xffff  }
0x268: {  	v26 =	vor.u32 v12, v26;
	v5 =	vmul.f32 v5, v33;
	v2 =	vadd.f32 v2, v4;
	v21 =	vld.idx.msk [tilespmem:v38+s19+$0x0], $0xffff  }
0x269: {  	p0 =	sne.s32 s9, $0x40;
	v4 =	vmul.f32 v18, v32;
	v38 =	vld [tilespmem:$0x1FF20];
	v0 =	vadd.f32 v1, v0;
	v1 =	vmul.f32 v3, v30  }
.Ltmp2:
0x26a: {  	v22 =	vor.u32 v12, v13;
	v19 =	vlaneseq.u32;
	v3 =	vmul.f32 v8, v31;
	v42 =	vld.idx.msk [tilespmem:v17+s19+$0x0], $0xffff;
	(pc) =	sbr.rel @p0 .LBB2_7-.Ltmp2, $4  }
0x26b: {  	v5 =	vadd.f32 v5, v4;
	v4 =	vmul.f32 v40, v32;
	v40 =	vld [tilespmem:$0x1FF70];
	v1 =	vadd.f32 v1, v0  }
0x26c: {  	v2 =	vadd.f32 v3, v2;
	v3 =	vmul.f32 v7, v30;
	v0 =	vld.idx.msk [tilespmem:v35+s19+$0x0], $0xffff;
	v7 =	vmul.f32 v15, v31  }
0x26d: {  	v27 =	vor.u32 v19, v50;
	v6 =	vmul.f32 v10, v33;
	(xrf2) =	vadd.scan.msk.f32 $0xffff, v1;
	v1 =	vld.idx.msk [tilespmem:v37+s19+$0x0], $0xffff  }
0x26e: {  	s21 =	smov.u32 s9;
	s9 =	sadd.s32 $0x10, s9;
	v37 =	vld [tilespmem:$0x1FF10];
	v2 =	vadd.f32 v3, v2;
	v3 =	vadd.f32 v7, v5;
	v5 =	vmul.f32 v9, v30  }
0x26f: {  	_ =	sdelay $0x2  }
0x270: {  	v4 =	vadd.f32 v6, v4;
	v6 =	vmul.f32 v60, v31  }
0x271: {  	v7 =	vld.idx.msk [tilespmem:v23+s19+$0x0], $0xffff;
	v8 =	vmul.f32 v24, v32;
	v9 =	vmul.f32 v28, v33  }
0x272: {  	v10 =	vld.idx.msk [tilespmem:v22+s19+$0x0], $0xffff;
	v11 =	vmul.f32 v53, v30;
	v53 =	vmul.f32 v63, v31  }
0x273: {  	v60 =	vld.idx.msk [tilespmem:v61+s19+$0x0], $0xffff;
	v61 =	vmul.f32 v54, v30;
	v3 =	vadd.f32 v5, v3;
	v5 =	vor.u32 v12, v50  }
0x274: {  	v13 =	vor.u32 v12, v48;
	v15 =	vld.idx.msk [tilespmem:v27+s19+$0x0], $0xffff;
	v17 =	vmul.f32 v57, v30;
	v63 =	vmul.f32 v21, v31  }
0x275: {  	v45 =	vor.u32 v14, v45;
	(xrf2) =	vadd.scan.msk.f32 $0xffff, v2;
	v2 =	vld.idx.msk [tilespmem:v25+s19+$0x0], $0xffff;
	v4 =	vadd.f32 v6, v4  }
0x276: {  	v6 =	vld.idx.msk [tilespmem:v62+s19+$0x0], $0xffff;
	v8 =	vadd.f32 v9, v8;
	v0 =	vmul.f32 v0, v32;
	v1 =	vmul.f32 v1, v33  }
0x277: {  	v62 =	vor.u32 v14, v48;
	(xrf2) =	vadd.scan.msk.f32 $0xffff, v3;
	v3 =	vld.idx.msk [tilespmem:v26+s19+$0x0], $0xffff;
	v4 =	vadd.f32 v11, v4  }
0x278: {  	v8 =	vadd.f32 v53, v8;
	v0 =	vadd.f32 v1, v0;
	v1 =	vmul.f32 v20, v31;
	v5 =	vld.idx.msk [tilespmem:v5+s19+$0x0], $0xffff  }
0x279: {  	v48 =	vor.u32 v12, v44;
	v7 =	vmul.f32 v7, v32;
	v10 =	vmul.f32 v10, v33;
	v35 =	vld.idx.msk [tilespmem:v13+s19+$0x0], $0xffff  }
0x27a: {  	v8 =	vadd.f32 v61, v8;
	(xrf2) =	vadd.scan.msk.f32 $0xffff, v4;
	v4 =	vld.idx.msk [tilespmem:v59+s19+$0x0], $0xffff;
	v0 =	vadd.f32 v1, v0  }
0x27b: {  	v13 =	vmul.f32 v58, v30;
	v2 =	vmul.f32 v2, v32;
	v1 =	vld.idx.msk [tilespmem:v55+s19+$0x0], $0xffff;
	v7 =	vadd.f32 v10, v7  }
0x27c: {  	v3 =	vmul.f32 v3, v33;
	(xrf2) =	vadd.scan.msk.f32 $0xffff, v8;
	v8 =	vld.idx.msk [tilespmem:v56+s19+$0x0], $0xffff;
	v0 =	vadd.f32 v17, v0  }
0x27d: {  	v15 =	vmul.f32 v15, v32;
	v7 =	vadd.f32 v63, v7;
	v5 =	vmul.f32 v5, v33  }
0x27e: {  	v2 =	vadd.f32 v3, v2;
	v3 =	vmul.f32 v60, v31;
	(xrf2) =	vadd.scan.msk.f32 $0xffff, v0;
	v0 =	vld.idx.msk [tilespmem:v62+s19+$0x0], $0xffff  }
0x27f: {  	v7 =	vadd.f32 v13, v7;
	v4 =	vmul.f32 v4, v31;
	v13 =	vld.idx.msk [tilespmem:v49+s19+$0x0], $0xffff;
	v5 =	vadd.f32 v5, v15  }
0x280: {  	v6 =	vmul.f32 v6, v30;
	v2 =	vadd.f32 v3, v2;
	v3 =	vld.idx.msk [tilespmem:v51+s19+$0x0], $0xffff;
	v1 =	vmul.f32 v1, v30  }
0x281: {  	v9 =	vld.idx.msk [tilespmem:v45+s19+$0x0], $0xffff;
	v4 =	vadd.f32 v4, v5;
	v5 =	vmul.f32 v8, v32;
	v8 =	vmul.f32 v35, v33  }
0x282: {  	v17 =	vld.idx.msk [tilespmem:v52+s19+$0x0], $0xffff;
	(xrf2) =	vadd.scan.msk.f32 $0xffff, v7;
	v2 =	vadd.f32 v6, v2  }
0x283: {  	v15 =	vld.idx.msk [tilespmem:v46+s19+$0x0], $0xffff;
	v0 =	vmul.f32 v0, v31;
	v1 =	vadd.f32 v1, v4;
	v4 =	vadd.f32 v8, v5  }
0x284: {  	v49 =	vor.u32 v12, v41;
	(xrf2) =	vadd.scan.msk.f32 $0xffff, v2;
	v2 =	vld.idx.msk [tilespmem:v48+s19+$0x0], $0xffff  }
0x285: {  	v7 =	vld.idx.msk [tilespmem:v47+s19+$0x0], $0xffff;
	v3 =	vmul.f32 v3, v32;
	v0 =	vadd.f32 v0, v4;
	v4 =	vmul.f32 v13, v33  }
0x286: {  	v6 =	vor.u32 v19, v41;
	(xrf2) =	vadd.scan.msk.f32 $0xffff, v1;
	v1 =	vld.idx.msk [tilespmem:v43+s19+$0x0], $0xffff  }
0x287: {  	v3 =	vadd.f32 v4, v3;
	v4 =	vmul.f32 v9, v31  }
0x288: {  	v8 =	vmul.f32 v17, v30  }
0x289: {  	v2 =	vmul.f32 v2, v33;
	v3 =	vadd.f32 v4, v3;
	v4 =	vmul.f32 v15, v32  }
0x28a: {  	v10 =	vld.idx.msk [tilespmem:v49+s19+$0x0], $0xffff;
	v5 =	vor.u32 v14, v41;
	v7 =	vmul.f32 v7, v30  }
0x28b: {  	v6 =	vld.idx.msk [tilespmem:v6+s19+$0x0], $0xffff;
	v0 =	vadd.f32 v8, v0;
	v1 =	vmul.f32 v1, v31;
	v2 =	vadd.f32 v2, v4  }
0x28c: {  	v51, _, _ =	vpop (xrf2);
	v3 =	vadd.f32 v7, v3;
	v7 =	vor.u32 v14, v36  }
0x28d: {  	v21 =	vmul.f32 v42, v30;
	v8, _, _ =	vpop (xrf2);
	v1 =	vadd.f32 v1, v2  }
0x28e: {  	v50 =	vor.u32 v19, v39;
	v17, _, _ =	vpop (xrf2);
	(xrf2) =	vadd.scan.msk.f32 $0xffff, v0  }
0x28f: {  	v0, _, _ =	vpop (xrf2);
	v1 =	vadd.f32 v21, v1  }
0x290: {  	v5 =	vld.idx.msk [tilespmem:v5+s19+$0x0], $0xffff;
	v20, _, _ =	vpop (xrf2);
	v2 =	vmul.f32 v6, v32;
	v6 =	vmul.f32 v10, v33;
	(xrf2) =	vadd.scan.msk.f32 $0xffff, v3  }
0x291: {  	v4, _, _ =	vpop (xrf2);
	(xrf2) =	vadd.scan.msk.f32 $0xffff, v1;
	v1 =	vld.idx.msk [tilespmem:v7+s19+$0x0], $0xffff  }
0x292: {  	v13 =	vor.u32 v12, v39;
	v23, _, _ =	vpop (xrf2);
	v7 =	vld [tilespmem:$0x1FE80]  }
0x293: {  	v11 =	vld.idx.msk [tilespmem:v50+s19+$0x0], $0xffff;
	v53, _, _ =	vpop (xrf2)  }
0x294: {  	v52 =	vor.u32 v14, v39;
	v2 =	vadd.f32 v6, v2;
	v6, _, _ =	vpop (xrf2)  }
0x295: {  	v6 =	vbroadcast v6, $0xF  }
0x296: {  	v5 =	vmul.f32 v5, v31  }
0x297: {  	v13 =	vld.idx.msk [tilespmem:v13+s19+$0x0], $0xffff;
	v6 =	vmul.f32 v7, v6;
	v7 =	vbroadcast v53, $0xF  }
0x298: {  	v2 =	vadd.f32 v5, v2;
	v5 =	vmul.f32 v11, v32;
	v57, _, _ =	vpop (xrf2)  }
0x299: {  	v3 =	vld.idx.msk [tilespmem:v52+s19+$0x0], $0xffff;
	v11 =	vbroadcast v57, $0xF;
	v6 =	vadd.f32 $0.0e+00, v6;
	v7 =	vmul.f32 v37, v7  }
0x29a: {  	v26 =	vld [tilespmem:$0x1FDE0]  }
0x29b: {  	v54 =	vld [tilespmem:$0x1FDD0];
	v6 =	vadd.f32 v7, v6;
	v7 =	vmul.f32 v38, v11  }
0x29c: {  	v55 =	vmul.f32 v13, v33  }
0x29d: {  	v6 =	vadd.f32 v7, v6;
	v7 =	vld [tilespmem:$0x1FFE0]  }
0x29e: {  	v18 =	vor.u32 v12, v36;
	v3 =	vmul.f32 v3, v31;
	v5 =	vadd.f32 v55, v5  }
0x29f: {  	v26 =	vmul.f32 v26, v30;
	v15 =	vor.u32 v19, v36  }
0x2a0: {  	v10 =	vmul.f32 v54, v30;
	v58 =	vbroadcast v23, $0xF;
	v3 =	vadd.f32 v3, v5  }
0x2a1: {  	v2 =	vadd.f32 v26, v2  }
0x2a2: {  	v3 =	vadd.f32 v10, v3;
	v7 =	vmul.f32 v7, v58  }
0x2a3: {  	v18 =	vld.idx.msk [tilespmem:v18+s19+$0x0], $0xffff;
	(xrf2) =	vadd.scan.msk.f32 $0xffff, v2  }
0x2a4: {  	v59, _, _ =	vpop (xrf2);
	(xrf2) =	vadd.scan.msk.f32 $0xffff, v3;
	v3 =	vadd.f32 v7, v6;
	v6 =	vld [tilespmem:$0x1FF30]  }
0x2a5: {  	v15 =	vld.idx.msk [tilespmem:v15+s19+$0x0], $0xffff;
	_ =	sdelay $0x1  }
0x2a6: {  	v10 =	vbroadcast v59, $0xF  }
0x2a7: {  	s9 =	sadd.s32 $0xFFFFFF80, s22  }
0x2a8: {  	v27 =	vlaneseq.u32;
	v24 =	vld [tilespmem:$0x1FDC0];
	v19 =	vadd.s32 s9, v34;
	v6 =	vmul.f32 v6, v10  }
0x2a9: {  	v25 =	vor.u32 v12, v19;
	v5 =	vmul.f32 v15, v32;
	v15 =	vmul.f32 v18, v33  }
0x2aa: {  	v22 =	vor.u32 v27, v19;
	v3 =	vadd.f32 v6, v3;
	v6 =	vld [tilespmem:$0x1FFF0]  }
0x2ab: {  	v21 =	vor.u32 v14, v19;
	v1 =	vmul.f32 v1, v31;
	v5 =	vadd.f32 v15, v5;
	_ =	sdelay $0x1  }
0x2ac: {  	v24 =	vmul.f32 v24, v30;
	v4 =	vbroadcast v4, $0xF;
	v1 =	vadd.f32 v1, v5  }
0x2ad: {  	v56 =	vor.u32 v16, v19;
	v19 =	vld.idx.msk [tilespmem:v25+s19+$0x0], $0xffff  }
0x2ae: {  	v13 =	vld.idx.msk [tilespmem:v22+s19+$0x0], $0xffff;
	v1 =	vadd.f32 v24, v1;
	v4 =	vmul.f32 v6, v4  }
0x2af: {  	v2 =	vld.idx.msk [tilespmem:v21+s19+$0x0], $0xffff  }
0x2b0: {  	v7, _, _ =	vpop (xrf2);
	(xrf2) =	vadd.scan.msk.f32 $0xffff, v1;
	v1 =	vadd.f32 v4, v3;
	v3 =	vld [tilespmem:$0x1FF40];
	_ =	sdelay $0x1  }
0x2b1: {  	v9 =	vld.idx.msk [tilespmem:v56+s19+$0x0], $0xffff;
	v60 =	vmul.f32 v19, v33  }
0x2b2: {  	v5 =	vmul.f32 v13, v32;
	v6 =	vbroadcast v7, $0xF;
	_ =	sdelay $0x1  }
0x2b3: {  	v2 =	vmul.f32 v2, v31;
	v5 =	vadd.f32 v60, v5;
	v3 =	vmul.f32 v3, v6;
	_ =	sdelay $0x1  }
0x2b4: {  	v2 =	vadd.f32 v2, v5;
	v5 =	vmul.f32 v9, v30;
	v1 =	vadd.f32 v3, v1;
	v3 =	vld [tilespmem:$0x1FF50];
	_ =	sdelay $0x2  }
0x2b5: {  	v4 =	vbroadcast v20, $0xF  }
0x2b6: {  	v2 =	vadd.f32 v5, v2;
	v5, _, _ =	vpop (xrf2)  }
0x2b7: {  	v3 =	vmul.f32 v3, v4;
	v4 =	vbroadcast v5, $0xF;
	_ =	sdelay $0x1  }
0x2b8: {  	v0 =	vbroadcast v0, $0xF;
	(xrf2) =	vadd.scan.msk.f32 $0xffff, v2;
	v1 =	vadd.f32 v3, v1;
	v2 =	vmul.f32 v29, v4;
	_ =	sdelay $0x1  }
0x2b9: {  	v0 =	vmul.f32 v40, v0;
	v1 =	vadd.f32 v2, v1;
	_ =	sdelay $0x1  }
0x2ba: {  	v0 =	vadd.f32 v0, v1;
	v1 =	vld [tilespmem:$0x1FFD0];
	_ =	sdelay $0x1  }
0x2bb: {  	v3, _, _ =	vpop (xrf2)  }
0x2bc: {  	v2 =	vbroadcast v3, $0xF;
	_ =	sdelay $0x1  }
0x2bd: {  	v1 =	vmul.f32 v1, v2;
	_ =	sdelay $0x1  }
0x2be: {  	v0 =	vadd.f32 v1, v0;
	v1 =	vld [tilespmem:$0x1FFA0];
	_ =	sdelay $0x2  }
0x2bf: {  	v2 =	vbroadcast v17, $0xF;
	_ =	sdelay $0x1  }
0x2c0: {  	v1 =	vmul.f32 v1, v2;
	_ =	sdelay $0x1  }
0x2c1: {  	v0 =	vadd.f32 v1, v0;
	v1 =	vld [tilespmem:$0x1FF80];
	_ =	sdelay $0x1  }
0x2c2: {  	v3, _, _ =	vpop (xrf2)  }
0x2c3: {  	v2 =	vbroadcast v3, $0xF;
	_ =	sdelay $0x1  }
0x2c4: {  	v1 =	vmul.f32 v1, v2;
	_ =	sdelay $0x1  }
0x2c5: {  	v0 =	vadd.f32 v1, v0;
	v1 =	vld [tilespmem:$0x1FFB0];
	_ =	sdelay $0x2  }
0x2c6: {  	v2 =	vbroadcast v8, $0xF;
	_ =	sdelay $0x1  }
0x2c7: {  	v1 =	vmul.f32 v1, v2;
	_ =	sdelay $0x1  }
0x2c8: {  	v0 =	vadd.f32 v1, v0;
	v1 =	vld [tilespmem:$0x1FF90];
	_ =	sdelay $0x1  }
0x2c9: {  	v3, _, _ =	vpop (xrf2)  }
0x2ca: {  	v2 =	vbroadcast v3, $0xF;
	v3 =	vld [tilespmem:$0x1FDF0];
	_ =	sdelay $0x1  }
0x2cb: {  	v1 =	vmul.f32 v1, v2  }
0x2cc: {  	v8 =	vld [tilespmem:$0x1FE00]  }
0x2cd: {  	s14 =	sadd.s32 $0xFFFFFFF0, s21;
	v0 =	vadd.f32 v1, v0;
	v1 =	vld [tilespmem:$0x1FFC0]  }
0x2ce: {  	v3 =	vor.u32 s14, v3  }
0x2cf: {  	v7 =	vld [tilespmem:$0x1FE70];
	v3 =	vbroadcast v3, $0x0  }
0x2d0: {  	v2 =	vbroadcast v51, $0xF  }
0x2d1: {  	v4 =	vor.u32 $0x80, v27;
	v3 =	vor.u32 v27, v3  }
0x2d2: {  	[tilespmem:$0x1FD90] =	vst v4;
	v1 =	vmul.f32 v1, v2;
	v2 =	vor.u32 v4, v8;
	v4 =	vor.u32 $0x90, v27  }
0x2d3: {  	v5 =	vor.u32 $0x4800, v27;
	v4 =	vor.u32 v4, v8  }
0x2d4: {  	v0 =	vadd.f32 v1, v0;
	v1 =	vadd.s32 v5, v7;
	v5 =	vor.u32 $0x4810, v27  }
0x2d5: {  	v6 =	vor.u32 $0xA0, v27;
	v5 =	vadd.s32 v5, v7  }
0x2d6: {  	[tilespmem:v3+s25+$0x0] =	vst.idx.msk $0xffff, v0;
	v0 =	vor.u32 v6, v8;
	v3 =	vor.u32 $0x4820, v27  }
0x2d7: {  	v32 =	vld.idx.msk [tilespmem:v2+s17+$0x0], $0xffff;
	v2 =	vor.u32 $0xB0, v27;
	v3 =	vadd.s32 v3, v7  }
0x2d8: {  	v34 =	vld.idx.msk [tilespmem:v4+s17+$0x0], $0xffff;
	v2 =	vor.u32 v2, v8;
	v4 =	vor.u32 $0x4830, v27  }
0x2d9: {  	v1 =	vld.idx.msk [tilespmem:v1+s19+$0x0], $0xffff;
	v4 =	vadd.s32 v4, v7  }
0x2da: {  	v5 =	vld.idx.msk [tilespmem:v5+s19+$0x0], $0xffff  }
0x2db: {  	v33 =	vld.idx.msk [tilespmem:v0+s17+$0x0], $0xffff  }
0x2dc: {  	v0 =	vld.idx.msk [tilespmem:v3+s19+$0x0], $0xffff  }
0x2dd: {  	v31 =	vld.idx.msk [tilespmem:v2+s17+$0x0], $0xffff  }
0x2de: {  	v2 =	vld.idx.msk [tilespmem:v4+s19+$0x0], $0xffff  }
0x2df: {  	v1 =	vmul.f32 v1, v32;
	v3 =	vmul.f32 v5, v34;
	_ =	sdelay $0x1  }
0x2e0: {  	v1 =	vadd.f32 v3, v1;
	v0 =	vmul.f32 v0, v33;
	_ =	sdelay $0x1  }
0x2e1: {  	v0 =	vadd.f32 v0, v1;
	v1 =	vmul.f32 v2, v31;
	_ =	sdelay $0x1  }
0x2e2: {  	v0 =	vadd.f32 v1, v0;
	_ =	sdelay $0x1  }
0x2e3: {  	(xrf2) =	vadd.scan.msk.f32 $0xffff, v0;
	_ =	sdelay $0x6  }
0x2e4: {  	s21 =	sadd.s32 $0x2, s20;
	s22 =	simm.s32 $0x800;
	v35 =	vadd.s32 $0x4800, v7  }
0x2e5: {  	v1 =	vadd.s32 s22, v35;
	v0 =	vmov s21  }
0x2e6: {  	s26 =	simm.s32 $0x700;
	v2 =	vor.u32 v16, v1  }
0x2e7: {  	v4 =	vadd.s32 s26, v35;
	v5 =	vor.u32 v14, v1;
	v3, _, _ =	vpop (xrf2)  }
0x2e8: {  	v6 =	vor.u32 v16, v4;
	v3 =	vbroadcast v3, $0xF  }
0x2e9: {  	v7 =	vor.u32 v27, v1  }
0x2ea: {  	v8 =	vor.u32 v14, v4;
	[tilespmem:v0+s24+$0x0] =	vst.idx.msk $0x1, v3  }
0x2eb: {  	s12 =	simm.s32 $0x580;
	v62 =	vor.u32 v27, v4;
	v2 =	vld.idx.msk [tilespmem:v2+s19+$0x0], $0xffff  }
0x2ec: {  	v39 =	vadd.s32 s12, v35;
	v4 =	vor.u32 v12, v4;
	s21 =	simm.s32 $0x480;
	v28 =	vld.idx.msk [tilespmem:v5+s19+$0x0], $0xffff  }
0x2ed: {  	s12 =	simm.s32 $0x300;
	v63 =	vor.u32 v16, v39;
	v41 =	vadd.s32 s21, v35;
	v56 =	vld.idx.msk [tilespmem:v6+s19+$0x0], $0xffff  }
0x2ee: {  	s10 =	simm.s32 $0x680;
	v19 =	vadd.s32 s12, v35;
	v20 =	vor.u32 v16, v41;
	v7 =	vld.idx.msk [tilespmem:v7+s19+$0x0], $0xffff  }
0x2ef: {  	v36 =	vadd.s32 s10, v35;
	v24 =	vor.u32 v16, v19;
	v58 =	vld.idx.msk [tilespmem:v8+s19+$0x0], $0xffff  }
0x2f0: {  	s11 =	simm.s32 $0x600;
	v0 =	vor.u32 v12, v1;
	v1 =	vor.u32 v16, v36;
	v10 =	vld.idx.msk [tilespmem:v62+s19+$0x0], $0xffff  }
0x2f1: {  	v3 =	vadd.s32 s11, v35;
	v4 =	vld.idx.msk [tilespmem:v4+s19+$0x0], $0xffff  }
0x2f2: {  	v61 =	vor.u32 v16, v3;
	v5 =	vld.idx.msk [tilespmem:v63+s19+$0x0], $0xffff  }
0x2f3: {  	v13 =	vor.u32 v14, v3;
	v40 =	vld.idx.msk [tilespmem:v20+s19+$0x0], $0xffff  }
0x2f4: {  	v17 =	vor.u32 v27, v3;
	v57 =	vld.idx.msk [tilespmem:v24+s19+$0x0], $0xffff  }
0x2f5: {  	s10 =	simm.s32 $0x380;
	s11 =	simm.s32 $0x400;
	v3 =	vor.u32 v12, v3;
	v1 =	vld.idx.msk [tilespmem:v1+s19+$0x0], $0xffff  }
0x2f6: {  	v44 =	vadd.s32 s10, v35;
	v18 =	vadd.s32 s11, v35;
	v20 =	vor.u32 v14, v19;
	v0 =	vld.idx.msk [tilespmem:v0+s19+$0x0], $0xffff  }
0x2f7: {  	v43 =	vor.u32 v14, v44;
	s26 =	simm.s32 $0x280;
	v22 =	vor.u32 v16, v18;
	v9 =	vld.idx.msk [tilespmem:v61+s19+$0x0], $0xffff  }
0x2f8: {  	v46 =	vor.u32 v27, v44;
	v45 =	vadd.s32 s26, v35;
	s26 =	simm.s32 $0x100;
	v25 =	vor.u32 v14, v18;
	v13 =	vld.idx.msk [tilespmem:v13+s19+$0x0], $0xffff  }
0x2f9: {  	s14 =	simm.s32 $0x500;
	v26 =	vadd.s32 s26, v35;
	v47 =	vor.u32 v16, v45;
	s21 =	simm.s32 $0x80;
	v30 =	vor.u32 v27, v18;
	v17 =	vld.idx.msk [tilespmem:v17+s19+$0x0], $0xffff  }
0x2fa: {  	v51 =	vor.u32 v27, v45;
	v50 =	vadd.s32 s21, v35;
	v3 =	vld.idx.msk [tilespmem:v3+s19+$0x0], $0xffff;
	[tilespmem:$0x1FDA0] =	vst v1;
	v1 =	vadd.s32 s14, v35  }
0x2fb: {  	v49 =	vor.u32 v12, v45;
	v55 =	vor.u32 v16, v50;
	v20 =	vld.idx.msk [tilespmem:v20+s19+$0x0], $0xffff;
	v15 =	vor.u32 v16, v1  }
0x2fc: {  	s11 =	simm.s32 $0x180;
	v54 =	vld.idx.msk [tilespmem:v22+s19+$0x0], $0xffff;
	v21 =	vor.u32 v14, v1;
	v23 =	vor.u32 v27, v1;
	v1 =	vor.u32 v12, v1  }
0x2fd: {  	v59 =	vor.u32 v14, v50;
	v62 =	vor.u32 v16, v26;
	v48 =	vadd.s32 s11, v35;
	v63 =	vld.idx.msk [tilespmem:v25+s19+$0x0], $0xffff  }
0x2fe: {  	v18 =	vor.u32 v12, v18;
	v52 =	vor.u32 v16, v48;
	v7 =	vmul.f32 v7, v32;
	v24 =	vld.idx.msk [tilespmem:v30+s19+$0x0], $0xffff;
	s14 =	simm.s32 $0x200  }
0x2ff: {  	[tilespmem:$0x1FDB0] =	vst v5;
	v4 =	vmul.f32 v4, v34;
	v30 =	vld [tilespmem:$0x1FF50];
	v0 =	vmul.f32 v0, v34;
	v11 =	vadd.s32 s14, v35  }
0x300: {  	v61 =	vor.u32 v14, v26;
	v25 =	vor.u32 v27, v26;
	v29 =	vor.u32 v16, v11;
	v53 =	vld.idx.msk [tilespmem:v15+s19+$0x0], $0xffff  }
0x301: {  	v26 =	vor.u32 v12, v26;
	v0 =	vadd.f32 v0, v7;
	v8 =	vld.idx.msk [tilespmem:v1+s19+$0x0], $0xffff;
	v1 =	vmul.f32 v28, v33  }
0x302: {  	v3 =	vmul.f32 v3, v34;
	v7 =	vmul.f32 v10, v32;
	v15 =	vor.u32 v16, v44;
	v60 =	vld.idx.msk [tilespmem:v21+s19+$0x0], $0xffff  }
0x303: {  	v21 =	vor.u32 v27, v19;
	v19 =	vor.u32 v12, v19;
	v6 =	vld.idx.msk [tilespmem:v23+s19+$0x0], $0xffff;
	v0 =	vadd.f32 v1, v0  }
0x304: {  	v28 =	vld.idx.msk [tilespmem:v18+s19+$0x0], $0xffff;
	v1 =	vmul.f32 v2, v31;
	v2 =	vadd.f32 v4, v7;
	v4 =	vmul.f32 v58, v33  }
0x305: {  	v5 =	vor.u32 v14, v11;
	v22 =	vor.u32 v12, v11;
	v7 =	vmul.f32 v17, v32;
	v58 =	vld.idx.msk [tilespmem:v29+s19+$0x0], $0xffff  }
0x306: {  	v23 =	vor.u32 v27, v11;
	v29 =	vld [tilespmem:$0x1FF40];
	v0 =	vadd.f32 v1, v0;
	v1 =	vadd.f32 v4, v2  }
0x307: {  	v2 =	vmul.f32 v56, v31;
	v3 =	vadd.f32 v3, v7;
	v56 =	vor.u32 v27, v48;
	v42 =	vld.idx.msk [tilespmem:v15+s19+$0x0], $0xffff  }
0x308: {  	v7 =	vmul.f32 v13, v33;
	v4 =	vmul.f32 v6, v32;
	(xrf2) =	vadd.scan.msk.f32 $0xffff, v0;
	v0 =	vld.idx.msk [tilespmem:v21+s19+$0x0], $0xffff  }
0x309: {  	v6 =	vmul.f32 v8, v34;
	v2 =	vadd.f32 v2, v1;
	v1 =	vld.idx.msk [tilespmem:v19+s19+$0x0], $0xffff;
	v19 =	vlaneseq.u32  }
0x30a: {  	s9 =	simm.s32 $0x20;
	s21 =	simm.s32 $0x10;
	v3 =	vadd.f32 v7, v3;
	v21 =	vld.idx.msk [tilespmem:v5+s19+$0x0], $0xffff;
	v5 =	vmul.f32 v9, v31;
	v27 =	vor.u32 v19, v50  }
.LBB2_9:
0x30b: {  	v7 =	vld.idx.msk [tilespmem:v23+s19+$0x0], $0xffff;
	v4 =	vadd.f32 v6, v4;
	v6 =	vmul.f32 v60, v33  }
0x30c: {  	v10 =	vld.idx.msk [tilespmem:v62+s19+$0x0], $0xffff;
	(xrf2) =	vadd.scan.msk.f32 $0xffff, v2  }
0x30d: {  	v2 =	vld.idx.msk [tilespmem:v22+s19+$0x0], $0xffff;
	v3 =	vadd.f32 v5, v3;
	v4 =	vadd.f32 v6, v4;
	v6 =	vmul.f32 v53, v31  }
0x30e: {  	v11 =	vld.idx.msk [tilespmem:v25+s19+$0x0], $0xffff;
	v5 =	vor.u32 v12, v50;
	v8 =	vmul.f32 v24, v32;
	v9 =	vmul.f32 v28, v34  }
0x30f: {  	v13 =	vor.u32 v12, v48;
	v15 =	vld.idx.msk [tilespmem:v27+s19+$0x0], $0xffff;
	v1 =	vmul.f32 v1, v34;
	v0 =	vmul.f32 v0, v32  }
0x310: {  	v17 =	vld.idx.msk [tilespmem:v59+s19+$0x0], $0xffff;
	(xrf2) =	vadd.scan.msk.f32 $0xffff, v3;
	v53 =	vmul.f32 v63, v33;
	v8 =	vadd.f32 v9, v8  }
0x311: {  	v3 =	vld.idx.msk [tilespmem:v26+s19+$0x0], $0xffff;
	v4 =	vadd.f32 v6, v4;
	v0 =	vadd.f32 v1, v0;
	v1 =	vmul.f32 v20, v33  }
0x312: {  	v54 =	vmul.f32 v54, v31;
	v6 =	vld.idx.msk [tilespmem:v61+s19+$0x0], $0xffff;
	v2 =	vmul.f32 v2, v34;
	v8 =	vadd.f32 v53, v8  }
0x313: {  	(xrf2) =	vadd.scan.msk.f32 $0xffff, v4;
	v4 =	vld.idx.msk [tilespmem:v5+s19+$0x0], $0xffff;
	v5 =	vmul.f32 v7, v32;
	v0 =	vadd.f32 v1, v0  }
0x314: {  	v1 =	vmul.f32 v57, v31;
	v7 =	vadd.f32 v54, v8;
	v8 =	vld.idx.msk [tilespmem:v55+s19+$0x0], $0xffff;
	v55 =	vor.u32 v14, v48  }
0x315: {  	v61 =	vor.u32 v12, v44;
	v57 =	vld.idx.msk [tilespmem:v56+s19+$0x0], $0xffff;
	v2 =	vadd.f32 v2, v5;
	v5 =	vmul.f32 v21, v33  }
0x316: {  	v3 =	vmul.f32 v3, v34;
	v0 =	vadd.f32 v1, v0;
	v1 =	vld.idx.msk [tilespmem:v13+s19+$0x0], $0xffff;
	v13 =	vor.u32 v14, v45  }
0x317: {  	v50, _, _ =	vpop (xrf2);
	v2 =	vadd.f32 v5, v2;
	v5 =	vmul.f32 v58, v31;
	(xrf2) =	vadd.scan.msk.f32 $0xffff, v7;
	v7 =	vmul.f32 v11, v32  }
0x318: {  	v59, _, _ =	vpop (xrf2);
	v4 =	vmul.f32 v4, v34;
	(xrf2) =	vadd.scan.msk.f32 $0xffff, v0;
	v0 =	vmul.f32 v15, v32;
	v15 =	vld.idx.msk [tilespmem:v49+s19+$0x0], $0xffff  }
0x319: {  	v6 =	vmul.f32 v6, v33;
	v2 =	vadd.f32 v5, v2;
	v3 =	vadd.f32 v3, v7;
	v9 =	vld.idx.msk [tilespmem:v55+s19+$0x0], $0xffff  }
0x31a: {  	v5 =	vmul.f32 v10, v31;
	v7 =	vld.idx.msk [tilespmem:v52+s19+$0x0], $0xffff;
	v0 =	vadd.f32 v4, v0;
	v4 =	vmul.f32 v17, v33  }
0x31b: {  	v60, _, _ =	vpop (xrf2);
	(xrf2) =	vadd.scan.msk.f32 $0xffff, v2;
	v2 =	vmul.f32 v8, v31;
	v3 =	vadd.f32 v6, v3;
	v6 =	vld.idx.msk [tilespmem:v51+s19+$0x0], $0xffff  }
0x31c: {  	v1 =	vmul.f32 v1, v34;
	v0 =	vadd.f32 v4, v0;
	v4 =	vmul.f32 v57, v32  }
0x31d: {  	v63 =	vld.idx.msk [tilespmem:v13+s19+$0x0], $0xffff;
	v3 =	vadd.f32 v5, v3  }
0x31e: {  	v13 =	vld.idx.msk [tilespmem:v46+s19+$0x0], $0xffff;
	v0 =	vadd.f32 v2, v0;
	v1 =	vadd.f32 v1, v4;
	v2 =	vmul.f32 v9, v33  }
0x31f: {  	v62, _, _ =	vpop (xrf2);
	v4 =	vmul.f32 v7, v31;
	(xrf2) =	vadd.scan.msk.f32 $0xffff, v3;
	v3 =	vld.idx.msk [tilespmem:v61+s19+$0x0], $0xffff  }
0x320: {  	v5 =	vld.idx.msk [tilespmem:v47+s19+$0x0], $0xffff;
	v1 =	vadd.f32 v2, v1;
	v2 =	vmul.f32 v6, v32;
	v6 =	vmul.f32 v15, v34  }
0x321: {  	v8 =	vor.u32 v19, v41;
	v7 =	vld.idx.msk [tilespmem:v43+s19+$0x0], $0xffff  }
0x322: {  	v46, _, _ =	vpop (xrf2);
	(xrf2) =	vadd.scan.msk.f32 $0xffff, v0;
	v20 =	vadd.f32 v4, v1;
	v2 =	vadd.f32 v6, v2;
	v4 =	vmul.f32 v63, v33  }
0x323: {  	v17 =	vor.u32 v12, v41  }
0x324: {  	v3 =	vmul.f32 v3, v34;
	v2 =	vadd.f32 v4, v2;
	v4 =	vmul.f32 v13, v32  }
0x325: {  	v18 =	vor.u32 v14, v41  }
0x326: {  	v3 =	vadd.f32 v3, v4;
	v4 =	vmul.f32 v7, v33  }
0x327: {  	v47 =	vor.u32 v19, v39;
	v0 =	vld.idx.msk [tilespmem:v8+s19+$0x0], $0xffff;
	v5 =	vmul.f32 v5, v31  }
0x328: {  	v15, _, _ =	vpop (xrf2);
	v6 =	vld.idx.msk [tilespmem:v17+s19+$0x0], $0xffff;
	(xrf2) =	vadd.scan.msk.f32 $0xffff, v20;
	v7 =	vmul.f32 v42, v31;
	v3 =	vadd.f32 v4, v3  }
0x329: {  	v2 =	vadd.f32 v5, v2  }
0x32a: {  	v51 =	vld.idx.msk [tilespmem:v18+s19+$0x0], $0xffff;
	v1, _, _ =	vpop (xrf2);
	v3 =	vadd.f32 v7, v3  }
0x32b: {  	v21, _, _ =	vpop (xrf2);
	(xrf2) =	vadd.scan.msk.f32 $0xffff, v2  }
0x32c: {  	v53, _, _ =	vpop (xrf2);
	(xrf2) =	vadd.scan.msk.f32 $0xffff, v3;
	v3 =	vld [tilespmem:$0x1FE80]  }
0x32d: {  	v9 =	vld.idx.msk [tilespmem:v47+s19+$0x0], $0xffff;
	v13 =	vor.u32 v12, v36;
	v0 =	vmul.f32 v0, v32;
	v4 =	vmul.f32 v6, v34;
	_ =	sdelay $0x1  }
0x32e: {  	v0 =	vadd.f32 v4, v0;
	v4 =	vmul.f32 v51, v33;
	v11 =	vbroadcast v53, $0xF  }
0x32f: {  	v23 =	vmul.f32 v40, v31;
	v54 =	vbroadcast v21, $0xF  }
0x330: {  	v8 =	vor.u32 v12, v39;
	v0 =	vadd.f32 v4, v0;
	v3 =	vmul.f32 v3, v11  }
0x331: {  	v7 =	vld.idx.msk [tilespmem:v13+s19+$0x0], $0xffff;
	v4 =	vmul.f32 v9, v32;
	v9 =	vmul.f32 v37, v54;
	v13, _, _ =	vpop (xrf2)  }
0x332: {  	v0 =	vadd.f32 v23, v0;
	v13 =	vbroadcast v13, $0xF;
	v3 =	vadd.f32 $0.0e+00, v3  }
0x333: {  	v49 =	vor.u32 v14, v39  }
0x334: {  	(xrf2) =	vadd.scan.msk.f32 $0xffff, v0;
	v0 =	vadd.f32 v9, v3;
	v3 =	vmul.f32 v38, v13  }
0x335: {  	v17 =	vor.u32 v19, v36;
	v5 =	vld.idx.msk [tilespmem:v8+s19+$0x0], $0xffff  }
0x336: {  	v0 =	vadd.f32 v3, v0;
	v3 =	vld [tilespmem:$0x1FFE0];
	_ =	sdelay $0x1  }
0x337: {  	v8 =	vld.idx.msk [tilespmem:v49+s19+$0x0], $0xffff  }
0x338: {  	v1 =	vbroadcast v1, $0xF  }
0x339: {  	v6 =	vld.idx.msk [tilespmem:v17+s19+$0x0], $0xffff  }
0x33a: {  	s10 =	sadd.s32 $0xFFFFFF80, s22;
	v5 =	vmul.f32 v5, v34;
	v1 =	vmul.f32 v3, v1  }
0x33b: {  	v28 =	vlaneseq.u32;
	v18 =	vor.u32 v14, v36;
	v19 =	vadd.s32 s10, v35  }
0x33c: {  	v4 =	vadd.f32 v5, v4;
	v5 =	vmul.f32 v8, v33;
	v0 =	vadd.f32 v1, v0;
	v1 =	vld [tilespmem:$0x1FF30]  }
0x33d: {  	v52 =	vor.u32 v28, v19;
	v2 =	vld [tilespmem:$0x1FDB0]  }
0x33e: {  	v4 =	vadd.f32 v5, v4;
	v5 =	vmul.f32 v6, v32;
	v6 =	vmul.f32 v7, v34;
	v7, _, _ =	vpop (xrf2)  }
0x33f: {  	v22 =	vor.u32 v12, v19;
	v3 =	vbroadcast v7, $0xF  }
0x340: {  	v18 =	vld.idx.msk [tilespmem:v18+s19+$0x0], $0xffff  }
0x341: {  	v17 =	vld [tilespmem:$0x1FDA0];
	v1 =	vmul.f32 v1, v3  }
0x342: {  	v10 =	vld.idx.msk [tilespmem:v52+s19+$0x0], $0xffff;
	v2 =	vmul.f32 v2, v31  }
0x343: {  	v0 =	vadd.f32 v1, v0;
	v1 =	vld [tilespmem:$0x1FFF0]  }
0x344: {  	v20 =	vor.u32 v14, v19;
	v8 =	vld.idx.msk [tilespmem:v22+s19+$0x0], $0xffff;
	v2 =	vadd.f32 v2, v4;
	_ =	sdelay $0x1  }
0x345: {  	(xrf2) =	vadd.scan.msk.f32 $0xffff, v2;
	v2 =	vbroadcast v15, $0xF  }
0x346: {  	v17 =	vmul.f32 v17, v31;
	v4 =	vadd.f32 v6, v5;
	v5 =	vmul.f32 v18, v33;
	v7, _, _ =	vpop (xrf2)  }
0x347: {  	v55 =	vor.u32 v16, v19;
	v1 =	vmul.f32 v1, v2;
	v2 =	vbroadcast v7, $0xF  }
0x348: {  	v19 =	vld.idx.msk [tilespmem:v20+s19+$0x0], $0xffff;
	v8 =	vmul.f32 v8, v34;
	v4 =	vadd.f32 v5, v4;
	v5 =	vmul.f32 v10, v32  }
0x349: {  	v0 =	vadd.f32 v1, v0;
	v1 =	vmul.f32 v29, v2;
	v2 =	vbroadcast v46, $0xF  }
0x34a: {  	v3 =	vadd.f32 v17, v4  }
0x34b: {  	v4 =	vadd.f32 v8, v5;
	v0 =	vadd.f32 v1, v0;
	v1 =	vmul.f32 v30, v2;
	_ =	sdelay $0x1  }
0x34c: {  	v5 =	vmul.f32 v19, v33;
	v0 =	vadd.f32 v1, v0;
	v1 =	vld [tilespmem:$0x1FF60];
	_ =	sdelay $0x1  }
0x34d: {  	v7 =	vadd.f32 v5, v4;
	v4, _, _ =	vpop (xrf2)  }
0x34e: {  	v2 =	vbroadcast v4, $0xF;
	_ =	sdelay $0x1  }
0x34f: {  	v6 =	vld.idx.msk [tilespmem:v55+s19+$0x0], $0xffff;
	v1 =	vmul.f32 v1, v2;
	_ =	sdelay $0x1  }
0x350: {  	v0 =	vadd.f32 v1, v0;
	v1 =	vld [tilespmem:$0x1FF70];
	_ =	sdelay $0x2  }
0x351: {  	v5 =	vmul.f32 v6, v31;
	v2 =	vbroadcast v62, $0xF;
	_ =	sdelay $0x1  }
0x352: {  	(xrf2) =	vadd.scan.msk.f32 $0xffff, v3;
	v3 =	vadd.f32 v5, v7;
	v1 =	vmul.f32 v1, v2;
	_ =	sdelay $0x1  }
0x353: {  	v0 =	vadd.f32 v1, v0;
	v1 =	vld [tilespmem:$0x1FFD0];
	_ =	sdelay $0x1  }
0x354: {  	(xrf2) =	vadd.scan.msk.f32 $0xffff, v3;
	v3, _, _ =	vpop (xrf2)  }
0x355: {  	v2 =	vbroadcast v3, $0xF;
	_ =	sdelay $0x1  }
0x356: {  	v1 =	vmul.f32 v1, v2;
	_ =	sdelay $0x1  }
0x357: {  	v0 =	vadd.f32 v1, v0;
	v1 =	vld [tilespmem:$0x1FFA0];
	_ =	sdelay $0x2  }
0x358: {  	v2 =	vbroadcast v60, $0xF;
	_ =	sdelay $0x1  }
0x359: {  	v1 =	vmul.f32 v1, v2;
	_ =	sdelay $0x1  }
0x35a: {  	v0 =	vadd.f32 v1, v0;
	v1 =	vld [tilespmem:$0x1FF80];
	_ =	sdelay $0x1  }
0x35b: {  	v3, _, _ =	vpop (xrf2)  }
0x35c: {  	v2 =	vbroadcast v3, $0xF;
	_ =	sdelay $0x1  }
0x35d: {  	v1 =	vmul.f32 v1, v2;
	_ =	sdelay $0x1  }
0x35e: {  	v0 =	vadd.f32 v1, v0;
	v1 =	vld [tilespmem:$0x1FFB0];
	_ =	sdelay $0x2  }
0x35f: {  	v2 =	vbroadcast v59, $0xF;
	_ =	sdelay $0x1  }
0x360: {  	v1 =	vmul.f32 v1, v2;
	_ =	sdelay $0x1  }
0x361: {  	v0 =	vadd.f32 v1, v0;
	v1 =	vld [tilespmem:$0x1FF90];
	_ =	sdelay $0x1  }
0x362: {  	v4, _, _ =	vpop (xrf2)  }
0x363: {  	v3 =	vld [tilespmem:$0x1FE00];
	v2 =	vbroadcast v4, $0xF;
	_ =	sdelay $0x1  }
0x364: {  	v1 =	vmul.f32 v1, v2  }
0x365: {  	v5 =	vld [tilespmem:$0x1FD90]  }
0x366: {  	s11 =	sadd.s32 $0xFFFFFFF0, s21;
	v0 =	vadd.f32 v1, v0;
	v1 =	vld [tilespmem:$0x1FFC0]  }
0x367: {  	v3 =	vor.u32 s11, v3  }
0x368: {  	v3 =	vbroadcast v3, $0x0  }
0x369: {  	s22 =	sshll.u32 s9, $0x7;
	v2 =	vbroadcast v50, $0xF  }
0x36a: {  	v3 =	vor.u32 v5, v3;
	v4 =	vadd.s32 s22, v35  }
0x36b: {  	s14 =	sadd.s32 $0xFFFFFE80, s22;
	s11 =	sadd.s32 $0xFFFFFD80, s22;
	v5 =	vor.u32 v16, v4;
	v1 =	vmul.f32 v1, v2  }
0x36c: {  	v36 =	vadd.s32 s14, v35;
	s14 =	sadd.s32 $0xFFFFFC80, s22;
	v39 =	vadd.s32 s11, v35;
	v6 =	vor.u32 v14, v4  }
0x36d: {  	s12 =	sadd.s32 $0xFFFFFF00, s22;
	v41 =	vadd.s32 s14, v35;
	v58 =	vor.u32 v16, v39;
	v0 =	vadd.f32 v1, v0  }
0x36e: {  	v20 =	vor.u32 v16, v41;
	v2 =	vadd.s32 s12, v35  }
0x36f: {  	v7 =	vor.u32 v16, v2;
	[tilespmem:v3+s25+$0x0] =	vst.idx.msk $0xffff, v0  }
0x370: {  	v8 =	vor.u32 v14, v2;
	v3 =	vld.idx.msk [tilespmem:v5+s19+$0x0], $0xffff  }
0x371: {  	v0 =	vor.u32 v16, v36;
	v6 =	vld.idx.msk [tilespmem:v6+s19+$0x0], $0xffff  }
0x372: {  	s14 =	sadd.s32 $0xFFFFFB00, s22;
	v57 =	vor.u32 v28, v2;
	v11 =	vld.idx.msk [tilespmem:v58+s19+$0x0], $0xffff  }
0x373: {  	v19 =	vadd.s32 s14, v35;
	v2 =	vor.u32 v12, v2;
	v40 =	vld.idx.msk [tilespmem:v20+s19+$0x0], $0xffff  }
0x374: {  	v24 =	vor.u32 v16, v19;
	v7 =	vld.idx.msk [tilespmem:v7+s19+$0x0], $0xffff  }
0x375: {  	v1 =	vor.u32 v28, v4;
	v8 =	vld.idx.msk [tilespmem:v8+s19+$0x0], $0xffff  }
0x376: {  	s26 =	sadd.s32 $0xFFFFFE00, s22;
	v4 =	vor.u32 v12, v4;
	v0 =	vld.idx.msk [tilespmem:v0+s19+$0x0], $0xffff  }
0x377: {  	v5 =	vadd.s32 s26, v35;
	v20 =	vor.u32 v14, v19;
	v10 =	vld.idx.msk [tilespmem:v57+s19+$0x0], $0xffff  }
0x378: {  	v56 =	vor.u32 v16, v5;
	v2 =	vld.idx.msk [tilespmem:v2+s19+$0x0], $0xffff  }
0x379: {  	v13 =	vor.u32 v14, v5;
	v57 =	vld.idx.msk [tilespmem:v24+s19+$0x0], $0xffff  }
0x37a: {  	s12 =	sadd.s32 $0xFFFFFD00, s22;
	v17 =	vor.u32 v28, v5;
	v1 =	vld.idx.msk [tilespmem:v1+s19+$0x0], $0xffff  }
0x37b: {  	v5 =	vor.u32 v12, v5;
	v4 =	vld.idx.msk [tilespmem:v4+s19+$0x0], $0xffff;
	[tilespmem:$0x1FDA0] =	vst v0;
	v0 =	vadd.s32 s12, v35  }
0x37c: {  	v20 =	vld.idx.msk [tilespmem:v20+s19+$0x0], $0xffff;
	v15 =	vor.u32 v16, v0  }
0x37d: {  	v9 =	vld.idx.msk [tilespmem:v56+s19+$0x0], $0xffff;
	v21 =	vor.u32 v14, v0  }
0x37e: {  	s11 =	sadd.s32 $0xFFFFFB80, s22;
	v13 =	vld.idx.msk [tilespmem:v13+s19+$0x0], $0xffff;
	s12 =	sadd.s32 $0xFFFFFC00, s22;
	v23 =	vor.u32 v28, v0  }
0x37f: {  	v44 =	vadd.s32 s11, v35;
	s11 =	sadd.s32 $0xFFFFF980, s22;
	v17 =	vld.idx.msk [tilespmem:v17+s19+$0x0], $0xffff;
	v18 =	vadd.s32 s12, v35;
	v0 =	vor.u32 v12, v0  }
0x380: {  	v48 =	vadd.s32 s11, v35;
	v5 =	vld.idx.msk [tilespmem:v5+s19+$0x0], $0xffff;
	v22 =	vor.u32 v16, v18  }
0x381: {  	s14 =	sadd.s32 $0xFFFFF880, s22;
	v43 =	vor.u32 v14, v44;
	v46 =	vor.u32 v28, v44;
	v25 =	vor.u32 v14, v18;
	v53 =	vld.idx.msk [tilespmem:v15+s19+$0x0], $0xffff  }
0x382: {  	v52 =	vor.u32 v16, v48;
	v50 =	vadd.s32 s14, v35;
	s26 =	sadd.s32 $0xFFFFFA80, s22;
	s12 =	sadd.s32 $0xFFFFFA00, s22;
	v27 =	vor.u32 v28, v18;
	v60 =	vld.idx.msk [tilespmem:v21+s19+$0x0], $0xffff  }
0x383: {  	v45 =	vadd.s32 s26, v35;
	s26 =	sadd.s32 $0xFFFFF900, s22;
	v59 =	vadd.s32 s12, v35;
	v18 =	vor.u32 v12, v18;
	v37 =	vld.idx.msk [tilespmem:v23+s19+$0x0], $0xffff  }
0x384: {  	v55 =	vor.u32 v16, v50;
	v26 =	vadd.s32 s26, v35;
	v29 =	vor.u32 v16, v59;
	v38 =	vld.idx.msk [tilespmem:v0+s19+$0x0], $0xffff  }
0x385: {  	v47 =	vor.u32 v16, v45;
	v51 =	vor.u32 v28, v45;
	v49 =	vor.u32 v12, v45;
	v54 =	vld.idx.msk [tilespmem:v22+s19+$0x0], $0xffff  }
0x386: {  	v56 =	vor.u32 v28, v48;
	v2 =	vmul.f32 v2, v34;
	v15 =	vor.u32 v16, v44;
	v63 =	vld.idx.msk [tilespmem:v25+s19+$0x0], $0xffff  }
0x387: {  	v21 =	vor.u32 v28, v19;
	v0 =	vmul.f32 v1, v32;
	v1 =	vmul.f32 v4, v34;
	v24 =	vld.idx.msk [tilespmem:v27+s19+$0x0], $0xffff  }
0x388: {  	v23 =	vor.u32 v28, v59;
	v4 =	vmul.f32 v10, v32;
	v25 =	vor.u32 v28, v26;
	v28 =	vld.idx.msk [tilespmem:v18+s19+$0x0], $0xffff  }
0x389: {  	v5 =	vmul.f32 v5, v34;
	v0 =	vadd.f32 v1, v0;
	v1 =	vmul.f32 v6, v33;
	v58 =	vld.idx.msk [tilespmem:v29+s19+$0x0], $0xffff  }
0x38a: {  	v30 =	vor.u32 v14, v59;
	v2 =	vadd.f32 v2, v4;
	v4 =	vmul.f32 v17, v32;
	v29 =	vld [tilespmem:$0x1FF40]  }
0x38b: {  	v19 =	vor.u32 v12, v19;
	v0 =	vadd.f32 v1, v0;
	v1 =	vmul.f32 v3, v31;
	v42 =	vld.idx.msk [tilespmem:v15+s19+$0x0], $0xffff  }
0x38c: {  	p0 =	sne.s32 s9, $0x40;
	v3 =	vmul.f32 v8, v33;
	v5 =	vadd.f32 v5, v4;
	v4 =	vmul.f32 v37, v32;
	v37 =	vld [tilespmem:$0x1FF10]  }
.Ltmp3:
0x38d: {  	v62 =	vor.u32 v16, v26;
	v61 =	vor.u32 v14, v26;
	v6 =	vmul.f32 v38, v34;
	v38 =	vld [tilespmem:$0x1FF20];
	(pc) =	sbr.rel @p0 .LBB2_9-.Ltmp3, $4  }
0x38e: {  	v1 =	vadd.f32 v1, v0;
	v2 =	vadd.f32 v3, v2;
	v3 =	vmul.f32 v7, v31;
	v0 =	vld.idx.msk [tilespmem:v21+s19+$0x0], $0xffff  }
0x38f: {  	v22 =	vor.u32 v12, v59;
	v59 =	vor.u32 v14, v50;
	v7 =	vmul.f32 v13, v33;
	v21 =	vld.idx.msk [tilespmem:v30+s19+$0x0], $0xffff  }
0x390: {  	v26 =	vor.u32 v12, v26;
	(xrf2) =	vadd.scan.msk.f32 $0xffff, v1;
	v1 =	vld.idx.msk [tilespmem:v19+s19+$0x0], $0xffff;
	v19 =	vlaneseq.u32;
	v2 =	vadd.f32 v3, v2  }
0x391: {  	s21 =	smov.u32 s9;
	s9 =	sadd.s32 $0x10, s9;
	[tilespmem:$0x1FDB0] =	vst v11;
	v30 =	vld [tilespmem:$0x1FF50];
	v3 =	vadd.f32 v7, v5;
	v5 =	vmul.f32 v9, v31;
	v27 =	vor.u32 v19, v50  }
0x392: {  	_ =	sdelay $0x3  }
0x393: {  	v7 =	vld.idx.msk [tilespmem:v23+s19+$0x0], $0xffff  }
0x394: {  	v4 =	vadd.f32 v6, v4;
	v6 =	vmul.f32 v60, v33;
	(xrf2) =	vadd.scan.msk.f32 $0xffff, v2;
	v2 =	vld.idx.msk [tilespmem:v25+s19+$0x0], $0xffff  }
0x395: {  	v8 =	vmul.f32 v24, v32;
	v11 =	vmul.f32 v53, v31;
	v53 =	vld.idx.msk [tilespmem:v61+s19+$0x0], $0xffff  }
0x396: {  	v9 =	vmul.f32 v28, v34;
	v10 =	vor.u32 v12, v50;
	v3 =	vadd.f32 v5, v3;
	v5 =	vld.idx.msk [tilespmem:v22+s19+$0x0], $0xffff  }
0x397: {  	v50 =	vmul.f32 v63, v33;
	v60 =	vmul.f32 v54, v31;
	v15 =	vld.idx.msk [tilespmem:v27+s19+$0x0], $0xffff;
	v63 =	vor.u32 v14, v45  }
0x398: {  	v0 =	vmul.f32 v0, v32;
	v4 =	vadd.f32 v6, v4;
	v6 =	vld.idx.msk [tilespmem:v62+s19+$0x0], $0xffff;
	v1 =	vmul.f32 v1, v34  }
0x399: {  	v13 =	vor.u32 v12, v48;
	v8 =	vadd.f32 v9, v8;
	(xrf2) =	vadd.scan.msk.f32 $0xffff, v3;
	v3 =	vld.idx.msk [tilespmem:v26+s19+$0x0], $0xffff  }
0x39a: {  	v62 =	vld.idx.msk [tilespmem:v56+s19+$0x0], $0xffff;
	v4 =	vadd.f32 v11, v4;
	v0 =	vadd.f32 v1, v0;
	v1 =	vmul.f32 v20, v33  }
0x39b: {  	v61 =	vor.u32 v14, v48;
	v7 =	vmul.f32 v7, v32;
	v10 =	vld.idx.msk [tilespmem:v10+s19+$0x0], $0xffff;
	v5 =	vmul.f32 v5, v34  }
0x39c: {  	v17 =	vmul.f32 v57, v31;
	v8 =	vadd.f32 v50, v8;
	v9 =	vld.idx.msk [tilespmem:v63+s19+$0x0], $0xffff;
	(xrf2) =	vadd.scan.msk.f32 $0xffff, v4  }
0x39d: {  	v4 =	vld.idx.msk [tilespmem:v59+s19+$0x0], $0xffff;
	v0 =	vadd.f32 v1, v0;
	v5 =	vadd.f32 v5, v7;
	v7 =	vmul.f32 v21, v33  }
0x39e: {  	v2 =	vmul.f32 v2, v32;
	v8 =	vadd.f32 v60, v8;
	v1 =	vld.idx.msk [tilespmem:v55+s19+$0x0], $0xffff;
	v3 =	vmul.f32 v3, v34  }
0x39f: {  	v15 =	vmul.f32 v15, v32;
	v0 =	vadd.f32 v17, v0;
	v5 =	vadd.f32 v7, v5;
	v7 =	vld.idx.msk [tilespmem:v13+s19+$0x0], $0xffff  }
0x3a0: {  	(xrf2) =	vadd.scan.msk.f32 $0xffff, v8;
	v2 =	vadd.f32 v3, v2;
	v3 =	vmul.f32 v53, v33;
	v10 =	vmul.f32 v10, v34  }
0x3a1: {  	v44 =	vor.u32 v12, v44;
	v13 =	vmul.f32 v58, v31;
	(xrf2) =	vadd.scan.msk.f32 $0xffff, v0;
	v0 =	vld.idx.msk [tilespmem:v61+s19+$0x0], $0xffff  }
0x3a2: {  	v4 =	vmul.f32 v4, v33;
	v2 =	vadd.f32 v3, v2;
	v3 =	vld.idx.msk [tilespmem:v51+s19+$0x0], $0xffff;
	v10 =	vadd.f32 v10, v15  }
0x3a3: {  	v6 =	vmul.f32 v6, v31;
	v8 =	vmul.f32 v62, v32;
	v5 =	vadd.f32 v13, v5;
	v13 =	vld.idx.msk [tilespmem:v49+s19+$0x0], $0xffff  }
0x3a4: {  	v17 =	vld.idx.msk [tilespmem:v52+s19+$0x0], $0xffff;
	v1 =	vmul.f32 v1, v31;
	v4 =	vadd.f32 v4, v10;
	v7 =	vmul.f32 v7, v34  }
0x3a5: {  	v15 =	vld.idx.msk [tilespmem:v46+s19+$0x0], $0xffff;
	v2 =	vadd.f32 v6, v2  }
0x3a6: {  	(xrf2) =	vadd.scan.msk.f32 $0xffff, v5;
	v1 =	vadd.f32 v1, v4;
	v0 =	vmul.f32 v0, v33;
	v4 =	vadd.f32 v7, v8  }
0x3a7: {  	(xrf2) =	vadd.scan.msk.f32 $0xffff, v2;
	v2 =	vld.idx.msk [tilespmem:v44+s19+$0x0], $0xffff  }
0x3a8: {  	v5 =	vld.idx.msk [tilespmem:v47+s19+$0x0], $0xffff;
	v3 =	vmul.f32 v3, v32;
	v0 =	vadd.f32 v0, v4;
	v4 =	vmul.f32 v13, v34  }
0x3a9: {  	(xrf2) =	vadd.scan.msk.f32 $0xffff, v1;
	v1 =	vld.idx.msk [tilespmem:v43+s19+$0x0], $0xffff  }
0x3aa: {  	v45 =	vor.u32 v12, v41;
	v3 =	vadd.f32 v4, v3;
	v4 =	vmul.f32 v9, v33  }
0x3ab: {  	v6 =	vor.u32 v19, v41;
	v46 =	vmul.f32 v17, v31  }
0x3ac: {  	v2 =	vmul.f32 v2, v34;
	v3 =	vadd.f32 v4, v3;
	v4 =	vmul.f32 v15, v32  }
0x3ad: {  	v7 =	vor.u32 v14, v41;
	v5 =	vmul.f32 v5, v31  }
0x3ae: {  	v0 =	vadd.f32 v46, v0;
	v1 =	vmul.f32 v1, v33;
	v2 =	vadd.f32 v2, v4  }
0x3af: {  	v48, _, _ =	vpop (xrf2);
	v10 =	vld.idx.msk [tilespmem:v45+s19+$0x0], $0xffff;
	v3 =	vadd.f32 v5, v3;
	v5 =	vor.u32 v14, v36  }
0x3b0: {  	v21 =	vmul.f32 v42, v31;
	v49, _, _ =	vpop (xrf2);
	v6 =	vld.idx.msk [tilespmem:v6+s19+$0x0], $0xffff;
	v1 =	vadd.f32 v1, v2  }
0x3b1: {  	v47 =	vor.u32 v19, v39;
	v17, _, _ =	vpop (xrf2);
	(xrf2) =	vadd.scan.msk.f32 $0xffff, v0  }
0x3b2: {  	v7 =	vld.idx.msk [tilespmem:v7+s19+$0x0], $0xffff;
	v0, _, _ =	vpop (xrf2);
	v1 =	vadd.f32 v21, v1  }
0x3b3: {  	v20, _, _ =	vpop (xrf2);
	(xrf2) =	vadd.scan.msk.f32 $0xffff, v3  }
0x3b4: {  	v13 =	vor.u32 v12, v39;
	v4, _, _ =	vpop (xrf2);
	(xrf2) =	vadd.scan.msk.f32 $0xffff, v1;
	v1 =	vld.idx.msk [tilespmem:v5+s19+$0x0], $0xffff  }
0x3b5: {  	s9 =	sadd.s32 $0xFFFFFF80, s22;
	v18 =	vor.u32 v12, v36;
	v2 =	vmul.f32 v6, v32;
	v6 =	vmul.f32 v10, v34;
	v23, _, _ =	vpop (xrf2);
	v5 =	vld [tilespmem:$0x1FE80]  }
0x3b6: {  	v50 =	vor.u32 v14, v39;
	v11 =	vld.idx.msk [tilespmem:v47+s19+$0x0], $0xffff;
	v15 =	vor.u32 v19, v36;
	v19 =	vadd.s32 s9, v35;
	v51, _, _ =	vpop (xrf2)  }
0x3b7: {  	v25 =	vor.u32 v12, v19;
	v2 =	vadd.f32 v6, v2;
	v6 =	vmul.f32 v7, v33;
	v7, _, _ =	vpop (xrf2)  }
0x3b8: {  	v63 =	vlaneseq.u32;
	v7 =	vbroadcast v7, $0xF  }
0x3b9: {  	v13 =	vld.idx.msk [tilespmem:v13+s19+$0x0], $0xffff;
	v22 =	vor.u32 v63, v19  }
0x3ba: {  	v18 =	vld.idx.msk [tilespmem:v18+s19+$0x0], $0xffff;
	v54 =	vor.u32 v16, v19;
	v5 =	vmul.f32 v5, v7;
	v7 =	vbroadcast v51, $0xF  }
0x3bb: {  	v3 =	vld.idx.msk [tilespmem:v50+s19+$0x0], $0xffff;
	v21 =	vor.u32 v14, v19;
	v2 =	vadd.f32 v6, v2;
	v6 =	vmul.f32 v11, v32;
	v55, _, _ =	vpop (xrf2)  }
0x3bc: {  	v19 =	vld.idx.msk [tilespmem:v25+s19+$0x0], $0xffff;
	v11 =	vbroadcast v55, $0xF;
	v5 =	vadd.f32 $0.0e+00, v5;
	v7 =	vmul.f32 v37, v7  }
0x3bd: {  	v15 =	vld.idx.msk [tilespmem:v15+s19+$0x0], $0xffff  }
0x3be: {  	v52 =	vld [tilespmem:$0x1FDB0];
	v53 =	vmul.f32 v13, v34;
	v5 =	vadd.f32 v7, v5;
	v7 =	vmul.f32 v38, v11;
	_ =	sdelay $0x1  }
0x3bf: {  	v3 =	vmul.f32 v3, v33;
	v6 =	vadd.f32 v53, v6;
	v5 =	vadd.f32 v7, v5;
	v7 =	vld [tilespmem:$0x1FFE0]  }
0x3c0: {  	v26 =	vmul.f32 v40, v31;
	v58 =	vmul.f32 v19, v34  }
0x3c1: {  	v3 =	vadd.f32 v3, v6;
	v6 =	vmul.f32 v15, v32;
	v15 =	vmul.f32 v18, v34;
	v34 =	vld [tilespmem:$0x1FF30]  }
0x3c2: {  	v10 =	vmul.f32 v52, v31;
	v56 =	vbroadcast v23, $0xF  }
0x3c3: {  	v13 =	vld.idx.msk [tilespmem:v22+s19+$0x0], $0xffff;
	v2 =	vadd.f32 v26, v2;
	v57, _, _ =	vpop (xrf2)  }
0x3c4: {  	v3 =	vadd.f32 v10, v3;
	v10 =	vbroadcast v57, $0xF;
	v7 =	vmul.f32 v7, v56  }
0x3c5: {  	(xrf2) =	vadd.scan.msk.f32 $0xffff, v2;
	v2 =	vld.idx.msk [tilespmem:v21+s19+$0x0], $0xffff;
	v1 =	vmul.f32 v1, v33  }
0x3c6: {  	v24 =	vld [tilespmem:$0x1FDA0];
	v6 =	vadd.f32 v15, v6;
	(xrf2) =	vadd.scan.msk.f32 $0xffff, v3;
	v3 =	vadd.f32 v7, v5;
	v5 =	vmul.f32 v34, v10  }
0x3c7: {  	v9 =	vld.idx.msk [tilespmem:v54+s19+$0x0], $0xffff  }
0x3c8: {  	v1 =	vadd.f32 v1, v6;
	v6 =	vmul.f32 v13, v32;
	v3 =	vadd.f32 v5, v3;
	v5 =	vld [tilespmem:$0x1FFF0];
	_ =	sdelay $0x1  }
0x3c9: {  	v2 =	vmul.f32 v2, v33;
	v6 =	vadd.f32 v58, v6  }
0x3ca: {  	v4 =	vbroadcast v4, $0xF  }
0x3cb: {  	v24 =	vmul.f32 v24, v31;
	v2 =	vadd.f32 v2, v6;
	v6 =	vmul.f32 v9, v31;
	v7, _, _ =	vpop (xrf2)  }
0x3cc: {  	v4 =	vmul.f32 v5, v4;
	v5 =	vbroadcast v7, $0xF  }
0x3cd: {  	v1 =	vadd.f32 v24, v1  }
0x3ce: {  	v2 =	vadd.f32 v6, v2  }
0x3cf: {  	(xrf2) =	vadd.scan.msk.f32 $0xffff, v1  }
0x3d0: {  	v1 =	vadd.f32 v4, v3;
	v3 =	vmul.f32 v29, v5;
	v5, _, _ =	vpop (xrf2);
	(xrf2) =	vadd.scan.msk.f32 $0xffff, v2;
	v2 =	vld [tilespmem:$0x1FF60]  }
0x3d1: {  	v4 =	vbroadcast v20, $0xF;
	_ =	sdelay $0x1  }
0x3d2: {  	v1 =	vadd.f32 v3, v1;
	v3 =	vmul.f32 v30, v4;
	v4 =	vbroadcast v5, $0xF;
	_ =	sdelay $0x1  }
0x3d3: {  	v1 =	vadd.f32 v3, v1;
	v2 =	vmul.f32 v2, v4;
	_ =	sdelay $0x1  }
0x3d4: {  	v1 =	vadd.f32 v2, v1;
	v2 =	vld [tilespmem:$0x1FF70];
	_ =	sdelay $0x2  }
0x3d5: {  	v0 =	vbroadcast v0, $0xF;
	_ =	sdelay $0x1  }
0x3d6: {  	v0 =	vmul.f32 v2, v0;
	_ =	sdelay $0x1  }
0x3d7: {  	v0 =	vadd.f32 v0, v1;
	v1 =	vld [tilespmem:$0x1FFD0];
	_ =	sdelay $0x1  }
0x3d8: {  	v3, _, _ =	vpop (xrf2)  }
0x3d9: {  	v2 =	vbroadcast v3, $0xF;
	_ =	sdelay $0x1  }
0x3da: {  	v1 =	vmul.f32 v1, v2;
	_ =	sdelay $0x1  }
0x3db: {  	v0 =	vadd.f32 v1, v0;
	v1 =	vld [tilespmem:$0x1FFA0];
	_ =	sdelay $0x2  }
0x3dc: {  	v2 =	vbroadcast v17, $0xF;
	_ =	sdelay $0x1  }
0x3dd: {  	v1 =	vmul.f32 v1, v2;
	_ =	sdelay $0x1  }
0x3de: {  	v0 =	vadd.f32 v1, v0;
	v1 =	vld [tilespmem:$0x1FF80];
	_ =	sdelay $0x1  }
0x3df: {  	v3, _, _ =	vpop (xrf2)  }
0x3e0: {  	v2 =	vbroadcast v3, $0xF;
	_ =	sdelay $0x1  }
0x3e1: {  	v1 =	vmul.f32 v1, v2;
	_ =	sdelay $0x1  }
0x3e2: {  	v0 =	vadd.f32 v1, v0;
	v1 =	vld [tilespmem:$0x1FFB0];
	_ =	sdelay $0x1  }
0x3e3: {  	v54 =	vld [tilespmem:$0x1FE00]  }
0x3e4: {  	v2 =	vbroadcast v49, $0xF;
	_ =	sdelay $0x1  }
0x3e5: {  	v4 =	vld [tilespmem:$0x1FD90];
	v1 =	vmul.f32 v1, v2  }
0x3e6: {  	s22 =	sadd.s32 $0xFFFFFFF0, s21;
	v3, _, _ =	vpop (xrf2)  }
0x3e7: {  	v2 =	vbroadcast v3, $0xF;
	v3 =	vor.u32 s22, v54;
	v0 =	vadd.f32 v1, v0;
	v1 =	vld [tilespmem:$0x1FF90]  }
0x3e8: {  	v3 =	vbroadcast v3, $0x0;
	_ =	sdelay $0x1  }
0x3e9: {  	v3 =	vor.u32 v4, v3;
	v4 =	vld [tilespmem:$0x1FFC0];
	_ =	sdelay $0x1  }
0x3ea: {  	v7 =	vld [tilespmem:$0x1FE70];
	v1 =	vmul.f32 v1, v2  }
0x3eb: {  	v2 =	vbroadcast v48, $0xF  }
0x3ec: {  	v0 =	vadd.f32 v1, v0;
	v1 =	vor.u32 $0xC0, v63  }
0x3ed: {  	v2 =	vmul.f32 v4, v2;
	v4 =	vor.u32 $0xD0, v63;
	v1 =	vor.u32 v1, v54  }
0x3ee: {  	v5 =	vor.u32 $0x6C00, v63;
	v4 =	vor.u32 v4, v54  }
0x3ef: {  	v0 =	vadd.f32 v2, v0;
	v2 =	vadd.s32 v5, v7;
	v5 =	vor.u32 $0x6C10, v63  }
0x3f0: {  	v6 =	vor.u32 $0xE0, v63;
	v5 =	vadd.s32 v5, v7  }
0x3f1: {  	[tilespmem:v3+s25+$0x0] =	vst.idx.msk $0xffff, v0;
	v0 =	vor.u32 v6, v54;
	v3 =	vor.u32 $0x6C20, v63  }
0x3f2: {  	v3 =	vadd.s32 v3, v7;
	v33 =	vld.idx.msk [tilespmem:v1+s17+$0x0], $0xffff;
	v1 =	vor.u32 $0xF0, v63  }
0x3f3: {  	v32 =	vld.idx.msk [tilespmem:v4+s17+$0x0], $0xffff;
	v4 =	vor.u32 $0x6C30, v63;
	v1 =	vor.u32 v1, v54  }
0x3f4: {  	v2 =	vld.idx.msk [tilespmem:v2+s19+$0x0], $0xffff;
	v4 =	vadd.s32 v4, v7  }
0x3f5: {  	v5 =	vld.idx.msk [tilespmem:v5+s19+$0x0], $0xffff  }
0x3f6: {  	v31 =	vld.idx.msk [tilespmem:v0+s17+$0x0], $0xffff  }
0x3f7: {  	v0 =	vld.idx.msk [tilespmem:v3+s19+$0x0], $0xffff  }
0x3f8: {  	v30 =	vld.idx.msk [tilespmem:v1+s17+$0x0], $0xffff  }
0x3f9: {  	v1 =	vld.idx.msk [tilespmem:v4+s19+$0x0], $0xffff  }
0x3fa: {  	v2 =	vmul.f32 v2, v33;
	v3 =	vmul.f32 v5, v32;
	_ =	sdelay $0x1  }
0x3fb: {  	v2 =	vadd.f32 v3, v2;
	v0 =	vmul.f32 v0, v31;
	_ =	sdelay $0x1  }
0x3fc: {  	v0 =	vadd.f32 v0, v2;
	v1 =	vmul.f32 v1, v30;
	_ =	sdelay $0x1  }
0x3fd: {  	v0 =	vadd.f32 v1, v0;
	_ =	sdelay $0x1  }
0x3fe: {  	(xrf2) =	vadd.scan.msk.f32 $0xffff, v0;
	_ =	sdelay $0x6  }
0x3ff: {  	s26 =	sadd.s32 $0x3, s20;
	s21 =	simm.s32 $0x800;
	v29 =	vadd.s32 $0x6C00, v7  }
0x400: {  	v1 =	vadd.s32 s21, v29;
	v0 =	vmov s26  }
0x401: {  	s10 =	simm.s32 $0x700;
	v2 =	vor.u32 v16, v1  }
0x402: {  	v4 =	vadd.s32 s10, v29;
	v5 =	vor.u32 v14, v1;
	v3, _, _ =	vpop (xrf2)  }
0x403: {  	v6 =	vor.u32 v16, v4;
	v3 =	vbroadcast v3, $0xF  }
0x404: {  	v7 =	vor.u32 v63, v1  }
0x405: {  	v59 =	vor.u32 v14, v4;
	[tilespmem:v0+s24+$0x0] =	vst.idx.msk $0x1, v3  }
0x406: {  	s14 =	simm.s32 $0x580;
	v61 =	vor.u32 v63, v4;
	v2 =	vld.idx.msk [tilespmem:v2+s19+$0x0], $0xffff  }
0x407: {  	s11 =	simm.s32 $0x680;
	v37 =	vadd.s32 s14, v29;
	v4 =	vor.u32 v12, v4;
	v40 =	vld.idx.msk [tilespmem:v5+s19+$0x0], $0xffff  }
0x408: {  	v35 =	vadd.s32 s11, v29;
	v62 =	vor.u32 v16, v37;
	s22 =	simm.s32 $0x480;
	v28 =	vld.idx.msk [tilespmem:v6+s19+$0x0], $0xffff  }
0x409: {  	s11 =	simm.s32 $0x400;
	v39 =	vadd.s32 s22, v29;
	v0 =	vor.u32 v12, v1;
	v1 =	vor.u32 v16, v35;
	v7 =	vld.idx.msk [tilespmem:v7+s19+$0x0], $0xffff  }
0x40a: {  	v18 =	vadd.s32 s11, v29;
	v20 =	vor.u32 v16, v39;
	v8 =	vld.idx.msk [tilespmem:v59+s19+$0x0], $0xffff  }
0x40b: {  	v22 =	vor.u32 v16, v18;
	v10 =	vld.idx.msk [tilespmem:v61+s19+$0x0], $0xffff  }
0x40c: {  	s12 =	simm.s32 $0x600;
	v25 =	vor.u32 v14, v18;
	v4 =	vld.idx.msk [tilespmem:v4+s19+$0x0], $0xffff  }
0x40d: {  	s14 =	simm.s32 $0x180;
	v3 =	vadd.s32 s12, v29;
	v36 =	vld.idx.msk [tilespmem:v62+s19+$0x0], $0xffff  }
0x40e: {  	v46 =	vadd.s32 s14, v29;
	v27 =	vor.u32 v63, v18;
	v60 =	vor.u32 v16, v3;
	v1 =	vld.idx.msk [tilespmem:v1+s19+$0x0], $0xffff  }
0x40f: {  	v18 =	vor.u32 v12, v18;
	v50 =	vor.u32 v16, v46;
	s22 =	simm.s32 $0x80;
	v13 =	vor.u32 v14, v3;
	v38 =	vld.idx.msk [tilespmem:v20+s19+$0x0], $0xffff  }
0x410: {  	v48 =	vadd.s32 s22, v29;
	s10 =	simm.s32 $0x380;
	s12 =	simm.s32 $0x300;
	v17 =	vor.u32 v63, v3;
	v3 =	vor.u32 v12, v3;
	v52 =	vld.idx.msk [tilespmem:v22+s19+$0x0], $0xffff  }
0x411: {  	v53 =	vor.u32 v16, v48;
	v41 =	vadd.s32 s10, v29;
	v19 =	vadd.s32 s12, v29;
	v61 =	vld.idx.msk [tilespmem:v25+s19+$0x0], $0xffff  }
0x412: {  	s20 =	simm.s32 $0x500;
	v57 =	vor.u32 v14, v48;
	v42 =	vor.u32 v14, v41;
	s26 =	simm.s32 $0x280;
	v24 =	vor.u32 v16, v19;
	v0 =	vld.idx.msk [tilespmem:v0+s19+$0x0], $0xffff  }
0x413: {  	v44 =	vor.u32 v63, v41;
	v43 =	vadd.s32 s26, v29;
	s26 =	simm.s32 $0x100;
	v9 =	vld.idx.msk [tilespmem:v60+s19+$0x0], $0xffff;
	[tilespmem:$0x1FD70] =	vst v1;
	v1 =	vadd.s32 s20, v29  }
0x414: {  	v26 =	vadd.s32 s26, v29;
	v45 =	vor.u32 v16, v43;
	v13 =	vld.idx.msk [tilespmem:v13+s19+$0x0], $0xffff;
	v15 =	vor.u32 v16, v1  }
0x415: {  	v3 =	vld.idx.msk [tilespmem:v3+s19+$0x0], $0xffff;
	v21 =	vor.u32 v14, v1;
	v23 =	vor.u32 v63, v1;
	v1 =	vor.u32 v12, v1  }
0x416: {  	v49 =	vor.u32 v63, v43;
	v47 =	vor.u32 v12, v43;
	v59 =	vor.u32 v14, v26;
	v17 =	vld.idx.msk [tilespmem:v17+s19+$0x0], $0xffff  }
0x417: {  	v25 =	vor.u32 v63, v26;
	v20 =	vor.u32 v14, v19;
	v7 =	vmul.f32 v7, v33;
	v55 =	vld.idx.msk [tilespmem:v24+s19+$0x0], $0xffff;
	s20 =	simm.s32 $0x200  }
0x418: {  	v4 =	vmul.f32 v4, v32;
	v24 =	vld.idx.msk [tilespmem:v27+s19+$0x0], $0xffff;
	v0 =	vmul.f32 v0, v32;
	v11 =	vadd.s32 s20, v29  }
0x419: {  	v60 =	vor.u32 v16, v26;
	v26 =	vor.u32 v12, v26;
	v56 =	vor.u32 v16, v11;
	v51 =	vld.idx.msk [tilespmem:v15+s19+$0x0], $0xffff  }
0x41a: {  	v3 =	vmul.f32 v3, v32;
	v0 =	vadd.f32 v0, v7;
	v5 =	vld.idx.msk [tilespmem:v1+s19+$0x0], $0xffff;
	v1 =	vmul.f32 v40, v31  }
0x41b: {  	v6 =	vor.u32 v14, v11;
	v7 =	vmul.f32 v10, v33;
	v15 =	vor.u32 v16, v41;
	v58 =	vld.idx.msk [tilespmem:v21+s19+$0x0], $0xffff  }
0x41c: {  	v21 =	vor.u32 v63, v19;
	v19 =	vor.u32 v12, v19;
	v62 =	vld.idx.msk [tilespmem:v23+s19+$0x0], $0xffff;
	v0 =	vadd.f32 v1, v0  }
0x41d: {  	v20 =	vld.idx.msk [tilespmem:v20+s19+$0x0], $0xffff;
	v1 =	vmul.f32 v2, v30;
	v2 =	vadd.f32 v4, v7;
	v4 =	vmul.f32 v8, v31  }
0x41e: {  	v22 =	vor.u32 v12, v11;
	v23 =	vor.u32 v63, v11;
	v56 =	vld.idx.msk [tilespmem:v56+s19+$0x0], $0xffff;
	v7 =	vmul.f32 v17, v33  }
0x41f: {  	v1 =	vadd.f32 v1, v0;
	v0 =	vld.idx.msk [tilespmem:v18+s19+$0x0], $0xffff;
	v2 =	vadd.f32 v4, v2;
	v4 =	vmul.f32 v28, v30  }
0x420: {  	v3 =	vadd.f32 v3, v7;
	v7 =	vor.u32 $0xC0, v54;
	v54 =	vor.u32 v63, v46;
	v40 =	vld.idx.msk [tilespmem:v15+s19+$0x0], $0xffff  }
0x421: {  	[tilespmem:$0x1FD80] =	vst v7;
	v27 =	vld.idx.msk [tilespmem:v21+s19+$0x0], $0xffff;
	v7 =	vmul.f32 v13, v31;
	v63 =	vmul.f32 v62, v33  }
0x422: {  	(xrf2) =	vadd.scan.msk.f32 $0xffff, v1;
	v2 =	vadd.f32 v4, v2;
	v1 =	vld.idx.msk [tilespmem:v19+s19+$0x0], $0xffff;
	v19 =	vlaneseq.u32;
	v4 =	vmul.f32 v5, v32  }
0x423: {  	s9 =	simm.s32 $0x20;
	s20 =	simm.s32 $0x10;
	v21 =	vld.idx.msk [tilespmem:v6+s19+$0x0], $0xffff;
	v5 =	vmul.f32 v9, v30;
	v3 =	vadd.f32 v7, v3;
	v62 =	vor.u32 v19, v48  }
.LBB2_11:
0x424: {  	v6 =	vld.idx.msk [tilespmem:v23+s19+$0x0], $0xffff  }
0x425: {  	v7 =	vmul.f32 v58, v31;
	v9 =	vld.idx.msk [tilespmem:v60+s19+$0x0], $0xffff  }
0x426: {  	v13 =	vor.u32 v12, v46;
	v4 =	vadd.f32 v4, v63;
	(xrf2) =	vadd.scan.msk.f32 $0xffff, v2;
	v3 =	vadd.f32 v5, v3  }
0x427: {  	v2 =	vld.idx.msk [tilespmem:v22+s19+$0x0], $0xffff;
	v5 =	vor.u32 v12, v48;
	v8 =	vmul.f32 v24, v33;
	v0 =	vmul.f32 v0, v32  }
0x428: {  	v10 =	vld.idx.msk [tilespmem:v25+s19+$0x0], $0xffff;
	v4 =	vadd.f32 v7, v4;
	v7 =	vmul.f32 v51, v30;
	v1 =	vmul.f32 v1, v32  }
0x429: {  	v15 =	vld.idx.msk [tilespmem:v62+s19+$0x0], $0xffff;
	v60 =	vmul.f32 v61, v31;
	v11 =	vmul.f32 v27, v33;
	v0 =	vadd.f32 v0, v8  }
0x42a: {  	(xrf2) =	vadd.scan.msk.f32 $0xffff, v3;
	v3 =	vld.idx.msk [tilespmem:v26+s19+$0x0], $0xffff;
	v61 =	vmul.f32 v52, v30;
	v4 =	vadd.f32 v7, v4  }
0x42b: {  	v63 =	vmul.f32 v20, v31;
	v7 =	vld.idx.msk [tilespmem:v59+s19+$0x0], $0xffff;
	v1 =	vadd.f32 v1, v11;
	v0 =	vadd.f32 v60, v0  }
0x42c: {  	v2 =	vmul.f32 v2, v32;
	(xrf2) =	vadd.scan.msk.f32 $0xffff, v4;
	v4 =	vld.idx.msk [tilespmem:v5+s19+$0x0], $0xffff;
	v5 =	vmul.f32 v6, v33  }
0x42d: {  	v52 =	vor.u32 v14, v46;
	v6 =	vld.idx.msk [tilespmem:v53+s19+$0x0], $0xffff;
	v53 =	vmul.f32 v55, v30;
	v0 =	vadd.f32 v61, v0  }
0x42e: {  	v1 =	vadd.f32 v63, v1;
	v2 =	vadd.f32 v2, v5;
	v5 =	vmul.f32 v21, v31  }
0x42f: {  	v17 =	vld.idx.msk [tilespmem:v57+s19+$0x0], $0xffff;
	v48, _, _ =	vpop (xrf2);
	v3 =	vmul.f32 v3, v32;
	(xrf2) =	vadd.scan.msk.f32 $0xffff, v0;
	v0 =	vmul.f32 v10, v33  }
0x430: {  	v57 =	vld.idx.msk [tilespmem:v13+s19+$0x0], $0xffff;
	v13 =	vor.u32 v14, v43;
	v1 =	vadd.f32 v53, v1;
	v2 =	vadd.f32 v5, v2  }
0x431: {  	v55 =	vld.idx.msk [tilespmem:v54+s19+$0x0], $0xffff;
	v5 =	vmul.f32 v56, v30;
	v0 =	vadd.f32 v3, v0;
	v3 =	vmul.f32 v7, v31  }
0x432: {  	v8 =	vld.idx.msk [tilespmem:v52+s19+$0x0], $0xffff;
	v46, _, _ =	vpop (xrf2);
	v4 =	vmul.f32 v4, v32;
	(xrf2) =	vadd.scan.msk.f32 $0xffff, v1;
	v1 =	vmul.f32 v15, v33  }
0x433: {  	v2 =	vadd.f32 v5, v2;
	v5 =	vld.idx.msk [tilespmem:v49+s19+$0x0], $0xffff;
	v0 =	vadd.f32 v3, v0;
	v3 =	vmul.f32 v9, v30  }
0x434: {  	v58 =	vor.u32 v12, v41;
	v15 =	vld.idx.msk [tilespmem:v47+s19+$0x0], $0xffff;
	v1 =	vadd.f32 v4, v1;
	v4 =	vmul.f32 v17, v31  }
0x435: {  	v63 =	vmul.f32 v57, v32;
	v43, _, _ =	vpop (xrf2);
	(xrf2) =	vadd.scan.msk.f32 $0xffff, v2;
	v0 =	vadd.f32 v3, v0;
	v3 =	vld.idx.msk [tilespmem:v45+s19+$0x0], $0xffff  }
0x436: {  	v2 =	vmul.f32 v6, v30;
	v1 =	vadd.f32 v4, v1;
	v4 =	vmul.f32 v55, v33;
	v45 =	vld.idx.msk [tilespmem:v13+s19+$0x0], $0xffff  }
0x437: {  	v6 =	vor.u32 v19, v39;
	v13 =	vld.idx.msk [tilespmem:v44+s19+$0x0], $0xffff  }
0x438: {  	v59, _, _ =	vpop (xrf2);
	(xrf2) =	vadd.scan.msk.f32 $0xffff, v0;
	v0 =	vadd.f32 v2, v1;
	v1 =	vadd.f32 v63, v4;
	v2 =	vmul.f32 v8, v31  }
0x439: {  	v4 =	vld.idx.msk [tilespmem:v58+s19+$0x0], $0xffff  }
0x43a: {  	v7 =	vld.idx.msk [tilespmem:v50+s19+$0x0], $0xffff;
	v1 =	vadd.f32 v2, v1;
	v2 =	vmul.f32 v5, v33;
	v5 =	vmul.f32 v15, v32  }
0x43b: {  	v49 =	vld.idx.msk [tilespmem:v42+s19+$0x0], $0xffff  }
0x43c: {  	v17 =	vor.u32 v12, v39;
	v47, _, _ =	vpop (xrf2);
	(xrf2) =	vadd.scan.msk.f32 $0xffff, v0;
	v2 =	vadd.f32 v5, v2;
	v5 =	vmul.f32 v45, v31  }
0x43d: {  	v0 =	vld.idx.msk [tilespmem:v6+s19+$0x0], $0xffff;
	v6 =	vor.u32 v12, v37;
	v3 =	vmul.f32 v3, v30  }
0x43e: {  	v4 =	vmul.f32 v4, v32;
	v2 =	vadd.f32 v5, v2;
	v5 =	vmul.f32 v13, v33  }
0x43f: {  	v18 =	vor.u32 v14, v39;
	v7 =	vmul.f32 v7, v30  }
0x440: {  	v2 =	vadd.f32 v3, v2;
	v3 =	vadd.f32 v4, v5;
	v4 =	vmul.f32 v49, v31  }
0x441: {  	v20 =	vadd.f32 v7, v1;
	v7 =	vld.idx.msk [tilespmem:v17+s19+$0x0], $0xffff  }
0x442: {  	v50 =	vor.u32 v19, v37;
	v5 =	vld.idx.msk [tilespmem:v6+s19+$0x0], $0xffff;
	v6 =	vmul.f32 v40, v30;
	v3 =	vadd.f32 v4, v3  }
0x443: {  	v15, _, _ =	vpop (xrf2)  }
0x444: {  	s10 =	sadd.s32 $0xFFFFFF80, s21;
	v52 =	vld.idx.msk [tilespmem:v18+s19+$0x0], $0xffff;
	(xrf2) =	vadd.scan.msk.f32 $0xffff, v20;
	v1, _, _ =	vpop (xrf2);
	v3 =	vadd.f32 v6, v3  }
0x445: {  	v63 =	vlaneseq.u32;
	v17 =	vor.u32 v19, v35;
	v19 =	vadd.s32 s10, v29;
	v21, _, _ =	vpop (xrf2);
	(xrf2) =	vadd.scan.msk.f32 $0xffff, v2  }
0x446: {  	v54 =	vor.u32 v63, v19;
	v55, _, _ =	vpop (xrf2);
	(xrf2) =	vadd.scan.msk.f32 $0xffff, v3;
	v3 =	vld [tilespmem:$0x1FE80]  }
0x447: {  	v9 =	vld.idx.msk [tilespmem:v50+s19+$0x0], $0xffff;
	v22 =	vor.u32 v12, v19;
	v0 =	vmul.f32 v0, v33;
	v4 =	vmul.f32 v7, v32  }
0x448: {  	v57 =	vor.u32 v16, v19;
	v13 =	vor.u32 v12, v35;
	v20 =	vor.u32 v14, v19;
	v19 =	vld [tilespmem:$0x1FF10]  }
0x449: {  	v0 =	vadd.f32 v4, v0;
	v4 =	vmul.f32 v52, v31;
	v11 =	vbroadcast v55, $0xF  }
0x44a: {  	v23 =	vmul.f32 v38, v30  }
0x44b: {  	v56 =	vbroadcast v21, $0xF;
	v0 =	vadd.f32 v4, v0;
	v3 =	vmul.f32 v3, v11  }
0x44c: {  	v4 =	vmul.f32 v9, v33  }
0x44d: {  	v9 =	vmul.f32 v19, v56;
	v0 =	vadd.f32 v23, v0;
	v3 =	vadd.f32 $0.0e+00, v3  }
0x44e: {  	v51 =	vor.u32 v14, v37;
	v6 =	vld.idx.msk [tilespmem:v13+s19+$0x0], $0xffff  }
0x44f: {  	v13, _, _ =	vpop (xrf2);
	(xrf2) =	vadd.scan.msk.f32 $0xffff, v0;
	v0 =	vadd.f32 v9, v3;
	v3 =	vld [tilespmem:$0x1FF20];
	_ =	sdelay $0x2  }
0x450: {  	v13 =	vbroadcast v13, $0xF  }
0x451: {  	v53 =	vld.idx.msk [tilespmem:v51+s19+$0x0], $0xffff  }
0x452: {  	v3 =	vmul.f32 v3, v13  }
0x453: {  	v7 =	vld.idx.msk [tilespmem:v17+s19+$0x0], $0xffff  }
0x454: {  	v5 =	vmul.f32 v5, v32;
	v0 =	vadd.f32 v3, v0;
	v3 =	vld [tilespmem:$0x1FFE0];
	_ =	sdelay $0x1  }
0x455: {  	v4 =	vadd.f32 v5, v4;
	v5 =	vmul.f32 v53, v31  }
0x456: {  	v1 =	vbroadcast v1, $0xF  }
0x457: {  	v4 =	vadd.f32 v5, v4;
	v5 =	vmul.f32 v7, v33;
	v7, _, _ =	vpop (xrf2)  }
0x458: {  	v1 =	vmul.f32 v3, v1;
	v3 =	vbroadcast v7, $0xF;
	_ =	sdelay $0x1  }
0x459: {  	v0 =	vadd.f32 v1, v0;
	v1 =	vmul.f32 v34, v3  }
0x45a: {  	v2 =	vmul.f32 v36, v30  }
0x45b: {  	v0 =	vadd.f32 v1, v0;
	v1 =	vld [tilespmem:$0x1FFF0]  }
0x45c: {  	v2 =	vadd.f32 v2, v4;
	_ =	sdelay $0x1  }
0x45d: {  	(xrf2) =	vadd.scan.msk.f32 $0xffff, v2;
	v2 =	vbroadcast v15, $0xF  }
0x45e: {  	v18 =	vor.u32 v14, v35  }
0x45f: {  	v1 =	vmul.f32 v1, v2;
	_ =	sdelay $0x1  }
0x460: {  	v0 =	vadd.f32 v1, v0;
	v1 =	vld [tilespmem:$0x1FF40];
	_ =	sdelay $0x1  }
0x461: {  	v18 =	vld.idx.msk [tilespmem:v18+s19+$0x0], $0xffff;
	v7, _, _ =	vpop (xrf2)  }
0x462: {  	v17 =	vld [tilespmem:$0x1FD70];
	v2 =	vbroadcast v7, $0xF  }
0x463: {  	v58 =	vld.idx.msk [tilespmem:v22+s19+$0x0], $0xffff  }
0x464: {  	v10 =	vld.idx.msk [tilespmem:v54+s19+$0x0], $0xffff;
	v1 =	vmul.f32 v1, v2  }
0x465: {  	v6 =	vmul.f32 v6, v32  }
0x466: {  	v0 =	vadd.f32 v1, v0;
	v1 =	vld [tilespmem:$0x1FF50]  }
0x467: {  	v4 =	vadd.f32 v6, v5;
	v5 =	vmul.f32 v18, v31  }
0x468: {  	v19 =	vld.idx.msk [tilespmem:v20+s19+$0x0], $0xffff;
	v17 =	vmul.f32 v17, v30;
	v8 =	vmul.f32 v58, v32  }
0x469: {  	v4 =	vadd.f32 v5, v4;
	v5 =	vmul.f32 v10, v33;
	v2 =	vbroadcast v47, $0xF;
	_ =	sdelay $0x1  }
0x46a: {  	v3 =	vadd.f32 v17, v4;
	v4 =	vadd.f32 v8, v5;
	v1 =	vmul.f32 v1, v2;
	_ =	sdelay $0x1  }
0x46b: {  	v5 =	vmul.f32 v19, v31;
	v0 =	vadd.f32 v1, v0;
	v1 =	vld [tilespmem:$0x1FF60];
	_ =	sdelay $0x1  }
0x46c: {  	v7 =	vadd.f32 v5, v4;
	v4, _, _ =	vpop (xrf2)  }
0x46d: {  	v2 =	vbroadcast v4, $0xF;
	_ =	sdelay $0x1  }
0x46e: {  	v6 =	vld.idx.msk [tilespmem:v57+s19+$0x0], $0xffff;
	v1 =	vmul.f32 v1, v2;
	_ =	sdelay $0x1  }
0x46f: {  	v0 =	vadd.f32 v1, v0;
	v1 =	vld [tilespmem:$0x1FF70];
	_ =	sdelay $0x2  }
0x470: {  	v5 =	vmul.f32 v6, v30;
	v2 =	vbroadcast v59, $0xF;
	_ =	sdelay $0x1  }
0x471: {  	(xrf2) =	vadd.scan.msk.f32 $0xffff, v3;
	v3 =	vadd.f32 v5, v7;
	v1 =	vmul.f32 v1, v2;
	_ =	sdelay $0x1  }
0x472: {  	v0 =	vadd.f32 v1, v0;
	v1 =	vld [tilespmem:$0x1FFD0];
	_ =	sdelay $0x1  }
0x473: {  	(xrf2) =	vadd.scan.msk.f32 $0xffff, v3;
	v3, _, _ =	vpop (xrf2)  }
0x474: {  	v2 =	vbroadcast v3, $0xF;
	_ =	sdelay $0x1  }
0x475: {  	v1 =	vmul.f32 v1, v2;
	_ =	sdelay $0x1  }
0x476: {  	v0 =	vadd.f32 v1, v0;
	v1 =	vld [tilespmem:$0x1FFA0];
	_ =	sdelay $0x2  }
0x477: {  	v2 =	vbroadcast v43, $0xF;
	_ =	sdelay $0x1  }
0x478: {  	v1 =	vmul.f32 v1, v2;
	_ =	sdelay $0x1  }
0x479: {  	v0 =	vadd.f32 v1, v0;
	v1 =	vld [tilespmem:$0x1FF80];
	_ =	sdelay $0x1  }
0x47a: {  	v3, _, _ =	vpop (xrf2)  }
0x47b: {  	v2 =	vbroadcast v3, $0xF;
	_ =	sdelay $0x1  }
0x47c: {  	v1 =	vmul.f32 v1, v2;
	_ =	sdelay $0x1  }
0x47d: {  	v0 =	vadd.f32 v1, v0;
	v1 =	vld [tilespmem:$0x1FFB0];
	_ =	sdelay $0x2  }
0x47e: {  	v2 =	vbroadcast v46, $0xF;
	_ =	sdelay $0x1  }
0x47f: {  	v1 =	vmul.f32 v1, v2;
	_ =	sdelay $0x1  }
0x480: {  	v0 =	vadd.f32 v1, v0;
	v1 =	vld [tilespmem:$0x1FF90];
	_ =	sdelay $0x1  }
0x481: {  	v4, _, _ =	vpop (xrf2)  }
0x482: {  	v3 =	vld [tilespmem:$0x1FD80];
	v2 =	vbroadcast v4, $0xF;
	_ =	sdelay $0x1  }
0x483: {  	v1 =	vmul.f32 v1, v2;
	_ =	sdelay $0x1  }
0x484: {  	s21 =	sadd.s32 $0xFFFFFFF0, s20;
	v0 =	vadd.f32 v1, v0;
	v1 =	vld [tilespmem:$0x1FFC0]  }
0x485: {  	v3 =	vor.u32 s21, v3  }
0x486: {  	v3 =	vbroadcast v3, $0x0  }
0x487: {  	s21 =	sshll.u32 s9, $0x7;
	v2 =	vbroadcast v48, $0xF  }
0x488: {  	v3 =	vor.u32 v63, v3;
	v4 =	vadd.s32 s21, v29  }
0x489: {  	s12 =	sadd.s32 $0xFFFFFD80, s21;
	v5 =	vor.u32 v16, v4;
	v1 =	vmul.f32 v1, v2  }
0x48a: {  	v37 =	vadd.s32 s12, v29;
	s12 =	sadd.s32 $0xFFFFFC00, s21;
	v6 =	vor.u32 v14, v4  }
0x48b: {  	v62 =	vor.u32 v16, v37;
	v18 =	vadd.s32 s12, v29;
	s12 =	sadd.s32 $0xFFFFFA00, s21;
	v0 =	vadd.f32 v1, v0  }
0x48c: {  	s22 =	sadd.s32 $0xFFFFFF00, s21;
	v11 =	vadd.s32 s12, v29;
	v22 =	vor.u32 v16, v18  }
0x48d: {  	v56 =	vor.u32 v16, v11;
	v2 =	vadd.s32 s22, v29;
	[tilespmem:v3+s25+$0x0] =	vst.idx.msk $0xffff, v0  }
0x48e: {  	s26 =	sadd.s32 $0xFFFFFE80, s21;
	v7 =	vor.u32 v16, v2;
	v3 =	vld.idx.msk [tilespmem:v5+s19+$0x0], $0xffff  }
0x48f: {  	v35 =	vadd.s32 s26, v29;
	v59 =	vor.u32 v14, v2;
	v6 =	vld.idx.msk [tilespmem:v6+s19+$0x0], $0xffff  }
0x490: {  	v0 =	vor.u32 v16, v35;
	v36 =	vld.idx.msk [tilespmem:v62+s19+$0x0], $0xffff  }
0x491: {  	v61 =	vor.u32 v63, v2;
	v52 =	vld.idx.msk [tilespmem:v22+s19+$0x0], $0xffff  }
0x492: {  	v2 =	vor.u32 v12, v2;
	v56 =	vld.idx.msk [tilespmem:v56+s19+$0x0], $0xffff  }
0x493: {  	v25 =	vor.u32 v14, v18;
	v7 =	vld.idx.msk [tilespmem:v7+s19+$0x0], $0xffff  }
0x494: {  	s22 =	sadd.s32 $0xFFFFFC80, s21;
	v1 =	vor.u32 v63, v4;
	v8 =	vld.idx.msk [tilespmem:v59+s19+$0x0], $0xffff  }
0x495: {  	s11 =	sadd.s32 $0xFFFFFE00, s21;
	v39 =	vadd.s32 s22, v29;
	v4 =	vor.u32 v12, v4;
	v0 =	vld.idx.msk [tilespmem:v0+s19+$0x0], $0xffff  }
0x496: {  	v20 =	vor.u32 v16, v39;
	v5 =	vadd.s32 s11, v29;
	v10 =	vld.idx.msk [tilespmem:v61+s19+$0x0], $0xffff  }
0x497: {  	s26 =	sadd.s32 $0xFFFFFA80, s21;
	v60 =	vor.u32 v16, v5;
	v2 =	vld.idx.msk [tilespmem:v2+s19+$0x0], $0xffff  }
0x498: {  	v43 =	vadd.s32 s26, v29;
	s26 =	sadd.s32 $0xFFFFF900, s21;
	v13 =	vor.u32 v14, v5;
	v61 =	vld.idx.msk [tilespmem:v25+s19+$0x0], $0xffff  }
0x499: {  	s14 =	sadd.s32 $0xFFFFFD00, s21;
	v26 =	vadd.s32 s26, v29;
	v17 =	vor.u32 v63, v5;
	v1 =	vld.idx.msk [tilespmem:v1+s19+$0x0], $0xffff  }
0x49a: {  	v45 =	vor.u32 v16, v43;
	v5 =	vor.u32 v12, v5;
	v4 =	vld.idx.msk [tilespmem:v4+s19+$0x0], $0xffff;
	[tilespmem:$0x1FD70] =	vst v0;
	v0 =	vadd.s32 s14, v29  }
0x49b: {  	v27 =	vor.u32 v63, v18;
	v18 =	vor.u32 v12, v18;
	v38 =	vld.idx.msk [tilespmem:v20+s19+$0x0], $0xffff;
	v15 =	vor.u32 v16, v0  }
0x49c: {  	v49 =	vor.u32 v63, v43;
	v47 =	vor.u32 v12, v43;
	s22 =	sadd.s32 $0xFFFFF880, s21;
	v9 =	vld.idx.msk [tilespmem:v60+s19+$0x0], $0xffff;
	v21 =	vor.u32 v14, v0  }
0x49d: {  	v28 =	vor.u32 v14, v11;
	v48 =	vadd.s32 s22, v29;
	v13 =	vld.idx.msk [tilespmem:v13+s19+$0x0], $0xffff;
	s14 =	sadd.s32 $0xFFFFFB00, s21;
	v23 =	vor.u32 v63, v0  }
0x49e: {  	v53 =	vor.u32 v16, v48;
	v17 =	vld.idx.msk [tilespmem:v17+s19+$0x0], $0xffff;
	v19 =	vadd.s32 s14, v29;
	v0 =	vor.u32 v12, v0  }
0x49f: {  	v57 =	vor.u32 v14, v48;
	s11 =	sadd.s32 $0xFFFFFB80, s21;
	v22 =	vor.u32 v12, v11;
	v5 =	vld.idx.msk [tilespmem:v5+s19+$0x0], $0xffff;
	v24 =	vor.u32 v16, v19  }
0x4a0: {  	v41 =	vadd.s32 s11, v29;
	s11 =	sadd.s32 $0xFFFFF980, s21;
	v59 =	vor.u32 v14, v26;
	v25 =	vor.u32 v63, v26;
	v51 =	vld.idx.msk [tilespmem:v15+s19+$0x0], $0xffff  }
0x4a1: {  	v46 =	vadd.s32 s11, v29;
	v42 =	vor.u32 v14, v41;
	v20 =	vor.u32 v14, v19;
	v58 =	vld.idx.msk [tilespmem:v21+s19+$0x0], $0xffff  }
0x4a2: {  	v44 =	vor.u32 v63, v41;
	v50 =	vor.u32 v16, v46;
	v54 =	vor.u32 v63, v46;
	v62 =	vld.idx.msk [tilespmem:v23+s19+$0x0], $0xffff  }
0x4a3: {  	v15 =	vor.u32 v16, v41;
	v34 =	vld.idx.msk [tilespmem:v0+s19+$0x0], $0xffff;
	v0 =	vmul.f32 v1, v33;
	v1 =	vmul.f32 v4, v32  }
0x4a4: {  	v3 =	vmul.f32 v3, v30;
	v2 =	vmul.f32 v2, v32;
	v21 =	vor.u32 v63, v19;
	v55 =	vld.idx.msk [tilespmem:v24+s19+$0x0], $0xffff  }
0x4a5: {  	v4 =	vmul.f32 v10, v33;
	v24 =	vld.idx.msk [tilespmem:v27+s19+$0x0], $0xffff;
	v0 =	vadd.f32 v1, v0;
	v1 =	vmul.f32 v6, v31  }
0x4a6: {  	v60 =	vor.u32 v16, v26;
	v26 =	vor.u32 v12, v26;
	v19 =	vor.u32 v12, v19;
	v20 =	vld.idx.msk [tilespmem:v20+s19+$0x0], $0xffff  }
0x4a7: {  	p0 =	sne.s32 s9, $0x40;
	v2 =	vadd.f32 v2, v4;
	v4 =	vmul.f32 v8, v31;
	v1 =	vadd.f32 v1, v0;
	v0 =	vld.idx.msk [tilespmem:v18+s19+$0x0], $0xffff  }
.Ltmp4:
0x4a8: {  	v5 =	vmul.f32 v5, v32;
	v23 =	vor.u32 v63, v11;
	v6 =	vmul.f32 v17, v33;
	v40 =	vld.idx.msk [tilespmem:v15+s19+$0x0], $0xffff;
	(pc) =	sbr.rel @p0 .LBB2_11-.Ltmp4, $4  }
0x4a9: {  	v2 =	vadd.f32 v4, v2;
	v27 =	vld.idx.msk [tilespmem:v21+s19+$0x0], $0xffff;
	v1 =	vadd.f32 v3, v1;
	v3 =	vmul.f32 v7, v30  }
0x4aa: {  	v5 =	vadd.f32 v5, v6;
	v6 =	vmul.f32 v13, v31;
	v4 =	vmul.f32 v34, v32;
	v34 =	vld [tilespmem:$0x1FF30]  }
0x4ab: {  	v63 =	vmul.f32 v62, v33;
	(xrf2) =	vadd.scan.msk.f32 $0xffff, v1;
	v1 =	vld.idx.msk [tilespmem:v19+s19+$0x0], $0xffff;
	v19 =	vlaneseq.u32;
	v2 =	vadd.f32 v3, v2  }
0x4ac: {  	s20 =	smov.u32 s9;
	s9 =	sadd.s32 $0x10, s9;
	v21 =	vld.idx.msk [tilespmem:v28+s19+$0x0], $0xffff;
	v3 =	vadd.f32 v6, v5;
	v5 =	vmul.f32 v9, v30;
	v62 =	vor.u32 v19, v48  }
0x4ad: {  	_ =	sdelay $0x3  }
0x4ae: {  	v6 =	vld.idx.msk [tilespmem:v23+s19+$0x0], $0xffff  }
0x4af: {  	v8 =	vld.idx.msk [tilespmem:v22+s19+$0x0], $0xffff  }
0x4b0: {  	v7 =	vmul.f32 v24, v33;
	v0 =	vmul.f32 v0, v32;
	v24 =	vor.u32 v12, v48;
	v48 =	vld.idx.msk [tilespmem:v60+s19+$0x0], $0xffff  }
0x4b1: {  	v4 =	vadd.f32 v4, v63;
	v23 =	vmul.f32 v58, v31;
	v9 =	vmul.f32 v51, v30;
	v58 =	vld.idx.msk [tilespmem:v25+s19+$0x0], $0xffff  }
0x4b2: {  	v10 =	vmul.f32 v61, v31;
	v60 =	vld.idx.msk [tilespmem:v53+s19+$0x0], $0xffff;
	v22 =	vadd.f32 v5, v3;
	v0 =	vadd.f32 v0, v7  }
0x4b3: {  	v61 =	vld.idx.msk [tilespmem:v57+s19+$0x0], $0xffff;
	v11 =	vmul.f32 v27, v33;
	v3 =	vadd.f32 v23, v4;
	v1 =	vmul.f32 v1, v32  }
0x4b4: {  	v13 =	vmul.f32 v52, v30;
	v15 =	vmul.f32 v20, v31;
	v0 =	vadd.f32 v10, v0;
	v10 =	vld.idx.msk [tilespmem:v26+s19+$0x0], $0xffff  }
0x4b5: {  	v3 =	vadd.f32 v9, v3;
	v17 =	vmul.f32 v21, v31;
	v21 =	vld.idx.msk [tilespmem:v54+s19+$0x0], $0xffff;
	v1 =	vadd.f32 v1, v11  }
0x4b6: {  	v9 =	vor.u32 v12, v46;
	v11 =	vld.idx.msk [tilespmem:v59+s19+$0x0], $0xffff;
	v6 =	vmul.f32 v6, v33;
	v8 =	vmul.f32 v8, v32  }
0x4b7: {  	(xrf2) =	vadd.scan.msk.f32 $0xffff, v2;
	v5 =	vld.idx.msk [tilespmem:v24+s19+$0x0], $0xffff;
	v0 =	vadd.f32 v13, v0;
	v1 =	vadd.f32 v15, v1  }
0x4b8: {  	v13 =	vld.idx.msk [tilespmem:v62+s19+$0x0], $0xffff;
	v59 =	vadd.f32 v8, v6;
	v8 =	vor.u32 v14, v46;
	v15 =	vmul.f32 v55, v30  }
0x4b9: {  	(xrf2) =	vadd.scan.msk.f32 $0xffff, v22;
	v26 =	vld.idx.msk [tilespmem:v47+s19+$0x0], $0xffff;
	v4 =	vmul.f32 v58, v33;
	v10 =	vmul.f32 v10, v32  }
0x4ba: {  	v47 =	vld.idx.msk [tilespmem:v42+s19+$0x0], $0xffff;
	v25 =	vmul.f32 v48, v30;
	v62 =	vadd.f32 v15, v1;
	v63 =	vadd.f32 v17, v59  }
0x4bb: {  	v9 =	vld.idx.msk [tilespmem:v9+s19+$0x0], $0xffff;
	v15 =	vor.u32 v14, v43;
	v4 =	vadd.f32 v10, v4;
	v10 =	vmul.f32 v56, v30  }
0x4bc: {  	v48 =	vor.u32 v19, v37;
	v17 =	vld.idx.msk [tilespmem:v50+s19+$0x0], $0xffff;
	v11 =	vmul.f32 v11, v31;
	v5 =	vmul.f32 v5, v32  }
0x4bd: {  	v13 =	vmul.f32 v13, v33;
	v24 =	vld.idx.msk [tilespmem:v8+s19+$0x0], $0xffff;
	v22 =	vadd.f32 v10, v63;
	v10 =	vor.u32 v12, v41  }
0x4be: {  	(xrf2) =	vadd.scan.msk.f32 $0xffff, v3;
	v3 =	vmul.f32 v61, v31;
	v6 =	vmul.f32 v60, v30;
	v8 =	vld.idx.msk [tilespmem:v49+s19+$0x0], $0xffff  }
0x4bf: {  	(xrf2) =	vadd.scan.msk.f32 $0xffff, v0;
	v23 =	vadd.f32 v11, v4;
	v5 =	vadd.f32 v5, v13;
	v11 =	vld.idx.msk [tilespmem:v45+s19+$0x0], $0xffff  }
0x4c0: {  	v2 =	vmul.f32 v21, v33;
	v43 =	vor.u32 v19, v39;
	v41 =	vmul.f32 v9, v32;
	v9 =	vld.idx.msk [tilespmem:v15+s19+$0x0], $0xffff  }
0x4c1: {  	(xrf2) =	vadd.scan.msk.f32 $0xffff, v62;
	v13 =	vor.u32 v12, v39;
	v15 =	vld.idx.msk [tilespmem:v44+s19+$0x0], $0xffff;
	v3 =	vadd.f32 v3, v5  }
0x4c2: {  	v44 =	vor.u32 v14, v39;
	v0 =	vadd.f32 v25, v23;
	v45 =	vld.idx.msk [tilespmem:v10+s19+$0x0], $0xffff;
	v10 =	vor.u32 v12, v37  }
0x4c3: {  	(xrf2) =	vadd.scan.msk.f32 $0xffff, v22;
	v2 =	vadd.f32 v41, v2;
	v3 =	vadd.f32 v6, v3;
	v4 =	vmul.f32 v24, v31  }
0x4c4: {  	v7 =	vmul.f32 v26, v32;
	v50 =	vor.u32 v12, v35;
	(xrf2) =	vadd.scan.msk.f32 $0xffff, v0;
	v8 =	vmul.f32 v8, v33  }
0x4c5: {  	v46 =	vmul.f32 v17, v30;
	v1 =	vld.idx.msk [tilespmem:v43+s19+$0x0], $0xffff;
	v2 =	vadd.f32 v4, v2;
	(xrf2) =	vadd.scan.msk.f32 $0xffff, v3  }
0x4c6: {  	v17 =	vor.u32 v14, v37;
	v7 =	vadd.f32 v7, v8;
	v8 =	vmul.f32 v9, v31;
	v9 =	vld.idx.msk [tilespmem:v13+s19+$0x0], $0xffff  }
0x4c7: {  	v20 =	vor.u32 v14, v35;
	v39, _, _ =	vpop (xrf2);
	v2 =	vadd.f32 v46, v2;
	v10 =	vld.idx.msk [tilespmem:v10+s19+$0x0], $0xffff  }
0x4c8: {  	v6, _, _ =	vpop (xrf2);
	v5 =	vld.idx.msk [tilespmem:v44+s19+$0x0], $0xffff;
	v15 =	vmul.f32 v15, v33  }
0x4c9: {  	s9 =	sadd.s32 $0xFFFFFF80, s21;
	v11 =	vmul.f32 v11, v30;
	v13, _, _ =	vpop (xrf2);
	v4 =	vld.idx.msk [tilespmem:v48+s19+$0x0], $0xffff;
	v7 =	vadd.f32 v8, v7;
	(xrf2) =	vadd.scan.msk.f32 $0xffff, v2  }
0x4ca: {  	v51 =	vadd.s32 s9, v29;
	v49 =	vlaneseq.u32;
	v18, _, _ =	vpop (xrf2);
	v0 =	vmul.f32 v45, v32;
	v2 =	vld.idx.msk [tilespmem:v50+s19+$0x0], $0xffff  }
0x4cb: {  	v19 =	vor.u32 v49, v35;
	v8, _, _ =	vpop (xrf2);
	v7 =	vadd.f32 v11, v7;
	v53 =	vmul.f32 v9, v32;
	v9 =	vld.idx.msk [tilespmem:v17+s19+$0x0], $0xffff  }
0x4cc: {  	v3 =	vmul.f32 v47, v31;
	v0 =	vadd.f32 v0, v15;
	v15, _, _ =	vpop (xrf2);
	v59 =	vmul.f32 v10, v32;
	v10 =	vld.idx.msk [tilespmem:v20+s19+$0x0], $0xffff  }
0x4cd: {  	v57 =	vmul.f32 v38, v30;
	v1 =	vmul.f32 v1, v33;
	v17 =	vor.u32 v49, v51;
	(xrf2) =	vadd.scan.msk.f32 $0xffff, v7;
	v52, _, _ =	vpop (xrf2);
	v20 =	vld [tilespmem:$0x1FE80]  }
0x4ce: {  	v60 =	vor.u32 v14, v51;
	v11 =	vmul.f32 v40, v30;
	v0 =	vadd.f32 v3, v0;
	v54, _, _ =	vpop (xrf2)  }
0x4cf: {  	v62 =	vld [tilespmem:$0x1FF10];
	v55 =	vmul.f32 v5, v31;
	v58 =	vmul.f32 v4, v33;
	v1 =	vadd.f32 v53, v1;
	v56, _, _ =	vpop (xrf2)  }
0x4d0: {  	v23 =	vld [tilespmem:$0x1FF20];
	v7 =	vbroadcast v54, $0xF;
	v0 =	vadd.f32 v11, v0;
	v5 =	vbroadcast v56, $0xF  }
0x4d1: {  	v11 =	vld.idx.msk [tilespmem:v19+s19+$0x0], $0xffff;
	v19 =	vor.u32 v12, v51;
	v9 =	vmul.f32 v9, v31;
	v3 =	vadd.f32 v59, v58  }
0x4d2: {  	v1 =	vadd.f32 v55, v1;
	v2 =	vmul.f32 v2, v32;
	v61 =	vld.idx.msk [tilespmem:v17+s19+$0x0], $0xffff;
	v5 =	vmul.f32 v20, v5  }
0x4d3: {  	v29 =	vld [tilespmem:$0x1FFE0];
	v17 =	vor.u32 v16, v51;
	v3 =	vadd.f32 v9, v3;
	v9 =	vmul.f32 v36, v30;
	v20, _, _ =	vpop (xrf2)  }
0x4d4: {  	v7 =	vmul.f32 v62, v7;
	(xrf2) =	vadd.scan.msk.f32 $0xffff, v0;
	v20 =	vbroadcast v20, $0xF;
	v5 =	vadd.f32 $0.0e+00, v5  }
0x4d5: {  	v1 =	vadd.f32 v57, v1;
	v25 =	vmul.f32 v10, v31;
	v3 =	vadd.f32 v9, v3  }
0x4d6: {  	v19 =	vld.idx.msk [tilespmem:v19+s19+$0x0], $0xffff;
	v9 =	vbroadcast v52, $0xF;
	v24 =	vmul.f32 v23, v20;
	v63 =	vadd.f32 v7, v5  }
0x4d7: {  	v21 =	vmul.f32 v11, v33;
	v4 =	vmul.f32 v61, v33;
	v33 =	vld [tilespmem:$0x1FD70];
	v10, _, _ =	vpop (xrf2)  }
0x4d8: {  	(xrf2) =	vadd.scan.msk.f32 $0xffff, v1;
	v9 =	vmul.f32 v29, v9;
	v10 =	vbroadcast v10, $0xF;
	v1 =	vadd.f32 v24, v63  }
0x4d9: {  	v0 =	vld.idx.msk [tilespmem:v60+s19+$0x0], $0xffff;
	v2 =	vadd.f32 v2, v21  }
0x4da: {  	v1 =	vadd.f32 v9, v1;
	v9 =	vmul.f32 v34, v10;
	v10 =	vbroadcast v15, $0xF;
	v15 =	vld [tilespmem:$0x1FFF0]  }
0x4db: {  	v26 =	vld.idx.msk [tilespmem:v17+s19+$0x0], $0xffff  }
0x4dc: {  	(xrf2) =	vadd.scan.msk.f32 $0xffff, v3;
	v20 =	vld [tilespmem:$0x1FF40];
	v2 =	vadd.f32 v25, v2;
	v32 =	vmul.f32 v19, v32;
	v3 =	vmul.f32 v33, v30;
	_ =	sdelay $0x1  }
0x4dd: {  	v43 =	vld [tilespmem:$0x1FF50];
	v0 =	vmul.f32 v0, v31;
	v2 =	vadd.f32 v3, v2;
	v35 =	vadd.f32 v32, v4;
	v36, _, _ =	vpop (xrf2)  }
0x4de: {  	v4 =	vbroadcast v36, $0xF;
	v1 =	vadd.f32 v9, v1;
	v37 =	vmul.f32 v15, v10  }
0x4df: {  	v46 =	vld [tilespmem:$0x1FF60];
	v38 =	vmul.f32 v26, v30;
	v0 =	vadd.f32 v0, v35;
	(xrf2) =	vadd.scan.msk.f32 $0xffff, v2  }
0x4e0: {  	v41 =	vbroadcast v8, $0xF;
	v40 =	vmul.f32 v20, v4;
	v1 =	vadd.f32 v37, v1  }
0x4e1: {  	v17 =	vld [tilespmem:$0x1FF70];
	v42, _, _ =	vpop (xrf2);
	v0 =	vadd.f32 v38, v0  }
0x4e2: {  	v44 =	vmul.f32 v43, v41;
	v3 =	vbroadcast v42, $0xF;
	v1 =	vadd.f32 v40, v1  }
0x4e3: {  	v36 =	vld [tilespmem:$0x1FFD0];
	(xrf2) =	vadd.scan.msk.f32 $0xffff, v0  }
0x4e4: {  	v48 =	vbroadcast v18, $0xF;
	v47 =	vmul.f32 v46, v3;
	v45 =	vadd.f32 v44, v1  }
0x4e5: {  	v55 =	vld [tilespmem:$0x1FFA0];
	v49, _, _ =	vpop (xrf2)  }
0x4e6: {  	v50 =	vmul.f32 v17, v48;
	v51 =	vbroadcast v49, $0xF;
	v0 =	vadd.f32 v47, v45  }
0x4e7: {  	v8 =	vld [tilespmem:$0x1FF80]  }
0x4e8: {  	v53 =	vbroadcast v13, $0xF;
	v61 =	vld [tilespmem:$0x1FD80];
	v52 =	vmul.f32 v36, v51;
	v0 =	vadd.f32 v50, v0  }
0x4e9: {  	v9 =	vld [tilespmem:$0x1FFB0];
	v54, _, _ =	vpop (xrf2)  }
0x4ea: {  	v56 =	vmul.f32 v55, v53;
	v57 =	vbroadcast v54, $0xF;
	v0 =	vadd.f32 v52, v0  }
0x4eb: {  	v11 =	vld [tilespmem:$0x1FF90]  }
0x4ec: {  	s26 =	sadd.s32 $0xFFFFFFF0, s20;
	v59 =	vbroadcast v6, $0xF;
	v58 =	vmul.f32 v8, v57;
	v0 =	vadd.f32 v56, v0  }
0x4ed: {  	v13 =	vld [tilespmem:$0x1FFC0];
	v3 =	vor.u32 s26, v61;
	v60, _, _ =	vpop (xrf2)  }
0x4ee: {  	v2 =	vmul.f32 v9, v59;
	v1 =	vbroadcast v60, $0xF;
	v0 =	vadd.f32 v58, v0  }
0x4ef: {  	v62 =	vbroadcast v39, $0xF;
	v3 =	vbroadcast v3, $0x0  }
0x4f0: {  	v19 =	vlaneseq.u32;
	v1 =	vmul.f32 v11, v1;
	v0 =	vadd.f32 v2, v0  }
0x4f1: {  	s31 =	sadd.s32 $0x1, s31;
	v3 =	vor.u32 v19, v3  }
0x4f2: {  	p0 =	sne.s32 s31, $0xA0;
	v63 =	vmul.f32 v13, v62;
	v0 =	vadd.f32 v1, v0  }
.Ltmp5:
0x4f3: {  	_ = 	snop;
	(pc) =	sbr.rel @p0 .LBB2_2-.Ltmp5, $4  }
0x4f4: {  	v0 =	vadd.f32 v63, v0  }
0x4f5: {  	s1 =	sshll.u32 s1, $0x3;
	s0 =	sshll.u32 s0, $0x8  }
0x4f6: {  	s1 =	sadd.s32 s7, s1;
	s0 =	sadd.s32 $0x1B680, s0;
	[tilespmem:v3+s25+$0x0] =	vst.idx.msk $0xffff, v0  }
0x4f7: {  	v10 =	vmov v15;
	[hbm4b:s1+s3] =	stream.linear.scatter [tilespmem:s0], [sflag:$0x3], $0x100, $0x38;
	[tilespmem:$0x1BD80] =	vst v63  }
0x4f8: {  	_ =	swait.ge [sflag:s28], $0x100  }
0x4f9: {  	[sflag:s28] =	ssyncset.done $0x0  }
0x4fa: {  	[sflag:s28] =	ssyncadd.s32 $0xFFFFFF00  }
0x4fb: {  	s30 =	sadd.s32 $0x1, s30;
	_ =	swait.ge [sflag:s28], $0x100  }
0x4fc: {  	p0 =	sne.s32 s30, s15;
	[sflag:s28] =	ssyncset.done $0x0  }
.Ltmp6:
0x4fd: {  	s0 =	rddreg [dreg:$0x7];
	[sflag:s28] =	ssyncadd.s32 $0xFFFFFF00;
	(pc) =	sbr.rel @p0 .LBB2_1-.Ltmp6, $4  }
0x4fe: {  	[hbm4b:s0+s3] =	stream.linear.scatter [tilespmem:s24], [sflag:$0x4], $0x280, $0x38;
	[tilespmem:$0x1BD80] =	vst v63  }
0x4ff: {  	_ =	swait.ge [sflag:s29], $0x280  }
0x500: {  	[sflag:s29] =	ssyncset.done $0x0  }
0x501: {  	[sflag:s29] =	ssyncadd.s32 $0xFFFFFD80  }
0x502: {  	_ =	sfence.sel $0x180000  }
0x503: {  	[bflag:$0x0] =	sbarrier.arrive $0xFFFF  }
0x504: {  	_ =	strace $0x90000047  }
0x505: {  	s0 =	stileid.u32;
	[bflag:$0x2] =	sbarrier.arrive $0xFFFF  }
0x506: {  	p0 =	sne.s32 s0, $0x0;
	s0 =	rddreg [dreg:$0x2]  }
0x507: {  	s0 =	sadd.s32 @!p0 $0x100000, s0  }
0x508: {  	[sflag:s0] =	ssyncadd.tile.s32 @!p0 $0x1;
	_ =	shalt  }
.Lfunc_end2:
_tile_overlayer_lowered:
.L_overlay_start_2:
0x509: {  	(tag) =	ssettag $0x2  }
0x50a: {  	s0 =	rddreg [dreg:$0x0];
	s2 =	stileid.u32  }
0x50b: {  	s1 =	rddreg [dreg:$0x1];
	p0 =	sne.s32 s2, $0x0  }
0x50c: {  	s3 =	rddreg [dreg:$0x2];
	[bflag:$0x3] =	sbarrier.arrive $0xFFFF;
	s2 =	simm.s32 @!p0 $0x1C04  }
0x50d: {  	[timem:s3], [sflag:s2] =	dma.local @!p0 [hbm:s0], s1  }
0x50e: {  	s0 =	simm.s32 @!p0 $0x4  }
0x50f: {  	_ =	swait.ge @!p0 [sflag:s0], s1  }
0x510: {  	s1 =	ssub.s32 @!p0 $0x0, s1;
	[sflag:s0] =	ssyncset.done @!p0 $0x0  }
0x511: {  	[sflag:s0] =	ssyncadd.s32 @!p0 s1  }
0x512: {  	[bflag:$0x3] =	sbarrier.arrive $0xFFFF  }
0x513: {  	_ =	shalt  }

</sc_bundles>
